<compile_context>
chip_gen: v7x
topology: tpu7x:2x2x1
jax: 0.10.2.dev20260603
libtpu: 0.0.44.dev20260713+nightly
codegen_flags: <defaults>
</compile_context>

<pallas_src>
import functools

import jax
import jax.numpy as jnp
from jax import lax
from jax.experimental import pallas as pl
from jax.experimental.pallas import tpu as pltpu
from jax.experimental.pallas import tpu_sc as plsc

_VOCAB = 50257
_N_POS = 2048
_D = 768
_B = 4
_S = 2048
_NW = 32
_SPW = _S // _NW
_LANES = 16
_CHUNK = 16
_NSLOT = 4
_NCHUNK = _B * _SPW // _CHUNK


def _emb_body(ids_hbm, wte_hbm, wpe_hbm, out_hbm, idx_v, wpe_v,
              r0, r1, r2, r3, g0, g1, g2, g3, s0, s1, s2, s3,
              w0, w1, w2, w3):
    rows = [r0, r1, r2, r3]
    gsem = [g0, g1, g2, g3]
    ssem = [s0, s1, s2, s3]
    wsem = [w0, w1, w2, w3]

    cid = lax.axis_index("c")
    sid = lax.axis_index("s")
    wid = sid * 2 + cid
    s_base = wid * _SPW

    idx_copies = [
        pltpu.async_copy(ids_hbm.at[b, pl.ds(s_base, _SPW)], idx_v.at[b],
                         gsem[b])
        for b in range(_B)
    ]
    for cp in idx_copies:
        cp.wait()

    def start_gather(batch, h):
        return pltpu.async_copy(
            wte_hbm.at[idx_v.at[batch, pl.ds(h * _CHUNK, _CHUNK)]],
            rows[h], gsem[h])

    start_gather(0, 0)
    start_gather(0, 1)
    for h in range(_NSLOT):
        pltpu.async_copy(
            wpe_hbm.at[pl.ds(s_base + h * _CHUNK, _CHUNK)],
            wpe_v.at[pl.ds(h * _CHUNK, _CHUNK)], wsem[h])

    def round_body(r, carry):
        for h in range(_NSLOT):
            c = 4 * r + h
            hp = (h + 2) % _NSLOT
            bp = r + (h + 2) // _NSLOT

            @pl.when(c >= 2)
            def _wait_prev():
                pltpu.make_async_copy(
                    rows[hp], out_hbm.at[0, pl.ds(0, _CHUNK)], ssem[hp]
                ).wait()

            @pl.when(c < _NCHUNK - 2)
            def _prefetch():
                start_gather(bp, hp)

            pltpu.make_async_copy(
                wte_hbm.at[idx_v.at[r, pl.ds(h * _CHUNK, _CHUNK)]],
                rows[h], gsem[h]).wait()

            @pl.when(r == 0)
            def _wait_wpe_piece():
                pltpu.make_async_copy(
                    wpe_hbm.at[pl.ds(s_base + h * _CHUNK, _CHUNK)],
                    wpe_v.at[pl.ds(h * _CHUNK, _CHUNK)], wsem[h]).wait()

            @plsc.parallel_loop(0, _CHUNK, unroll=2)
            def _row_add(rr):
                for col in range(_D // _LANES):
                    sl = pl.ds(col * _LANES, _LANES)
                    plsc.addupdate(rows[h].at[rr, sl],
                                   wpe_v[h * _CHUNK + rr, sl])

            pltpu.async_copy(
                rows[h], out_hbm.at[r, pl.ds(s_base + h * _CHUNK, _CHUNK)],
                ssem[h])
        return carry

    lax.fori_loop(0, _B, round_body, 0)

    for h in (2, 3):
        pltpu.make_async_copy(
            rows[h], out_hbm.at[0, pl.ds(0, _CHUNK)], ssem[h]).wait()


_emb = functools.partial(
    pl.kernel,
    out_type=jax.ShapeDtypeStruct((_B, _S, _D), jnp.float32),
    mesh=plsc.VectorSubcoreMesh(core_axis_name="c", subcore_axis_name="s"),
    scratch_types=(
        [pltpu.VMEM((_B, _SPW), jnp.int32),
         pltpu.VMEM((_SPW, _D), jnp.float32)]
        + [pltpu.VMEM((_CHUNK, _D), jnp.float32) for _ in range(_NSLOT)]
        + [pltpu.SemaphoreType.DMA for _ in range(3 * _NSLOT)]
    ),
)(_emb_body)


def kernel(input_ids, wte, wpe):
    ids = jnp.asarray(input_ids, jnp.int32)
    return _emb(ids, wte, wpe)

# --- scband reference (transcript-rebuilt; emitter-appended) ---
"""Pipeline reference for scband-gpt2-embedding-phase-13778255085902 (READ-ONLY COPY).

The authoritative reference and input builder live on the scoring server;
editing this copy changes nothing except your own understanding.
"""

import jax, jax.numpy as jnp
import numpy as np

VOCAB = 50257
N_POS = 2048
D = 768
B = 4
S = 2048

def setup_inputs(seed: int = 0) -> dict:
    key = jax.random.key(seed)
    k1, k2, k3 = jax.random.split(key, 3)
    input_ids = jax.random.randint(k1, (B, S), 0, VOCAB, dtype=jnp.int64 if jax.config.jax_enable_x64 else jnp.int32)
    wte = jax.random.normal(k2, (VOCAB, D), dtype=jnp.float32) * 0.02
    wpe = jax.random.normal(k3, (N_POS, D), dtype=jnp.float32) * 0.02
    return {"input_ids": input_ids, "wte": wte, "wpe": wpe}

def reference(input_ids, wte, wpe):
    # position_ids = arange(seq_len), broadcast over batch
    seq_len = input_ids.shape[-1]
    position_ids = jnp.arange(0, seq_len, dtype=input_ids.dtype)[None, :]
    inputs_embeds = jnp.take(wte, input_ids, axis=0) + jnp.take(wpe, position_ids, axis=0)
    return inputs_embeds

if __name__ == "__main__":
    import jax
    _d = setup_inputs()
    print(jax.jit(kernel)(*tuple(_d.values())))

</pallas_src>

<mosaic_0001>
#map = affine_map<(d0, d1) -> (0, 0)>
#map1 = affine_map<(d0, d1) -> (0, 0, 0)>
module attributes {stable_mosaic.version = 14 : i64} {
  func.func @_emb_body(%arg0: i32, %arg1: i32, %arg2: memref<4x2048xi32, #tpu.memory_space<hbm>>, %arg3: memref<50257x768xf32, #tpu.memory_space<hbm>>, %arg4: memref<2048x768xf32, #tpu.memory_space<hbm>>, %arg5: memref<4x2048x768xf32, #tpu.memory_space<hbm>>, %arg6: memref<4x64xi32, #tpu.memory_space<vmem>>, %arg7: memref<64x768xf32, #tpu.memory_space<vmem>>, %arg8: memref<16x768xf32, #tpu.memory_space<vmem>>, %arg9: memref<16x768xf32, #tpu.memory_space<vmem>>, %arg10: memref<16x768xf32, #tpu.memory_space<vmem>>, %arg11: memref<16x768xf32, #tpu.memory_space<vmem>>, %arg12: memref<!tpu.dma_semaphore, #tpu.memory_space<semaphore_mem>>, %arg13: memref<!tpu.dma_semaphore, #tpu.memory_space<semaphore_mem>>, %arg14: memref<!tpu.dma_semaphore, #tpu.memory_space<semaphore_mem>>, %arg15: memref<!tpu.dma_semaphore, #tpu.memory_space<semaphore_mem>>, %arg16: memref<!tpu.dma_semaphore, #tpu.memory_space<semaphore_mem>>, %arg17: memref<!tpu.dma_semaphore, #tpu.memory_space<semaphore_mem>>, %arg18: memref<!tpu.dma_semaphore, #tpu.memory_space<semaphore_mem>>, %arg19: memref<!tpu.dma_semaphore, #tpu.memory_space<semaphore_mem>>, %arg20: memref<!tpu.dma_semaphore, #tpu.memory_space<semaphore_mem>>, %arg21: memref<!tpu.dma_semaphore, #tpu.memory_space<semaphore_mem>>, %arg22: memref<!tpu.dma_semaphore, #tpu.memory_space<semaphore_mem>>, %arg23: memref<!tpu.dma_semaphore, #tpu.memory_space<semaphore_mem>>) attributes {dimension_semantics = [#tpu.dimension_semantics<core_parallel>, #tpu.dimension_semantics<subcore_parallel>], iteration_bounds = array<i64: 2, 16>, scalar_prefetch = 0 : i64, scratch_operands = 18 : i64, tpu.core_type = #tpu.core_type<sc_vector_subcore>, window_params = [{transform_indices = #map}, {transform_indices = #map}, {transform_indices = #map}, {transform_indices = #map1}]} {
    %mul3A = arith.constant 2 : i32
    %mul3A_0 = arith.muli %arg1, %mul3A : i32
    %add3A = arith.addi %mul3A_0, %arg0 : i32
    %mul3A_1 = arith.constant 64 : i32
    %mul3A_2 = arith.muli %add3A, %mul3A_1 : i32
    %dma_start3A = arith.constant 0 : i32
    %dma_start3A_3 = arith.constant 0 : i32
    %dma_start3A_4 = arith.constant 0 : i32
    %dma_start3A_5 = tpu.memref_slice %arg6[%dma_start3A_3, %dma_start3A_4] : memref<4x64xi32, #tpu.memory_space<vmem>> -> memref<1x64xi32, #tpu.memory_space<vmem>>
    %dma_start3A_6 = tpu.memref_squeeze %dma_start3A_5 : memref<1x64xi32, #tpu.memory_space<vmem>> -> memref<64xi32, #tpu.memory_space<vmem>>
    %dma_start3A_7 = tpu.memref_slice %arg2[%dma_start3A, %mul3A_2] : memref<4x2048xi32, #tpu.memory_space<hbm>> -> memref<1x64xi32, #tpu.memory_space<hbm>>
    %dma_start3A_8 = tpu.memref_squeeze %dma_start3A_7 : memref<1x64xi32, #tpu.memory_space<hbm>> -> memref<64xi32, #tpu.memory_space<hbm>>
    %dma_start3A_9 = arith.constant 0 : i32
    %dma_start3A_10 = tpu.memref_slice %arg6[%dma_start3A_3, %dma_start3A_9] : memref<4x64xi32, #tpu.memory_space<vmem>> -> memref<1x64xi32, #tpu.memory_space<vmem>>
    %dma_start3A_11 = tpu.memref_squeeze %dma_start3A_10 : memref<1x64xi32, #tpu.memory_space<vmem>> -> memref<64xi32, #tpu.memory_space<vmem>>
    %dma_start3A_12 = tpu.memref_slice %arg2[%dma_start3A, %mul3A_2] : memref<4x2048xi32, #tpu.memory_space<hbm>> -> memref<1x64xi32, #tpu.memory_space<hbm>>
    %dma_start3A_13 = tpu.memref_squeeze %dma_start3A_12 : memref<1x64xi32, #tpu.memory_space<hbm>> -> memref<64xi32, #tpu.memory_space<hbm>>
    tpu.enqueue_dma source(%dma_start3A_13 : memref<64xi32, #tpu.memory_space<hbm>>) target(%dma_start3A_11 : memref<64xi32, #tpu.memory_space<vmem>>) target_semaphore(%arg12 : memref<!tpu.dma_semaphore, #tpu.memory_space<semaphore_mem>>)
    %dma_start3A_14 = arith.constant 1 : i32
    %dma_start3A_15 = arith.constant 1 : i32
    %dma_start3A_16 = arith.constant 0 : i32
    %dma_start3A_17 = tpu.memref_slice %arg6[%dma_start3A_15, %dma_start3A_16] : memref<4x64xi32, #tpu.memory_space<vmem>> -> memref<1x64xi32, #tpu.memory_space<vmem>>
    %dma_start3A_18 = tpu.memref_squeeze %dma_start3A_17 : memref<1x64xi32, #tpu.memory_space<vmem>> -> memref<64xi32, #tpu.memory_space<vmem>>
    %dma_start3A_19 = tpu.memref_slice %arg2[%dma_start3A_14, %mul3A_2] : memref<4x2048xi32, #tpu.memory_space<hbm>> -> memref<1x64xi32, #tpu.memory_space<hbm>>
    %dma_start3A_20 = tpu.memref_squeeze %dma_start3A_19 : memref<1x64xi32, #tpu.memory_space<hbm>> -> memref<64xi32, #tpu.memory_space<hbm>>
    %dma_start3A_21 = arith.constant 0 : i32
    %dma_start3A_22 = tpu.memref_slice %arg6[%dma_start3A_15, %dma_start3A_21] : memref<4x64xi32, #tpu.memory_space<vmem>> -> memref<1x64xi32, #tpu.memory_space<vmem>>
    %dma_start3A_23 = tpu.memref_squeeze %dma_start3A_22 : memref<1x64xi32, #tpu.memory_space<vmem>> -> memref<64xi32, #tpu.memory_space<vmem>>
    %dma_start3A_24 = tpu.memref_slice %arg2[%dma_start3A_14, %mul3A_2] : memref<4x2048xi32, #tpu.memory_space<hbm>> -> memref<1x64xi32, #tpu.memory_space<hbm>>
    %dma_start3A_25 = tpu.memref_squeeze %dma_start3A_24 : memref<1x64xi32, #tpu.memory_space<hbm>> -> memref<64xi32, #tpu.memory_space<hbm>>
    tpu.enqueue_dma source(%dma_start3A_25 : memref<64xi32, #tpu.memory_space<hbm>>) target(%dma_start3A_23 : memref<64xi32, #tpu.memory_space<vmem>>) target_semaphore(%arg13 : memref<!tpu.dma_semaphore, #tpu.memory_space<semaphore_mem>>)
    %dma_start3A_26 = arith.constant 2 : i32
    %dma_start3A_27 = arith.constant 2 : i32
    %dma_start3A_28 = arith.constant 0 : i32
    %dma_start3A_29 = tpu.memref_slice %arg6[%dma_start3A_27, %dma_start3A_28] : memref<4x64xi32, #tpu.memory_space<vmem>> -> memref<1x64xi32, #tpu.memory_space<vmem>>
    %dma_start3A_30 = tpu.memref_squeeze %dma_start3A_29 : memref<1x64xi32, #tpu.memory_space<vmem>> -> memref<64xi32, #tpu.memory_space<vmem>>
    %dma_start3A_31 = tpu.memref_slice %arg2[%dma_start3A_26, %mul3A_2] : memref<4x2048xi32, #tpu.memory_space<hbm>> -> memref<1x64xi32, #tpu.memory_space<hbm>>
    %dma_start3A_32 = tpu.memref_squeeze %dma_start3A_31 : memref<1x64xi32, #tpu.memory_space<hbm>> -> memref<64xi32, #tpu.memory_space<hbm>>
    %dma_start3A_33 = arith.constant 0 : i32
    %dma_start3A_34 = tpu.memref_slice %arg6[%dma_start3A_27, %dma_start3A_33] : memref<4x64xi32, #tpu.memory_space<vmem>> -> memref<1x64xi32, #tpu.memory_space<vmem>>
    %dma_start3A_35 = tpu.memref_squeeze %dma_start3A_34 : memref<1x64xi32, #tpu.memory_space<vmem>> -> memref<64xi32, #tpu.memory_space<vmem>>
    %dma_start3A_36 = tpu.memref_slice %arg2[%dma_start3A_26, %mul3A_2] : memref<4x2048xi32, #tpu.memory_space<hbm>> -> memref<1x64xi32, #tpu.memory_space<hbm>>
    %dma_start3A_37 = tpu.memref_squeeze %dma_start3A_36 : memref<1x64xi32, #tpu.memory_space<hbm>> -> memref<64xi32, #tpu.memory_space<hbm>>
    tpu.enqueue_dma source(%dma_start3A_37 : memref<64xi32, #tpu.memory_space<hbm>>) target(%dma_start3A_35 : memref<64xi32, #tpu.memory_space<vmem>>) target_semaphore(%arg14 : memref<!tpu.dma_semaphore, #tpu.memory_space<semaphore_mem>>)
    %dma_start3A_38 = arith.constant 3 : i32
    %dma_start3A_39 = arith.constant 3 : i32
    %dma_start3A_40 = arith.constant 0 : i32
    %dma_start3A_41 = tpu.memref_slice %arg6[%dma_start3A_39, %dma_start3A_40] : memref<4x64xi32, #tpu.memory_space<vmem>> -> memref<1x64xi32, #tpu.memory_space<vmem>>
    %dma_start3A_42 = tpu.memref_squeeze %dma_start3A_41 : memref<1x64xi32, #tpu.memory_space<vmem>> -> memref<64xi32, #tpu.memory_space<vmem>>
    %dma_start3A_43 = tpu.memref_slice %arg2[%dma_start3A_38, %mul3A_2] : memref<4x2048xi32, #tpu.memory_space<hbm>> -> memref<1x64xi32, #tpu.memory_space<hbm>>
    %dma_start3A_44 = tpu.memref_squeeze %dma_start3A_43 : memref<1x64xi32, #tpu.memory_space<hbm>> -> memref<64xi32, #tpu.memory_space<hbm>>
    %dma_start3A_45 = arith.constant 0 : i32
    %dma_start3A_46 = tpu.memref_slice %arg6[%dma_start3A_39, %dma_start3A_45] : memref<4x64xi32, #tpu.memory_space<vmem>> -> memref<1x64xi32, #tpu.memory_space<vmem>>
    %dma_start3A_47 = tpu.memref_squeeze %dma_start3A_46 : memref<1x64xi32, #tpu.memory_space<vmem>> -> memref<64xi32, #tpu.memory_space<vmem>>
    %dma_start3A_48 = tpu.memref_slice %arg2[%dma_start3A_38, %mul3A_2] : memref<4x2048xi32, #tpu.memory_space<hbm>> -> memref<1x64xi32, #tpu.memory_space<hbm>>
    %dma_start3A_49 = tpu.memref_squeeze %dma_start3A_48 : memref<1x64xi32, #tpu.memory_space<hbm>> -> memref<64xi32, #tpu.memory_space<hbm>>
    tpu.enqueue_dma source(%dma_start3A_49 : memref<64xi32, #tpu.memory_space<hbm>>) target(%dma_start3A_47 : memref<64xi32, #tpu.memory_space<vmem>>) target_semaphore(%arg15 : memref<!tpu.dma_semaphore, #tpu.memory_space<semaphore_mem>>)
    %dma_wait3A = arith.constant 0 : i32
    %dma_wait3A_50 = arith.constant 0 : i32
    %dma_wait3A_51 = arith.constant 0 : i32
    %dma_wait3A_52 = tpu.memref_slice %arg6[%dma_wait3A_50, %dma_wait3A_51] : memref<4x64xi32, #tpu.memory_space<vmem>> -> memref<1x64xi32, #tpu.memory_space<vmem>>
    %dma_wait3A_53 = tpu.memref_squeeze %dma_wait3A_52 : memref<1x64xi32, #tpu.memory_space<vmem>> -> memref<64xi32, #tpu.memory_space<vmem>>
    %dma_wait3A_54 = tpu.memref_slice %arg2[%dma_wait3A, %mul3A_2] : memref<4x2048xi32, #tpu.memory_space<hbm>> -> memref<1x64xi32, #tpu.memory_space<hbm>>
    %dma_wait3A_55 = tpu.memref_squeeze %dma_wait3A_54 : memref<1x64xi32, #tpu.memory_space<hbm>> -> memref<64xi32, #tpu.memory_space<hbm>>
    %dma_wait3A_56 = arith.constant 0 : i32
    %dma_wait3A_57 = tpu.memref_slice %arg6[%dma_wait3A_50, %dma_wait3A_56] : memref<4x64xi32, #tpu.memory_space<vmem>> -> memref<1x64xi32, #tpu.memory_space<vmem>>
    %dma_wait3A_58 = tpu.memref_squeeze %dma_wait3A_57 : memref<1x64xi32, #tpu.memory_space<vmem>> -> memref<64xi32, #tpu.memory_space<vmem>>
    %dma_wait3A_59 = tpu.memref_slice %arg2[%dma_wait3A, %mul3A_2] : memref<4x2048xi32, #tpu.memory_space<hbm>> -> memref<1x64xi32, #tpu.memory_space<hbm>>
    %dma_wait3A_60 = tpu.memref_squeeze %dma_wait3A_59 : memref<1x64xi32, #tpu.memory_space<hbm>> -> memref<64xi32, #tpu.memory_space<hbm>>
    tpu.wait_dma2 semaphore(%arg12 : memref<!tpu.dma_semaphore, #tpu.memory_space<semaphore_mem>>) src(%dma_wait3A_60 : memref<64xi32, #tpu.memory_space<hbm>>) dst(%dma_wait3A_58 : memref<64xi32, #tpu.memory_space<vmem>>)
    %dma_wait3A_61 = arith.constant 1 : i32
    %dma_wait3A_62 = arith.constant 1 : i32
    %dma_wait3A_63 = arith.constant 0 : i32
    %dma_wait3A_64 = tpu.memref_slice %arg6[%dma_wait3A_62, %dma_wait3A_63] : memref<4x64xi32, #tpu.memory_space<vmem>> -> memref<1x64xi32, #tpu.memory_space<vmem>>
    %dma_wait3A_65 = tpu.memref_squeeze %dma_wait3A_64 : memref<1x64xi32, #tpu.memory_space<vmem>> -> memref<64xi32, #tpu.memory_space<vmem>>
    %dma_wait3A_66 = tpu.memref_slice %arg2[%dma_wait3A_61, %mul3A_2] : memref<4x2048xi32, #tpu.memory_space<hbm>> -> memref<1x64xi32, #tpu.memory_space<hbm>>
    %dma_wait3A_67 = tpu.memref_squeeze %dma_wait3A_66 : memref<1x64xi32, #tpu.memory_space<hbm>> -> memref<64xi32, #tpu.memory_space<hbm>>
    %dma_wait3A_68 = arith.constant 0 : i32
    %dma_wait3A_69 = tpu.memref_slice %arg6[%dma_wait3A_62, %dma_wait3A_68] : memref<4x64xi32, #tpu.memory_space<vmem>> -> memref<1x64xi32, #tpu.memory_space<vmem>>
    %dma_wait3A_70 = tpu.memref_squeeze %dma_wait3A_69 : memref<1x64xi32, #tpu.memory_space<vmem>> -> memref<64xi32, #tpu.memory_space<vmem>>
    %dma_wait3A_71 = tpu.memref_slice %arg2[%dma_wait3A_61, %mul3A_2] : memref<4x2048xi32, #tpu.memory_space<hbm>> -> memref<1x64xi32, #tpu.memory_space<hbm>>
    %dma_wait3A_72 = tpu.memref_squeeze %dma_wait3A_71 : memref<1x64xi32, #tpu.memory_space<hbm>> -> memref<64xi32, #tpu.memory_space<hbm>>
    tpu.wait_dma2 semaphore(%arg13 : memref<!tpu.dma_semaphore, #tpu.memory_space<semaphore_mem>>) src(%dma_wait3A_72 : memref<64xi32, #tpu.memory_space<hbm>>) dst(%dma_wait3A_70 : memref<64xi32, #tpu.memory_space<vmem>>)
    %dma_wait3A_73 = arith.constant 2 : i32
    %dma_wait3A_74 = arith.constant 2 : i32
    %dma_wait3A_75 = arith.constant 0 : i32
    %dma_wait3A_76 = tpu.memref_slice %arg6[%dma_wait3A_74, %dma_wait3A_75] : memref<4x64xi32, #tpu.memory_space<vmem>> -> memref<1x64xi32, #tpu.memory_space<vmem>>
    %dma_wait3A_77 = tpu.memref_squeeze %dma_wait3A_76 : memref<1x64xi32, #tpu.memory_space<vmem>> -> memref<64xi32, #tpu.memory_space<vmem>>
    %dma_wait3A_78 = tpu.memref_slice %arg2[%dma_wait3A_73, %mul3A_2] : memref<4x2048xi32, #tpu.memory_space<hbm>> -> memref<1x64xi32, #tpu.memory_space<hbm>>
    %dma_wait3A_79 = tpu.memref_squeeze %dma_wait3A_78 : memref<1x64xi32, #tpu.memory_space<hbm>> -> memref<64xi32, #tpu.memory_space<hbm>>
    %dma_wait3A_80 = arith.constant 0 : i32
    %dma_wait3A_81 = tpu.memref_slice %arg6[%dma_wait3A_74, %dma_wait3A_80] : memref<4x64xi32, #tpu.memory_space<vmem>> -> memref<1x64xi32, #tpu.memory_space<vmem>>
    %dma_wait3A_82 = tpu.memref_squeeze %dma_wait3A_81 : memref<1x64xi32, #tpu.memory_space<vmem>> -> memref<64xi32, #tpu.memory_space<vmem>>
    %dma_wait3A_83 = tpu.memref_slice %arg2[%dma_wait3A_73, %mul3A_2] : memref<4x2048xi32, #tpu.memory_space<hbm>> -> memref<1x64xi32, #tpu.memory_space<hbm>>
    %dma_wait3A_84 = tpu.memref_squeeze %dma_wait3A_83 : memref<1x64xi32, #tpu.memory_space<hbm>> -> memref<64xi32, #tpu.memory_space<hbm>>
    tpu.wait_dma2 semaphore(%arg14 : memref<!tpu.dma_semaphore, #tpu.memory_space<semaphore_mem>>) src(%dma_wait3A_84 : memref<64xi32, #tpu.memory_space<hbm>>) dst(%dma_wait3A_82 : memref<64xi32, #tpu.memory_space<vmem>>)
    %dma_wait3A_85 = arith.constant 3 : i32
    %dma_wait3A_86 = arith.constant 3 : i32
    %dma_wait3A_87 = arith.constant 0 : i32
    %dma_wait3A_88 = tpu.memref_slice %arg6[%dma_wait3A_86, %dma_wait3A_87] : memref<4x64xi32, #tpu.memory_space<vmem>> -> memref<1x64xi32, #tpu.memory_space<vmem>>
    %dma_wait3A_89 = tpu.memref_squeeze %dma_wait3A_88 : memref<1x64xi32, #tpu.memory_space<vmem>> -> memref<64xi32, #tpu.memory_space<vmem>>
    %dma_wait3A_90 = tpu.memref_slice %arg2[%dma_wait3A_85, %mul3A_2] : memref<4x2048xi32, #tpu.memory_space<hbm>> -> memref<1x64xi32, #tpu.memory_space<hbm>>
    %dma_wait3A_91 = tpu.memref_squeeze %dma_wait3A_90 : memref<1x64xi32, #tpu.memory_space<hbm>> -> memref<64xi32, #tpu.memory_space<hbm>>
    %dma_wait3A_92 = arith.constant 0 : i32
    %dma_wait3A_93 = tpu.memref_slice %arg6[%dma_wait3A_86, %dma_wait3A_92] : memref<4x64xi32, #tpu.memory_space<vmem>> -> memref<1x64xi32, #tpu.memory_space<vmem>>
    %dma_wait3A_94 = tpu.memref_squeeze %dma_wait3A_93 : memref<1x64xi32, #tpu.memory_space<vmem>> -> memref<64xi32, #tpu.memory_space<vmem>>
    %dma_wait3A_95 = tpu.memref_slice %arg2[%dma_wait3A_85, %mul3A_2] : memref<4x2048xi32, #tpu.memory_space<hbm>> -> memref<1x64xi32, #tpu.memory_space<hbm>>
    %dma_wait3A_96 = tpu.memref_squeeze %dma_wait3A_95 : memref<1x64xi32, #tpu.memory_space<hbm>> -> memref<64xi32, #tpu.memory_space<hbm>>
    tpu.wait_dma2 semaphore(%arg15 : memref<!tpu.dma_semaphore, #tpu.memory_space<semaphore_mem>>) src(%dma_wait3A_96 : memref<64xi32, #tpu.memory_space<hbm>>) dst(%dma_wait3A_94 : memref<64xi32, #tpu.memory_space<vmem>>)
    %dma_start3A_97 = arith.constant 0 : i32
    %dma_start3A_98 = arith.constant 0 : i32
    %dma_start3A_99 = tpu.memref_slice %arg6[%dma_start3A_97, %dma_start3A_98] : memref<4x64xi32, #tpu.memory_space<vmem>> -> memref<1x16xi32, #tpu.memory_space<vmem>>
    %dma_start3A_100 = tpu.memref_squeeze %dma_start3A_99 : memref<1x16xi32, #tpu.memory_space<vmem>> -> memref<16xi32, #tpu.memory_space<vmem>>
    %dma_start3A_101 = arith.constant 0 : i32
    %dma_start3A_102 = arith.constant 0 : i32
    %dma_start3A_103 = tpu.memref_slice %arg3[%dma_start3A_101, %dma_start3A_102] : memref<50257x768xf32, #tpu.memory_space<hbm>> -> memref<50257x768xf32, #tpu.memory_space<hbm>>
    tpu.enqueue_indirect_dma source(%dma_start3A_103 : memref<50257x768xf32, #tpu.memory_space<hbm>>) target(%arg8 : memref<16x768xf32, #tpu.memory_space<vmem>>) offsets(%dma_start3A_100 : memref<16xi32, #tpu.memory_space<vmem>>) semaphore(%arg12 : memref<!tpu.dma_semaphore, #tpu.memory_space<semaphore_mem>>)
    %dma_start3A_104 = arith.constant 0 : i32
    %dma_start3A_105 = arith.constant 16 : i32
    %dma_start3A_106 = tpu.memref_slice %arg6[%dma_start3A_104, %dma_start3A_105] : memref<4x64xi32, #tpu.memory_space<vmem>> -> memref<1x16xi32, #tpu.memory_space<vmem>>
    %dma_start3A_107 = tpu.memref_squeeze %dma_start3A_106 : memref<1x16xi32, #tpu.memory_space<vmem>> -> memref<16xi32, #tpu.memory_space<vmem>>
    %dma_start3A_108 = arith.constant 0 : i32
    %dma_start3A_109 = arith.constant 0 : i32
    %dma_start3A_110 = tpu.memref_slice %arg3[%dma_start3A_108, %dma_start3A_109] : memref<50257x768xf32, #tpu.memory_space<hbm>> -> memref<50257x768xf32, #tpu.memory_space<hbm>>
    tpu.enqueue_indirect_dma source(%dma_start3A_110 : memref<50257x768xf32, #tpu.memory_space<hbm>>) target(%arg9 : memref<16x768xf32, #tpu.memory_space<vmem>>) offsets(%dma_start3A_107 : memref<16xi32, #tpu.memory_space<vmem>>) semaphore(%arg13 : memref<!tpu.dma_semaphore, #tpu.memory_space<semaphore_mem>>)
    %add3A_111 = arith.constant 0 : i32
    %add3A_112 = arith.addi %mul3A_2, %add3A_111 : i32
    %dma_start3A_113 = arith.constant 0 : i32
    %dma_start3A_114 = arith.constant 0 : i32
    %dma_start3A_115 = tpu.memref_slice %arg7[%dma_start3A_113, %dma_start3A_114] : memref<64x768xf32, #tpu.memory_space<vmem>> -> memref<16x768xf32, #tpu.memory_space<vmem>>
    %dma_start3A_116 = arith.constant 0 : i32
    %dma_start3A_117 = tpu.memref_slice %arg4[%add3A_112, %dma_start3A_116] : memref<2048x768xf32, #tpu.memory_space<hbm>> -> memref<16x768xf32, #tpu.memory_space<hbm>>
    %dma_start3A_118 = arith.constant 0 : i32
    %dma_start3A_119 = arith.constant 0 : i32
    %dma_start3A_120 = tpu.memref_slice %arg7[%dma_start3A_118, %dma_start3A_119] : memref<64x768xf32, #tpu.memory_space<vmem>> -> memref<16x768xf32, #tpu.memory_space<vmem>>
    %dma_start3A_121 = arith.constant 0 : i32
    %dma_start3A_122 = tpu.memref_slice %arg4[%add3A_112, %dma_start3A_121] : memref<2048x768xf32, #tpu.memory_space<hbm>> -> memref<16x768xf32, #tpu.memory_space<hbm>>
    tpu.enqueue_dma source(%dma_start3A_122 : memref<16x768xf32, #tpu.memory_space<hbm>>) target(%dma_start3A_120 : memref<16x768xf32, #tpu.memory_space<vmem>>) target_semaphore(%arg20 : memref<!tpu.dma_semaphore, #tpu.memory_space<semaphore_mem>>)
    %add3A_123 = arith.constant 16 : i32
    %add3A_124 = arith.addi %mul3A_2, %add3A_123 : i32
    %dma_start3A_125 = arith.constant 16 : i32
    %dma_start3A_126 = arith.constant 0 : i32
    %dma_start3A_127 = tpu.memref_slice %arg7[%dma_start3A_125, %dma_start3A_126] : memref<64x768xf32, #tpu.memory_space<vmem>> -> memref<16x768xf32, #tpu.memory_space<vmem>>
    %dma_start3A_128 = arith.constant 0 : i32
    %dma_start3A_129 = tpu.memref_slice %arg4[%add3A_124, %dma_start3A_128] : memref<2048x768xf32, #tpu.memory_space<hbm>> -> memref<16x768xf32, #tpu.memory_space<hbm>>
    %dma_start3A_130 = arith.constant 16 : i32
    %dma_start3A_131 = arith.constant 0 : i32
    %dma_start3A_132 = tpu.memref_slice %arg7[%dma_start3A_130, %dma_start3A_131] : memref<64x768xf32, #tpu.memory_space<vmem>> -> memref<16x768xf32, #tpu.memory_space<vmem>>
    %dma_start3A_133 = arith.constant 0 : i32
    %dma_start3A_134 = tpu.memref_slice %arg4[%add3A_124, %dma_start3A_133] : memref<2048x768xf32, #tpu.memory_space<hbm>> -> memref<16x768xf32, #tpu.memory_space<hbm>>
    tpu.enqueue_dma source(%dma_start3A_134 : memref<16x768xf32, #tpu.memory_space<hbm>>) target(%dma_start3A_132 : memref<16x768xf32, #tpu.memory_space<vmem>>) target_semaphore(%arg21 : memref<!tpu.dma_semaphore, #tpu.memory_space<semaphore_mem>>)
    %add3A_135 = arith.constant 32 : i32
    %add3A_136 = arith.addi %mul3A_2, %add3A_135 : i32
    %dma_start3A_137 = arith.constant 32 : i32
    %dma_start3A_138 = arith.constant 0 : i32
    %dma_start3A_139 = tpu.memref_slice %arg7[%dma_start3A_137, %dma_start3A_138] : memref<64x768xf32, #tpu.memory_space<vmem>> -> memref<16x768xf32, #tpu.memory_space<vmem>>
    %dma_start3A_140 = arith.constant 0 : i32
    %dma_start3A_141 = tpu.memref_slice %arg4[%add3A_136, %dma_start3A_140] : memref<2048x768xf32, #tpu.memory_space<hbm>> -> memref<16x768xf32, #tpu.memory_space<hbm>>
    %dma_start3A_142 = arith.constant 32 : i32
    %dma_start3A_143 = arith.constant 0 : i32
    %dma_start3A_144 = tpu.memref_slice %arg7[%dma_start3A_142, %dma_start3A_143] : memref<64x768xf32, #tpu.memory_space<vmem>> -> memref<16x768xf32, #tpu.memory_space<vmem>>
    %dma_start3A_145 = arith.constant 0 : i32
    %dma_start3A_146 = tpu.memref_slice %arg4[%add3A_136, %dma_start3A_145] : memref<2048x768xf32, #tpu.memory_space<hbm>> -> memref<16x768xf32, #tpu.memory_space<hbm>>
    tpu.enqueue_dma source(%dma_start3A_146 : memref<16x768xf32, #tpu.memory_space<hbm>>) target(%dma_start3A_144 : memref<16x768xf32, #tpu.memory_space<vmem>>) target_semaphore(%arg22 : memref<!tpu.dma_semaphore, #tpu.memory_space<semaphore_mem>>)
    %add3A_147 = arith.constant 48 : i32
    %add3A_148 = arith.addi %mul3A_2, %add3A_147 : i32
    %dma_start3A_149 = arith.constant 48 : i32
    %dma_start3A_150 = arith.constant 0 : i32
    %dma_start3A_151 = tpu.memref_slice %arg7[%dma_start3A_149, %dma_start3A_150] : memref<64x768xf32, #tpu.memory_space<vmem>> -> memref<16x768xf32, #tpu.memory_space<vmem>>
    %dma_start3A_152 = arith.constant 0 : i32
    %dma_start3A_153 = tpu.memref_slice %arg4[%add3A_148, %dma_start3A_152] : memref<2048x768xf32, #tpu.memory_space<hbm>> -> memref<16x768xf32, #tpu.memory_space<hbm>>
    %dma_start3A_154 = arith.constant 48 : i32
    %dma_start3A_155 = arith.constant 0 : i32
    %dma_start3A_156 = tpu.memref_slice %arg7[%dma_start3A_154, %dma_start3A_155] : memref<64x768xf32, #tpu.memory_space<vmem>> -> memref<16x768xf32, #tpu.memory_space<vmem>>
    %dma_start3A_157 = arith.constant 0 : i32
    %dma_start3A_158 = tpu.memref_slice %arg4[%add3A_148, %dma_start3A_157] : memref<2048x768xf32, #tpu.memory_space<hbm>> -> memref<16x768xf32, #tpu.memory_space<hbm>>
    tpu.enqueue_dma source(%dma_start3A_158 : memref<16x768xf32, #tpu.memory_space<hbm>>) target(%dma_start3A_156 : memref<16x768xf32, #tpu.memory_space<vmem>>) target_semaphore(%arg23 : memref<!tpu.dma_semaphore, #tpu.memory_space<semaphore_mem>>)
    %scan3A = arith.constant 0 : i32
    %scan3A_159 = arith.constant 0 : i32
    %scan3A_160 = arith.constant 4 : i32
    %scan3A_161 = arith.addi %scan3A_159, %scan3A_160 : i32
    %scan3A_162 = arith.constant 1 : i32
    scf.for %scan3A_182 = %scan3A_159 to %scan3A_161 step %scan3A_162  : i32 {
      %mul3A_183 = arith.constant 4 : i32
      %mul3A_184 = arith.muli %mul3A_183, %scan3A_182 : i32
      %add3A_185 = arith.constant 0 : i32
      %add3A_186 = arith.addi %mul3A_184, %add3A_185 : i32
      %add3A_187 = arith.constant 0 : i32
      %add3A_188 = arith.addi %scan3A_182, %add3A_187 : i32
      %ge3A = arith.constant 2 : i32
      %ge3A_189 = arith.cmpi sge, %add3A_186, %ge3A : i32
      %convert_element_type3A = arith.extui %ge3A_189 : i1 to i32
      %cond3A = arith.constant 0 : i32
      %cond3A_190 = arith.cmpi ne, %convert_element_type3A, %cond3A : i32
      scf.if %cond3A_190 {
        %dma_wait3A_329 = arith.constant 0 : i32
        %dma_wait3A_330 = arith.constant 0 : i32
        %dma_wait3A_331 = arith.constant 0 : i32
        %dma_wait3A_332 = tpu.memref_slice %arg5[%dma_wait3A_329, %dma_wait3A_330, %dma_wait3A_331] : memref<4x2048x768xf32, #tpu.memory_space<hbm>> -> memref<1x16x768xf32, #tpu.memory_space<hbm>>
        %dma_wait3A_333 = tpu.memref_squeeze %dma_wait3A_332 : memref<1x16x768xf32, #tpu.memory_space<hbm>> -> memref<16x768xf32, #tpu.memory_space<hbm>>
        %dma_wait3A_334 = arith.constant 0 : i32
        %dma_wait3A_335 = arith.constant 0 : i32
        %dma_wait3A_336 = tpu.memref_slice %arg5[%dma_wait3A_329, %dma_wait3A_334, %dma_wait3A_335] : memref<4x2048x768xf32, #tpu.memory_space<hbm>> -> memref<1x16x768xf32, #tpu.memory_space<hbm>>
        %dma_wait3A_337 = tpu.memref_squeeze %dma_wait3A_336 : memref<1x16x768xf32, #tpu.memory_space<hbm>> -> memref<16x768xf32, #tpu.memory_space<hbm>>
        tpu.wait_dma2 semaphore(%arg18 : memref<!tpu.dma_semaphore, #tpu.memory_space<semaphore_mem>>) src(%arg10 : memref<16x768xf32, #tpu.memory_space<vmem>>) dst(%dma_wait3A_337 : memref<16x768xf32, #tpu.memory_space<hbm>>)
      } else {
      }
      %lt3A = arith.constant 14 : i32
      %lt3A_191 = arith.cmpi slt, %add3A_186, %lt3A : i32
      %convert_element_type3A_192 = arith.extui %lt3A_191 : i1 to i32
      %cond3A_193 = arith.constant 0 : i32
      %cond3A_194 = arith.cmpi ne, %convert_element_type3A_192, %cond3A_193 : i32
      scf.if %cond3A_194 {
        %dma_start3A_329 = arith.constant 32 : i32
        %dma_start3A_330 = tpu.memref_slice %arg6[%add3A_188, %dma_start3A_329] : memref<4x64xi32, #tpu.memory_space<vmem>> -> memref<1x16xi32, #tpu.memory_space<vmem>>
        %dma_start3A_331 = tpu.memref_squeeze %dma_start3A_330 : memref<1x16xi32, #tpu.memory_space<vmem>> -> memref<16xi32, #tpu.memory_space<vmem>>
        %dma_start3A_332 = arith.constant 0 : i32
        %dma_start3A_333 = arith.constant 0 : i32
        %dma_start3A_334 = tpu.memref_slice %arg3[%dma_start3A_332, %dma_start3A_333] : memref<50257x768xf32, #tpu.memory_space<hbm>> -> memref<50257x768xf32, #tpu.memory_space<hbm>>
        tpu.enqueue_indirect_dma source(%dma_start3A_334 : memref<50257x768xf32, #tpu.memory_space<hbm>>) target(%arg10 : memref<16x768xf32, #tpu.memory_space<vmem>>) offsets(%dma_start3A_331 : memref<16xi32, #tpu.memory_space<vmem>>) semaphore(%arg14 : memref<!tpu.dma_semaphore, #tpu.memory_space<semaphore_mem>>)
      } else {
      }
      %dma_wait3A_195 = arith.constant 0 : i32
      %dma_wait3A_196 = tpu.memref_slice %arg6[%scan3A_182, %dma_wait3A_195] : memref<4x64xi32, #tpu.memory_space<vmem>> -> memref<1x16xi32, #tpu.memory_space<vmem>>
      %dma_wait3A_197 = tpu.memref_squeeze %dma_wait3A_196 : memref<1x16xi32, #tpu.memory_space<vmem>> -> memref<16xi32, #tpu.memory_space<vmem>>
      %dma_wait3A_198 = arith.constant 0 : i32
      %dma_wait3A_199 = arith.constant 0 : i32
      %dma_wait3A_200 = tpu.memref_slice %arg3[%dma_wait3A_198, %dma_wait3A_199] : memref<50257x768xf32, #tpu.memory_space<hbm>> -> memref<50257x768xf32, #tpu.memory_space<hbm>>
      tpu.wait_indirect_dma semaphore(%arg12 : memref<!tpu.dma_semaphore, #tpu.memory_space<semaphore_mem>>) src(%dma_wait3A_200 : memref<50257x768xf32, #tpu.memory_space<hbm>>) dst(%arg8 : memref<16x768xf32, #tpu.memory_space<vmem>>)
      %eq3A = arith.constant 0 : i32
      %eq3A_201 = arith.cmpi eq, %scan3A_182, %eq3A : i32
      %convert_element_type3A_202 = arith.extui %eq3A_201 : i1 to i32
      %cond3A_203 = arith.constant 0 : i32
      %cond3A_204 = arith.cmpi ne, %convert_element_type3A_202, %cond3A_203 : i32
      scf.if %cond3A_204 {
        %add3A_329 = arith.constant 0 : i32
        %add3A_330 = arith.addi %mul3A_2, %add3A_329 : i32
        %dma_wait3A_331 = arith.constant 0 : i32
        %dma_wait3A_332 = arith.constant 0 : i32
        %dma_wait3A_333 = tpu.memref_slice %arg7[%dma_wait3A_331, %dma_wait3A_332] : memref<64x768xf32, #tpu.memory_space<vmem>> -> memref<16x768xf32, #tpu.memory_space<vmem>>
        %dma_wait3A_334 = arith.constant 0 : i32
        %dma_wait3A_335 = tpu.memref_slice %arg4[%add3A_330, %dma_wait3A_334] : memref<2048x768xf32, #tpu.memory_space<hbm>> -> memref<16x768xf32, #tpu.memory_space<hbm>>
        %dma_wait3A_336 = arith.constant 0 : i32
        %dma_wait3A_337 = arith.constant 0 : i32
        %dma_wait3A_338 = tpu.memref_slice %arg7[%dma_wait3A_336, %dma_wait3A_337] : memref<64x768xf32, #tpu.memory_space<vmem>> -> memref<16x768xf32, #tpu.memory_space<vmem>>
        %dma_wait3A_339 = arith.constant 0 : i32
        %dma_wait3A_340 = tpu.memref_slice %arg4[%add3A_330, %dma_wait3A_339] : memref<2048x768xf32, #tpu.memory_space<hbm>> -> memref<16x768xf32, #tpu.memory_space<hbm>>
        tpu.wait_dma2 semaphore(%arg20 : memref<!tpu.dma_semaphore, #tpu.memory_space<semaphore_mem>>) src(%dma_wait3A_340 : memref<16x768xf32, #tpu.memory_space<hbm>>) dst(%dma_wait3A_338 : memref<16x768xf32, #tpu.memory_space<vmem>>)
      } else {
      }
      %parallel_loop3A = arith.constant 0 : i32
      %parallel_loop3A_205 = arith.constant 16 : i32
      %parallel_loop3A_206 = arith.constant 1 : i32
      scf.for %parallel_loop3A_329 = %parallel_loop3A to %parallel_loop3A_205 step %parallel_loop3A_206  : i32 {
        %parallel_loop3A_330 = arith.constant 0 : i32
        %parallel_loop3A_331 = arith.addi %parallel_loop3A_330, %parallel_loop3A_329 : i32
        %parallel_loop3A_332 = arith.index_cast %parallel_loop3A_331 : i32 to index
        %parallel_loop3A_333 = arith.constant 0 : index
        %parallel_loop3A_334 = tpu.vector_load %arg7[%parallel_loop3A_332, %parallel_loop3A_333] {strides = array<i32>} : memref<64x768xf32, #tpu.memory_space<vmem>>, vector<1x16xf32>,
        %parallel_loop3A_335 = vector.shape_cast %parallel_loop3A_334 : vector<1x16xf32> to vector<16xf32>
        %parallel_loop3A_336 = arith.index_cast %parallel_loop3A_329 : i32 to index
        %parallel_loop3A_337 = arith.constant 0 : index
        %parallel_loop3A_338 = tpu.vector_load %arg8[%parallel_loop3A_336, %parallel_loop3A_337] {strides = array<i32>} : memref<16x768xf32, #tpu.memory_space<vmem>>, vector<1x16xf32>,
        %parallel_loop3A_339 = vector.shape_cast %parallel_loop3A_338 : vector<1x16xf32> to vector<16xf32>
        %parallel_loop3A_340 = vector.shape_cast %parallel_loop3A_335 : vector<16xf32> to vector<1x16xf32>
        tpu.vector_store %arg8[%parallel_loop3A_336, %parallel_loop3A_337], %parallel_loop3A_340 {add = true, strides = array<i32>} : memref<16x768xf32, #tpu.memory_space<vmem>>, vector<1x16xf32>,
        %parallel_loop3A_341 = arith.constant 0 : i32
        %parallel_loop3A_342 = arith.addi %parallel_loop3A_341, %parallel_loop3A_329 : i32
        %parallel_loop3A_343 = arith.index_cast %parallel_loop3A_342 : i32 to index
        %parallel_loop3A_344 = arith.constant 16 : index
        %parallel_loop3A_345 = tpu.vector_load %arg7[%parallel_loop3A_343, %parallel_loop3A_344] {strides = array<i32>} : memref<64x768xf32, #tpu.memory_space<vmem>>, vector<1x16xf32>,
        %parallel_loop3A_346 = vector.shape_cast %parallel_loop3A_345 : vector<1x16xf32> to vector<16xf32>
        %parallel_loop3A_347 = arith.index_cast %parallel_loop3A_329 : i32 to index
        %parallel_loop3A_348 = arith.constant 16 : index
        %parallel_loop3A_349 = tpu.vector_load %arg8[%parallel_loop3A_347, %parallel_loop3A_348] {strides = array<i32>} : memref<16x768xf32, #tpu.memory_space<vmem>>, vector<1x16xf32>,
        %parallel_loop3A_350 = vector.shape_cast %parallel_loop3A_349 : vector<1x16xf32> to vector<16xf32>
        %parallel_loop3A_351 = vector.shape_cast %parallel_loop3A_346 : vector<16xf32> to vector<1x16xf32>
        tpu.vector_store %arg8[%parallel_loop3A_347, %parallel_loop3A_348], %parallel_loop3A_351 {add = true, strides = array<i32>} : memref<16x768xf32, #tpu.memory_space<vmem>>, vector<1x16xf32>,
        %parallel_loop3A_352 = arith.constant 0 : i32
        %parallel_loop3A_353 = arith.addi %parallel_loop3A_352, %parallel_loop3A_329 : i32
        %parallel_loop3A_354 = arith.index_cast %parallel_loop3A_353 : i32 to index
        %parallel_loop3A_355 = arith.constant 32 : index
        %parallel_loop3A_356 = tpu.vector_load %arg7[%parallel_loop3A_354, %parallel_loop3A_355] {strides = array<i32>} : memref<64x768xf32, #tpu.memory_space<vmem>>, vector<1x16xf32>,
        %parallel_loop3A_357 = vector.shape_cast %parallel_loop3A_356 : vector<1x16xf32> to vector<16xf32>
        %parallel_loop3A_358 = arith.index_cast %parallel_loop3A_329 : i32 to index
        %parallel_loop3A_359 = arith.constant 32 : index
        %parallel_loop3A_360 = tpu.vector_load %arg8[%parallel_loop3A_358, %parallel_loop3A_359] {strides = array<i32>} : memref<16x768xf32, #tpu.memory_space<vmem>>, vector<1x16xf32>,
        %parallel_loop3A_361 = vector.shape_cast %parallel_loop3A_360 : vector<1x16xf32> to vector<16xf32>
        %parallel_loop3A_362 = vector.shape_cast %parallel_loop3A_357 : vector<16xf32> to vector<1x16xf32>
        tpu.vector_store %arg8[%parallel_loop3A_358, %parallel_loop3A_359], %parallel_loop3A_362 {add = true, strides = array<i32>} : memref<16x768xf32, #tpu.memory_space<vmem>>, vector<1x16xf32>,
        %parallel_loop3A_363 = arith.constant 0 : i32
        %parallel_loop3A_364 = arith.addi %parallel_loop3A_363, %parallel_loop3A_329 : i32
        %parallel_loop3A_365 = arith.index_cast %parallel_loop3A_364 : i32 to index
        %parallel_loop3A_366 = arith.constant 48 : index
        %parallel_loop3A_367 = tpu.vector_load %arg7[%parallel_loop3A_365, %parallel_loop3A_366] {strides = array<i32>} : memref<64x768xf32, #tpu.memory_space<vmem>>, vector<1x16xf32>,
        %parallel_loop3A_368 = vector.shape_cast %parallel_loop3A_367 : vector<1x16xf32> to vector<16xf32>
        %parallel_loop3A_369 = arith.index_cast %parallel_loop3A_329 : i32 to index
        %parallel_loop3A_370 = arith.constant 48 : index
        %parallel_loop3A_371 = tpu.vector_load %arg8[%parallel_loop3A_369, %parallel_loop3A_370] {strides = array<i32>} : memref<16x768xf32, #tpu.memory_space<vmem>>, vector<1x16xf32>,
        %parallel_loop3A_372 = vector.shape_cast %parallel_loop3A_371 : vector<1x16xf32> to vector<16xf32>
        %parallel_loop3A_373 = vector.shape_cast %parallel_loop3A_368 : vector<16xf32> to vector<1x16xf32>
        tpu.vector_store %arg8[%parallel_loop3A_369, %parallel_loop3A_370], %parallel_loop3A_373 {add = true, strides = array<i32>} : memref<16x768xf32, #tpu.memory_space<vmem>>, vector<1x16xf32>,
        %parallel_loop3A_374 = arith.constant 0 : i32
        %parallel_loop3A_375 = arith.addi %parallel_loop3A_374, %parallel_loop3A_329 : i32
        %parallel_loop3A_376 = arith.index_cast %parallel_loop3A_375 : i32 to index
        %parallel_loop3A_377 = arith.constant 64 : index
        %parallel_loop3A_378 = tpu.vector_load %arg7[%parallel_loop3A_376, %parallel_loop3A_377] {strides = array<i32>} : memref<64x768xf32, #tpu.memory_space<vmem>>, vector<1x16xf32>,
        %parallel_loop3A_379 = vector.shape_cast %parallel_loop3A_378 : vector<1x16xf32> to vector<16xf32>
        %parallel_loop3A_380 = arith.index_cast %parallel_loop3A_329 : i32 to index
        %parallel_loop3A_381 = arith.constant 64 : index
        %parallel_loop3A_382 = tpu.vector_load %arg8[%parallel_loop3A_380, %parallel_loop3A_381] {strides = array<i32>} : memref<16x768xf32, #tpu.memory_space<vmem>>, vector<1x16xf32>,
        %parallel_loop3A_383 = vector.shape_cast %parallel_loop3A_382 : vector<1x16xf32> to vector<16xf32>
        %parallel_loop3A_384 = vector.shape_cast %parallel_loop3A_379 : vector<16xf32> to vector<1x16xf32>
        tpu.vector_store %arg8[%parallel_loop3A_380, %parallel_loop3A_381], %parallel_loop3A_384 {add = true, strides = array<i32>} : memref<16x768xf32, #tpu.memory_space<vmem>>, vector<1x16xf32>,
        %parallel_loop3A_385 = arith.constant 0 : i32
        %parallel_loop3A_386 = arith.addi %parallel_loop3A_385, %parallel_loop3A_329 : i32
        %parallel_loop3A_387 = arith.index_cast %parallel_loop3A_386 : i32 to index
        %parallel_loop3A_388 = arith.constant 80 : index
        %parallel_loop3A_389 = tpu.vector_load %arg7[%parallel_loop3A_387, %parallel_loop3A_388] {strides = array<i32>} : memref<64x768xf32, #tpu.memory_space<vmem>>, vector<1x16xf32>,
        %parallel_loop3A_390 = vector.shape_cast %parallel_loop3A_389 : vector<1x16xf32> to vector<16xf32>
        %parallel_loop3A_391 = arith.index_cast %parallel_loop3A_329 : i32 to index
        %parallel_loop3A_392 = arith.constant 80 : index
        %parallel_loop3A_393 = tpu.vector_load %arg8[%parallel_loop3A_391, %parallel_loop3A_392] {strides = array<i32>} : memref<16x768xf32, #tpu.memory_space<vmem>>, vector<1x16xf32>,
        %parallel_loop3A_394 = vector.shape_cast %parallel_loop3A_393 : vector<1x16xf32> to vector<16xf32>
        %parallel_loop3A_395 = vector.shape_cast %parallel_loop3A_390 : vector<16xf32> to vector<1x16xf32>
        tpu.vector_store %arg8[%parallel_loop3A_391, %parallel_loop3A_392], %parallel_loop3A_395 {add = true, strides = array<i32>} : memref<16x768xf32, #tpu.memory_space<vmem>>, vector<1x16xf32>,
        %parallel_loop3A_396 = arith.constant 0 : i32
        %parallel_loop3A_397 = arith.addi %parallel_loop3A_396, %parallel_loop3A_329 : i32
        %parallel_loop3A_398 = arith.index_cast %parallel_loop3A_397 : i32 to index
        %parallel_loop3A_399 = arith.constant 96 : index
        %parallel_loop3A_400 = tpu.vector_load %arg7[%parallel_loop3A_398, %parallel_loop3A_399] {strides = array<i32>} : memref<64x768xf32, #tpu.memory_space<vmem>>, vector<1x16xf32>,
        %parallel_loop3A_401 = vector.shape_cast %parallel_loop3A_400 : vector<1x16xf32> to vector<16xf32>
        %parallel_loop3A_402 = arith.index_cast %parallel_loop3A_329 : i32 to index
        %parallel_loop3A_403 = arith.constant 96 : index
        %parallel_loop3A_404 = tpu.vector_load %arg8[%parallel_loop3A_402, %parallel_loop3A_403] {strides = array<i32>} : memref<16x768xf32, #tpu.memory_space<vmem>>, vector<1x16xf32>,
        %parallel_loop3A_405 = vector.shape_cast %parallel_loop3A_404 : vector<1x16xf32> to vector<16xf32>
        %parallel_loop3A_406 = vector.shape_cast %parallel_loop3A_401 : vector<16xf32> to vector<1x16xf32>
        tpu.vector_store %arg8[%parallel_loop3A_402, %parallel_loop3A_403], %parallel_loop3A_406 {add = true, strides = array<i32>} : memref<16x768xf32, #tpu.memory_space<vmem>>, vector<1x16xf32>,
        %parallel_loop3A_407 = arith.constant 0 : i32
        %parallel_loop3A_408 = arith.addi %parallel_loop3A_407, %parallel_loop3A_329 : i32
        %parallel_loop3A_409 = arith.index_cast %parallel_loop3A_408 : i32 to index
        %parallel_loop3A_410 = arith.constant 112 : index
        %parallel_loop3A_411 = tpu.vector_load %arg7[%parallel_loop3A_409, %parallel_loop3A_410] {strides = array<i32>} : memref<64x768xf32, #tpu.memory_space<vmem>>, vector<1x16xf32>,
        %parallel_loop3A_412 = vector.shape_cast %parallel_loop3A_411 : vector<1x16xf32> to vector<16xf32>
        %parallel_loop3A_413 = arith.index_cast %parallel_loop3A_329 : i32 to index
        %parallel_loop3A_414 = arith.constant 112 : index
        %parallel_loop3A_415 = tpu.vector_load %arg8[%parallel_loop3A_413, %parallel_loop3A_414] {strides = array<i32>} : memref<16x768xf32, #tpu.memory_space<vmem>>, vector<1x16xf32>,
        %parallel_loop3A_416 = vector.shape_cast %parallel_loop3A_415 : vector<1x16xf32> to vector<16xf32>
        %parallel_loop3A_417 = vector.shape_cast %parallel_loop3A_412 : vector<16xf32> to vector<1x16xf32>
        tpu.vector_store %arg8[%parallel_loop3A_413, %parallel_loop3A_414], %parallel_loop3A_417 {add = true, strides = array<i32>} : memref<16x768xf32, #tpu.memory_space<vmem>>, vector<1x16xf32>,
        %parallel_loop3A_418 = arith.constant 0 : i32
        %parallel_loop3A_419 = arith.addi %parallel_loop3A_418, %parallel_loop3A_329 : i32
        %parallel_loop3A_420 = arith.index_cast %parallel_loop3A_419 : i32 to index
        %parallel_loop3A_421 = arith.constant 128 : index
        %parallel_loop3A_422 = tpu.vector_load %arg7[%parallel_loop3A_420, %parallel_loop3A_421] {strides = array<i32>} : memref<64x768xf32, #tpu.memory_space<vmem>>, vector<1x16xf32>,
        %parallel_loop3A_423 = vector.shape_cast %parallel_loop3A_422 : vector<1x16xf32> to vector<16xf32>
        %parallel_loop3A_424 = arith.index_cast %parallel_loop3A_329 : i32 to index
        %parallel_loop3A_425 = arith.constant 128 : index
        %parallel_loop3A_426 = tpu.vector_load %arg8[%parallel_loop3A_424, %parallel_loop3A_425] {strides = array<i32>} : memref<16x768xf32, #tpu.memory_space<vmem>>, vector<1x16xf32>,
        %parallel_loop3A_427 = vector.shape_cast %parallel_loop3A_426 : vector<1x16xf32> to vector<16xf32>
        %parallel_loop3A_428 = vector.shape_cast %parallel_loop3A_423 : vector<16xf32> to vector<1x16xf32>
        tpu.vector_store %arg8[%parallel_loop3A_424, %parallel_loop3A_425], %parallel_loop3A_428 {add = true, strides = array<i32>} : memref<16x768xf32, #tpu.memory_space<vmem>>, vector<1x16xf32>,
        %parallel_loop3A_429 = arith.constant 0 : i32
        %parallel_loop3A_430 = arith.addi %parallel_loop3A_429, %parallel_loop3A_329 : i32
        %parallel_loop3A_431 = arith.index_cast %parallel_loop3A_430 : i32 to index
        %parallel_loop3A_432 = arith.constant 144 : index
        %parallel_loop3A_433 = tpu.vector_load %arg7[%parallel_loop3A_431, %parallel_loop3A_432] {strides = array<i32>} : memref<64x768xf32, #tpu.memory_space<vmem>>, vector<1x16xf32>,
        %parallel_loop3A_434 = vector.shape_cast %parallel_loop3A_433 : vector<1x16xf32> to vector<16xf32>
        %parallel_loop3A_435 = arith.index_cast %parallel_loop3A_329 : i32 to index
        %parallel_loop3A_436 = arith.constant 144 : index
        %parallel_loop3A_437 = tpu.vector_load %arg8[%parallel_loop3A_435, %parallel_loop3A_436] {strides = array<i32>} : memref<16x768xf32, #tpu.memory_space<vmem>>, vector<1x16xf32>,
        %parallel_loop3A_438 = vector.shape_cast %parallel_loop3A_437 : vector<1x16xf32> to vector<16xf32>
        %parallel_loop3A_439 = vector.shape_cast %parallel_loop3A_434 : vector<16xf32> to vector<1x16xf32>
        tpu.vector_store %arg8[%parallel_loop3A_435, %parallel_loop3A_436], %parallel_loop3A_439 {add = true, strides = array<i32>} : memref<16x768xf32, #tpu.memory_space<vmem>>, vector<1x16xf32>,
        %parallel_loop3A_440 = arith.constant 0 : i32
        %parallel_loop3A_441 = arith.addi %parallel_loop3A_440, %parallel_loop3A_329 : i32
        %parallel_loop3A_442 = arith.index_cast %parallel_loop3A_441 : i32 to index
        %parallel_loop3A_443 = arith.constant 160 : index
        %parallel_loop3A_444 = tpu.vector_load %arg7[%parallel_loop3A_442, %parallel_loop3A_443] {strides = array<i32>} : memref<64x768xf32, #tpu.memory_space<vmem>>, vector<1x16xf32>,
        %parallel_loop3A_445 = vector.shape_cast %parallel_loop3A_444 : vector<1x16xf32> to vector<16xf32>
        %parallel_loop3A_446 = arith.index_cast %parallel_loop3A_329 : i32 to index
        %parallel_loop3A_447 = arith.constant 160 : index
        %parallel_loop3A_448 = tpu.vector_load %arg8[%parallel_loop3A_446, %parallel_loop3A_447] {strides = array<i32>} : memref<16x768xf32, #tpu.memory_space<vmem>>, vector<1x16xf32>,
        %parallel_loop3A_449 = vector.shape_cast %parallel_loop3A_448 : vector<1x16xf32> to vector<16xf32>
        %parallel_loop3A_450 = vector.shape_cast %parallel_loop3A_445 : vector<16xf32> to vector<1x16xf32>
        tpu.vector_store %arg8[%parallel_loop3A_446, %parallel_loop3A_447], %parallel_loop3A_450 {add = true, strides = array<i32>} : memref<16x768xf32, #tpu.memory_space<vmem>>, vector<1x16xf32>,
        %parallel_loop3A_451 = arith.constant 0 : i32
        %parallel_loop3A_452 = arith.addi %parallel_loop3A_451, %parallel_loop3A_329 : i32
        %parallel_loop3A_453 = arith.index_cast %parallel_loop3A_452 : i32 to index
        %parallel_loop3A_454 = arith.constant 176 : index
        %parallel_loop3A_455 = tpu.vector_load %arg7[%parallel_loop3A_453, %parallel_loop3A_454] {strides = array<i32>} : memref<64x768xf32, #tpu.memory_space<vmem>>, vector<1x16xf32>,
        %parallel_loop3A_456 = vector.shape_cast %parallel_loop3A_455 : vector<1x16xf32> to vector<16xf32>
        %parallel_loop3A_457 = arith.index_cast %parallel_loop3A_329 : i32 to index
        %parallel_loop3A_458 = arith.constant 176 : index
        %parallel_loop3A_459 = tpu.vector_load %arg8[%parallel_loop3A_457, %parallel_loop3A_458] {strides = array<i32>} : memref<16x768xf32, #tpu.memory_space<vmem>>, vector<1x16xf32>,
        %parallel_loop3A_460 = vector.shape_cast %parallel_loop3A_459 : vector<1x16xf32> to vector<16xf32>
        %parallel_loop3A_461 = vector.shape_cast %parallel_loop3A_456 : vector<16xf32> to vector<1x16xf32>
        tpu.vector_store %arg8[%parallel_loop3A_457, %parallel_loop3A_458], %parallel_loop3A_461 {add = true, strides = array<i32>} : memref<16x768xf32, #tpu.memory_space<vmem>>, vector<1x16xf32>,
        %parallel_loop3A_462 = arith.constant 0 : i32
        %parallel_loop3A_463 = arith.addi %parallel_loop3A_462, %parallel_loop3A_329 : i32
        %parallel_loop3A_464 = arith.index_cast %parallel_loop3A_463 : i32 to index
        %parallel_loop3A_465 = arith.constant 192 : index
        %parallel_loop3A_466 = tpu.vector_load %arg7[%parallel_loop3A_464, %parallel_loop3A_465] {strides = array<i32>} : memref<64x768xf32, #tpu.memory_space<vmem>>, vector<1x16xf32>,
        %parallel_loop3A_467 = vector.shape_cast %parallel_loop3A_466 : vector<1x16xf32> to vector<16xf32>
        %parallel_loop3A_468 = arith.index_cast %parallel_loop3A_329 : i32 to index
        %parallel_loop3A_469 = arith.constant 192 : index
        %parallel_loop3A_470 = tpu.vector_load %arg8[%parallel_loop3A_468, %parallel_loop3A_469] {strides = array<i32>} : memref<16x768xf32, #tpu.memory_space<vmem>>, vector<1x16xf32>,
        %parallel_loop3A_471 = vector.shape_cast %parallel_loop3A_470 : vector<1x16xf32> to vector<16xf32>
        %parallel_loop3A_472 = vector.shape_cast %parallel_loop3A_467 : vector<16xf32> to vector<1x16xf32>
        tpu.vector_store %arg8[%parallel_loop3A_468, %parallel_loop3A_469], %parallel_loop3A_472 {add = true, strides = array<i32>} : memref<16x768xf32, #tpu.memory_space<vmem>>, vector<1x16xf32>,
        %parallel_loop3A_473 = arith.constant 0 : i32
        %parallel_loop3A_474 = arith.addi %parallel_loop3A_473, %parallel_loop3A_329 : i32
        %parallel_loop3A_475 = arith.index_cast %parallel_loop3A_474 : i32 to index
        %parallel_loop3A_476 = arith.constant 208 : index
        %parallel_loop3A_477 = tpu.vector_load %arg7[%parallel_loop3A_475, %parallel_loop3A_476] {strides = array<i32>} : memref<64x768xf32, #tpu.memory_space<vmem>>, vector<1x16xf32>,
        %parallel_loop3A_478 = vector.shape_cast %parallel_loop3A_477 : vector<1x16xf32> to vector<16xf32>
        %parallel_loop3A_479 = arith.index_cast %parallel_loop3A_329 : i32 to index
        %parallel_loop3A_480 = arith.constant 208 : index
        %parallel_loop3A_481 = tpu.vector_load %arg8[%parallel_loop3A_479, %parallel_loop3A_480] {strides = array<i32>} : memref<16x768xf32, #tpu.memory_space<vmem>>, vector<1x16xf32>,
        %parallel_loop3A_482 = vector.shape_cast %parallel_loop3A_481 : vector<1x16xf32> to vector<16xf32>
        %parallel_loop3A_483 = vector.shape_cast %parallel_loop3A_478 : vector<16xf32> to vector<1x16xf32>
        tpu.vector_store %arg8[%parallel_loop3A_479, %parallel_loop3A_480], %parallel_loop3A_483 {add = true, strides = array<i32>} : memref<16x768xf32, #tpu.memory_space<vmem>>, vector<1x16xf32>,
        %parallel_loop3A_484 = arith.constant 0 : i32
        %parallel_loop3A_485 = arith.addi %parallel_loop3A_484, %parallel_loop3A_329 : i32
        %parallel_loop3A_486 = arith.index_cast %parallel_loop3A_485 : i32 to index
        %parallel_loop3A_487 = arith.constant 224 : index
        %parallel_loop3A_488 = tpu.vector_load %arg7[%parallel_loop3A_486, %parallel_loop3A_487] {strides = array<i32>} : memref<64x768xf32, #tpu.memory_space<vmem>>, vector<1x16xf32>,
        %parallel_loop3A_489 = vector.shape_cast %parallel_loop3A_488 : vector<1x16xf32> to vector<16xf32>
        %parallel_loop3A_490 = arith.index_cast %parallel_loop3A_329 : i32 to index
        %parallel_loop3A_491 = arith.constant 224 : index
        %parallel_loop3A_492 = tpu.vector_load %arg8[%parallel_loop3A_490, %parallel_loop3A_491] {strides = array<i32>} : memref<16x768xf32, #tpu.memory_space<vmem>>, vector<1x16xf32>,
        %parallel_loop3A_493 = vector.shape_cast %parallel_loop3A_492 : vector<1x16xf32> to vector<16xf32>
        %parallel_loop3A_494 = vector.shape_cast %parallel_loop3A_489 : vector<16xf32> to vector<1x16xf32>
        tpu.vector_store %arg8[%parallel_loop3A_490, %parallel_loop3A_491], %parallel_loop3A_494 {add = true, strides = array<i32>} : memref<16x768xf32, #tpu.memory_space<vmem>>, vector<1x16xf32>,
        %parallel_loop3A_495 = arith.constant 0 : i32
        %parallel_loop3A_496 = arith.addi %parallel_loop3A_495, %parallel_loop3A_329 : i32
        %parallel_loop3A_497 = arith.index_cast %parallel_loop3A_496 : i32 to index
        %parallel_loop3A_498 = arith.constant 240 : index
        %parallel_loop3A_499 = tpu.vector_load %arg7[%parallel_loop3A_497, %parallel_loop3A_498] {strides = array<i32>} : memref<64x768xf32, #tpu.memory_space<vmem>>, vector<1x16xf32>,
        %parallel_loop3A_500 = vector.shape_cast %parallel_loop3A_499 : vector<1x16xf32> to vector<16xf32>
        %parallel_loop3A_501 = arith.index_cast %parallel_loop3A_329 : i32 to index
        %parallel_loop3A_502 = arith.constant 240 : index
        %parallel_loop3A_503 = tpu.vector_load %arg8[%parallel_loop3A_501, %parallel_loop3A_502] {strides = array<i32>} : memref<16x768xf32, #tpu.memory_space<vmem>>, vector<1x16xf32>,
        %parallel_loop3A_504 = vector.shape_cast %parallel_loop3A_503 : vector<1x16xf32> to vector<16xf32>
        %parallel_loop3A_505 = vector.shape_cast %parallel_loop3A_500 : vector<16xf32> to vector<1x16xf32>
        tpu.vector_store %arg8[%parallel_loop3A_501, %parallel_loop3A_502], %parallel_loop3A_505 {add = true, strides = array<i32>} : memref<16x768xf32, #tpu.memory_space<vmem>>, vector<1x16xf32>,
        %parallel_loop3A_506 = arith.constant 0 : i32
        %parallel_loop3A_507 = arith.addi %parallel_loop3A_506, %parallel_loop3A_329 : i32
        %parallel_loop3A_508 = arith.index_cast %parallel_loop3A_507 : i32 to index
        %parallel_loop3A_509 = arith.constant 256 : index
        %parallel_loop3A_510 = tpu.vector_load %arg7[%parallel_loop3A_508, %parallel_loop3A_509] {strides = array<i32>} : memref<64x768xf32, #tpu.memory_space<vmem>>, vector<1x16xf32>,
        %parallel_loop3A_511 = vector.shape_cast %parallel_loop3A_510 : vector<1x16xf32> to vector<16xf32>
        %parallel_loop3A_512 = arith.index_cast %parallel_loop3A_329 : i32 to index
        %parallel_loop3A_513 = arith.constant 256 : index
        %parallel_loop3A_514 = tpu.vector_load %arg8[%parallel_loop3A_512, %parallel_loop3A_513] {strides = array<i32>} : memref<16x768xf32, #tpu.memory_space<vmem>>, vector<1x16xf32>,
        %parallel_loop3A_515 = vector.shape_cast %parallel_loop3A_514 : vector<1x16xf32> to vector<16xf32>
        %parallel_loop3A_516 = vector.shape_cast %parallel_loop3A_511 : vector<16xf32> to vector<1x16xf32>
        tpu.vector_store %arg8[%parallel_loop3A_512, %parallel_loop3A_513], %parallel_loop3A_516 {add = true, strides = array<i32>} : memref<16x768xf32, #tpu.memory_space<vmem>>, vector<1x16xf32>,
        %parallel_loop3A_517 = arith.constant 0 : i32
        %parallel_loop3A_518 = arith.addi %parallel_loop3A_517, %parallel_loop3A_329 : i32
        %parallel_loop3A_519 = arith.index_cast %parallel_loop3A_518 : i32 to index
        %parallel_loop3A_520 = arith.constant 272 : index
        %parallel_loop3A_521 = tpu.vector_load %arg7[%parallel_loop3A_519, %parallel_loop3A_520] {strides = array<i32>} : memref<64x768xf32, #tpu.memory_space<vmem>>, vector<1x16xf32>,
        %parallel_loop3A_522 = vector.shape_cast %parallel_loop3A_521 : vector<1x16xf32> to vector<16xf32>
        %parallel_loop3A_523 = arith.index_cast %parallel_loop3A_329 : i32 to index
        %parallel_loop3A_524 = arith.constant 272 : index
        %parallel_loop3A_525 = tpu.vector_load %arg8[%parallel_loop3A_523, %parallel_loop3A_524] {strides = array<i32>} : memref<16x768xf32, #tpu.memory_space<vmem>>, vector<1x16xf32>,
        %parallel_loop3A_526 = vector.shape_cast %parallel_loop3A_525 : vector<1x16xf32> to vector<16xf32>
        %parallel_loop3A_527 = vector.shape_cast %parallel_loop3A_522 : vector<16xf32> to vector<1x16xf32>
        tpu.vector_store %arg8[%parallel_loop3A_523, %parallel_loop3A_524], %parallel_loop3A_527 {add = true, strides = array<i32>} : memref<16x768xf32, #tpu.memory_space<vmem>>, vector<1x16xf32>,
        %parallel_loop3A_528 = arith.constant 0 : i32
        %parallel_loop3A_529 = arith.addi %parallel_loop3A_528, %parallel_loop3A_329 : i32
        %parallel_loop3A_530 = arith.index_cast %parallel_loop3A_529 : i32 to index
        %parallel_loop3A_531 = arith.constant 288 : index
        %parallel_loop3A_532 = tpu.vector_load %arg7[%parallel_loop3A_530, %parallel_loop3A_531] {strides = array<i32>} : memref<64x768xf32, #tpu.memory_space<vmem>>, vector<1x16xf32>,
        %parallel_loop3A_533 = vector.shape_cast %parallel_loop3A_532 : vector<1x16xf32> to vector<16xf32>
        %parallel_loop3A_534 = arith.index_cast %parallel_loop3A_329 : i32 to index
        %parallel_loop3A_535 = arith.constant 288 : index
        %parallel_loop3A_536 = tpu.vector_load %arg8[%parallel_loop3A_534, %parallel_loop3A_535] {strides = array<i32>} : memref<16x768xf32, #tpu.memory_space<vmem>>, vector<1x16xf32>,
        %parallel_loop3A_537 = vector.shape_cast %parallel_loop3A_536 : vector<1x16xf32> to vector<16xf32>
        %parallel_loop3A_538 = vector.shape_cast %parallel_loop3A_533 : vector<16xf32> to vector<1x16xf32>
        tpu.vector_store %arg8[%parallel_loop3A_534, %parallel_loop3A_535], %parallel_loop3A_538 {add = true, strides = array<i32>} : memref<16x768xf32, #tpu.memory_space<vmem>>, vector<1x16xf32>,
        %parallel_loop3A_539 = arith.constant 0 : i32
        %parallel_loop3A_540 = arith.addi %parallel_loop3A_539, %parallel_loop3A_329 : i32
        %parallel_loop3A_541 = arith.index_cast %parallel_loop3A_540 : i32 to index
        %parallel_loop3A_542 = arith.constant 304 : index
        %parallel_loop3A_543 = tpu.vector_load %arg7[%parallel_loop3A_541, %parallel_loop3A_542] {strides = array<i32>} : memref<64x768xf32, #tpu.memory_space<vmem>>, vector<1x16xf32>,
        %parallel_loop3A_544 = vector.shape_cast %parallel_loop3A_543 : vector<1x16xf32> to vector<16xf32>
        %parallel_loop3A_545 = arith.index_cast %parallel_loop3A_329 : i32 to index
        %parallel_loop3A_546 = arith.constant 304 : index
        %parallel_loop3A_547 = tpu.vector_load %arg8[%parallel_loop3A_545, %parallel_loop3A_546] {strides = array<i32>} : memref<16x768xf32, #tpu.memory_space<vmem>>, vector<1x16xf32>,
        %parallel_loop3A_548 = vector.shape_cast %parallel_loop3A_547 : vector<1x16xf32> to vector<16xf32>
        %parallel_loop3A_549 = vector.shape_cast %parallel_loop3A_544 : vector<16xf32> to vector<1x16xf32>
        tpu.vector_store %arg8[%parallel_loop3A_545, %parallel_loop3A_546], %parallel_loop3A_549 {add = true, strides = array<i32>} : memref<16x768xf32, #tpu.memory_space<vmem>>, vector<1x16xf32>,
        %parallel_loop3A_550 = arith.constant 0 : i32
        %parallel_loop3A_551 = arith.addi %parallel_loop3A_550, %parallel_loop3A_329 : i32
        %parallel_loop3A_552 = arith.index_cast %parallel_loop3A_551 : i32 to index
        %parallel_loop3A_553 = arith.constant 320 : index
        %parallel_loop3A_554 = tpu.vector_load %arg7[%parallel_loop3A_552, %parallel_loop3A_553] {strides = array<i32>} : memref<64x768xf32, #tpu.memory_space<vmem>>, vector<1x16xf32>,
        %parallel_loop3A_555 = vector.shape_cast %parallel_loop3A_554 : vector<1x16xf32> to vector<16xf32>
        %parallel_loop3A_556 = arith.index_cast %parallel_loop3A_329 : i32 to index
        %parallel_loop3A_557 = arith.constant 320 : index
        %parallel_loop3A_558 = tpu.vector_load %arg8[%parallel_loop3A_556, %parallel_loop3A_557] {strides = array<i32>} : memref<16x768xf32, #tpu.memory_space<vmem>>, vector<1x16xf32>,
        %parallel_loop3A_559 = vector.shape_cast %parallel_loop3A_558 : vector<1x16xf32> to vector<16xf32>
        %parallel_loop3A_560 = vector.shape_cast %parallel_loop3A_555 : vector<16xf32> to vector<1x16xf32>
        tpu.vector_store %arg8[%parallel_loop3A_556, %parallel_loop3A_557], %parallel_loop3A_560 {add = true, strides = array<i32>} : memref<16x768xf32, #tpu.memory_space<vmem>>, vector<1x16xf32>,
        %parallel_loop3A_561 = arith.constant 0 : i32
        %parallel_loop3A_562 = arith.addi %parallel_loop3A_561, %parallel_loop3A_329 : i32
        %parallel_loop3A_563 = arith.index_cast %parallel_loop3A_562 : i32 to index
        %parallel_loop3A_564 = arith.constant 336 : index
        %parallel_loop3A_565 = tpu.vector_load %arg7[%parallel_loop3A_563, %parallel_loop3A_564] {strides = array<i32>} : memref<64x768xf32, #tpu.memory_space<vmem>>, vector<1x16xf32>,
        %parallel_loop3A_566 = vector.shape_cast %parallel_loop3A_565 : vector<1x16xf32> to vector<16xf32>
        %parallel_loop3A_567 = arith.index_cast %parallel_loop3A_329 : i32 to index
        %parallel_loop3A_568 = arith.constant 336 : index
        %parallel_loop3A_569 = tpu.vector_load %arg8[%parallel_loop3A_567, %parallel_loop3A_568] {strides = array<i32>} : memref<16x768xf32, #tpu.memory_space<vmem>>, vector<1x16xf32>,
        %parallel_loop3A_570 = vector.shape_cast %parallel_loop3A_569 : vector<1x16xf32> to vector<16xf32>
        %parallel_loop3A_571 = vector.shape_cast %parallel_loop3A_566 : vector<16xf32> to vector<1x16xf32>
        tpu.vector_store %arg8[%parallel_loop3A_567, %parallel_loop3A_568], %parallel_loop3A_571 {add = true, strides = array<i32>} : memref<16x768xf32, #tpu.memory_space<vmem>>, vector<1x16xf32>,
        %parallel_loop3A_572 = arith.constant 0 : i32
        %parallel_loop3A_573 = arith.addi %parallel_loop3A_572, %parallel_loop3A_329 : i32
        %parallel_loop3A_574 = arith.index_cast %parallel_loop3A_573 : i32 to index
        %parallel_loop3A_575 = arith.constant 352 : index
        %parallel_loop3A_576 = tpu.vector_load %arg7[%parallel_loop3A_574, %parallel_loop3A_575] {strides = array<i32>} : memref<64x768xf32, #tpu.memory_space<vmem>>, vector<1x16xf32>,
        %parallel_loop3A_577 = vector.shape_cast %parallel_loop3A_576 : vector<1x16xf32> to vector<16xf32>
        %parallel_loop3A_578 = arith.index_cast %parallel_loop3A_329 : i32 to index
        %parallel_loop3A_579 = arith.constant 352 : index
        %parallel_loop3A_580 = tpu.vector_load %arg8[%parallel_loop3A_578, %parallel_loop3A_579] {strides = array<i32>} : memref<16x768xf32, #tpu.memory_space<vmem>>, vector<1x16xf32>,
        %parallel_loop3A_581 = vector.shape_cast %parallel_loop3A_580 : vector<1x16xf32> to vector<16xf32>
        %parallel_loop3A_582 = vector.shape_cast %parallel_loop3A_577 : vector<16xf32> to vector<1x16xf32>
        tpu.vector_store %arg8[%parallel_loop3A_578, %parallel_loop3A_579], %parallel_loop3A_582 {add = true, strides = array<i32>} : memref<16x768xf32, #tpu.memory_space<vmem>>, vector<1x16xf32>,
        %parallel_loop3A_583 = arith.constant 0 : i32
        %parallel_loop3A_584 = arith.addi %parallel_loop3A_583, %parallel_loop3A_329 : i32
        %parallel_loop3A_585 = arith.index_cast %parallel_loop3A_584 : i32 to index
        %parallel_loop3A_586 = arith.constant 368 : index
        %parallel_loop3A_587 = tpu.vector_load %arg7[%parallel_loop3A_585, %parallel_loop3A_586] {strides = array<i32>} : memref<64x768xf32, #tpu.memory_space<vmem>>, vector<1x16xf32>,
        %parallel_loop3A_588 = vector.shape_cast %parallel_loop3A_587 : vector<1x16xf32> to vector<16xf32>
        %parallel_loop3A_589 = arith.index_cast %parallel_loop3A_329 : i32 to index
        %parallel_loop3A_590 = arith.constant 368 : index
        %parallel_loop3A_591 = tpu.vector_load %arg8[%parallel_loop3A_589, %parallel_loop3A_590] {strides = array<i32>} : memref<16x768xf32, #tpu.memory_space<vmem>>, vector<1x16xf32>,
        %parallel_loop3A_592 = vector.shape_cast %parallel_loop3A_591 : vector<1x16xf32> to vector<16xf32>
        %parallel_loop3A_593 = vector.shape_cast %parallel_loop3A_588 : vector<16xf32> to vector<1x16xf32>
        tpu.vector_store %arg8[%parallel_loop3A_589, %parallel_loop3A_590], %parallel_loop3A_593 {add = true, strides = array<i32>} : memref<16x768xf32, #tpu.memory_space<vmem>>, vector<1x16xf32>,
        %parallel_loop3A_594 = arith.constant 0 : i32
        %parallel_loop3A_595 = arith.addi %parallel_loop3A_594, %parallel_loop3A_329 : i32
        %parallel_loop3A_596 = arith.index_cast %parallel_loop3A_595 : i32 to index
        %parallel_loop3A_597 = arith.constant 384 : index
        %parallel_loop3A_598 = tpu.vector_load %arg7[%parallel_loop3A_596, %parallel_loop3A_597] {strides = array<i32>} : memref<64x768xf32, #tpu.memory_space<vmem>>, vector<1x16xf32>,
        %parallel_loop3A_599 = vector.shape_cast %parallel_loop3A_598 : vector<1x16xf32> to vector<16xf32>
        %parallel_loop3A_600 = arith.index_cast %parallel_loop3A_329 : i32 to index
        %parallel_loop3A_601 = arith.constant 384 : index
        %parallel_loop3A_602 = tpu.vector_load %arg8[%parallel_loop3A_600, %parallel_loop3A_601] {strides = array<i32>} : memref<16x768xf32, #tpu.memory_space<vmem>>, vector<1x16xf32>,
        %parallel_loop3A_603 = vector.shape_cast %parallel_loop3A_602 : vector<1x16xf32> to vector<16xf32>
        %parallel_loop3A_604 = vector.shape_cast %parallel_loop3A_599 : vector<16xf32> to vector<1x16xf32>
        tpu.vector_store %arg8[%parallel_loop3A_600, %parallel_loop3A_601], %parallel_loop3A_604 {add = true, strides = array<i32>} : memref<16x768xf32, #tpu.memory_space<vmem>>, vector<1x16xf32>,
        %parallel_loop3A_605 = arith.constant 0 : i32
        %parallel_loop3A_606 = arith.addi %parallel_loop3A_605, %parallel_loop3A_329 : i32
        %parallel_loop3A_607 = arith.index_cast %parallel_loop3A_606 : i32 to index
        %parallel_loop3A_608 = arith.constant 400 : index
        %parallel_loop3A_609 = tpu.vector_load %arg7[%parallel_loop3A_607, %parallel_loop3A_608] {strides = array<i32>} : memref<64x768xf32, #tpu.memory_space<vmem>>, vector<1x16xf32>,
        %parallel_loop3A_610 = vector.shape_cast %parallel_loop3A_609 : vector<1x16xf32> to vector<16xf32>
        %parallel_loop3A_611 = arith.index_cast %parallel_loop3A_329 : i32 to index
        %parallel_loop3A_612 = arith.constant 400 : index
        %parallel_loop3A_613 = tpu.vector_load %arg8[%parallel_loop3A_611, %parallel_loop3A_612] {strides = array<i32>} : memref<16x768xf32, #tpu.memory_space<vmem>>, vector<1x16xf32>,
        %parallel_loop3A_614 = vector.shape_cast %parallel_loop3A_613 : vector<1x16xf32> to vector<16xf32>
        %parallel_loop3A_615 = vector.shape_cast %parallel_loop3A_610 : vector<16xf32> to vector<1x16xf32>
        tpu.vector_store %arg8[%parallel_loop3A_611, %parallel_loop3A_612], %parallel_loop3A_615 {add = true, strides = array<i32>} : memref<16x768xf32, #tpu.memory_space<vmem>>, vector<1x16xf32>,
        %parallel_loop3A_616 = arith.constant 0 : i32
        %parallel_loop3A_617 = arith.addi %parallel_loop3A_616, %parallel_loop3A_329 : i32
        %parallel_loop3A_618 = arith.index_cast %parallel_loop3A_617 : i32 to index
        %parallel_loop3A_619 = arith.constant 416 : index
        %parallel_loop3A_620 = tpu.vector_load %arg7[%parallel_loop3A_618, %parallel_loop3A_619] {strides = array<i32>} : memref<64x768xf32, #tpu.memory_space<vmem>>, vector<1x16xf32>,
        %parallel_loop3A_621 = vector.shape_cast %parallel_loop3A_620 : vector<1x16xf32> to vector<16xf32>
        %parallel_loop3A_622 = arith.index_cast %parallel_loop3A_329 : i32 to index
        %parallel_loop3A_623 = arith.constant 416 : index
        %parallel_loop3A_624 = tpu.vector_load %arg8[%parallel_loop3A_622, %parallel_loop3A_623] {strides = array<i32>} : memref<16x768xf32, #tpu.memory_space<vmem>>, vector<1x16xf32>,
        %parallel_loop3A_625 = vector.shape_cast %parallel_loop3A_624 : vector<1x16xf32> to vector<16xf32>
        %parallel_loop3A_626 = vector.shape_cast %parallel_loop3A_621 : vector<16xf32> to vector<1x16xf32>
        tpu.vector_store %arg8[%parallel_loop3A_622, %parallel_loop3A_623], %parallel_loop3A_626 {add = true, strides = array<i32>} : memref<16x768xf32, #tpu.memory_space<vmem>>, vector<1x16xf32>,
        %parallel_loop3A_627 = arith.constant 0 : i32
        %parallel_loop3A_628 = arith.addi %parallel_loop3A_627, %parallel_loop3A_329 : i32
        %parallel_loop3A_629 = arith.index_cast %parallel_loop3A_628 : i32 to index
        %parallel_loop3A_630 = arith.constant 432 : index
        %parallel_loop3A_631 = tpu.vector_load %arg7[%parallel_loop3A_629, %parallel_loop3A_630] {strides = array<i32>} : memref<64x768xf32, #tpu.memory_space<vmem>>, vector<1x16xf32>,
        %parallel_loop3A_632 = vector.shape_cast %parallel_loop3A_631 : vector<1x16xf32> to vector<16xf32>
        %parallel_loop3A_633 = arith.index_cast %parallel_loop3A_329 : i32 to index
        %parallel_loop3A_634 = arith.constant 432 : index
        %parallel_loop3A_635 = tpu.vector_load %arg8[%parallel_loop3A_633, %parallel_loop3A_634] {strides = array<i32>} : memref<16x768xf32, #tpu.memory_space<vmem>>, vector<1x16xf32>,
        %parallel_loop3A_636 = vector.shape_cast %parallel_loop3A_635 : vector<1x16xf32> to vector<16xf32>
        %parallel_loop3A_637 = vector.shape_cast %parallel_loop3A_632 : vector<16xf32> to vector<1x16xf32>
        tpu.vector_store %arg8[%parallel_loop3A_633, %parallel_loop3A_634], %parallel_loop3A_637 {add = true, strides = array<i32>} : memref<16x768xf32, #tpu.memory_space<vmem>>, vector<1x16xf32>,
        %parallel_loop3A_638 = arith.constant 0 : i32
        %parallel_loop3A_639 = arith.addi %parallel_loop3A_638, %parallel_loop3A_329 : i32
        %parallel_loop3A_640 = arith.index_cast %parallel_loop3A_639 : i32 to index
        %parallel_loop3A_641 = arith.constant 448 : index
        %parallel_loop3A_642 = tpu.vector_load %arg7[%parallel_loop3A_640, %parallel_loop3A_641] {strides = array<i32>} : memref<64x768xf32, #tpu.memory_space<vmem>>, vector<1x16xf32>,
        %parallel_loop3A_643 = vector.shape_cast %parallel_loop3A_642 : vector<1x16xf32> to vector<16xf32>
        %parallel_loop3A_644 = arith.index_cast %parallel_loop3A_329 : i32 to index
        %parallel_loop3A_645 = arith.constant 448 : index
        %parallel_loop3A_646 = tpu.vector_load %arg8[%parallel_loop3A_644, %parallel_loop3A_645] {strides = array<i32>} : memref<16x768xf32, #tpu.memory_space<vmem>>, vector<1x16xf32>,
        %parallel_loop3A_647 = vector.shape_cast %parallel_loop3A_646 : vector<1x16xf32> to vector<16xf32>
        %parallel_loop3A_648 = vector.shape_cast %parallel_loop3A_643 : vector<16xf32> to vector<1x16xf32>
        tpu.vector_store %arg8[%parallel_loop3A_644, %parallel_loop3A_645], %parallel_loop3A_648 {add = true, strides = array<i32>} : memref<16x768xf32, #tpu.memory_space<vmem>>, vector<1x16xf32>,
        %parallel_loop3A_649 = arith.constant 0 : i32
        %parallel_loop3A_650 = arith.addi %parallel_loop3A_649, %parallel_loop3A_329 : i32
        %parallel_loop3A_651 = arith.index_cast %parallel_loop3A_650 : i32 to index
        %parallel_loop3A_652 = arith.constant 464 : index
        %parallel_loop3A_653 = tpu.vector_load %arg7[%parallel_loop3A_651, %parallel_loop3A_652] {strides = array<i32>} : memref<64x768xf32, #tpu.memory_space<vmem>>, vector<1x16xf32>,
        %parallel_loop3A_654 = vector.shape_cast %parallel_loop3A_653 : vector<1x16xf32> to vector<16xf32>
        %parallel_loop3A_655 = arith.index_cast %parallel_loop3A_329 : i32 to index
        %parallel_loop3A_656 = arith.constant 464 : index
        %parallel_loop3A_657 = tpu.vector_load %arg8[%parallel_loop3A_655, %parallel_loop3A_656] {strides = array<i32>} : memref<16x768xf32, #tpu.memory_space<vmem>>, vector<1x16xf32>,
        %parallel_loop3A_658 = vector.shape_cast %parallel_loop3A_657 : vector<1x16xf32> to vector<16xf32>
        %parallel_loop3A_659 = vector.shape_cast %parallel_loop3A_654 : vector<16xf32> to vector<1x16xf32>
        tpu.vector_store %arg8[%parallel_loop3A_655, %parallel_loop3A_656], %parallel_loop3A_659 {add = true, strides = array<i32>} : memref<16x768xf32, #tpu.memory_space<vmem>>, vector<1x16xf32>,
        %parallel_loop3A_660 = arith.constant 0 : i32
        %parallel_loop3A_661 = arith.addi %parallel_loop3A_660, %parallel_loop3A_329 : i32
        %parallel_loop3A_662 = arith.index_cast %parallel_loop3A_661 : i32 to index
        %parallel_loop3A_663 = arith.constant 480 : index
        %parallel_loop3A_664 = tpu.vector_load %arg7[%parallel_loop3A_662, %parallel_loop3A_663] {strides = array<i32>} : memref<64x768xf32, #tpu.memory_space<vmem>>, vector<1x16xf32>,
        %parallel_loop3A_665 = vector.shape_cast %parallel_loop3A_664 : vector<1x16xf32> to vector<16xf32>
        %parallel_loop3A_666 = arith.index_cast %parallel_loop3A_329 : i32 to index
        %parallel_loop3A_667 = arith.constant 480 : index
        %parallel_loop3A_668 = tpu.vector_load %arg8[%parallel_loop3A_666, %parallel_loop3A_667] {strides = array<i32>} : memref<16x768xf32, #tpu.memory_space<vmem>>, vector<1x16xf32>,
        %parallel_loop3A_669 = vector.shape_cast %parallel_loop3A_668 : vector<1x16xf32> to vector<16xf32>
        %parallel_loop3A_670 = vector.shape_cast %parallel_loop3A_665 : vector<16xf32> to vector<1x16xf32>
        tpu.vector_store %arg8[%parallel_loop3A_666, %parallel_loop3A_667], %parallel_loop3A_670 {add = true, strides = array<i32>} : memref<16x768xf32, #tpu.memory_space<vmem>>, vector<1x16xf32>,
        %parallel_loop3A_671 = arith.constant 0 : i32
        %parallel_loop3A_672 = arith.addi %parallel_loop3A_671, %parallel_loop3A_329 : i32
        %parallel_loop3A_673 = arith.index_cast %parallel_loop3A_672 : i32 to index
        %parallel_loop3A_674 = arith.constant 496 : index
        %parallel_loop3A_675 = tpu.vector_load %arg7[%parallel_loop3A_673, %parallel_loop3A_674] {strides = array<i32>} : memref<64x768xf32, #tpu.memory_space<vmem>>, vector<1x16xf32>,
        %parallel_loop3A_676 = vector.shape_cast %parallel_loop3A_675 : vector<1x16xf32> to vector<16xf32>
        %parallel_loop3A_677 = arith.index_cast %parallel_loop3A_329 : i32 to index
        %parallel_loop3A_678 = arith.constant 496 : index
        %parallel_loop3A_679 = tpu.vector_load %arg8[%parallel_loop3A_677, %parallel_loop3A_678] {strides = array<i32>} : memref<16x768xf32, #tpu.memory_space<vmem>>, vector<1x16xf32>,
        %parallel_loop3A_680 = vector.shape_cast %parallel_loop3A_679 : vector<1x16xf32> to vector<16xf32>
        %parallel_loop3A_681 = vector.shape_cast %parallel_loop3A_676 : vector<16xf32> to vector<1x16xf32>
        tpu.vector_store %arg8[%parallel_loop3A_677, %parallel_loop3A_678], %parallel_loop3A_681 {add = true, strides = array<i32>} : memref<16x768xf32, #tpu.memory_space<vmem>>, vector<1x16xf32>,
        %parallel_loop3A_682 = arith.constant 0 : i32
        %parallel_loop3A_683 = arith.addi %parallel_loop3A_682, %parallel_loop3A_329 : i32
        %parallel_loop3A_684 = arith.index_cast %parallel_loop3A_683 : i32 to index
        %parallel_loop3A_685 = arith.constant 512 : index
        %parallel_loop3A_686 = tpu.vector_load %arg7[%parallel_loop3A_684, %parallel_loop3A_685] {strides = array<i32>} : memref<64x768xf32, #tpu.memory_space<vmem>>, vector<1x16xf32>,
        %parallel_loop3A_687 = vector.shape_cast %parallel_loop3A_686 : vector<1x16xf32> to vector<16xf32>
        %parallel_loop3A_688 = arith.index_cast %parallel_loop3A_329 : i32 to index
        %parallel_loop3A_689 = arith.constant 512 : index
        %parallel_loop3A_690 = tpu.vector_load %arg8[%parallel_loop3A_688, %parallel_loop3A_689] {strides = array<i32>} : memref<16x768xf32, #tpu.memory_space<vmem>>, vector<1x16xf32>,
        %parallel_loop3A_691 = vector.shape_cast %parallel_loop3A_690 : vector<1x16xf32> to vector<16xf32>
        %parallel_loop3A_692 = vector.shape_cast %parallel_loop3A_687 : vector<16xf32> to vector<1x16xf32>
        tpu.vector_store %arg8[%parallel_loop3A_688, %parallel_loop3A_689], %parallel_loop3A_692 {add = true, strides = array<i32>} : memref<16x768xf32, #tpu.memory_space<vmem>>, vector<1x16xf32>,
        %parallel_loop3A_693 = arith.constant 0 : i32
        %parallel_loop3A_694 = arith.addi %parallel_loop3A_693, %parallel_loop3A_329 : i32
        %parallel_loop3A_695 = arith.index_cast %parallel_loop3A_694 : i32 to index
        %parallel_loop3A_696 = arith.constant 528 : index
        %parallel_loop3A_697 = tpu.vector_load %arg7[%parallel_loop3A_695, %parallel_loop3A_696] {strides = array<i32>} : memref<64x768xf32, #tpu.memory_space<vmem>>, vector<1x16xf32>,
        %parallel_loop3A_698 = vector.shape_cast %parallel_loop3A_697 : vector<1x16xf32> to vector<16xf32>
        %parallel_loop3A_699 = arith.index_cast %parallel_loop3A_329 : i32 to index
        %parallel_loop3A_700 = arith.constant 528 : index
        %parallel_loop3A_701 = tpu.vector_load %arg8[%parallel_loop3A_699, %parallel_loop3A_700] {strides = array<i32>} : memref<16x768xf32, #tpu.memory_space<vmem>>, vector<1x16xf32>,
        %parallel_loop3A_702 = vector.shape_cast %parallel_loop3A_701 : vector<1x16xf32> to vector<16xf32>
        %parallel_loop3A_703 = vector.shape_cast %parallel_loop3A_698 : vector<16xf32> to vector<1x16xf32>
        tpu.vector_store %arg8[%parallel_loop3A_699, %parallel_loop3A_700], %parallel_loop3A_703 {add = true, strides = array<i32>} : memref<16x768xf32, #tpu.memory_space<vmem>>, vector<1x16xf32>,
        %parallel_loop3A_704 = arith.constant 0 : i32
        %parallel_loop3A_705 = arith.addi %parallel_loop3A_704, %parallel_loop3A_329 : i32
        %parallel_loop3A_706 = arith.index_cast %parallel_loop3A_705 : i32 to index
        %parallel_loop3A_707 = arith.constant 544 : index
        %parallel_loop3A_708 = tpu.vector_load %arg7[%parallel_loop3A_706, %parallel_loop3A_707] {strides = array<i32>} : memref<64x768xf32, #tpu.memory_space<vmem>>, vector<1x16xf32>,
        %parallel_loop3A_709 = vector.shape_cast %parallel_loop3A_708 : vector<1x16xf32> to vector<16xf32>
        %parallel_loop3A_710 = arith.index_cast %parallel_loop3A_329 : i32 to index
        %parallel_loop3A_711 = arith.constant 544 : index
        %parallel_loop3A_712 = tpu.vector_load %arg8[%parallel_loop3A_710, %parallel_loop3A_711] {strides = array<i32>} : memref<16x768xf32, #tpu.memory_space<vmem>>, vector<1x16xf32>,
        %parallel_loop3A_713 = vector.shape_cast %parallel_loop3A_712 : vector<1x16xf32> to vector<16xf32>
        %parallel_loop3A_714 = vector.shape_cast %parallel_loop3A_709 : vector<16xf32> to vector<1x16xf32>
        tpu.vector_store %arg8[%parallel_loop3A_710, %parallel_loop3A_711], %parallel_loop3A_714 {add = true, strides = array<i32>} : memref<16x768xf32, #tpu.memory_space<vmem>>, vector<1x16xf32>,
        %parallel_loop3A_715 = arith.constant 0 : i32
        %parallel_loop3A_716 = arith.addi %parallel_loop3A_715, %parallel_loop3A_329 : i32
        %parallel_loop3A_717 = arith.index_cast %parallel_loop3A_716 : i32 to index
        %parallel_loop3A_718 = arith.constant 560 : index
        %parallel_loop3A_719 = tpu.vector_load %arg7[%parallel_loop3A_717, %parallel_loop3A_718] {strides = array<i32>} : memref<64x768xf32, #tpu.memory_space<vmem>>, vector<1x16xf32>,
        %parallel_loop3A_720 = vector.shape_cast %parallel_loop3A_719 : vector<1x16xf32> to vector<16xf32>
        %parallel_loop3A_721 = arith.index_cast %parallel_loop3A_329 : i32 to index
        %parallel_loop3A_722 = arith.constant 560 : index
        %parallel_loop3A_723 = tpu.vector_load %arg8[%parallel_loop3A_721, %parallel_loop3A_722] {strides = array<i32>} : memref<16x768xf32, #tpu.memory_space<vmem>>, vector<1x16xf32>,
        %parallel_loop3A_724 = vector.shape_cast %parallel_loop3A_723 : vector<1x16xf32> to vector<16xf32>
        %parallel_loop3A_725 = vector.shape_cast %parallel_loop3A_720 : vector<16xf32> to vector<1x16xf32>
        tpu.vector_store %arg8[%parallel_loop3A_721, %parallel_loop3A_722], %parallel_loop3A_725 {add = true, strides = array<i32>} : memref<16x768xf32, #tpu.memory_space<vmem>>, vector<1x16xf32>,
        %parallel_loop3A_726 = arith.constant 0 : i32
        %parallel_loop3A_727 = arith.addi %parallel_loop3A_726, %parallel_loop3A_329 : i32
        %parallel_loop3A_728 = arith.index_cast %parallel_loop3A_727 : i32 to index
        %parallel_loop3A_729 = arith.constant 576 : index
        %parallel_loop3A_730 = tpu.vector_load %arg7[%parallel_loop3A_728, %parallel_loop3A_729] {strides = array<i32>} : memref<64x768xf32, #tpu.memory_space<vmem>>, vector<1x16xf32>,
        %parallel_loop3A_731 = vector.shape_cast %parallel_loop3A_730 : vector<1x16xf32> to vector<16xf32>
        %parallel_loop3A_732 = arith.index_cast %parallel_loop3A_329 : i32 to index
        %parallel_loop3A_733 = arith.constant 576 : index
        %parallel_loop3A_734 = tpu.vector_load %arg8[%parallel_loop3A_732, %parallel_loop3A_733] {strides = array<i32>} : memref<16x768xf32, #tpu.memory_space<vmem>>, vector<1x16xf32>,
        %parallel_loop3A_735 = vector.shape_cast %parallel_loop3A_734 : vector<1x16xf32> to vector<16xf32>
        %parallel_loop3A_736 = vector.shape_cast %parallel_loop3A_731 : vector<16xf32> to vector<1x16xf32>
        tpu.vector_store %arg8[%parallel_loop3A_732, %parallel_loop3A_733], %parallel_loop3A_736 {add = true, strides = array<i32>} : memref<16x768xf32, #tpu.memory_space<vmem>>, vector<1x16xf32>,
        %parallel_loop3A_737 = arith.constant 0 : i32
        %parallel_loop3A_738 = arith.addi %parallel_loop3A_737, %parallel_loop3A_329 : i32
        %parallel_loop3A_739 = arith.index_cast %parallel_loop3A_738 : i32 to index
        %parallel_loop3A_740 = arith.constant 592 : index
        %parallel_loop3A_741 = tpu.vector_load %arg7[%parallel_loop3A_739, %parallel_loop3A_740] {strides = array<i32>} : memref<64x768xf32, #tpu.memory_space<vmem>>, vector<1x16xf32>,
        %parallel_loop3A_742 = vector.shape_cast %parallel_loop3A_741 : vector<1x16xf32> to vector<16xf32>
        %parallel_loop3A_743 = arith.index_cast %parallel_loop3A_329 : i32 to index
        %parallel_loop3A_744 = arith.constant 592 : index
        %parallel_loop3A_745 = tpu.vector_load %arg8[%parallel_loop3A_743, %parallel_loop3A_744] {strides = array<i32>} : memref<16x768xf32, #tpu.memory_space<vmem>>, vector<1x16xf32>,
        %parallel_loop3A_746 = vector.shape_cast %parallel_loop3A_745 : vector<1x16xf32> to vector<16xf32>
        %parallel_loop3A_747 = vector.shape_cast %parallel_loop3A_742 : vector<16xf32> to vector<1x16xf32>
        tpu.vector_store %arg8[%parallel_loop3A_743, %parallel_loop3A_744], %parallel_loop3A_747 {add = true, strides = array<i32>} : memref<16x768xf32, #tpu.memory_space<vmem>>, vector<1x16xf32>,
        %parallel_loop3A_748 = arith.constant 0 : i32
        %parallel_loop3A_749 = arith.addi %parallel_loop3A_748, %parallel_loop3A_329 : i32
        %parallel_loop3A_750 = arith.index_cast %parallel_loop3A_749 : i32 to index
        %parallel_loop3A_751 = arith.constant 608 : index
        %parallel_loop3A_752 = tpu.vector_load %arg7[%parallel_loop3A_750, %parallel_loop3A_751] {strides = array<i32>} : memref<64x768xf32, #tpu.memory_space<vmem>>, vector<1x16xf32>,
        %parallel_loop3A_753 = vector.shape_cast %parallel_loop3A_752 : vector<1x16xf32> to vector<16xf32>
        %parallel_loop3A_754 = arith.index_cast %parallel_loop3A_329 : i32 to index
        %parallel_loop3A_755 = arith.constant 608 : index
        %parallel_loop3A_756 = tpu.vector_load %arg8[%parallel_loop3A_754, %parallel_loop3A_755] {strides = array<i32>} : memref<16x768xf32, #tpu.memory_space<vmem>>, vector<1x16xf32>,
        %parallel_loop3A_757 = vector.shape_cast %parallel_loop3A_756 : vector<1x16xf32> to vector<16xf32>
        %parallel_loop3A_758 = vector.shape_cast %parallel_loop3A_753 : vector<16xf32> to vector<1x16xf32>
        tpu.vector_store %arg8[%parallel_loop3A_754, %parallel_loop3A_755], %parallel_loop3A_758 {add = true, strides = array<i32>} : memref<16x768xf32, #tpu.memory_space<vmem>>, vector<1x16xf32>,
        %parallel_loop3A_759 = arith.constant 0 : i32
        %parallel_loop3A_760 = arith.addi %parallel_loop3A_759, %parallel_loop3A_329 : i32
        %parallel_loop3A_761 = arith.index_cast %parallel_loop3A_760 : i32 to index
        %parallel_loop3A_762 = arith.constant 624 : index
        %parallel_loop3A_763 = tpu.vector_load %arg7[%parallel_loop3A_761, %parallel_loop3A_762] {strides = array<i32>} : memref<64x768xf32, #tpu.memory_space<vmem>>, vector<1x16xf32>,
        %parallel_loop3A_764 = vector.shape_cast %parallel_loop3A_763 : vector<1x16xf32> to vector<16xf32>
        %parallel_loop3A_765 = arith.index_cast %parallel_loop3A_329 : i32 to index
        %parallel_loop3A_766 = arith.constant 624 : index
        %parallel_loop3A_767 = tpu.vector_load %arg8[%parallel_loop3A_765, %parallel_loop3A_766] {strides = array<i32>} : memref<16x768xf32, #tpu.memory_space<vmem>>, vector<1x16xf32>,
        %parallel_loop3A_768 = vector.shape_cast %parallel_loop3A_767 : vector<1x16xf32> to vector<16xf32>
        %parallel_loop3A_769 = vector.shape_cast %parallel_loop3A_764 : vector<16xf32> to vector<1x16xf32>
        tpu.vector_store %arg8[%parallel_loop3A_765, %parallel_loop3A_766], %parallel_loop3A_769 {add = true, strides = array<i32>} : memref<16x768xf32, #tpu.memory_space<vmem>>, vector<1x16xf32>,
        %parallel_loop3A_770 = arith.constant 0 : i32
        %parallel_loop3A_771 = arith.addi %parallel_loop3A_770, %parallel_loop3A_329 : i32
        %parallel_loop3A_772 = arith.index_cast %parallel_loop3A_771 : i32 to index
        %parallel_loop3A_773 = arith.constant 640 : index
        %parallel_loop3A_774 = tpu.vector_load %arg7[%parallel_loop3A_772, %parallel_loop3A_773] {strides = array<i32>} : memref<64x768xf32, #tpu.memory_space<vmem>>, vector<1x16xf32>,
        %parallel_loop3A_775 = vector.shape_cast %parallel_loop3A_774 : vector<1x16xf32> to vector<16xf32>
        %parallel_loop3A_776 = arith.index_cast %parallel_loop3A_329 : i32 to index
        %parallel_loop3A_777 = arith.constant 640 : index
        %parallel_loop3A_778 = tpu.vector_load %arg8[%parallel_loop3A_776, %parallel_loop3A_777] {strides = array<i32>} : memref<16x768xf32, #tpu.memory_space<vmem>>, vector<1x16xf32>,
        %parallel_loop3A_779 = vector.shape_cast %parallel_loop3A_778 : vector<1x16xf32> to vector<16xf32>
        %parallel_loop3A_780 = vector.shape_cast %parallel_loop3A_775 : vector<16xf32> to vector<1x16xf32>
        tpu.vector_store %arg8[%parallel_loop3A_776, %parallel_loop3A_777], %parallel_loop3A_780 {add = true, strides = array<i32>} : memref<16x768xf32, #tpu.memory_space<vmem>>, vector<1x16xf32>,
        %parallel_loop3A_781 = arith.constant 0 : i32
        %parallel_loop3A_782 = arith.addi %parallel_loop3A_781, %parallel_loop3A_329 : i32
        %parallel_loop3A_783 = arith.index_cast %parallel_loop3A_782 : i32 to index
        %parallel_loop3A_784 = arith.constant 656 : index
        %parallel_loop3A_785 = tpu.vector_load %arg7[%parallel_loop3A_783, %parallel_loop3A_784] {strides = array<i32>} : memref<64x768xf32, #tpu.memory_space<vmem>>, vector<1x16xf32>,
        %parallel_loop3A_786 = vector.shape_cast %parallel_loop3A_785 : vector<1x16xf32> to vector<16xf32>
        %parallel_loop3A_787 = arith.index_cast %parallel_loop3A_329 : i32 to index
        %parallel_loop3A_788 = arith.constant 656 : index
        %parallel_loop3A_789 = tpu.vector_load %arg8[%parallel_loop3A_787, %parallel_loop3A_788] {strides = array<i32>} : memref<16x768xf32, #tpu.memory_space<vmem>>, vector<1x16xf32>,
        %parallel_loop3A_790 = vector.shape_cast %parallel_loop3A_789 : vector<1x16xf32> to vector<16xf32>
        %parallel_loop3A_791 = vector.shape_cast %parallel_loop3A_786 : vector<16xf32> to vector<1x16xf32>
        tpu.vector_store %arg8[%parallel_loop3A_787, %parallel_loop3A_788], %parallel_loop3A_791 {add = true, strides = array<i32>} : memref<16x768xf32, #tpu.memory_space<vmem>>, vector<1x16xf32>,
        %parallel_loop3A_792 = arith.constant 0 : i32
        %parallel_loop3A_793 = arith.addi %parallel_loop3A_792, %parallel_loop3A_329 : i32
        %parallel_loop3A_794 = arith.index_cast %parallel_loop3A_793 : i32 to index
        %parallel_loop3A_795 = arith.constant 672 : index
        %parallel_loop3A_796 = tpu.vector_load %arg7[%parallel_loop3A_794, %parallel_loop3A_795] {strides = array<i32>} : memref<64x768xf32, #tpu.memory_space<vmem>>, vector<1x16xf32>,
        %parallel_loop3A_797 = vector.shape_cast %parallel_loop3A_796 : vector<1x16xf32> to vector<16xf32>
        %parallel_loop3A_798 = arith.index_cast %parallel_loop3A_329 : i32 to index
        %parallel_loop3A_799 = arith.constant 672 : index
        %parallel_loop3A_800 = tpu.vector_load %arg8[%parallel_loop3A_798, %parallel_loop3A_799] {strides = array<i32>} : memref<16x768xf32, #tpu.memory_space<vmem>>, vector<1x16xf32>,
        %parallel_loop3A_801 = vector.shape_cast %parallel_loop3A_800 : vector<1x16xf32> to vector<16xf32>
        %parallel_loop3A_802 = vector.shape_cast %parallel_loop3A_797 : vector<16xf32> to vector<1x16xf32>
        tpu.vector_store %arg8[%parallel_loop3A_798, %parallel_loop3A_799], %parallel_loop3A_802 {add = true, strides = array<i32>} : memref<16x768xf32, #tpu.memory_space<vmem>>, vector<1x16xf32>,
        %parallel_loop3A_803 = arith.constant 0 : i32
        %parallel_loop3A_804 = arith.addi %parallel_loop3A_803, %parallel_loop3A_329 : i32
        %parallel_loop3A_805 = arith.index_cast %parallel_loop3A_804 : i32 to index
        %parallel_loop3A_806 = arith.constant 688 : index
        %parallel_loop3A_807 = tpu.vector_load %arg7[%parallel_loop3A_805, %parallel_loop3A_806] {strides = array<i32>} : memref<64x768xf32, #tpu.memory_space<vmem>>, vector<1x16xf32>,
        %parallel_loop3A_808 = vector.shape_cast %parallel_loop3A_807 : vector<1x16xf32> to vector<16xf32>
        %parallel_loop3A_809 = arith.index_cast %parallel_loop3A_329 : i32 to index
        %parallel_loop3A_810 = arith.constant 688 : index
        %parallel_loop3A_811 = tpu.vector_load %arg8[%parallel_loop3A_809, %parallel_loop3A_810] {strides = array<i32>} : memref<16x768xf32, #tpu.memory_space<vmem>>, vector<1x16xf32>,
        %parallel_loop3A_812 = vector.shape_cast %parallel_loop3A_811 : vector<1x16xf32> to vector<16xf32>
        %parallel_loop3A_813 = vector.shape_cast %parallel_loop3A_808 : vector<16xf32> to vector<1x16xf32>
        tpu.vector_store %arg8[%parallel_loop3A_809, %parallel_loop3A_810], %parallel_loop3A_813 {add = true, strides = array<i32>} : memref<16x768xf32, #tpu.memory_space<vmem>>, vector<1x16xf32>,
        %parallel_loop3A_814 = arith.constant 0 : i32
        %parallel_loop3A_815 = arith.addi %parallel_loop3A_814, %parallel_loop3A_329 : i32
        %parallel_loop3A_816 = arith.index_cast %parallel_loop3A_815 : i32 to index
        %parallel_loop3A_817 = arith.constant 704 : index
        %parallel_loop3A_818 = tpu.vector_load %arg7[%parallel_loop3A_816, %parallel_loop3A_817] {strides = array<i32>} : memref<64x768xf32, #tpu.memory_space<vmem>>, vector<1x16xf32>,
        %parallel_loop3A_819 = vector.shape_cast %parallel_loop3A_818 : vector<1x16xf32> to vector<16xf32>
        %parallel_loop3A_820 = arith.index_cast %parallel_loop3A_329 : i32 to index
        %parallel_loop3A_821 = arith.constant 704 : index
        %parallel_loop3A_822 = tpu.vector_load %arg8[%parallel_loop3A_820, %parallel_loop3A_821] {strides = array<i32>} : memref<16x768xf32, #tpu.memory_space<vmem>>, vector<1x16xf32>,
        %parallel_loop3A_823 = vector.shape_cast %parallel_loop3A_822 : vector<1x16xf32> to vector<16xf32>
        %parallel_loop3A_824 = vector.shape_cast %parallel_loop3A_819 : vector<16xf32> to vector<1x16xf32>
        tpu.vector_store %arg8[%parallel_loop3A_820, %parallel_loop3A_821], %parallel_loop3A_824 {add = true, strides = array<i32>} : memref<16x768xf32, #tpu.memory_space<vmem>>, vector<1x16xf32>,
        %parallel_loop3A_825 = arith.constant 0 : i32
        %parallel_loop3A_826 = arith.addi %parallel_loop3A_825, %parallel_loop3A_329 : i32
        %parallel_loop3A_827 = arith.index_cast %parallel_loop3A_826 : i32 to index
        %parallel_loop3A_828 = arith.constant 720 : index
        %parallel_loop3A_829 = tpu.vector_load %arg7[%parallel_loop3A_827, %parallel_loop3A_828] {strides = array<i32>} : memref<64x768xf32, #tpu.memory_space<vmem>>, vector<1x16xf32>,
        %parallel_loop3A_830 = vector.shape_cast %parallel_loop3A_829 : vector<1x16xf32> to vector<16xf32>
        %parallel_loop3A_831 = arith.index_cast %parallel_loop3A_329 : i32 to index
        %parallel_loop3A_832 = arith.constant 720 : index
        %parallel_loop3A_833 = tpu.vector_load %arg8[%parallel_loop3A_831, %parallel_loop3A_832] {strides = array<i32>} : memref<16x768xf32, #tpu.memory_space<vmem>>, vector<1x16xf32>,
        %parallel_loop3A_834 = vector.shape_cast %parallel_loop3A_833 : vector<1x16xf32> to vector<16xf32>
        %parallel_loop3A_835 = vector.shape_cast %parallel_loop3A_830 : vector<16xf32> to vector<1x16xf32>
        tpu.vector_store %arg8[%parallel_loop3A_831, %parallel_loop3A_832], %parallel_loop3A_835 {add = true, strides = array<i32>} : memref<16x768xf32, #tpu.memory_space<vmem>>, vector<1x16xf32>,
        %parallel_loop3A_836 = arith.constant 0 : i32
        %parallel_loop3A_837 = arith.addi %parallel_loop3A_836, %parallel_loop3A_329 : i32
        %parallel_loop3A_838 = arith.index_cast %parallel_loop3A_837 : i32 to index
        %parallel_loop3A_839 = arith.constant 736 : index
        %parallel_loop3A_840 = tpu.vector_load %arg7[%parallel_loop3A_838, %parallel_loop3A_839] {strides = array<i32>} : memref<64x768xf32, #tpu.memory_space<vmem>>, vector<1x16xf32>,
        %parallel_loop3A_841 = vector.shape_cast %parallel_loop3A_840 : vector<1x16xf32> to vector<16xf32>
        %parallel_loop3A_842 = arith.index_cast %parallel_loop3A_329 : i32 to index
        %parallel_loop3A_843 = arith.constant 736 : index
        %parallel_loop3A_844 = tpu.vector_load %arg8[%parallel_loop3A_842, %parallel_loop3A_843] {strides = array<i32>} : memref<16x768xf32, #tpu.memory_space<vmem>>, vector<1x16xf32>,
        %parallel_loop3A_845 = vector.shape_cast %parallel_loop3A_844 : vector<1x16xf32> to vector<16xf32>
        %parallel_loop3A_846 = vector.shape_cast %parallel_loop3A_841 : vector<16xf32> to vector<1x16xf32>
        tpu.vector_store %arg8[%parallel_loop3A_842, %parallel_loop3A_843], %parallel_loop3A_846 {add = true, strides = array<i32>} : memref<16x768xf32, #tpu.memory_space<vmem>>, vector<1x16xf32>,
        %parallel_loop3A_847 = arith.constant 0 : i32
        %parallel_loop3A_848 = arith.addi %parallel_loop3A_847, %parallel_loop3A_329 : i32
        %parallel_loop3A_849 = arith.index_cast %parallel_loop3A_848 : i32 to index
        %parallel_loop3A_850 = arith.constant 752 : index
        %parallel_loop3A_851 = tpu.vector_load %arg7[%parallel_loop3A_849, %parallel_loop3A_850] {strides = array<i32>} : memref<64x768xf32, #tpu.memory_space<vmem>>, vector<1x16xf32>,
        %parallel_loop3A_852 = vector.shape_cast %parallel_loop3A_851 : vector<1x16xf32> to vector<16xf32>
        %parallel_loop3A_853 = arith.index_cast %parallel_loop3A_329 : i32 to index
        %parallel_loop3A_854 = arith.constant 752 : index
        %parallel_loop3A_855 = tpu.vector_load %arg8[%parallel_loop3A_853, %parallel_loop3A_854] {strides = array<i32>} : memref<16x768xf32, #tpu.memory_space<vmem>>, vector<1x16xf32>,
        %parallel_loop3A_856 = vector.shape_cast %parallel_loop3A_855 : vector<1x16xf32> to vector<16xf32>
        %parallel_loop3A_857 = vector.shape_cast %parallel_loop3A_852 : vector<16xf32> to vector<1x16xf32>
        tpu.vector_store %arg8[%parallel_loop3A_853, %parallel_loop3A_854], %parallel_loop3A_857 {add = true, strides = array<i32>} : memref<16x768xf32, #tpu.memory_space<vmem>>, vector<1x16xf32>,
      } {sc.loop_unroll_factor = 2 : i64, sc.parallel_access}
      %add3A_207 = arith.constant 0 : i32
      %add3A_208 = arith.addi %mul3A_2, %add3A_207 : i32
      %dma_start3A_209 = arith.constant 0 : i32
      %dma_start3A_210 = tpu.memref_slice %arg5[%scan3A_182, %add3A_208, %dma_start3A_209] : memref<4x2048x768xf32, #tpu.memory_space<hbm>> -> memref<1x16x768xf32, #tpu.memory_space<hbm>>
      %dma_start3A_211 = tpu.memref_squeeze %dma_start3A_210 : memref<1x16x768xf32, #tpu.memory_space<hbm>> -> memref<16x768xf32, #tpu.memory_space<hbm>>
      %dma_start3A_212 = arith.constant 0 : i32
      %dma_start3A_213 = tpu.memref_slice %arg5[%scan3A_182, %add3A_208, %dma_start3A_212] : memref<4x2048x768xf32, #tpu.memory_space<hbm>> -> memref<1x16x768xf32, #tpu.memory_space<hbm>>
      %dma_start3A_214 = tpu.memref_squeeze %dma_start3A_213 : memref<1x16x768xf32, #tpu.memory_space<hbm>> -> memref<16x768xf32, #tpu.memory_space<hbm>>
      tpu.enqueue_dma source(%arg8 : memref<16x768xf32, #tpu.memory_space<vmem>>) target(%dma_start3A_214 : memref<16x768xf32, #tpu.memory_space<hbm>>) target_semaphore(%arg16 : memref<!tpu.dma_semaphore, #tpu.memory_space<semaphore_mem>>)
      %mul3A_215 = arith.constant 4 : i32
      %mul3A_216 = arith.muli %mul3A_215, %scan3A_182 : i32
      %add3A_217 = arith.constant 1 : i32
      %add3A_218 = arith.addi %mul3A_216, %add3A_217 : i32
      %add3A_219 = arith.constant 0 : i32
      %add3A_220 = arith.addi %scan3A_182, %add3A_219 : i32
      %ge3A_221 = arith.constant 2 : i32
      %ge3A_222 = arith.cmpi sge, %add3A_218, %ge3A_221 : i32
      %convert_element_type3A_223 = arith.extui %ge3A_222 : i1 to i32
      %cond3A_224 = arith.constant 0 : i32
      %cond3A_225 = arith.cmpi ne, %convert_element_type3A_223, %cond3A_224 : i32
      scf.if %cond3A_225 {
        %dma_wait3A_329 = arith.constant 0 : i32
        %dma_wait3A_330 = arith.constant 0 : i32
        %dma_wait3A_331 = arith.constant 0 : i32
        %dma_wait3A_332 = tpu.memref_slice %arg5[%dma_wait3A_329, %dma_wait3A_330, %dma_wait3A_331] : memref<4x2048x768xf32, #tpu.memory_space<hbm>> -> memref<1x16x768xf32, #tpu.memory_space<hbm>>
        %dma_wait3A_333 = tpu.memref_squeeze %dma_wait3A_332 : memref<1x16x768xf32, #tpu.memory_space<hbm>> -> memref<16x768xf32, #tpu.memory_space<hbm>>
        %dma_wait3A_334 = arith.constant 0 : i32
        %dma_wait3A_335 = arith.constant 0 : i32
        %dma_wait3A_336 = tpu.memref_slice %arg5[%dma_wait3A_329, %dma_wait3A_334, %dma_wait3A_335] : memref<4x2048x768xf32, #tpu.memory_space<hbm>> -> memref<1x16x768xf32, #tpu.memory_space<hbm>>
        %dma_wait3A_337 = tpu.memref_squeeze %dma_wait3A_336 : memref<1x16x768xf32, #tpu.memory_space<hbm>> -> memref<16x768xf32, #tpu.memory_space<hbm>>
        tpu.wait_dma2 semaphore(%arg19 : memref<!tpu.dma_semaphore, #tpu.memory_space<semaphore_mem>>) src(%arg11 : memref<16x768xf32, #tpu.memory_space<vmem>>) dst(%dma_wait3A_337 : memref<16x768xf32, #tpu.memory_space<hbm>>)
      } else {
      }
      %lt3A_226 = arith.constant 14 : i32
      %lt3A_227 = arith.cmpi slt, %add3A_218, %lt3A_226 : i32
      %convert_element_type3A_228 = arith.extui %lt3A_227 : i1 to i32
      %cond3A_229 = arith.constant 0 : i32
      %cond3A_230 = arith.cmpi ne, %convert_element_type3A_228, %cond3A_229 : i32
      scf.if %cond3A_230 {
        %dma_start3A_329 = arith.constant 48 : i32
        %dma_start3A_330 = tpu.memref_slice %arg6[%add3A_220, %dma_start3A_329] : memref<4x64xi32, #tpu.memory_space<vmem>> -> memref<1x16xi32, #tpu.memory_space<vmem>>
        %dma_start3A_331 = tpu.memref_squeeze %dma_start3A_330 : memref<1x16xi32, #tpu.memory_space<vmem>> -> memref<16xi32, #tpu.memory_space<vmem>>
        %dma_start3A_332 = arith.constant 0 : i32
        %dma_start3A_333 = arith.constant 0 : i32
        %dma_start3A_334 = tpu.memref_slice %arg3[%dma_start3A_332, %dma_start3A_333] : memref<50257x768xf32, #tpu.memory_space<hbm>> -> memref<50257x768xf32, #tpu.memory_space<hbm>>
        tpu.enqueue_indirect_dma source(%dma_start3A_334 : memref<50257x768xf32, #tpu.memory_space<hbm>>) target(%arg11 : memref<16x768xf32, #tpu.memory_space<vmem>>) offsets(%dma_start3A_331 : memref<16xi32, #tpu.memory_space<vmem>>) semaphore(%arg15 : memref<!tpu.dma_semaphore, #tpu.memory_space<semaphore_mem>>)
      } else {
      }
      %dma_wait3A_231 = arith.constant 16 : i32
      %dma_wait3A_232 = tpu.memref_slice %arg6[%scan3A_182, %dma_wait3A_231] : memref<4x64xi32, #tpu.memory_space<vmem>> -> memref<1x16xi32, #tpu.memory_space<vmem>>
      %dma_wait3A_233 = tpu.memref_squeeze %dma_wait3A_232 : memref<1x16xi32, #tpu.memory_space<vmem>> -> memref<16xi32, #tpu.memory_space<vmem>>
      %dma_wait3A_234 = arith.constant 0 : i32
      %dma_wait3A_235 = arith.constant 0 : i32
      %dma_wait3A_236 = tpu.memref_slice %arg3[%dma_wait3A_234, %dma_wait3A_235] : memref<50257x768xf32, #tpu.memory_space<hbm>> -> memref<50257x768xf32, #tpu.memory_space<hbm>>
      tpu.wait_indirect_dma semaphore(%arg13 : memref<!tpu.dma_semaphore, #tpu.memory_space<semaphore_mem>>) src(%dma_wait3A_236 : memref<50257x768xf32, #tpu.memory_space<hbm>>) dst(%arg9 : memref<16x768xf32, #tpu.memory_space<vmem>>)
      %eq3A_237 = arith.constant 0 : i32
      %eq3A_238 = arith.cmpi eq, %scan3A_182, %eq3A_237 : i32
      %convert_element_type3A_239 = arith.extui %eq3A_238 : i1 to i32
      %cond3A_240 = arith.constant 0 : i32
      %cond3A_241 = arith.cmpi ne, %convert_element_type3A_239, %cond3A_240 : i32
      scf.if %cond3A_241 {
        %add3A_329 = arith.constant 16 : i32
        %add3A_330 = arith.addi %mul3A_2, %add3A_329 : i32
        %dma_wait3A_331 = arith.constant 16 : i32
        %dma_wait3A_332 = arith.constant 0 : i32
        %dma_wait3A_333 = tpu.memref_slice %arg7[%dma_wait3A_331, %dma_wait3A_332] : memref<64x768xf32, #tpu.memory_space<vmem>> -> memref<16x768xf32, #tpu.memory_space<vmem>>
        %dma_wait3A_334 = arith.constant 0 : i32
        %dma_wait3A_335 = tpu.memref_slice %arg4[%add3A_330, %dma_wait3A_334] : memref<2048x768xf32, #tpu.memory_space<hbm>> -> memref<16x768xf32, #tpu.memory_space<hbm>>
        %dma_wait3A_336 = arith.constant 16 : i32
        %dma_wait3A_337 = arith.constant 0 : i32
        %dma_wait3A_338 = tpu.memref_slice %arg7[%dma_wait3A_336, %dma_wait3A_337] : memref<64x768xf32, #tpu.memory_space<vmem>> -> memref<16x768xf32, #tpu.memory_space<vmem>>
        %dma_wait3A_339 = arith.constant 0 : i32
        %dma_wait3A_340 = tpu.memref_slice %arg4[%add3A_330, %dma_wait3A_339] : memref<2048x768xf32, #tpu.memory_space<hbm>> -> memref<16x768xf32, #tpu.memory_space<hbm>>
        tpu.wait_dma2 semaphore(%arg21 : memref<!tpu.dma_semaphore, #tpu.memory_space<semaphore_mem>>) src(%dma_wait3A_340 : memref<16x768xf32, #tpu.memory_space<hbm>>) dst(%dma_wait3A_338 : memref<16x768xf32, #tpu.memory_space<vmem>>)
      } else {
      }
      %parallel_loop3A_242 = arith.constant 0 : i32
      %parallel_loop3A_243 = arith.constant 16 : i32
      %parallel_loop3A_244 = arith.constant 1 : i32
      scf.for %parallel_loop3A_329 = %parallel_loop3A_242 to %parallel_loop3A_243 step %parallel_loop3A_244  : i32 {
        %parallel_loop3A_330 = arith.constant 16 : i32
        %parallel_loop3A_331 = arith.addi %parallel_loop3A_330, %parallel_loop3A_329 : i32
        %parallel_loop3A_332 = arith.index_cast %parallel_loop3A_331 : i32 to index
        %parallel_loop3A_333 = arith.constant 0 : index
        %parallel_loop3A_334 = tpu.vector_load %arg7[%parallel_loop3A_332, %parallel_loop3A_333] {strides = array<i32>} : memref<64x768xf32, #tpu.memory_space<vmem>>, vector<1x16xf32>,
        %parallel_loop3A_335 = vector.shape_cast %parallel_loop3A_334 : vector<1x16xf32> to vector<16xf32>
        %parallel_loop3A_336 = arith.index_cast %parallel_loop3A_329 : i32 to index
        %parallel_loop3A_337 = arith.constant 0 : index
        %parallel_loop3A_338 = tpu.vector_load %arg9[%parallel_loop3A_336, %parallel_loop3A_337] {strides = array<i32>} : memref<16x768xf32, #tpu.memory_space<vmem>>, vector<1x16xf32>,
        %parallel_loop3A_339 = vector.shape_cast %parallel_loop3A_338 : vector<1x16xf32> to vector<16xf32>
        %parallel_loop3A_340 = vector.shape_cast %parallel_loop3A_335 : vector<16xf32> to vector<1x16xf32>
        tpu.vector_store %arg9[%parallel_loop3A_336, %parallel_loop3A_337], %parallel_loop3A_340 {add = true, strides = array<i32>} : memref<16x768xf32, #tpu.memory_space<vmem>>, vector<1x16xf32>,
        %parallel_loop3A_341 = arith.constant 16 : i32
        %parallel_loop3A_342 = arith.addi %parallel_loop3A_341, %parallel_loop3A_329 : i32
        %parallel_loop3A_343 = arith.index_cast %parallel_loop3A_342 : i32 to index
        %parallel_loop3A_344 = arith.constant 16 : index
        %parallel_loop3A_345 = tpu.vector_load %arg7[%parallel_loop3A_343, %parallel_loop3A_344] {strides = array<i32>} : memref<64x768xf32, #tpu.memory_space<vmem>>, vector<1x16xf32>,
        %parallel_loop3A_346 = vector.shape_cast %parallel_loop3A_345 : vector<1x16xf32> to vector<16xf32>
        %parallel_loop3A_347 = arith.index_cast %parallel_loop3A_329 : i32 to index
        %parallel_loop3A_348 = arith.constant 16 : index
        %parallel_loop3A_349 = tpu.vector_load %arg9[%parallel_loop3A_347, %parallel_loop3A_348] {strides = array<i32>} : memref<16x768xf32, #tpu.memory_space<vmem>>, vector<1x16xf32>,
        %parallel_loop3A_350 = vector.shape_cast %parallel_loop3A_349 : vector<1x16xf32> to vector<16xf32>
        %parallel_loop3A_351 = vector.shape_cast %parallel_loop3A_346 : vector<16xf32> to vector<1x16xf32>
        tpu.vector_store %arg9[%parallel_loop3A_347, %parallel_loop3A_348], %parallel_loop3A_351 {add = true, strides = array<i32>} : memref<16x768xf32, #tpu.memory_space<vmem>>, vector<1x16xf32>,
        %parallel_loop3A_352 = arith.constant 16 : i32
        %parallel_loop3A_353 = arith.addi %parallel_loop3A_352, %parallel_loop3A_329 : i32
        %parallel_loop3A_354 = arith.index_cast %parallel_loop3A_353 : i32 to index
        %parallel_loop3A_355 = arith.constant 32 : index
        %parallel_loop3A_356 = tpu.vector_load %arg7[%parallel_loop3A_354, %parallel_loop3A_355] {strides = array<i32>} : memref<64x768xf32, #tpu.memory_space<vmem>>, vector<1x16xf32>,
        %parallel_loop3A_357 = vector.shape_cast %parallel_loop3A_356 : vector<1x16xf32> to vector<16xf32>
        %parallel_loop3A_358 = arith.index_cast %parallel_loop3A_329 : i32 to index
        %parallel_loop3A_359 = arith.constant 32 : index
        %parallel_loop3A_360 = tpu.vector_load %arg9[%parallel_loop3A_358, %parallel_loop3A_359] {strides = array<i32>} : memref<16x768xf32, #tpu.memory_space<vmem>>, vector<1x16xf32>,
        %parallel_loop3A_361 = vector.shape_cast %parallel_loop3A_360 : vector<1x16xf32> to vector<16xf32>
        %parallel_loop3A_362 = vector.shape_cast %parallel_loop3A_357 : vector<16xf32> to vector<1x16xf32>
        tpu.vector_store %arg9[%parallel_loop3A_358, %parallel_loop3A_359], %parallel_loop3A_362 {add = true, strides = array<i32>} : memref<16x768xf32, #tpu.memory_space<vmem>>, vector<1x16xf32>,
        %parallel_loop3A_363 = arith.constant 16 : i32
        %parallel_loop3A_364 = arith.addi %parallel_loop3A_363, %parallel_loop3A_329 : i32
        %parallel_loop3A_365 = arith.index_cast %parallel_loop3A_364 : i32 to index
        %parallel_loop3A_366 = arith.constant 48 : index
        %parallel_loop3A_367 = tpu.vector_load %arg7[%parallel_loop3A_365, %parallel_loop3A_366] {strides = array<i32>} : memref<64x768xf32, #tpu.memory_space<vmem>>, vector<1x16xf32>,
        %parallel_loop3A_368 = vector.shape_cast %parallel_loop3A_367 : vector<1x16xf32> to vector<16xf32>
        %parallel_loop3A_369 = arith.index_cast %parallel_loop3A_329 : i32 to index
        %parallel_loop3A_370 = arith.constant 48 : index
        %parallel_loop3A_371 = tpu.vector_load %arg9[%parallel_loop3A_369, %parallel_loop3A_370] {strides = array<i32>} : memref<16x768xf32, #tpu.memory_space<vmem>>, vector<1x16xf32>,
        %parallel_loop3A_372 = vector.shape_cast %parallel_loop3A_371 : vector<1x16xf32> to vector<16xf32>
        %parallel_loop3A_373 = vector.shape_cast %parallel_loop3A_368 : vector<16xf32> to vector<1x16xf32>
        tpu.vector_store %arg9[%parallel_loop3A_369, %parallel_loop3A_370], %parallel_loop3A_373 {add = true, strides = array<i32>} : memref<16x768xf32, #tpu.memory_space<vmem>>, vector<1x16xf32>,
        %parallel_loop3A_374 = arith.constant 16 : i32
        %parallel_loop3A_375 = arith.addi %parallel_loop3A_374, %parallel_loop3A_329 : i32
        %parallel_loop3A_376 = arith.index_cast %parallel_loop3A_375 : i32 to index
        %parallel_loop3A_377 = arith.constant 64 : index
        %parallel_loop3A_378 = tpu.vector_load %arg7[%parallel_loop3A_376, %parallel_loop3A_377] {strides = array<i32>} : memref<64x768xf32, #tpu.memory_space<vmem>>, vector<1x16xf32>,
        %parallel_loop3A_379 = vector.shape_cast %parallel_loop3A_378 : vector<1x16xf32> to vector<16xf32>
        %parallel_loop3A_380 = arith.index_cast %parallel_loop3A_329 : i32 to index
        %parallel_loop3A_381 = arith.constant 64 : index
        %parallel_loop3A_382 = tpu.vector_load %arg9[%parallel_loop3A_380, %parallel_loop3A_381] {strides = array<i32>} : memref<16x768xf32, #tpu.memory_space<vmem>>, vector<1x16xf32>,
        %parallel_loop3A_383 = vector.shape_cast %parallel_loop3A_382 : vector<1x16xf32> to vector<16xf32>
        %parallel_loop3A_384 = vector.shape_cast %parallel_loop3A_379 : vector<16xf32> to vector<1x16xf32>
        tpu.vector_store %arg9[%parallel_loop3A_380, %parallel_loop3A_381], %parallel_loop3A_384 {add = true, strides = array<i32>} : memref<16x768xf32, #tpu.memory_space<vmem>>, vector<1x16xf32>,
        %parallel_loop3A_385 = arith.constant 16 : i32
        %parallel_loop3A_386 = arith.addi %parallel_loop3A_385, %parallel_loop3A_329 : i32
        %parallel_loop3A_387 = arith.index_cast %parallel_loop3A_386 : i32 to index
        %parallel_loop3A_388 = arith.constant 80 : index
        %parallel_loop3A_389 = tpu.vector_load %arg7[%parallel_loop3A_387, %parallel_loop3A_388] {strides = array<i32>} : memref<64x768xf32, #tpu.memory_space<vmem>>, vector<1x16xf32>,
        %parallel_loop3A_390 = vector.shape_cast %parallel_loop3A_389 : vector<1x16xf32> to vector<16xf32>
        %parallel_loop3A_391 = arith.index_cast %parallel_loop3A_329 : i32 to index
        %parallel_loop3A_392 = arith.constant 80 : index
        %parallel_loop3A_393 = tpu.vector_load %arg9[%parallel_loop3A_391, %parallel_loop3A_392] {strides = array<i32>} : memref<16x768xf32, #tpu.memory_space<vmem>>, vector<1x16xf32>,
        %parallel_loop3A_394 = vector.shape_cast %parallel_loop3A_393 : vector<1x16xf32> to vector<16xf32>
        %parallel_loop3A_395 = vector.shape_cast %parallel_loop3A_390 : vector<16xf32> to vector<1x16xf32>
        tpu.vector_store %arg9[%parallel_loop3A_391, %parallel_loop3A_392], %parallel_loop3A_395 {add = true, strides = array<i32>} : memref<16x768xf32, #tpu.memory_space<vmem>>, vector<1x16xf32>,
        %parallel_loop3A_396 = arith.constant 16 : i32
        %parallel_loop3A_397 = arith.addi %parallel_loop3A_396, %parallel_loop3A_329 : i32
        %parallel_loop3A_398 = arith.index_cast %parallel_loop3A_397 : i32 to index
        %parallel_loop3A_399 = arith.constant 96 : index
        %parallel_loop3A_400 = tpu.vector_load %arg7[%parallel_loop3A_398, %parallel_loop3A_399] {strides = array<i32>} : memref<64x768xf32, #tpu.memory_space<vmem>>, vector<1x16xf32>,
        %parallel_loop3A_401 = vector.shape_cast %parallel_loop3A_400 : vector<1x16xf32> to vector<16xf32>
        %parallel_loop3A_402 = arith.index_cast %parallel_loop3A_329 : i32 to index
        %parallel_loop3A_403 = arith.constant 96 : index
        %parallel_loop3A_404 = tpu.vector_load %arg9[%parallel_loop3A_402, %parallel_loop3A_403] {strides = array<i32>} : memref<16x768xf32, #tpu.memory_space<vmem>>, vector<1x16xf32>,
        %parallel_loop3A_405 = vector.shape_cast %parallel_loop3A_404 : vector<1x16xf32> to vector<16xf32>
        %parallel_loop3A_406 = vector.shape_cast %parallel_loop3A_401 : vector<16xf32> to vector<1x16xf32>
        tpu.vector_store %arg9[%parallel_loop3A_402, %parallel_loop3A_403], %parallel_loop3A_406 {add = true, strides = array<i32>} : memref<16x768xf32, #tpu.memory_space<vmem>>, vector<1x16xf32>,
        %parallel_loop3A_407 = arith.constant 16 : i32
        %parallel_loop3A_408 = arith.addi %parallel_loop3A_407, %parallel_loop3A_329 : i32
        %parallel_loop3A_409 = arith.index_cast %parallel_loop3A_408 : i32 to index
        %parallel_loop3A_410 = arith.constant 112 : index
        %parallel_loop3A_411 = tpu.vector_load %arg7[%parallel_loop3A_409, %parallel_loop3A_410] {strides = array<i32>} : memref<64x768xf32, #tpu.memory_space<vmem>>, vector<1x16xf32>,
        %parallel_loop3A_412 = vector.shape_cast %parallel_loop3A_411 : vector<1x16xf32> to vector<16xf32>
        %parallel_loop3A_413 = arith.index_cast %parallel_loop3A_329 : i32 to index
        %parallel_loop3A_414 = arith.constant 112 : index
        %parallel_loop3A_415 = tpu.vector_load %arg9[%parallel_loop3A_413, %parallel_loop3A_414] {strides = array<i32>} : memref<16x768xf32, #tpu.memory_space<vmem>>, vector<1x16xf32>,
        %parallel_loop3A_416 = vector.shape_cast %parallel_loop3A_415 : vector<1x16xf32> to vector<16xf32>
        %parallel_loop3A_417 = vector.shape_cast %parallel_loop3A_412 : vector<16xf32> to vector<1x16xf32>
        tpu.vector_store %arg9[%parallel_loop3A_413, %parallel_loop3A_414], %parallel_loop3A_417 {add = true, strides = array<i32>} : memref<16x768xf32, #tpu.memory_space<vmem>>, vector<1x16xf32>,
        %parallel_loop3A_418 = arith.constant 16 : i32
        %parallel_loop3A_419 = arith.addi %parallel_loop3A_418, %parallel_loop3A_329 : i32
        %parallel_loop3A_420 = arith.index_cast %parallel_loop3A_419 : i32 to index
        %parallel_loop3A_421 = arith.constant 128 : index
        %parallel_loop3A_422 = tpu.vector_load %arg7[%parallel_loop3A_420, %parallel_loop3A_421] {strides = array<i32>} : memref<64x768xf32, #tpu.memory_space<vmem>>, vector<1x16xf32>,
        %parallel_loop3A_423 = vector.shape_cast %parallel_loop3A_422 : vector<1x16xf32> to vector<16xf32>
        %parallel_loop3A_424 = arith.index_cast %parallel_loop3A_329 : i32 to index
        %parallel_loop3A_425 = arith.constant 128 : index
        %parallel_loop3A_426 = tpu.vector_load %arg9[%parallel_loop3A_424, %parallel_loop3A_425] {strides = array<i32>} : memref<16x768xf32, #tpu.memory_space<vmem>>, vector<1x16xf32>,
        %parallel_loop3A_427 = vector.shape_cast %parallel_loop3A_426 : vector<1x16xf32> to vector<16xf32>
        %parallel_loop3A_428 = vector.shape_cast %parallel_loop3A_423 : vector<16xf32> to vector<1x16xf32>
        tpu.vector_store %arg9[%parallel_loop3A_424, %parallel_loop3A_425], %parallel_loop3A_428 {add = true, strides = array<i32>} : memref<16x768xf32, #tpu.memory_space<vmem>>, vector<1x16xf32>,
        %parallel_loop3A_429 = arith.constant 16 : i32
        %parallel_loop3A_430 = arith.addi %parallel_loop3A_429, %parallel_loop3A_329 : i32
        %parallel_loop3A_431 = arith.index_cast %parallel_loop3A_430 : i32 to index
        %parallel_loop3A_432 = arith.constant 144 : index
        %parallel_loop3A_433 = tpu.vector_load %arg7[%parallel_loop3A_431, %parallel_loop3A_432] {strides = array<i32>} : memref<64x768xf32, #tpu.memory_space<vmem>>, vector<1x16xf32>,
        %parallel_loop3A_434 = vector.shape_cast %parallel_loop3A_433 : vector<1x16xf32> to vector<16xf32>
        %parallel_loop3A_435 = arith.index_cast %parallel_loop3A_329 : i32 to index
        %parallel_loop3A_436 = arith.constant 144 : index
        %parallel_loop3A_437 = tpu.vector_load %arg9[%parallel_loop3A_435, %parallel_loop3A_436] {strides = array<i32>} : memref<16x768xf32, #tpu.memory_space<vmem>>, vector<1x16xf32>,
        %parallel_loop3A_438 = vector.shape_cast %parallel_loop3A_437 : vector<1x16xf32> to vector<16xf32>
        %parallel_loop3A_439 = vector.shape_cast %parallel_loop3A_434 : vector<16xf32> to vector<1x16xf32>
        tpu.vector_store %arg9[%parallel_loop3A_435, %parallel_loop3A_436], %parallel_loop3A_439 {add = true, strides = array<i32>} : memref<16x768xf32, #tpu.memory_space<vmem>>, vector<1x16xf32>,
        %parallel_loop3A_440 = arith.constant 16 : i32
        %parallel_loop3A_441 = arith.addi %parallel_loop3A_440, %parallel_loop3A_329 : i32
        %parallel_loop3A_442 = arith.index_cast %parallel_loop3A_441 : i32 to index
        %parallel_loop3A_443 = arith.constant 160 : index
        %parallel_loop3A_444 = tpu.vector_load %arg7[%parallel_loop3A_442, %parallel_loop3A_443] {strides = array<i32>} : memref<64x768xf32, #tpu.memory_space<vmem>>, vector<1x16xf32>,
        %parallel_loop3A_445 = vector.shape_cast %parallel_loop3A_444 : vector<1x16xf32> to vector<16xf32>
        %parallel_loop3A_446 = arith.index_cast %parallel_loop3A_329 : i32 to index
        %parallel_loop3A_447 = arith.constant 160 : index
        %parallel_loop3A_448 = tpu.vector_load %arg9[%parallel_loop3A_446, %parallel_loop3A_447] {strides = array<i32>} : memref<16x768xf32, #tpu.memory_space<vmem>>, vector<1x16xf32>,
        %parallel_loop3A_449 = vector.shape_cast %parallel_loop3A_448 : vector<1x16xf32> to vector<16xf32>
        %parallel_loop3A_450 = vector.shape_cast %parallel_loop3A_445 : vector<16xf32> to vector<1x16xf32>
        tpu.vector_store %arg9[%parallel_loop3A_446, %parallel_loop3A_447], %parallel_loop3A_450 {add = true, strides = array<i32>} : memref<16x768xf32, #tpu.memory_space<vmem>>, vector<1x16xf32>,
        %parallel_loop3A_451 = arith.constant 16 : i32
        %parallel_loop3A_452 = arith.addi %parallel_loop3A_451, %parallel_loop3A_329 : i32
        %parallel_loop3A_453 = arith.index_cast %parallel_loop3A_452 : i32 to index
        %parallel_loop3A_454 = arith.constant 176 : index
        %parallel_loop3A_455 = tpu.vector_load %arg7[%parallel_loop3A_453, %parallel_loop3A_454] {strides = array<i32>} : memref<64x768xf32, #tpu.memory_space<vmem>>, vector<1x16xf32>,
        %parallel_loop3A_456 = vector.shape_cast %parallel_loop3A_455 : vector<1x16xf32> to vector<16xf32>
        %parallel_loop3A_457 = arith.index_cast %parallel_loop3A_329 : i32 to index
        %parallel_loop3A_458 = arith.constant 176 : index
        %parallel_loop3A_459 = tpu.vector_load %arg9[%parallel_loop3A_457, %parallel_loop3A_458] {strides = array<i32>} : memref<16x768xf32, #tpu.memory_space<vmem>>, vector<1x16xf32>,
        %parallel_loop3A_460 = vector.shape_cast %parallel_loop3A_459 : vector<1x16xf32> to vector<16xf32>
        %parallel_loop3A_461 = vector.shape_cast %parallel_loop3A_456 : vector<16xf32> to vector<1x16xf32>
        tpu.vector_store %arg9[%parallel_loop3A_457, %parallel_loop3A_458], %parallel_loop3A_461 {add = true, strides = array<i32>} : memref<16x768xf32, #tpu.memory_space<vmem>>, vector<1x16xf32>,
        %parallel_loop3A_462 = arith.constant 16 : i32
        %parallel_loop3A_463 = arith.addi %parallel_loop3A_462, %parallel_loop3A_329 : i32
        %parallel_loop3A_464 = arith.index_cast %parallel_loop3A_463 : i32 to index
        %parallel_loop3A_465 = arith.constant 192 : index
        %parallel_loop3A_466 = tpu.vector_load %arg7[%parallel_loop3A_464, %parallel_loop3A_465] {strides = array<i32>} : memref<64x768xf32, #tpu.memory_space<vmem>>, vector<1x16xf32>,
        %parallel_loop3A_467 = vector.shape_cast %parallel_loop3A_466 : vector<1x16xf32> to vector<16xf32>
        %parallel_loop3A_468 = arith.index_cast %parallel_loop3A_329 : i32 to index
        %parallel_loop3A_469 = arith.constant 192 : index
        %parallel_loop3A_470 = tpu.vector_load %arg9[%parallel_loop3A_468, %parallel_loop3A_469] {strides = array<i32>} : memref<16x768xf32, #tpu.memory_space<vmem>>, vector<1x16xf32>,
        %parallel_loop3A_471 = vector.shape_cast %parallel_loop3A_470 : vector<1x16xf32> to vector<16xf32>
        %parallel_loop3A_472 = vector.shape_cast %parallel_loop3A_467 : vector<16xf32> to vector<1x16xf32>
        tpu.vector_store %arg9[%parallel_loop3A_468, %parallel_loop3A_469], %parallel_loop3A_472 {add = true, strides = array<i32>} : memref<16x768xf32, #tpu.memory_space<vmem>>, vector<1x16xf32>,
        %parallel_loop3A_473 = arith.constant 16 : i32
        %parallel_loop3A_474 = arith.addi %parallel_loop3A_473, %parallel_loop3A_329 : i32
        %parallel_loop3A_475 = arith.index_cast %parallel_loop3A_474 : i32 to index
        %parallel_loop3A_476 = arith.constant 208 : index
        %parallel_loop3A_477 = tpu.vector_load %arg7[%parallel_loop3A_475, %parallel_loop3A_476] {strides = array<i32>} : memref<64x768xf32, #tpu.memory_space<vmem>>, vector<1x16xf32>,
        %parallel_loop3A_478 = vector.shape_cast %parallel_loop3A_477 : vector<1x16xf32> to vector<16xf32>
        %parallel_loop3A_479 = arith.index_cast %parallel_loop3A_329 : i32 to index
        %parallel_loop3A_480 = arith.constant 208 : index
        %parallel_loop3A_481 = tpu.vector_load %arg9[%parallel_loop3A_479, %parallel_loop3A_480] {strides = array<i32>} : memref<16x768xf32, #tpu.memory_space<vmem>>, vector<1x16xf32>,
        %parallel_loop3A_482 = vector.shape_cast %parallel_loop3A_481 : vector<1x16xf32> to vector<16xf32>
        %parallel_loop3A_483 = vector.shape_cast %parallel_loop3A_478 : vector<16xf32> to vector<1x16xf32>
        tpu.vector_store %arg9[%parallel_loop3A_479, %parallel_loop3A_480], %parallel_loop3A_483 {add = true, strides = array<i32>} : memref<16x768xf32, #tpu.memory_space<vmem>>, vector<1x16xf32>,
        %parallel_loop3A_484 = arith.constant 16 : i32
        %parallel_loop3A_485 = arith.addi %parallel_loop3A_484, %parallel_loop3A_329 : i32
        %parallel_loop3A_486 = arith.index_cast %parallel_loop3A_485 : i32 to index
        %parallel_loop3A_487 = arith.constant 224 : index
        %parallel_loop3A_488 = tpu.vector_load %arg7[%parallel_loop3A_486, %parallel_loop3A_487] {strides = array<i32>} : memref<64x768xf32, #tpu.memory_space<vmem>>, vector<1x16xf32>,
        %parallel_loop3A_489 = vector.shape_cast %parallel_loop3A_488 : vector<1x16xf32> to vector<16xf32>
        %parallel_loop3A_490 = arith.index_cast %parallel_loop3A_329 : i32 to index
        %parallel_loop3A_491 = arith.constant 224 : index
        %parallel_loop3A_492 = tpu.vector_load %arg9[%parallel_loop3A_490, %parallel_loop3A_491] {strides = array<i32>} : memref<16x768xf32, #tpu.memory_space<vmem>>, vector<1x16xf32>,
        %parallel_loop3A_493 = vector.shape_cast %parallel_loop3A_492 : vector<1x16xf32> to vector<16xf32>
        %parallel_loop3A_494 = vector.shape_cast %parallel_loop3A_489 : vector<16xf32> to vector<1x16xf32>
        tpu.vector_store %arg9[%parallel_loop3A_490, %parallel_loop3A_491], %parallel_loop3A_494 {add = true, strides = array<i32>} : memref<16x768xf32, #tpu.memory_space<vmem>>, vector<1x16xf32>,
        %parallel_loop3A_495 = arith.constant 16 : i32
        %parallel_loop3A_496 = arith.addi %parallel_loop3A_495, %parallel_loop3A_329 : i32
        %parallel_loop3A_497 = arith.index_cast %parallel_loop3A_496 : i32 to index
        %parallel_loop3A_498 = arith.constant 240 : index
        %parallel_loop3A_499 = tpu.vector_load %arg7[%parallel_loop3A_497, %parallel_loop3A_498] {strides = array<i32>} : memref<64x768xf32, #tpu.memory_space<vmem>>, vector<1x16xf32>,
        %parallel_loop3A_500 = vector.shape_cast %parallel_loop3A_499 : vector<1x16xf32> to vector<16xf32>
        %parallel_loop3A_501 = arith.index_cast %parallel_loop3A_329 : i32 to index
        %parallel_loop3A_502 = arith.constant 240 : index
        %parallel_loop3A_503 = tpu.vector_load %arg9[%parallel_loop3A_501, %parallel_loop3A_502] {strides = array<i32>} : memref<16x768xf32, #tpu.memory_space<vmem>>, vector<1x16xf32>,
        %parallel_loop3A_504 = vector.shape_cast %parallel_loop3A_503 : vector<1x16xf32> to vector<16xf32>
        %parallel_loop3A_505 = vector.shape_cast %parallel_loop3A_500 : vector<16xf32> to vector<1x16xf32>
        tpu.vector_store %arg9[%parallel_loop3A_501, %parallel_loop3A_502], %parallel_loop3A_505 {add = true, strides = array<i32>} : memref<16x768xf32, #tpu.memory_space<vmem>>, vector<1x16xf32>,
        %parallel_loop3A_506 = arith.constant 16 : i32
        %parallel_loop3A_507 = arith.addi %parallel_loop3A_506, %parallel_loop3A_329 : i32
        %parallel_loop3A_508 = arith.index_cast %parallel_loop3A_507 : i32 to index
        %parallel_loop3A_509 = arith.constant 256 : index
        %parallel_loop3A_510 = tpu.vector_load %arg7[%parallel_loop3A_508, %parallel_loop3A_509] {strides = array<i32>} : memref<64x768xf32, #tpu.memory_space<vmem>>, vector<1x16xf32>,
        %parallel_loop3A_511 = vector.shape_cast %parallel_loop3A_510 : vector<1x16xf32> to vector<16xf32>
        %parallel_loop3A_512 = arith.index_cast %parallel_loop3A_329 : i32 to index
        %parallel_loop3A_513 = arith.constant 256 : index
        %parallel_loop3A_514 = tpu.vector_load %arg9[%parallel_loop3A_512, %parallel_loop3A_513] {strides = array<i32>} : memref<16x768xf32, #tpu.memory_space<vmem>>, vector<1x16xf32>,
        %parallel_loop3A_515 = vector.shape_cast %parallel_loop3A_514 : vector<1x16xf32> to vector<16xf32>
        %parallel_loop3A_516 = vector.shape_cast %parallel_loop3A_511 : vector<16xf32> to vector<1x16xf32>
        tpu.vector_store %arg9[%parallel_loop3A_512, %parallel_loop3A_513], %parallel_loop3A_516 {add = true, strides = array<i32>} : memref<16x768xf32, #tpu.memory_space<vmem>>, vector<1x16xf32>,
        %parallel_loop3A_517 = arith.constant 16 : i32
        %parallel_loop3A_518 = arith.addi %parallel_loop3A_517, %parallel_loop3A_329 : i32
        %parallel_loop3A_519 = arith.index_cast %parallel_loop3A_518 : i32 to index
        %parallel_loop3A_520 = arith.constant 272 : index
        %parallel_loop3A_521 = tpu.vector_load %arg7[%parallel_loop3A_519, %parallel_loop3A_520] {strides = array<i32>} : memref<64x768xf32, #tpu.memory_space<vmem>>, vector<1x16xf32>,
        %parallel_loop3A_522 = vector.shape_cast %parallel_loop3A_521 : vector<1x16xf32> to vector<16xf32>
        %parallel_loop3A_523 = arith.index_cast %parallel_loop3A_329 : i32 to index
        %parallel_loop3A_524 = arith.constant 272 : index
        %parallel_loop3A_525 = tpu.vector_load %arg9[%parallel_loop3A_523, %parallel_loop3A_524] {strides = array<i32>} : memref<16x768xf32, #tpu.memory_space<vmem>>, vector<1x16xf32>,
        %parallel_loop3A_526 = vector.shape_cast %parallel_loop3A_525 : vector<1x16xf32> to vector<16xf32>
        %parallel_loop3A_527 = vector.shape_cast %parallel_loop3A_522 : vector<16xf32> to vector<1x16xf32>
        tpu.vector_store %arg9[%parallel_loop3A_523, %parallel_loop3A_524], %parallel_loop3A_527 {add = true, strides = array<i32>} : memref<16x768xf32, #tpu.memory_space<vmem>>, vector<1x16xf32>,
        %parallel_loop3A_528 = arith.constant 16 : i32
        %parallel_loop3A_529 = arith.addi %parallel_loop3A_528, %parallel_loop3A_329 : i32
        %parallel_loop3A_530 = arith.index_cast %parallel_loop3A_529 : i32 to index
        %parallel_loop3A_531 = arith.constant 288 : index
        %parallel_loop3A_532 = tpu.vector_load %arg7[%parallel_loop3A_530, %parallel_loop3A_531] {strides = array<i32>} : memref<64x768xf32, #tpu.memory_space<vmem>>, vector<1x16xf32>,
        %parallel_loop3A_533 = vector.shape_cast %parallel_loop3A_532 : vector<1x16xf32> to vector<16xf32>
        %parallel_loop3A_534 = arith.index_cast %parallel_loop3A_329 : i32 to index
        %parallel_loop3A_535 = arith.constant 288 : index
        %parallel_loop3A_536 = tpu.vector_load %arg9[%parallel_loop3A_534, %parallel_loop3A_535] {strides = array<i32>} : memref<16x768xf32, #tpu.memory_space<vmem>>, vector<1x16xf32>,
        %parallel_loop3A_537 = vector.shape_cast %parallel_loop3A_536 : vector<1x16xf32> to vector<16xf32>
        %parallel_loop3A_538 = vector.shape_cast %parallel_loop3A_533 : vector<16xf32> to vector<1x16xf32>
        tpu.vector_store %arg9[%parallel_loop3A_534, %parallel_loop3A_535], %parallel_loop3A_538 {add = true, strides = array<i32>} : memref<16x768xf32, #tpu.memory_space<vmem>>, vector<1x16xf32>,
        %parallel_loop3A_539 = arith.constant 16 : i32
        %parallel_loop3A_540 = arith.addi %parallel_loop3A_539, %parallel_loop3A_329 : i32
        %parallel_loop3A_541 = arith.index_cast %parallel_loop3A_540 : i32 to index
        %parallel_loop3A_542 = arith.constant 304 : index
        %parallel_loop3A_543 = tpu.vector_load %arg7[%parallel_loop3A_541, %parallel_loop3A_542] {strides = array<i32>} : memref<64x768xf32, #tpu.memory_space<vmem>>, vector<1x16xf32>,
        %parallel_loop3A_544 = vector.shape_cast %parallel_loop3A_543 : vector<1x16xf32> to vector<16xf32>
        %parallel_loop3A_545 = arith.index_cast %parallel_loop3A_329 : i32 to index
        %parallel_loop3A_546 = arith.constant 304 : index
        %parallel_loop3A_547 = tpu.vector_load %arg9[%parallel_loop3A_545, %parallel_loop3A_546] {strides = array<i32>} : memref<16x768xf32, #tpu.memory_space<vmem>>, vector<1x16xf32>,
        %parallel_loop3A_548 = vector.shape_cast %parallel_loop3A_547 : vector<1x16xf32> to vector<16xf32>
        %parallel_loop3A_549 = vector.shape_cast %parallel_loop3A_544 : vector<16xf32> to vector<1x16xf32>
        tpu.vector_store %arg9[%parallel_loop3A_545, %parallel_loop3A_546], %parallel_loop3A_549 {add = true, strides = array<i32>} : memref<16x768xf32, #tpu.memory_space<vmem>>, vector<1x16xf32>,
        %parallel_loop3A_550 = arith.constant 16 : i32
        %parallel_loop3A_551 = arith.addi %parallel_loop3A_550, %parallel_loop3A_329 : i32
        %parallel_loop3A_552 = arith.index_cast %parallel_loop3A_551 : i32 to index
        %parallel_loop3A_553 = arith.constant 320 : index
        %parallel_loop3A_554 = tpu.vector_load %arg7[%parallel_loop3A_552, %parallel_loop3A_553] {strides = array<i32>} : memref<64x768xf32, #tpu.memory_space<vmem>>, vector<1x16xf32>,
        %parallel_loop3A_555 = vector.shape_cast %parallel_loop3A_554 : vector<1x16xf32> to vector<16xf32>
        %parallel_loop3A_556 = arith.index_cast %parallel_loop3A_329 : i32 to index
        %parallel_loop3A_557 = arith.constant 320 : index
        %parallel_loop3A_558 = tpu.vector_load %arg9[%parallel_loop3A_556, %parallel_loop3A_557] {strides = array<i32>} : memref<16x768xf32, #tpu.memory_space<vmem>>, vector<1x16xf32>,
        %parallel_loop3A_559 = vector.shape_cast %parallel_loop3A_558 : vector<1x16xf32> to vector<16xf32>
        %parallel_loop3A_560 = vector.shape_cast %parallel_loop3A_555 : vector<16xf32> to vector<1x16xf32>
        tpu.vector_store %arg9[%parallel_loop3A_556, %parallel_loop3A_557], %parallel_loop3A_560 {add = true, strides = array<i32>} : memref<16x768xf32, #tpu.memory_space<vmem>>, vector<1x16xf32>,
        %parallel_loop3A_561 = arith.constant 16 : i32
        %parallel_loop3A_562 = arith.addi %parallel_loop3A_561, %parallel_loop3A_329 : i32
        %parallel_loop3A_563 = arith.index_cast %parallel_loop3A_562 : i32 to index
        %parallel_loop3A_564 = arith.constant 336 : index
        %parallel_loop3A_565 = tpu.vector_load %arg7[%parallel_loop3A_563, %parallel_loop3A_564] {strides = array<i32>} : memref<64x768xf32, #tpu.memory_space<vmem>>, vector<1x16xf32>,
        %parallel_loop3A_566 = vector.shape_cast %parallel_loop3A_565 : vector<1x16xf32> to vector<16xf32>
        %parallel_loop3A_567 = arith.index_cast %parallel_loop3A_329 : i32 to index
        %parallel_loop3A_568 = arith.constant 336 : index
        %parallel_loop3A_569 = tpu.vector_load %arg9[%parallel_loop3A_567, %parallel_loop3A_568] {strides = array<i32>} : memref<16x768xf32, #tpu.memory_space<vmem>>, vector<1x16xf32>,
        %parallel_loop3A_570 = vector.shape_cast %parallel_loop3A_569 : vector<1x16xf32> to vector<16xf32>
        %parallel_loop3A_571 = vector.shape_cast %parallel_loop3A_566 : vector<16xf32> to vector<1x16xf32>
        tpu.vector_store %arg9[%parallel_loop3A_567, %parallel_loop3A_568], %parallel_loop3A_571 {add = true, strides = array<i32>} : memref<16x768xf32, #tpu.memory_space<vmem>>, vector<1x16xf32>,
        %parallel_loop3A_572 = arith.constant 16 : i32
        %parallel_loop3A_573 = arith.addi %parallel_loop3A_572, %parallel_loop3A_329 : i32
        %parallel_loop3A_574 = arith.index_cast %parallel_loop3A_573 : i32 to index
        %parallel_loop3A_575 = arith.constant 352 : index
        %parallel_loop3A_576 = tpu.vector_load %arg7[%parallel_loop3A_574, %parallel_loop3A_575] {strides = array<i32>} : memref<64x768xf32, #tpu.memory_space<vmem>>, vector<1x16xf32>,
        %parallel_loop3A_577 = vector.shape_cast %parallel_loop3A_576 : vector<1x16xf32> to vector<16xf32>
        %parallel_loop3A_578 = arith.index_cast %parallel_loop3A_329 : i32 to index
        %parallel_loop3A_579 = arith.constant 352 : index
        %parallel_loop3A_580 = tpu.vector_load %arg9[%parallel_loop3A_578, %parallel_loop3A_579] {strides = array<i32>} : memref<16x768xf32, #tpu.memory_space<vmem>>, vector<1x16xf32>,
        %parallel_loop3A_581 = vector.shape_cast %parallel_loop3A_580 : vector<1x16xf32> to vector<16xf32>
        %parallel_loop3A_582 = vector.shape_cast %parallel_loop3A_577 : vector<16xf32> to vector<1x16xf32>
        tpu.vector_store %arg9[%parallel_loop3A_578, %parallel_loop3A_579], %parallel_loop3A_582 {add = true, strides = array<i32>} : memref<16x768xf32, #tpu.memory_space<vmem>>, vector<1x16xf32>,
        %parallel_loop3A_583 = arith.constant 16 : i32
        %parallel_loop3A_584 = arith.addi %parallel_loop3A_583, %parallel_loop3A_329 : i32
        %parallel_loop3A_585 = arith.index_cast %parallel_loop3A_584 : i32 to index
        %parallel_loop3A_586 = arith.constant 368 : index
        %parallel_loop3A_587 = tpu.vector_load %arg7[%parallel_loop3A_585, %parallel_loop3A_586] {strides = array<i32>} : memref<64x768xf32, #tpu.memory_space<vmem>>, vector<1x16xf32>,
        %parallel_loop3A_588 = vector.shape_cast %parallel_loop3A_587 : vector<1x16xf32> to vector<16xf32>
        %parallel_loop3A_589 = arith.index_cast %parallel_loop3A_329 : i32 to index
        %parallel_loop3A_590 = arith.constant 368 : index
        %parallel_loop3A_591 = tpu.vector_load %arg9[%parallel_loop3A_589, %parallel_loop3A_590] {strides = array<i32>} : memref<16x768xf32, #tpu.memory_space<vmem>>, vector<1x16xf32>,
        %parallel_loop3A_592 = vector.shape_cast %parallel_loop3A_591 : vector<1x16xf32> to vector<16xf32>
        %parallel_loop3A_593 = vector.shape_cast %parallel_loop3A_588 : vector<16xf32> to vector<1x16xf32>
        tpu.vector_store %arg9[%parallel_loop3A_589, %parallel_loop3A_590], %parallel_loop3A_593 {add = true, strides = array<i32>} : memref<16x768xf32, #tpu.memory_space<vmem>>, vector<1x16xf32>,
        %parallel_loop3A_594 = arith.constant 16 : i32
        %parallel_loop3A_595 = arith.addi %parallel_loop3A_594, %parallel_loop3A_329 : i32
        %parallel_loop3A_596 = arith.index_cast %parallel_loop3A_595 : i32 to index
        %parallel_loop3A_597 = arith.constant 384 : index
        %parallel_loop3A_598 = tpu.vector_load %arg7[%parallel_loop3A_596, %parallel_loop3A_597] {strides = array<i32>} : memref<64x768xf32, #tpu.memory_space<vmem>>, vector<1x16xf32>,
        %parallel_loop3A_599 = vector.shape_cast %parallel_loop3A_598 : vector<1x16xf32> to vector<16xf32>
        %parallel_loop3A_600 = arith.index_cast %parallel_loop3A_329 : i32 to index
        %parallel_loop3A_601 = arith.constant 384 : index
        %parallel_loop3A_602 = tpu.vector_load %arg9[%parallel_loop3A_600, %parallel_loop3A_601] {strides = array<i32>} : memref<16x768xf32, #tpu.memory_space<vmem>>, vector<1x16xf32>,
        %parallel_loop3A_603 = vector.shape_cast %parallel_loop3A_602 : vector<1x16xf32> to vector<16xf32>
        %parallel_loop3A_604 = vector.shape_cast %parallel_loop3A_599 : vector<16xf32> to vector<1x16xf32>
        tpu.vector_store %arg9[%parallel_loop3A_600, %parallel_loop3A_601], %parallel_loop3A_604 {add = true, strides = array<i32>} : memref<16x768xf32, #tpu.memory_space<vmem>>, vector<1x16xf32>,
        %parallel_loop3A_605 = arith.constant 16 : i32
        %parallel_loop3A_606 = arith.addi %parallel_loop3A_605, %parallel_loop3A_329 : i32
        %parallel_loop3A_607 = arith.index_cast %parallel_loop3A_606 : i32 to index
        %parallel_loop3A_608 = arith.constant 400 : index
        %parallel_loop3A_609 = tpu.vector_load %arg7[%parallel_loop3A_607, %parallel_loop3A_608] {strides = array<i32>} : memref<64x768xf32, #tpu.memory_space<vmem>>, vector<1x16xf32>,
        %parallel_loop3A_610 = vector.shape_cast %parallel_loop3A_609 : vector<1x16xf32> to vector<16xf32>
        %parallel_loop3A_611 = arith.index_cast %parallel_loop3A_329 : i32 to index
        %parallel_loop3A_612 = arith.constant 400 : index
        %parallel_loop3A_613 = tpu.vector_load %arg9[%parallel_loop3A_611, %parallel_loop3A_612] {strides = array<i32>} : memref<16x768xf32, #tpu.memory_space<vmem>>, vector<1x16xf32>,
        %parallel_loop3A_614 = vector.shape_cast %parallel_loop3A_613 : vector<1x16xf32> to vector<16xf32>
        %parallel_loop3A_615 = vector.shape_cast %parallel_loop3A_610 : vector<16xf32> to vector<1x16xf32>
        tpu.vector_store %arg9[%parallel_loop3A_611, %parallel_loop3A_612], %parallel_loop3A_615 {add = true, strides = array<i32>} : memref<16x768xf32, #tpu.memory_space<vmem>>, vector<1x16xf32>,
        %parallel_loop3A_616 = arith.constant 16 : i32
        %parallel_loop3A_617 = arith.addi %parallel_loop3A_616, %parallel_loop3A_329 : i32
        %parallel_loop3A_618 = arith.index_cast %parallel_loop3A_617 : i32 to index
        %parallel_loop3A_619 = arith.constant 416 : index
        %parallel_loop3A_620 = tpu.vector_load %arg7[%parallel_loop3A_618, %parallel_loop3A_619] {strides = array<i32>} : memref<64x768xf32, #tpu.memory_space<vmem>>, vector<1x16xf32>,
        %parallel_loop3A_621 = vector.shape_cast %parallel_loop3A_620 : vector<1x16xf32> to vector<16xf32>
        %parallel_loop3A_622 = arith.index_cast %parallel_loop3A_329 : i32 to index
        %parallel_loop3A_623 = arith.constant 416 : index
        %parallel_loop3A_624 = tpu.vector_load %arg9[%parallel_loop3A_622, %parallel_loop3A_623] {strides = array<i32>} : memref<16x768xf32, #tpu.memory_space<vmem>>, vector<1x16xf32>,
        %parallel_loop3A_625 = vector.shape_cast %parallel_loop3A_624 : vector<1x16xf32> to vector<16xf32>
        %parallel_loop3A_626 = vector.shape_cast %parallel_loop3A_621 : vector<16xf32> to vector<1x16xf32>
        tpu.vector_store %arg9[%parallel_loop3A_622, %parallel_loop3A_623], %parallel_loop3A_626 {add = true, strides = array<i32>} : memref<16x768xf32, #tpu.memory_space<vmem>>, vector<1x16xf32>,
        %parallel_loop3A_627 = arith.constant 16 : i32
        %parallel_loop3A_628 = arith.addi %parallel_loop3A_627, %parallel_loop3A_329 : i32
        %parallel_loop3A_629 = arith.index_cast %parallel_loop3A_628 : i32 to index
        %parallel_loop3A_630 = arith.constant 432 : index
        %parallel_loop3A_631 = tpu.vector_load %arg7[%parallel_loop3A_629, %parallel_loop3A_630] {strides = array<i32>} : memref<64x768xf32, #tpu.memory_space<vmem>>, vector<1x16xf32>,
        %parallel_loop3A_632 = vector.shape_cast %parallel_loop3A_631 : vector<1x16xf32> to vector<16xf32>
        %parallel_loop3A_633 = arith.index_cast %parallel_loop3A_329 : i32 to index
        %parallel_loop3A_634 = arith.constant 432 : index
        %parallel_loop3A_635 = tpu.vector_load %arg9[%parallel_loop3A_633, %parallel_loop3A_634] {strides = array<i32>} : memref<16x768xf32, #tpu.memory_space<vmem>>, vector<1x16xf32>,
        %parallel_loop3A_636 = vector.shape_cast %parallel_loop3A_635 : vector<1x16xf32> to vector<16xf32>
        %parallel_loop3A_637 = vector.shape_cast %parallel_loop3A_632 : vector<16xf32> to vector<1x16xf32>
        tpu.vector_store %arg9[%parallel_loop3A_633, %parallel_loop3A_634], %parallel_loop3A_637 {add = true, strides = array<i32>} : memref<16x768xf32, #tpu.memory_space<vmem>>, vector<1x16xf32>,
        %parallel_loop3A_638 = arith.constant 16 : i32
        %parallel_loop3A_639 = arith.addi %parallel_loop3A_638, %parallel_loop3A_329 : i32
        %parallel_loop3A_640 = arith.index_cast %parallel_loop3A_639 : i32 to index
        %parallel_loop3A_641 = arith.constant 448 : index
        %parallel_loop3A_642 = tpu.vector_load %arg7[%parallel_loop3A_640, %parallel_loop3A_641] {strides = array<i32>} : memref<64x768xf32, #tpu.memory_space<vmem>>, vector<1x16xf32>,
        %parallel_loop3A_643 = vector.shape_cast %parallel_loop3A_642 : vector<1x16xf32> to vector<16xf32>
        %parallel_loop3A_644 = arith.index_cast %parallel_loop3A_329 : i32 to index
        %parallel_loop3A_645 = arith.constant 448 : index
        %parallel_loop3A_646 = tpu.vector_load %arg9[%parallel_loop3A_644, %parallel_loop3A_645] {strides = array<i32>} : memref<16x768xf32, #tpu.memory_space<vmem>>, vector<1x16xf32>,
        %parallel_loop3A_647 = vector.shape_cast %parallel_loop3A_646 : vector<1x16xf32> to vector<16xf32>
        %parallel_loop3A_648 = vector.shape_cast %parallel_loop3A_643 : vector<16xf32> to vector<1x16xf32>
        tpu.vector_store %arg9[%parallel_loop3A_644, %parallel_loop3A_645], %parallel_loop3A_648 {add = true, strides = array<i32>} : memref<16x768xf32, #tpu.memory_space<vmem>>, vector<1x16xf32>,
        %parallel_loop3A_649 = arith.constant 16 : i32
        %parallel_loop3A_650 = arith.addi %parallel_loop3A_649, %parallel_loop3A_329 : i32
        %parallel_loop3A_651 = arith.index_cast %parallel_loop3A_650 : i32 to index
        %parallel_loop3A_652 = arith.constant 464 : index
        %parallel_loop3A_653 = tpu.vector_load %arg7[%parallel_loop3A_651, %parallel_loop3A_652] {strides = array<i32>} : memref<64x768xf32, #tpu.memory_space<vmem>>, vector<1x16xf32>,
        %parallel_loop3A_654 = vector.shape_cast %parallel_loop3A_653 : vector<1x16xf32> to vector<16xf32>
        %parallel_loop3A_655 = arith.index_cast %parallel_loop3A_329 : i32 to index
        %parallel_loop3A_656 = arith.constant 464 : index
        %parallel_loop3A_657 = tpu.vector_load %arg9[%parallel_loop3A_655, %parallel_loop3A_656] {strides = array<i32>} : memref<16x768xf32, #tpu.memory_space<vmem>>, vector<1x16xf32>,
        %parallel_loop3A_658 = vector.shape_cast %parallel_loop3A_657 : vector<1x16xf32> to vector<16xf32>
        %parallel_loop3A_659 = vector.shape_cast %parallel_loop3A_654 : vector<16xf32> to vector<1x16xf32>
        tpu.vector_store %arg9[%parallel_loop3A_655, %parallel_loop3A_656], %parallel_loop3A_659 {add = true, strides = array<i32>} : memref<16x768xf32, #tpu.memory_space<vmem>>, vector<1x16xf32>,
        %parallel_loop3A_660 = arith.constant 16 : i32
        %parallel_loop3A_661 = arith.addi %parallel_loop3A_660, %parallel_loop3A_329 : i32
        %parallel_loop3A_662 = arith.index_cast %parallel_loop3A_661 : i32 to index
        %parallel_loop3A_663 = arith.constant 480 : index
        %parallel_loop3A_664 = tpu.vector_load %arg7[%parallel_loop3A_662, %parallel_loop3A_663] {strides = array<i32>} : memref<64x768xf32, #tpu.memory_space<vmem>>, vector<1x16xf32>,
        %parallel_loop3A_665 = vector.shape_cast %parallel_loop3A_664 : vector<1x16xf32> to vector<16xf32>
        %parallel_loop3A_666 = arith.index_cast %parallel_loop3A_329 : i32 to index
        %parallel_loop3A_667 = arith.constant 480 : index
        %parallel_loop3A_668 = tpu.vector_load %arg9[%parallel_loop3A_666, %parallel_loop3A_667] {strides = array<i32>} : memref<16x768xf32, #tpu.memory_space<vmem>>, vector<1x16xf32>,
        %parallel_loop3A_669 = vector.shape_cast %parallel_loop3A_668 : vector<1x16xf32> to vector<16xf32>
        %parallel_loop3A_670 = vector.shape_cast %parallel_loop3A_665 : vector<16xf32> to vector<1x16xf32>
        tpu.vector_store %arg9[%parallel_loop3A_666, %parallel_loop3A_667], %parallel_loop3A_670 {add = true, strides = array<i32>} : memref<16x768xf32, #tpu.memory_space<vmem>>, vector<1x16xf32>,
        %parallel_loop3A_671 = arith.constant 16 : i32
        %parallel_loop3A_672 = arith.addi %parallel_loop3A_671, %parallel_loop3A_329 : i32
        %parallel_loop3A_673 = arith.index_cast %parallel_loop3A_672 : i32 to index
        %parallel_loop3A_674 = arith.constant 496 : index
        %parallel_loop3A_675 = tpu.vector_load %arg7[%parallel_loop3A_673, %parallel_loop3A_674] {strides = array<i32>} : memref<64x768xf32, #tpu.memory_space<vmem>>, vector<1x16xf32>,
        %parallel_loop3A_676 = vector.shape_cast %parallel_loop3A_675 : vector<1x16xf32> to vector<16xf32>
        %parallel_loop3A_677 = arith.index_cast %parallel_loop3A_329 : i32 to index
        %parallel_loop3A_678 = arith.constant 496 : index
        %parallel_loop3A_679 = tpu.vector_load %arg9[%parallel_loop3A_677, %parallel_loop3A_678] {strides = array<i32>} : memref<16x768xf32, #tpu.memory_space<vmem>>, vector<1x16xf32>,
        %parallel_loop3A_680 = vector.shape_cast %parallel_loop3A_679 : vector<1x16xf32> to vector<16xf32>
        %parallel_loop3A_681 = vector.shape_cast %parallel_loop3A_676 : vector<16xf32> to vector<1x16xf32>
        tpu.vector_store %arg9[%parallel_loop3A_677, %parallel_loop3A_678], %parallel_loop3A_681 {add = true, strides = array<i32>} : memref<16x768xf32, #tpu.memory_space<vmem>>, vector<1x16xf32>,
        %parallel_loop3A_682 = arith.constant 16 : i32
        %parallel_loop3A_683 = arith.addi %parallel_loop3A_682, %parallel_loop3A_329 : i32
        %parallel_loop3A_684 = arith.index_cast %parallel_loop3A_683 : i32 to index
        %parallel_loop3A_685 = arith.constant 512 : index
        %parallel_loop3A_686 = tpu.vector_load %arg7[%parallel_loop3A_684, %parallel_loop3A_685] {strides = array<i32>} : memref<64x768xf32, #tpu.memory_space<vmem>>, vector<1x16xf32>,
        %parallel_loop3A_687 = vector.shape_cast %parallel_loop3A_686 : vector<1x16xf32> to vector<16xf32>
        %parallel_loop3A_688 = arith.index_cast %parallel_loop3A_329 : i32 to index
        %parallel_loop3A_689 = arith.constant 512 : index
        %parallel_loop3A_690 = tpu.vector_load %arg9[%parallel_loop3A_688, %parallel_loop3A_689] {strides = array<i32>} : memref<16x768xf32, #tpu.memory_space<vmem>>, vector<1x16xf32>,
        %parallel_loop3A_691 = vector.shape_cast %parallel_loop3A_690 : vector<1x16xf32> to vector<16xf32>
        %parallel_loop3A_692 = vector.shape_cast %parallel_loop3A_687 : vector<16xf32> to vector<1x16xf32>
        tpu.vector_store %arg9[%parallel_loop3A_688, %parallel_loop3A_689], %parallel_loop3A_692 {add = true, strides = array<i32>} : memref<16x768xf32, #tpu.memory_space<vmem>>, vector<1x16xf32>,
        %parallel_loop3A_693 = arith.constant 16 : i32
        %parallel_loop3A_694 = arith.addi %parallel_loop3A_693, %parallel_loop3A_329 : i32
        %parallel_loop3A_695 = arith.index_cast %parallel_loop3A_694 : i32 to index
        %parallel_loop3A_696 = arith.constant 528 : index
        %parallel_loop3A_697 = tpu.vector_load %arg7[%parallel_loop3A_695, %parallel_loop3A_696] {strides = array<i32>} : memref<64x768xf32, #tpu.memory_space<vmem>>, vector<1x16xf32>,
        %parallel_loop3A_698 = vector.shape_cast %parallel_loop3A_697 : vector<1x16xf32> to vector<16xf32>
        %parallel_loop3A_699 = arith.index_cast %parallel_loop3A_329 : i32 to index
        %parallel_loop3A_700 = arith.constant 528 : index
        %parallel_loop3A_701 = tpu.vector_load %arg9[%parallel_loop3A_699, %parallel_loop3A_700] {strides = array<i32>} : memref<16x768xf32, #tpu.memory_space<vmem>>, vector<1x16xf32>,
        %parallel_loop3A_702 = vector.shape_cast %parallel_loop3A_701 : vector<1x16xf32> to vector<16xf32>
        %parallel_loop3A_703 = vector.shape_cast %parallel_loop3A_698 : vector<16xf32> to vector<1x16xf32>
        tpu.vector_store %arg9[%parallel_loop3A_699, %parallel_loop3A_700], %parallel_loop3A_703 {add = true, strides = array<i32>} : memref<16x768xf32, #tpu.memory_space<vmem>>, vector<1x16xf32>,
        %parallel_loop3A_704 = arith.constant 16 : i32
        %parallel_loop3A_705 = arith.addi %parallel_loop3A_704, %parallel_loop3A_329 : i32
        %parallel_loop3A_706 = arith.index_cast %parallel_loop3A_705 : i32 to index
        %parallel_loop3A_707 = arith.constant 544 : index
        %parallel_loop3A_708 = tpu.vector_load %arg7[%parallel_loop3A_706, %parallel_loop3A_707] {strides = array<i32>} : memref<64x768xf32, #tpu.memory_space<vmem>>, vector<1x16xf32>,
        %parallel_loop3A_709 = vector.shape_cast %parallel_loop3A_708 : vector<1x16xf32> to vector<16xf32>
        %parallel_loop3A_710 = arith.index_cast %parallel_loop3A_329 : i32 to index
        %parallel_loop3A_711 = arith.constant 544 : index
        %parallel_loop3A_712 = tpu.vector_load %arg9[%parallel_loop3A_710, %parallel_loop3A_711] {strides = array<i32>} : memref<16x768xf32, #tpu.memory_space<vmem>>, vector<1x16xf32>,
        %parallel_loop3A_713 = vector.shape_cast %parallel_loop3A_712 : vector<1x16xf32> to vector<16xf32>
        %parallel_loop3A_714 = vector.shape_cast %parallel_loop3A_709 : vector<16xf32> to vector<1x16xf32>
        tpu.vector_store %arg9[%parallel_loop3A_710, %parallel_loop3A_711], %parallel_loop3A_714 {add = true, strides = array<i32>} : memref<16x768xf32, #tpu.memory_space<vmem>>, vector<1x16xf32>,
        %parallel_loop3A_715 = arith.constant 16 : i32
        %parallel_loop3A_716 = arith.addi %parallel_loop3A_715, %parallel_loop3A_329 : i32
        %parallel_loop3A_717 = arith.index_cast %parallel_loop3A_716 : i32 to index
        %parallel_loop3A_718 = arith.constant 560 : index
        %parallel_loop3A_719 = tpu.vector_load %arg7[%parallel_loop3A_717, %parallel_loop3A_718] {strides = array<i32>} : memref<64x768xf32, #tpu.memory_space<vmem>>, vector<1x16xf32>,
        %parallel_loop3A_720 = vector.shape_cast %parallel_loop3A_719 : vector<1x16xf32> to vector<16xf32>
        %parallel_loop3A_721 = arith.index_cast %parallel_loop3A_329 : i32 to index
        %parallel_loop3A_722 = arith.constant 560 : index
        %parallel_loop3A_723 = tpu.vector_load %arg9[%parallel_loop3A_721, %parallel_loop3A_722] {strides = array<i32>} : memref<16x768xf32, #tpu.memory_space<vmem>>, vector<1x16xf32>,
        %parallel_loop3A_724 = vector.shape_cast %parallel_loop3A_723 : vector<1x16xf32> to vector<16xf32>
        %parallel_loop3A_725 = vector.shape_cast %parallel_loop3A_720 : vector<16xf32> to vector<1x16xf32>
        tpu.vector_store %arg9[%parallel_loop3A_721, %parallel_loop3A_722], %parallel_loop3A_725 {add = true, strides = array<i32>} : memref<16x768xf32, #tpu.memory_space<vmem>>, vector<1x16xf32>,
        %parallel_loop3A_726 = arith.constant 16 : i32
        %parallel_loop3A_727 = arith.addi %parallel_loop3A_726, %parallel_loop3A_329 : i32
        %parallel_loop3A_728 = arith.index_cast %parallel_loop3A_727 : i32 to index
        %parallel_loop3A_729 = arith.constant 576 : index
        %parallel_loop3A_730 = tpu.vector_load %arg7[%parallel_loop3A_728, %parallel_loop3A_729] {strides = array<i32>} : memref<64x768xf32, #tpu.memory_space<vmem>>, vector<1x16xf32>,
        %parallel_loop3A_731 = vector.shape_cast %parallel_loop3A_730 : vector<1x16xf32> to vector<16xf32>
        %parallel_loop3A_732 = arith.index_cast %parallel_loop3A_329 : i32 to index
        %parallel_loop3A_733 = arith.constant 576 : index
        %parallel_loop3A_734 = tpu.vector_load %arg9[%parallel_loop3A_732, %parallel_loop3A_733] {strides = array<i32>} : memref<16x768xf32, #tpu.memory_space<vmem>>, vector<1x16xf32>,
        %parallel_loop3A_735 = vector.shape_cast %parallel_loop3A_734 : vector<1x16xf32> to vector<16xf32>
        %parallel_loop3A_736 = vector.shape_cast %parallel_loop3A_731 : vector<16xf32> to vector<1x16xf32>
        tpu.vector_store %arg9[%parallel_loop3A_732, %parallel_loop3A_733], %parallel_loop3A_736 {add = true, strides = array<i32>} : memref<16x768xf32, #tpu.memory_space<vmem>>, vector<1x16xf32>,
        %parallel_loop3A_737 = arith.constant 16 : i32
        %parallel_loop3A_738 = arith.addi %parallel_loop3A_737, %parallel_loop3A_329 : i32
        %parallel_loop3A_739 = arith.index_cast %parallel_loop3A_738 : i32 to index
        %parallel_loop3A_740 = arith.constant 592 : index
        %parallel_loop3A_741 = tpu.vector_load %arg7[%parallel_loop3A_739, %parallel_loop3A_740] {strides = array<i32>} : memref<64x768xf32, #tpu.memory_space<vmem>>, vector<1x16xf32>,
        %parallel_loop3A_742 = vector.shape_cast %parallel_loop3A_741 : vector<1x16xf32> to vector<16xf32>
        %parallel_loop3A_743 = arith.index_cast %parallel_loop3A_329 : i32 to index
        %parallel_loop3A_744 = arith.constant 592 : index
        %parallel_loop3A_745 = tpu.vector_load %arg9[%parallel_loop3A_743, %parallel_loop3A_744] {strides = array<i32>} : memref<16x768xf32, #tpu.memory_space<vmem>>, vector<1x16xf32>,
        %parallel_loop3A_746 = vector.shape_cast %parallel_loop3A_745 : vector<1x16xf32> to vector<16xf32>
        %parallel_loop3A_747 = vector.shape_cast %parallel_loop3A_742 : vector<16xf32> to vector<1x16xf32>
        tpu.vector_store %arg9[%parallel_loop3A_743, %parallel_loop3A_744], %parallel_loop3A_747 {add = true, strides = array<i32>} : memref<16x768xf32, #tpu.memory_space<vmem>>, vector<1x16xf32>,
        %parallel_loop3A_748 = arith.constant 16 : i32
        %parallel_loop3A_749 = arith.addi %parallel_loop3A_748, %parallel_loop3A_329 : i32
        %parallel_loop3A_750 = arith.index_cast %parallel_loop3A_749 : i32 to index
        %parallel_loop3A_751 = arith.constant 608 : index
        %parallel_loop3A_752 = tpu.vector_load %arg7[%parallel_loop3A_750, %parallel_loop3A_751] {strides = array<i32>} : memref<64x768xf32, #tpu.memory_space<vmem>>, vector<1x16xf32>,
        %parallel_loop3A_753 = vector.shape_cast %parallel_loop3A_752 : vector<1x16xf32> to vector<16xf32>
        %parallel_loop3A_754 = arith.index_cast %parallel_loop3A_329 : i32 to index
        %parallel_loop3A_755 = arith.constant 608 : index
        %parallel_loop3A_756 = tpu.vector_load %arg9[%parallel_loop3A_754, %parallel_loop3A_755] {strides = array<i32>} : memref<16x768xf32, #tpu.memory_space<vmem>>, vector<1x16xf32>,
        %parallel_loop3A_757 = vector.shape_cast %parallel_loop3A_756 : vector<1x16xf32> to vector<16xf32>
        %parallel_loop3A_758 = vector.shape_cast %parallel_loop3A_753 : vector<16xf32> to vector<1x16xf32>
        tpu.vector_store %arg9[%parallel_loop3A_754, %parallel_loop3A_755], %parallel_loop3A_758 {add = true, strides = array<i32>} : memref<16x768xf32, #tpu.memory_space<vmem>>, vector<1x16xf32>,
        %parallel_loop3A_759 = arith.constant 16 : i32
        %parallel_loop3A_760 = arith.addi %parallel_loop3A_759, %parallel_loop3A_329 : i32
        %parallel_loop3A_761 = arith.index_cast %parallel_loop3A_760 : i32 to index
        %parallel_loop3A_762 = arith.constant 624 : index
        %parallel_loop3A_763 = tpu.vector_load %arg7[%parallel_loop3A_761, %parallel_loop3A_762] {strides = array<i32>} : memref<64x768xf32, #tpu.memory_space<vmem>>, vector<1x16xf32>,
        %parallel_loop3A_764 = vector.shape_cast %parallel_loop3A_763 : vector<1x16xf32> to vector<16xf32>
        %parallel_loop3A_765 = arith.index_cast %parallel_loop3A_329 : i32 to index
        %parallel_loop3A_766 = arith.constant 624 : index
        %parallel_loop3A_767 = tpu.vector_load %arg9[%parallel_loop3A_765, %parallel_loop3A_766] {strides = array<i32>} : memref<16x768xf32, #tpu.memory_space<vmem>>, vector<1x16xf32>,
        %parallel_loop3A_768 = vector.shape_cast %parallel_loop3A_767 : vector<1x16xf32> to vector<16xf32>
        %parallel_loop3A_769 = vector.shape_cast %parallel_loop3A_764 : vector<16xf32> to vector<1x16xf32>
        tpu.vector_store %arg9[%parallel_loop3A_765, %parallel_loop3A_766], %parallel_loop3A_769 {add = true, strides = array<i32>} : memref<16x768xf32, #tpu.memory_space<vmem>>, vector<1x16xf32>,
        %parallel_loop3A_770 = arith.constant 16 : i32
        %parallel_loop3A_771 = arith.addi %parallel_loop3A_770, %parallel_loop3A_329 : i32
        %parallel_loop3A_772 = arith.index_cast %parallel_loop3A_771 : i32 to index
        %parallel_loop3A_773 = arith.constant 640 : index
        %parallel_loop3A_774 = tpu.vector_load %arg7[%parallel_loop3A_772, %parallel_loop3A_773] {strides = array<i32>} : memref<64x768xf32, #tpu.memory_space<vmem>>, vector<1x16xf32>,
        %parallel_loop3A_775 = vector.shape_cast %parallel_loop3A_774 : vector<1x16xf32> to vector<16xf32>
        %parallel_loop3A_776 = arith.index_cast %parallel_loop3A_329 : i32 to index
        %parallel_loop3A_777 = arith.constant 640 : index
        %parallel_loop3A_778 = tpu.vector_load %arg9[%parallel_loop3A_776, %parallel_loop3A_777] {strides = array<i32>} : memref<16x768xf32, #tpu.memory_space<vmem>>, vector<1x16xf32>,
        %parallel_loop3A_779 = vector.shape_cast %parallel_loop3A_778 : vector<1x16xf32> to vector<16xf32>
        %parallel_loop3A_780 = vector.shape_cast %parallel_loop3A_775 : vector<16xf32> to vector<1x16xf32>
        tpu.vector_store %arg9[%parallel_loop3A_776, %parallel_loop3A_777], %parallel_loop3A_780 {add = true, strides = array<i32>} : memref<16x768xf32, #tpu.memory_space<vmem>>, vector<1x16xf32>,
        %parallel_loop3A_781 = arith.constant 16 : i32
        %parallel_loop3A_782 = arith.addi %parallel_loop3A_781, %parallel_loop3A_329 : i32
        %parallel_loop3A_783 = arith.index_cast %parallel_loop3A_782 : i32 to index
        %parallel_loop3A_784 = arith.constant 656 : index
        %parallel_loop3A_785 = tpu.vector_load %arg7[%parallel_loop3A_783, %parallel_loop3A_784] {strides = array<i32>} : memref<64x768xf32, #tpu.memory_space<vmem>>, vector<1x16xf32>,
        %parallel_loop3A_786 = vector.shape_cast %parallel_loop3A_785 : vector<1x16xf32> to vector<16xf32>
        %parallel_loop3A_787 = arith.index_cast %parallel_loop3A_329 : i32 to index
        %parallel_loop3A_788 = arith.constant 656 : index
        %parallel_loop3A_789 = tpu.vector_load %arg9[%parallel_loop3A_787, %parallel_loop3A_788] {strides = array<i32>} : memref<16x768xf32, #tpu.memory_space<vmem>>, vector<1x16xf32>,
        %parallel_loop3A_790 = vector.shape_cast %parallel_loop3A_789 : vector<1x16xf32> to vector<16xf32>
        %parallel_loop3A_791 = vector.shape_cast %parallel_loop3A_786 : vector<16xf32> to vector<1x16xf32>
        tpu.vector_store %arg9[%parallel_loop3A_787, %parallel_loop3A_788], %parallel_loop3A_791 {add = true, strides = array<i32>} : memref<16x768xf32, #tpu.memory_space<vmem>>, vector<1x16xf32>,
        %parallel_loop3A_792 = arith.constant 16 : i32
        %parallel_loop3A_793 = arith.addi %parallel_loop3A_792, %parallel_loop3A_329 : i32
        %parallel_loop3A_794 = arith.index_cast %parallel_loop3A_793 : i32 to index
        %parallel_loop3A_795 = arith.constant 672 : index
        %parallel_loop3A_796 = tpu.vector_load %arg7[%parallel_loop3A_794, %parallel_loop3A_795] {strides = array<i32>} : memref<64x768xf32, #tpu.memory_space<vmem>>, vector<1x16xf32>,
        %parallel_loop3A_797 = vector.shape_cast %parallel_loop3A_796 : vector<1x16xf32> to vector<16xf32>
        %parallel_loop3A_798 = arith.index_cast %parallel_loop3A_329 : i32 to index
        %parallel_loop3A_799 = arith.constant 672 : index
        %parallel_loop3A_800 = tpu.vector_load %arg9[%parallel_loop3A_798, %parallel_loop3A_799] {strides = array<i32>} : memref<16x768xf32, #tpu.memory_space<vmem>>, vector<1x16xf32>,
        %parallel_loop3A_801 = vector.shape_cast %parallel_loop3A_800 : vector<1x16xf32> to vector<16xf32>
        %parallel_loop3A_802 = vector.shape_cast %parallel_loop3A_797 : vector<16xf32> to vector<1x16xf32>
        tpu.vector_store %arg9[%parallel_loop3A_798, %parallel_loop3A_799], %parallel_loop3A_802 {add = true, strides = array<i32>} : memref<16x768xf32, #tpu.memory_space<vmem>>, vector<1x16xf32>,
        %parallel_loop3A_803 = arith.constant 16 : i32
        %parallel_loop3A_804 = arith.addi %parallel_loop3A_803, %parallel_loop3A_329 : i32
        %parallel_loop3A_805 = arith.index_cast %parallel_loop3A_804 : i32 to index
        %parallel_loop3A_806 = arith.constant 688 : index
        %parallel_loop3A_807 = tpu.vector_load %arg7[%parallel_loop3A_805, %parallel_loop3A_806] {strides = array<i32>} : memref<64x768xf32, #tpu.memory_space<vmem>>, vector<1x16xf32>,
        %parallel_loop3A_808 = vector.shape_cast %parallel_loop3A_807 : vector<1x16xf32> to vector<16xf32>
        %parallel_loop3A_809 = arith.index_cast %parallel_loop3A_329 : i32 to index
        %parallel_loop3A_810 = arith.constant 688 : index
        %parallel_loop3A_811 = tpu.vector_load %arg9[%parallel_loop3A_809, %parallel_loop3A_810] {strides = array<i32>} : memref<16x768xf32, #tpu.memory_space<vmem>>, vector<1x16xf32>,
        %parallel_loop3A_812 = vector.shape_cast %parallel_loop3A_811 : vector<1x16xf32> to vector<16xf32>
        %parallel_loop3A_813 = vector.shape_cast %parallel_loop3A_808 : vector<16xf32> to vector<1x16xf32>
        tpu.vector_store %arg9[%parallel_loop3A_809, %parallel_loop3A_810], %parallel_loop3A_813 {add = true, strides = array<i32>} : memref<16x768xf32, #tpu.memory_space<vmem>>, vector<1x16xf32>,
        %parallel_loop3A_814 = arith.constant 16 : i32
        %parallel_loop3A_815 = arith.addi %parallel_loop3A_814, %parallel_loop3A_329 : i32
        %parallel_loop3A_816 = arith.index_cast %parallel_loop3A_815 : i32 to index
        %parallel_loop3A_817 = arith.constant 704 : index
        %parallel_loop3A_818 = tpu.vector_load %arg7[%parallel_loop3A_816, %parallel_loop3A_817] {strides = array<i32>} : memref<64x768xf32, #tpu.memory_space<vmem>>, vector<1x16xf32>,
        %parallel_loop3A_819 = vector.shape_cast %parallel_loop3A_818 : vector<1x16xf32> to vector<16xf32>
        %parallel_loop3A_820 = arith.index_cast %parallel_loop3A_329 : i32 to index
        %parallel_loop3A_821 = arith.constant 704 : index
        %parallel_loop3A_822 = tpu.vector_load %arg9[%parallel_loop3A_820, %parallel_loop3A_821] {strides = array<i32>} : memref<16x768xf32, #tpu.memory_space<vmem>>, vector<1x16xf32>,
        %parallel_loop3A_823 = vector.shape_cast %parallel_loop3A_822 : vector<1x16xf32> to vector<16xf32>
        %parallel_loop3A_824 = vector.shape_cast %parallel_loop3A_819 : vector<16xf32> to vector<1x16xf32>
        tpu.vector_store %arg9[%parallel_loop3A_820, %parallel_loop3A_821], %parallel_loop3A_824 {add = true, strides = array<i32>} : memref<16x768xf32, #tpu.memory_space<vmem>>, vector<1x16xf32>,
        %parallel_loop3A_825 = arith.constant 16 : i32
        %parallel_loop3A_826 = arith.addi %parallel_loop3A_825, %parallel_loop3A_329 : i32
        %parallel_loop3A_827 = arith.index_cast %parallel_loop3A_826 : i32 to index
        %parallel_loop3A_828 = arith.constant 720 : index
        %parallel_loop3A_829 = tpu.vector_load %arg7[%parallel_loop3A_827, %parallel_loop3A_828] {strides = array<i32>} : memref<64x768xf32, #tpu.memory_space<vmem>>, vector<1x16xf32>,
        %parallel_loop3A_830 = vector.shape_cast %parallel_loop3A_829 : vector<1x16xf32> to vector<16xf32>
        %parallel_loop3A_831 = arith.index_cast %parallel_loop3A_329 : i32 to index
        %parallel_loop3A_832 = arith.constant 720 : index
        %parallel_loop3A_833 = tpu.vector_load %arg9[%parallel_loop3A_831, %parallel_loop3A_832] {strides = array<i32>} : memref<16x768xf32, #tpu.memory_space<vmem>>, vector<1x16xf32>,
        %parallel_loop3A_834 = vector.shape_cast %parallel_loop3A_833 : vector<1x16xf32> to vector<16xf32>
        %parallel_loop3A_835 = vector.shape_cast %parallel_loop3A_830 : vector<16xf32> to vector<1x16xf32>
        tpu.vector_store %arg9[%parallel_loop3A_831, %parallel_loop3A_832], %parallel_loop3A_835 {add = true, strides = array<i32>} : memref<16x768xf32, #tpu.memory_space<vmem>>, vector<1x16xf32>,
        %parallel_loop3A_836 = arith.constant 16 : i32
        %parallel_loop3A_837 = arith.addi %parallel_loop3A_836, %parallel_loop3A_329 : i32
        %parallel_loop3A_838 = arith.index_cast %parallel_loop3A_837 : i32 to index
        %parallel_loop3A_839 = arith.constant 736 : index
        %parallel_loop3A_840 = tpu.vector_load %arg7[%parallel_loop3A_838, %parallel_loop3A_839] {strides = array<i32>} : memref<64x768xf32, #tpu.memory_space<vmem>>, vector<1x16xf32>,
        %parallel_loop3A_841 = vector.shape_cast %parallel_loop3A_840 : vector<1x16xf32> to vector<16xf32>
        %parallel_loop3A_842 = arith.index_cast %parallel_loop3A_329 : i32 to index
        %parallel_loop3A_843 = arith.constant 736 : index
        %parallel_loop3A_844 = tpu.vector_load %arg9[%parallel_loop3A_842, %parallel_loop3A_843] {strides = array<i32>} : memref<16x768xf32, #tpu.memory_space<vmem>>, vector<1x16xf32>,
        %parallel_loop3A_845 = vector.shape_cast %parallel_loop3A_844 : vector<1x16xf32> to vector<16xf32>
        %parallel_loop3A_846 = vector.shape_cast %parallel_loop3A_841 : vector<16xf32> to vector<1x16xf32>
        tpu.vector_store %arg9[%parallel_loop3A_842, %parallel_loop3A_843], %parallel_loop3A_846 {add = true, strides = array<i32>} : memref<16x768xf32, #tpu.memory_space<vmem>>, vector<1x16xf32>,
        %parallel_loop3A_847 = arith.constant 16 : i32
        %parallel_loop3A_848 = arith.addi %parallel_loop3A_847, %parallel_loop3A_329 : i32
        %parallel_loop3A_849 = arith.index_cast %parallel_loop3A_848 : i32 to index
        %parallel_loop3A_850 = arith.constant 752 : index
        %parallel_loop3A_851 = tpu.vector_load %arg7[%parallel_loop3A_849, %parallel_loop3A_850] {strides = array<i32>} : memref<64x768xf32, #tpu.memory_space<vmem>>, vector<1x16xf32>,
        %parallel_loop3A_852 = vector.shape_cast %parallel_loop3A_851 : vector<1x16xf32> to vector<16xf32>
        %parallel_loop3A_853 = arith.index_cast %parallel_loop3A_329 : i32 to index
        %parallel_loop3A_854 = arith.constant 752 : index
        %parallel_loop3A_855 = tpu.vector_load %arg9[%parallel_loop3A_853, %parallel_loop3A_854] {strides = array<i32>} : memref<16x768xf32, #tpu.memory_space<vmem>>, vector<1x16xf32>,
        %parallel_loop3A_856 = vector.shape_cast %parallel_loop3A_855 : vector<1x16xf32> to vector<16xf32>
        %parallel_loop3A_857 = vector.shape_cast %parallel_loop3A_852 : vector<16xf32> to vector<1x16xf32>
        tpu.vector_store %arg9[%parallel_loop3A_853, %parallel_loop3A_854], %parallel_loop3A_857 {add = true, strides = array<i32>} : memref<16x768xf32, #tpu.memory_space<vmem>>, vector<1x16xf32>,
      } {sc.loop_unroll_factor = 2 : i64, sc.parallel_access}
      %add3A_245 = arith.constant 16 : i32
      %add3A_246 = arith.addi %mul3A_2, %add3A_245 : i32
      %dma_start3A_247 = arith.constant 0 : i32
      %dma_start3A_248 = tpu.memref_slice %arg5[%scan3A_182, %add3A_246, %dma_start3A_247] : memref<4x2048x768xf32, #tpu.memory_space<hbm>> -> memref<1x16x768xf32, #tpu.memory_space<hbm>>
      %dma_start3A_249 = tpu.memref_squeeze %dma_start3A_248 : memref<1x16x768xf32, #tpu.memory_space<hbm>> -> memref<16x768xf32, #tpu.memory_space<hbm>>
      %dma_start3A_250 = arith.constant 0 : i32
      %dma_start3A_251 = tpu.memref_slice %arg5[%scan3A_182, %add3A_246, %dma_start3A_250] : memref<4x2048x768xf32, #tpu.memory_space<hbm>> -> memref<1x16x768xf32, #tpu.memory_space<hbm>>
      %dma_start3A_252 = tpu.memref_squeeze %dma_start3A_251 : memref<1x16x768xf32, #tpu.memory_space<hbm>> -> memref<16x768xf32, #tpu.memory_space<hbm>>
      tpu.enqueue_dma source(%arg9 : memref<16x768xf32, #tpu.memory_space<vmem>>) target(%dma_start3A_252 : memref<16x768xf32, #tpu.memory_space<hbm>>) target_semaphore(%arg17 : memref<!tpu.dma_semaphore, #tpu.memory_space<semaphore_mem>>)
      %mul3A_253 = arith.constant 4 : i32
      %mul3A_254 = arith.muli %mul3A_253, %scan3A_182 : i32
      %add3A_255 = arith.constant 2 : i32
      %add3A_256 = arith.addi %mul3A_254, %add3A_255 : i32
      %add3A_257 = arith.constant 1 : i32
      %add3A_258 = arith.addi %scan3A_182, %add3A_257 : i32
      %ge3A_259 = arith.constant 2 : i32
      %ge3A_260 = arith.cmpi sge, %add3A_256, %ge3A_259 : i32
      %convert_element_type3A_261 = arith.extui %ge3A_260 : i1 to i32
      %cond3A_262 = arith.constant 0 : i32
      %cond3A_263 = arith.cmpi ne, %convert_element_type3A_261, %cond3A_262 : i32
      scf.if %cond3A_263 {
        %dma_wait3A_329 = arith.constant 0 : i32
        %dma_wait3A_330 = arith.constant 0 : i32
        %dma_wait3A_331 = arith.constant 0 : i32
        %dma_wait3A_332 = tpu.memref_slice %arg5[%dma_wait3A_329, %dma_wait3A_330, %dma_wait3A_331] : memref<4x2048x768xf32, #tpu.memory_space<hbm>> -> memref<1x16x768xf32, #tpu.memory_space<hbm>>
        %dma_wait3A_333 = tpu.memref_squeeze %dma_wait3A_332 : memref<1x16x768xf32, #tpu.memory_space<hbm>> -> memref<16x768xf32, #tpu.memory_space<hbm>>
        %dma_wait3A_334 = arith.constant 0 : i32
        %dma_wait3A_335 = arith.constant 0 : i32
        %dma_wait3A_336 = tpu.memref_slice %arg5[%dma_wait3A_329, %dma_wait3A_334, %dma_wait3A_335] : memref<4x2048x768xf32, #tpu.memory_space<hbm>> -> memref<1x16x768xf32, #tpu.memory_space<hbm>>
        %dma_wait3A_337 = tpu.memref_squeeze %dma_wait3A_336 : memref<1x16x768xf32, #tpu.memory_space<hbm>> -> memref<16x768xf32, #tpu.memory_space<hbm>>
        tpu.wait_dma2 semaphore(%arg16 : memref<!tpu.dma_semaphore, #tpu.memory_space<semaphore_mem>>) src(%arg8 : memref<16x768xf32, #tpu.memory_space<vmem>>) dst(%dma_wait3A_337 : memref<16x768xf32, #tpu.memory_space<hbm>>)
      } else {
      }
      %lt3A_264 = arith.constant 14 : i32
      %lt3A_265 = arith.cmpi slt, %add3A_256, %lt3A_264 : i32
      %convert_element_type3A_266 = arith.extui %lt3A_265 : i1 to i32
      %cond3A_267 = arith.constant 0 : i32
      %cond3A_268 = arith.cmpi ne, %convert_element_type3A_266, %cond3A_267 : i32
      scf.if %cond3A_268 {
        %dma_start3A_329 = arith.constant 0 : i32
        %dma_start3A_330 = tpu.memref_slice %arg6[%add3A_258, %dma_start3A_329] : memref<4x64xi32, #tpu.memory_space<vmem>> -> memref<1x16xi32, #tpu.memory_space<vmem>>
        %dma_start3A_331 = tpu.memref_squeeze %dma_start3A_330 : memref<1x16xi32, #tpu.memory_space<vmem>> -> memref<16xi32, #tpu.memory_space<vmem>>
        %dma_start3A_332 = arith.constant 0 : i32
        %dma_start3A_333 = arith.constant 0 : i32
        %dma_start3A_334 = tpu.memref_slice %arg3[%dma_start3A_332, %dma_start3A_333] : memref<50257x768xf32, #tpu.memory_space<hbm>> -> memref<50257x768xf32, #tpu.memory_space<hbm>>
        tpu.enqueue_indirect_dma source(%dma_start3A_334 : memref<50257x768xf32, #tpu.memory_space<hbm>>) target(%arg8 : memref<16x768xf32, #tpu.memory_space<vmem>>) offsets(%dma_start3A_331 : memref<16xi32, #tpu.memory_space<vmem>>) semaphore(%arg12 : memref<!tpu.dma_semaphore, #tpu.memory_space<semaphore_mem>>)
      } else {
      }
      %dma_wait3A_269 = arith.constant 32 : i32
      %dma_wait3A_270 = tpu.memref_slice %arg6[%scan3A_182, %dma_wait3A_269] : memref<4x64xi32, #tpu.memory_space<vmem>> -> memref<1x16xi32, #tpu.memory_space<vmem>>
      %dma_wait3A_271 = tpu.memref_squeeze %dma_wait3A_270 : memref<1x16xi32, #tpu.memory_space<vmem>> -> memref<16xi32, #tpu.memory_space<vmem>>
      %dma_wait3A_272 = arith.constant 0 : i32
      %dma_wait3A_273 = arith.constant 0 : i32
      %dma_wait3A_274 = tpu.memref_slice %arg3[%dma_wait3A_272, %dma_wait3A_273] : memref<50257x768xf32, #tpu.memory_space<hbm>> -> memref<50257x768xf32, #tpu.memory_space<hbm>>
      tpu.wait_indirect_dma semaphore(%arg14 : memref<!tpu.dma_semaphore, #tpu.memory_space<semaphore_mem>>) src(%dma_wait3A_274 : memref<50257x768xf32, #tpu.memory_space<hbm>>) dst(%arg10 : memref<16x768xf32, #tpu.memory_space<vmem>>)
      %eq3A_275 = arith.constant 0 : i32
      %eq3A_276 = arith.cmpi eq, %scan3A_182, %eq3A_275 : i32
      %convert_element_type3A_277 = arith.extui %eq3A_276 : i1 to i32
      %cond3A_278 = arith.constant 0 : i32
      %cond3A_279 = arith.cmpi ne, %convert_element_type3A_277, %cond3A_278 : i32
      scf.if %cond3A_279 {
        %add3A_329 = arith.constant 32 : i32
        %add3A_330 = arith.addi %mul3A_2, %add3A_329 : i32
        %dma_wait3A_331 = arith.constant 32 : i32
        %dma_wait3A_332 = arith.constant 0 : i32
        %dma_wait3A_333 = tpu.memref_slice %arg7[%dma_wait3A_331, %dma_wait3A_332] : memref<64x768xf32, #tpu.memory_space<vmem>> -> memref<16x768xf32, #tpu.memory_space<vmem>>
        %dma_wait3A_334 = arith.constant 0 : i32
        %dma_wait3A_335 = tpu.memref_slice %arg4[%add3A_330, %dma_wait3A_334] : memref<2048x768xf32, #tpu.memory_space<hbm>> -> memref<16x768xf32, #tpu.memory_space<hbm>>
        %dma_wait3A_336 = arith.constant 32 : i32
        %dma_wait3A_337 = arith.constant 0 : i32
        %dma_wait3A_338 = tpu.memref_slice %arg7[%dma_wait3A_336, %dma_wait3A_337] : memref<64x768xf32, #tpu.memory_space<vmem>> -> memref<16x768xf32, #tpu.memory_space<vmem>>
        %dma_wait3A_339 = arith.constant 0 : i32
        %dma_wait3A_340 = tpu.memref_slice %arg4[%add3A_330, %dma_wait3A_339] : memref<2048x768xf32, #tpu.memory_space<hbm>> -> memref<16x768xf32, #tpu.memory_space<hbm>>
        tpu.wait_dma2 semaphore(%arg22 : memref<!tpu.dma_semaphore, #tpu.memory_space<semaphore_mem>>) src(%dma_wait3A_340 : memref<16x768xf32, #tpu.memory_space<hbm>>) dst(%dma_wait3A_338 : memref<16x768xf32, #tpu.memory_space<vmem>>)
      } else {
      }
      %parallel_loop3A_280 = arith.constant 0 : i32
      %parallel_loop3A_281 = arith.constant 16 : i32
      %parallel_loop3A_282 = arith.constant 1 : i32
      scf.for %parallel_loop3A_329 = %parallel_loop3A_280 to %parallel_loop3A_281 step %parallel_loop3A_282  : i32 {
        %parallel_loop3A_330 = arith.constant 32 : i32
        %parallel_loop3A_331 = arith.addi %parallel_loop3A_330, %parallel_loop3A_329 : i32
        %parallel_loop3A_332 = arith.index_cast %parallel_loop3A_331 : i32 to index
        %parallel_loop3A_333 = arith.constant 0 : index
        %parallel_loop3A_334 = tpu.vector_load %arg7[%parallel_loop3A_332, %parallel_loop3A_333] {strides = array<i32>} : memref<64x768xf32, #tpu.memory_space<vmem>>, vector<1x16xf32>,
        %parallel_loop3A_335 = vector.shape_cast %parallel_loop3A_334 : vector<1x16xf32> to vector<16xf32>
        %parallel_loop3A_336 = arith.index_cast %parallel_loop3A_329 : i32 to index
        %parallel_loop3A_337 = arith.constant 0 : index
        %parallel_loop3A_338 = tpu.vector_load %arg10[%parallel_loop3A_336, %parallel_loop3A_337] {strides = array<i32>} : memref<16x768xf32, #tpu.memory_space<vmem>>, vector<1x16xf32>,
        %parallel_loop3A_339 = vector.shape_cast %parallel_loop3A_338 : vector<1x16xf32> to vector<16xf32>
        %parallel_loop3A_340 = vector.shape_cast %parallel_loop3A_335 : vector<16xf32> to vector<1x16xf32>
        tpu.vector_store %arg10[%parallel_loop3A_336, %parallel_loop3A_337], %parallel_loop3A_340 {add = true, strides = array<i32>} : memref<16x768xf32, #tpu.memory_space<vmem>>, vector<1x16xf32>,
        %parallel_loop3A_341 = arith.constant 32 : i32
        %parallel_loop3A_342 = arith.addi %parallel_loop3A_341, %parallel_loop3A_329 : i32
        %parallel_loop3A_343 = arith.index_cast %parallel_loop3A_342 : i32 to index
        %parallel_loop3A_344 = arith.constant 16 : index
        %parallel_loop3A_345 = tpu.vector_load %arg7[%parallel_loop3A_343, %parallel_loop3A_344] {strides = array<i32>} : memref<64x768xf32, #tpu.memory_space<vmem>>, vector<1x16xf32>,
        %parallel_loop3A_346 = vector.shape_cast %parallel_loop3A_345 : vector<1x16xf32> to vector<16xf32>
        %parallel_loop3A_347 = arith.index_cast %parallel_loop3A_329 : i32 to index
        %parallel_loop3A_348 = arith.constant 16 : index
        %parallel_loop3A_349 = tpu.vector_load %arg10[%parallel_loop3A_347, %parallel_loop3A_348] {strides = array<i32>} : memref<16x768xf32, #tpu.memory_space<vmem>>, vector<1x16xf32>,
        %parallel_loop3A_350 = vector.shape_cast %parallel_loop3A_349 : vector<1x16xf32> to vector<16xf32>
        %parallel_loop3A_351 = vector.shape_cast %parallel_loop3A_346 : vector<16xf32> to vector<1x16xf32>
        tpu.vector_store %arg10[%parallel_loop3A_347, %parallel_loop3A_348], %parallel_loop3A_351 {add = true, strides = array<i32>} : memref<16x768xf32, #tpu.memory_space<vmem>>, vector<1x16xf32>,
        %parallel_loop3A_352 = arith.constant 32 : i32
        %parallel_loop3A_353 = arith.addi %parallel_loop3A_352, %parallel_loop3A_329 : i32
        %parallel_loop3A_354 = arith.index_cast %parallel_loop3A_353 : i32 to index
        %parallel_loop3A_355 = arith.constant 32 : index
        %parallel_loop3A_356 = tpu.vector_load %arg7[%parallel_loop3A_354, %parallel_loop3A_355] {strides = array<i32>} : memref<64x768xf32, #tpu.memory_space<vmem>>, vector<1x16xf32>,
        %parallel_loop3A_357 = vector.shape_cast %parallel_loop3A_356 : vector<1x16xf32> to vector<16xf32>
        %parallel_loop3A_358 = arith.index_cast %parallel_loop3A_329 : i32 to index
        %parallel_loop3A_359 = arith.constant 32 : index
        %parallel_loop3A_360 = tpu.vector_load %arg10[%parallel_loop3A_358, %parallel_loop3A_359] {strides = array<i32>} : memref<16x768xf32, #tpu.memory_space<vmem>>, vector<1x16xf32>,
        %parallel_loop3A_361 = vector.shape_cast %parallel_loop3A_360 : vector<1x16xf32> to vector<16xf32>
        %parallel_loop3A_362 = vector.shape_cast %parallel_loop3A_357 : vector<16xf32> to vector<1x16xf32>
        tpu.vector_store %arg10[%parallel_loop3A_358, %parallel_loop3A_359], %parallel_loop3A_362 {add = true, strides = array<i32>} : memref<16x768xf32, #tpu.memory_space<vmem>>, vector<1x16xf32>,
        %parallel_loop3A_363 = arith.constant 32 : i32
        %parallel_loop3A_364 = arith.addi %parallel_loop3A_363, %parallel_loop3A_329 : i32
        %parallel_loop3A_365 = arith.index_cast %parallel_loop3A_364 : i32 to index
        %parallel_loop3A_366 = arith.constant 48 : index
        %parallel_loop3A_367 = tpu.vector_load %arg7[%parallel_loop3A_365, %parallel_loop3A_366] {strides = array<i32>} : memref<64x768xf32, #tpu.memory_space<vmem>>, vector<1x16xf32>,
        %parallel_loop3A_368 = vector.shape_cast %parallel_loop3A_367 : vector<1x16xf32> to vector<16xf32>
        %parallel_loop3A_369 = arith.index_cast %parallel_loop3A_329 : i32 to index
        %parallel_loop3A_370 = arith.constant 48 : index
        %parallel_loop3A_371 = tpu.vector_load %arg10[%parallel_loop3A_369, %parallel_loop3A_370] {strides = array<i32>} : memref<16x768xf32, #tpu.memory_space<vmem>>, vector<1x16xf32>,
        %parallel_loop3A_372 = vector.shape_cast %parallel_loop3A_371 : vector<1x16xf32> to vector<16xf32>
        %parallel_loop3A_373 = vector.shape_cast %parallel_loop3A_368 : vector<16xf32> to vector<1x16xf32>
        tpu.vector_store %arg10[%parallel_loop3A_369, %parallel_loop3A_370], %parallel_loop3A_373 {add = true, strides = array<i32>} : memref<16x768xf32, #tpu.memory_space<vmem>>, vector<1x16xf32>,
        %parallel_loop3A_374 = arith.constant 32 : i32
        %parallel_loop3A_375 = arith.addi %parallel_loop3A_374, %parallel_loop3A_329 : i32
        %parallel_loop3A_376 = arith.index_cast %parallel_loop3A_375 : i32 to index
        %parallel_loop3A_377 = arith.constant 64 : index
        %parallel_loop3A_378 = tpu.vector_load %arg7[%parallel_loop3A_376, %parallel_loop3A_377] {strides = array<i32>} : memref<64x768xf32, #tpu.memory_space<vmem>>, vector<1x16xf32>,
        %parallel_loop3A_379 = vector.shape_cast %parallel_loop3A_378 : vector<1x16xf32> to vector<16xf32>
        %parallel_loop3A_380 = arith.index_cast %parallel_loop3A_329 : i32 to index
        %parallel_loop3A_381 = arith.constant 64 : index
        %parallel_loop3A_382 = tpu.vector_load %arg10[%parallel_loop3A_380, %parallel_loop3A_381] {strides = array<i32>} : memref<16x768xf32, #tpu.memory_space<vmem>>, vector<1x16xf32>,
        %parallel_loop3A_383 = vector.shape_cast %parallel_loop3A_382 : vector<1x16xf32> to vector<16xf32>
        %parallel_loop3A_384 = vector.shape_cast %parallel_loop3A_379 : vector<16xf32> to vector<1x16xf32>
        tpu.vector_store %arg10[%parallel_loop3A_380, %parallel_loop3A_381], %parallel_loop3A_384 {add = true, strides = array<i32>} : memref<16x768xf32, #tpu.memory_space<vmem>>, vector<1x16xf32>,
        %parallel_loop3A_385 = arith.constant 32 : i32
        %parallel_loop3A_386 = arith.addi %parallel_loop3A_385, %parallel_loop3A_329 : i32
        %parallel_loop3A_387 = arith.index_cast %parallel_loop3A_386 : i32 to index
        %parallel_loop3A_388 = arith.constant 80 : index
        %parallel_loop3A_389 = tpu.vector_load %arg7[%parallel_loop3A_387, %parallel_loop3A_388] {strides = array<i32>} : memref<64x768xf32, #tpu.memory_space<vmem>>, vector<1x16xf32>,
        %parallel_loop3A_390 = vector.shape_cast %parallel_loop3A_389 : vector<1x16xf32> to vector<16xf32>
        %parallel_loop3A_391 = arith.index_cast %parallel_loop3A_329 : i32 to index
        %parallel_loop3A_392 = arith.constant 80 : index
        %parallel_loop3A_393 = tpu.vector_load %arg10[%parallel_loop3A_391, %parallel_loop3A_392] {strides = array<i32>} : memref<16x768xf32, #tpu.memory_space<vmem>>, vector<1x16xf32>,
        %parallel_loop3A_394 = vector.shape_cast %parallel_loop3A_393 : vector<1x16xf32> to vector<16xf32>
        %parallel_loop3A_395 = vector.shape_cast %parallel_loop3A_390 : vector<16xf32> to vector<1x16xf32>
        tpu.vector_store %arg10[%parallel_loop3A_391, %parallel_loop3A_392], %parallel_loop3A_395 {add = true, strides = array<i32>} : memref<16x768xf32, #tpu.memory_space<vmem>>, vector<1x16xf32>,
        %parallel_loop3A_396 = arith.constant 32 : i32
        %parallel_loop3A_397 = arith.addi %parallel_loop3A_396, %parallel_loop3A_329 : i32
        %parallel_loop3A_398 = arith.index_cast %parallel_loop3A_397 : i32 to index
        %parallel_loop3A_399 = arith.constant 96 : index
        %parallel_loop3A_400 = tpu.vector_load %arg7[%parallel_loop3A_398, %parallel_loop3A_399] {strides = array<i32>} : memref<64x768xf32, #tpu.memory_space<vmem>>, vector<1x16xf32>,
        %parallel_loop3A_401 = vector.shape_cast %parallel_loop3A_400 : vector<1x16xf32> to vector<16xf32>
        %parallel_loop3A_402 = arith.index_cast %parallel_loop3A_329 : i32 to index
        %parallel_loop3A_403 = arith.constant 96 : index
        %parallel_loop3A_404 = tpu.vector_load %arg10[%parallel_loop3A_402, %parallel_loop3A_403] {strides = array<i32>} : memref<16x768xf32, #tpu.memory_space<vmem>>, vector<1x16xf32>,
        %parallel_loop3A_405 = vector.shape_cast %parallel_loop3A_404 : vector<1x16xf32> to vector<16xf32>
        %parallel_loop3A_406 = vector.shape_cast %parallel_loop3A_401 : vector<16xf32> to vector<1x16xf32>
        tpu.vector_store %arg10[%parallel_loop3A_402, %parallel_loop3A_403], %parallel_loop3A_406 {add = true, strides = array<i32>} : memref<16x768xf32, #tpu.memory_space<vmem>>, vector<1x16xf32>,
        %parallel_loop3A_407 = arith.constant 32 : i32
        %parallel_loop3A_408 = arith.addi %parallel_loop3A_407, %parallel_loop3A_329 : i32
        %parallel_loop3A_409 = arith.index_cast %parallel_loop3A_408 : i32 to index
        %parallel_loop3A_410 = arith.constant 112 : index
        %parallel_loop3A_411 = tpu.vector_load %arg7[%parallel_loop3A_409, %parallel_loop3A_410] {strides = array<i32>} : memref<64x768xf32, #tpu.memory_space<vmem>>, vector<1x16xf32>,
        %parallel_loop3A_412 = vector.shape_cast %parallel_loop3A_411 : vector<1x16xf32> to vector<16xf32>
        %parallel_loop3A_413 = arith.index_cast %parallel_loop3A_329 : i32 to index
        %parallel_loop3A_414 = arith.constant 112 : index
        %parallel_loop3A_415 = tpu.vector_load %arg10[%parallel_loop3A_413, %parallel_loop3A_414] {strides = array<i32>} : memref<16x768xf32, #tpu.memory_space<vmem>>, vector<1x16xf32>,
        %parallel_loop3A_416 = vector.shape_cast %parallel_loop3A_415 : vector<1x16xf32> to vector<16xf32>
        %parallel_loop3A_417 = vector.shape_cast %parallel_loop3A_412 : vector<16xf32> to vector<1x16xf32>
        tpu.vector_store %arg10[%parallel_loop3A_413, %parallel_loop3A_414], %parallel_loop3A_417 {add = true, strides = array<i32>} : memref<16x768xf32, #tpu.memory_space<vmem>>, vector<1x16xf32>,
        %parallel_loop3A_418 = arith.constant 32 : i32
        %parallel_loop3A_419 = arith.addi %parallel_loop3A_418, %parallel_loop3A_329 : i32
        %parallel_loop3A_420 = arith.index_cast %parallel_loop3A_419 : i32 to index
        %parallel_loop3A_421 = arith.constant 128 : index
        %parallel_loop3A_422 = tpu.vector_load %arg7[%parallel_loop3A_420, %parallel_loop3A_421] {strides = array<i32>} : memref<64x768xf32, #tpu.memory_space<vmem>>, vector<1x16xf32>,
        %parallel_loop3A_423 = vector.shape_cast %parallel_loop3A_422 : vector<1x16xf32> to vector<16xf32>
        %parallel_loop3A_424 = arith.index_cast %parallel_loop3A_329 : i32 to index
        %parallel_loop3A_425 = arith.constant 128 : index
        %parallel_loop3A_426 = tpu.vector_load %arg10[%parallel_loop3A_424, %parallel_loop3A_425] {strides = array<i32>} : memref<16x768xf32, #tpu.memory_space<vmem>>, vector<1x16xf32>,
        %parallel_loop3A_427 = vector.shape_cast %parallel_loop3A_426 : vector<1x16xf32> to vector<16xf32>
        %parallel_loop3A_428 = vector.shape_cast %parallel_loop3A_423 : vector<16xf32> to vector<1x16xf32>
        tpu.vector_store %arg10[%parallel_loop3A_424, %parallel_loop3A_425], %parallel_loop3A_428 {add = true, strides = array<i32>} : memref<16x768xf32, #tpu.memory_space<vmem>>, vector<1x16xf32>,
        %parallel_loop3A_429 = arith.constant 32 : i32
        %parallel_loop3A_430 = arith.addi %parallel_loop3A_429, %parallel_loop3A_329 : i32
        %parallel_loop3A_431 = arith.index_cast %parallel_loop3A_430 : i32 to index
        %parallel_loop3A_432 = arith.constant 144 : index
        %parallel_loop3A_433 = tpu.vector_load %arg7[%parallel_loop3A_431, %parallel_loop3A_432] {strides = array<i32>} : memref<64x768xf32, #tpu.memory_space<vmem>>, vector<1x16xf32>,
        %parallel_loop3A_434 = vector.shape_cast %parallel_loop3A_433 : vector<1x16xf32> to vector<16xf32>
        %parallel_loop3A_435 = arith.index_cast %parallel_loop3A_329 : i32 to index
        %parallel_loop3A_436 = arith.constant 144 : index
        %parallel_loop3A_437 = tpu.vector_load %arg10[%parallel_loop3A_435, %parallel_loop3A_436] {strides = array<i32>} : memref<16x768xf32, #tpu.memory_space<vmem>>, vector<1x16xf32>,
        %parallel_loop3A_438 = vector.shape_cast %parallel_loop3A_437 : vector<1x16xf32> to vector<16xf32>
        %parallel_loop3A_439 = vector.shape_cast %parallel_loop3A_434 : vector<16xf32> to vector<1x16xf32>
        tpu.vector_store %arg10[%parallel_loop3A_435, %parallel_loop3A_436], %parallel_loop3A_439 {add = true, strides = array<i32>} : memref<16x768xf32, #tpu.memory_space<vmem>>, vector<1x16xf32>,
        %parallel_loop3A_440 = arith.constant 32 : i32
        %parallel_loop3A_441 = arith.addi %parallel_loop3A_440, %parallel_loop3A_329 : i32
        %parallel_loop3A_442 = arith.index_cast %parallel_loop3A_441 : i32 to index
        %parallel_loop3A_443 = arith.constant 160 : index
        %parallel_loop3A_444 = tpu.vector_load %arg7[%parallel_loop3A_442, %parallel_loop3A_443] {strides = array<i32>} : memref<64x768xf32, #tpu.memory_space<vmem>>, vector<1x16xf32>,
        %parallel_loop3A_445 = vector.shape_cast %parallel_loop3A_444 : vector<1x16xf32> to vector<16xf32>
        %parallel_loop3A_446 = arith.index_cast %parallel_loop3A_329 : i32 to index
        %parallel_loop3A_447 = arith.constant 160 : index
        %parallel_loop3A_448 = tpu.vector_load %arg10[%parallel_loop3A_446, %parallel_loop3A_447] {strides = array<i32>} : memref<16x768xf32, #tpu.memory_space<vmem>>, vector<1x16xf32>,
        %parallel_loop3A_449 = vector.shape_cast %parallel_loop3A_448 : vector<1x16xf32> to vector<16xf32>
        %parallel_loop3A_450 = vector.shape_cast %parallel_loop3A_445 : vector<16xf32> to vector<1x16xf32>
        tpu.vector_store %arg10[%parallel_loop3A_446, %parallel_loop3A_447], %parallel_loop3A_450 {add = true, strides = array<i32>} : memref<16x768xf32, #tpu.memory_space<vmem>>, vector<1x16xf32>,
        %parallel_loop3A_451 = arith.constant 32 : i32
        %parallel_loop3A_452 = arith.addi %parallel_loop3A_451, %parallel_loop3A_329 : i32
        %parallel_loop3A_453 = arith.index_cast %parallel_loop3A_452 : i32 to index
        %parallel_loop3A_454 = arith.constant 176 : index
        %parallel_loop3A_455 = tpu.vector_load %arg7[%parallel_loop3A_453, %parallel_loop3A_454] {strides = array<i32>} : memref<64x768xf32, #tpu.memory_space<vmem>>, vector<1x16xf32>,
        %parallel_loop3A_456 = vector.shape_cast %parallel_loop3A_455 : vector<1x16xf32> to vector<16xf32>
        %parallel_loop3A_457 = arith.index_cast %parallel_loop3A_329 : i32 to index
        %parallel_loop3A_458 = arith.constant 176 : index
        %parallel_loop3A_459 = tpu.vector_load %arg10[%parallel_loop3A_457, %parallel_loop3A_458] {strides = array<i32>} : memref<16x768xf32, #tpu.memory_space<vmem>>, vector<1x16xf32>,
        %parallel_loop3A_460 = vector.shape_cast %parallel_loop3A_459 : vector<1x16xf32> to vector<16xf32>
        %parallel_loop3A_461 = vector.shape_cast %parallel_loop3A_456 : vector<16xf32> to vector<1x16xf32>
        tpu.vector_store %arg10[%parallel_loop3A_457, %parallel_loop3A_458], %parallel_loop3A_461 {add = true, strides = array<i32>} : memref<16x768xf32, #tpu.memory_space<vmem>>, vector<1x16xf32>,
        %parallel_loop3A_462 = arith.constant 32 : i32
        %parallel_loop3A_463 = arith.addi %parallel_loop3A_462, %parallel_loop3A_329 : i32
        %parallel_loop3A_464 = arith.index_cast %parallel_loop3A_463 : i32 to index
        %parallel_loop3A_465 = arith.constant 192 : index
        %parallel_loop3A_466 = tpu.vector_load %arg7[%parallel_loop3A_464, %parallel_loop3A_465] {strides = array<i32>} : memref<64x768xf32, #tpu.memory_space<vmem>>, vector<1x16xf32>,
        %parallel_loop3A_467 = vector.shape_cast %parallel_loop3A_466 : vector<1x16xf32> to vector<16xf32>
        %parallel_loop3A_468 = arith.index_cast %parallel_loop3A_329 : i32 to index
        %parallel_loop3A_469 = arith.constant 192 : index
        %parallel_loop3A_470 = tpu.vector_load %arg10[%parallel_loop3A_468, %parallel_loop3A_469] {strides = array<i32>} : memref<16x768xf32, #tpu.memory_space<vmem>>, vector<1x16xf32>,
        %parallel_loop3A_471 = vector.shape_cast %parallel_loop3A_470 : vector<1x16xf32> to vector<16xf32>
        %parallel_loop3A_472 = vector.shape_cast %parallel_loop3A_467 : vector<16xf32> to vector<1x16xf32>
        tpu.vector_store %arg10[%parallel_loop3A_468, %parallel_loop3A_469], %parallel_loop3A_472 {add = true, strides = array<i32>} : memref<16x768xf32, #tpu.memory_space<vmem>>, vector<1x16xf32>,
        %parallel_loop3A_473 = arith.constant 32 : i32
        %parallel_loop3A_474 = arith.addi %parallel_loop3A_473, %parallel_loop3A_329 : i32
        %parallel_loop3A_475 = arith.index_cast %parallel_loop3A_474 : i32 to index
        %parallel_loop3A_476 = arith.constant 208 : index
        %parallel_loop3A_477 = tpu.vector_load %arg7[%parallel_loop3A_475, %parallel_loop3A_476] {strides = array<i32>} : memref<64x768xf32, #tpu.memory_space<vmem>>, vector<1x16xf32>,
        %parallel_loop3A_478 = vector.shape_cast %parallel_loop3A_477 : vector<1x16xf32> to vector<16xf32>
        %parallel_loop3A_479 = arith.index_cast %parallel_loop3A_329 : i32 to index
        %parallel_loop3A_480 = arith.constant 208 : index
        %parallel_loop3A_481 = tpu.vector_load %arg10[%parallel_loop3A_479, %parallel_loop3A_480] {strides = array<i32>} : memref<16x768xf32, #tpu.memory_space<vmem>>, vector<1x16xf32>,
        %parallel_loop3A_482 = vector.shape_cast %parallel_loop3A_481 : vector<1x16xf32> to vector<16xf32>
        %parallel_loop3A_483 = vector.shape_cast %parallel_loop3A_478 : vector<16xf32> to vector<1x16xf32>
        tpu.vector_store %arg10[%parallel_loop3A_479, %parallel_loop3A_480], %parallel_loop3A_483 {add = true, strides = array<i32>} : memref<16x768xf32, #tpu.memory_space<vmem>>, vector<1x16xf32>,
        %parallel_loop3A_484 = arith.constant 32 : i32
        %parallel_loop3A_485 = arith.addi %parallel_loop3A_484, %parallel_loop3A_329 : i32
        %parallel_loop3A_486 = arith.index_cast %parallel_loop3A_485 : i32 to index
        %parallel_loop3A_487 = arith.constant 224 : index
        %parallel_loop3A_488 = tpu.vector_load %arg7[%parallel_loop3A_486, %parallel_loop3A_487] {strides = array<i32>} : memref<64x768xf32, #tpu.memory_space<vmem>>, vector<1x16xf32>,
        %parallel_loop3A_489 = vector.shape_cast %parallel_loop3A_488 : vector<1x16xf32> to vector<16xf32>
        %parallel_loop3A_490 = arith.index_cast %parallel_loop3A_329 : i32 to index
        %parallel_loop3A_491 = arith.constant 224 : index
        %parallel_loop3A_492 = tpu.vector_load %arg10[%parallel_loop3A_490, %parallel_loop3A_491] {strides = array<i32>} : memref<16x768xf32, #tpu.memory_space<vmem>>, vector<1x16xf32>,
        %parallel_loop3A_493 = vector.shape_cast %parallel_loop3A_492 : vector<1x16xf32> to vector<16xf32>
        %parallel_loop3A_494 = vector.shape_cast %parallel_loop3A_489 : vector<16xf32> to vector<1x16xf32>
        tpu.vector_store %arg10[%parallel_loop3A_490, %parallel_loop3A_491], %parallel_loop3A_494 {add = true, strides = array<i32>} : memref<16x768xf32, #tpu.memory_space<vmem>>, vector<1x16xf32>,
        %parallel_loop3A_495 = arith.constant 32 : i32
        %parallel_loop3A_496 = arith.addi %parallel_loop3A_495, %parallel_loop3A_329 : i32
        %parallel_loop3A_497 = arith.index_cast %parallel_loop3A_496 : i32 to index
        %parallel_loop3A_498 = arith.constant 240 : index
        %parallel_loop3A_499 = tpu.vector_load %arg7[%parallel_loop3A_497, %parallel_loop3A_498] {strides = array<i32>} : memref<64x768xf32, #tpu.memory_space<vmem>>, vector<1x16xf32>,
        %parallel_loop3A_500 = vector.shape_cast %parallel_loop3A_499 : vector<1x16xf32> to vector<16xf32>
        %parallel_loop3A_501 = arith.index_cast %parallel_loop3A_329 : i32 to index
        %parallel_loop3A_502 = arith.constant 240 : index
        %parallel_loop3A_503 = tpu.vector_load %arg10[%parallel_loop3A_501, %parallel_loop3A_502] {strides = array<i32>} : memref<16x768xf32, #tpu.memory_space<vmem>>, vector<1x16xf32>,
        %parallel_loop3A_504 = vector.shape_cast %parallel_loop3A_503 : vector<1x16xf32> to vector<16xf32>
        %parallel_loop3A_505 = vector.shape_cast %parallel_loop3A_500 : vector<16xf32> to vector<1x16xf32>
        tpu.vector_store %arg10[%parallel_loop3A_501, %parallel_loop3A_502], %parallel_loop3A_505 {add = true, strides = array<i32>} : memref<16x768xf32, #tpu.memory_space<vmem>>, vector<1x16xf32>,
        %parallel_loop3A_506 = arith.constant 32 : i32
        %parallel_loop3A_507 = arith.addi %parallel_loop3A_506, %parallel_loop3A_329 : i32
        %parallel_loop3A_508 = arith.index_cast %parallel_loop3A_507 : i32 to index
        %parallel_loop3A_509 = arith.constant 256 : index
        %parallel_loop3A_510 = tpu.vector_load %arg7[%parallel_loop3A_508, %parallel_loop3A_509] {strides = array<i32>} : memref<64x768xf32, #tpu.memory_space<vmem>>, vector<1x16xf32>,
        %parallel_loop3A_511 = vector.shape_cast %parallel_loop3A_510 : vector<1x16xf32> to vector<16xf32>
        %parallel_loop3A_512 = arith.index_cast %parallel_loop3A_329 : i32 to index
        %parallel_loop3A_513 = arith.constant 256 : index
        %parallel_loop3A_514 = tpu.vector_load %arg10[%parallel_loop3A_512, %parallel_loop3A_513] {strides = array<i32>} : memref<16x768xf32, #tpu.memory_space<vmem>>, vector<1x16xf32>,
        %parallel_loop3A_515 = vector.shape_cast %parallel_loop3A_514 : vector<1x16xf32> to vector<16xf32>
        %parallel_loop3A_516 = vector.shape_cast %parallel_loop3A_511 : vector<16xf32> to vector<1x16xf32>
        tpu.vector_store %arg10[%parallel_loop3A_512, %parallel_loop3A_513], %parallel_loop3A_516 {add = true, strides = array<i32>} : memref<16x768xf32, #tpu.memory_space<vmem>>, vector<1x16xf32>,
        %parallel_loop3A_517 = arith.constant 32 : i32
        %parallel_loop3A_518 = arith.addi %parallel_loop3A_517, %parallel_loop3A_329 : i32
        %parallel_loop3A_519 = arith.index_cast %parallel_loop3A_518 : i32 to index
        %parallel_loop3A_520 = arith.constant 272 : index
        %parallel_loop3A_521 = tpu.vector_load %arg7[%parallel_loop3A_519, %parallel_loop3A_520] {strides = array<i32>} : memref<64x768xf32, #tpu.memory_space<vmem>>, vector<1x16xf32>,
        %parallel_loop3A_522 = vector.shape_cast %parallel_loop3A_521 : vector<1x16xf32> to vector<16xf32>
        %parallel_loop3A_523 = arith.index_cast %parallel_loop3A_329 : i32 to index
        %parallel_loop3A_524 = arith.constant 272 : index
        %parallel_loop3A_525 = tpu.vector_load %arg10[%parallel_loop3A_523, %parallel_loop3A_524] {strides = array<i32>} : memref<16x768xf32, #tpu.memory_space<vmem>>, vector<1x16xf32>,
        %parallel_loop3A_526 = vector.shape_cast %parallel_loop3A_525 : vector<1x16xf32> to vector<16xf32>
        %parallel_loop3A_527 = vector.shape_cast %parallel_loop3A_522 : vector<16xf32> to vector<1x16xf32>
        tpu.vector_store %arg10[%parallel_loop3A_523, %parallel_loop3A_524], %parallel_loop3A_527 {add = true, strides = array<i32>} : memref<16x768xf32, #tpu.memory_space<vmem>>, vector<1x16xf32>,
        %parallel_loop3A_528 = arith.constant 32 : i32
        %parallel_loop3A_529 = arith.addi %parallel_loop3A_528, %parallel_loop3A_329 : i32
        %parallel_loop3A_530 = arith.index_cast %parallel_loop3A_529 : i32 to index
        %parallel_loop3A_531 = arith.constant 288 : index
        %parallel_loop3A_532 = tpu.vector_load %arg7[%parallel_loop3A_530, %parallel_loop3A_531] {strides = array<i32>} : memref<64x768xf32, #tpu.memory_space<vmem>>, vector<1x16xf32>,
        %parallel_loop3A_533 = vector.shape_cast %parallel_loop3A_532 : vector<1x16xf32> to vector<16xf32>
        %parallel_loop3A_534 = arith.index_cast %parallel_loop3A_329 : i32 to index
        %parallel_loop3A_535 = arith.constant 288 : index
        %parallel_loop3A_536 = tpu.vector_load %arg10[%parallel_loop3A_534, %parallel_loop3A_535] {strides = array<i32>} : memref<16x768xf32, #tpu.memory_space<vmem>>, vector<1x16xf32>,
        %parallel_loop3A_537 = vector.shape_cast %parallel_loop3A_536 : vector<1x16xf32> to vector<16xf32>
        %parallel_loop3A_538 = vector.shape_cast %parallel_loop3A_533 : vector<16xf32> to vector<1x16xf32>
        tpu.vector_store %arg10[%parallel_loop3A_534, %parallel_loop3A_535], %parallel_loop3A_538 {add = true, strides = array<i32>} : memref<16x768xf32, #tpu.memory_space<vmem>>, vector<1x16xf32>,
        %parallel_loop3A_539 = arith.constant 32 : i32
        %parallel_loop3A_540 = arith.addi %parallel_loop3A_539, %parallel_loop3A_329 : i32
        %parallel_loop3A_541 = arith.index_cast %parallel_loop3A_540 : i32 to index
        %parallel_loop3A_542 = arith.constant 304 : index
        %parallel_loop3A_543 = tpu.vector_load %arg7[%parallel_loop3A_541, %parallel_loop3A_542] {strides = array<i32>} : memref<64x768xf32, #tpu.memory_space<vmem>>, vector<1x16xf32>,
        %parallel_loop3A_544 = vector.shape_cast %parallel_loop3A_543 : vector<1x16xf32> to vector<16xf32>
        %parallel_loop3A_545 = arith.index_cast %parallel_loop3A_329 : i32 to index
        %parallel_loop3A_546 = arith.constant 304 : index
        %parallel_loop3A_547 = tpu.vector_load %arg10[%parallel_loop3A_545, %parallel_loop3A_546] {strides = array<i32>} : memref<16x768xf32, #tpu.memory_space<vmem>>, vector<1x16xf32>,
        %parallel_loop3A_548 = vector.shape_cast %parallel_loop3A_547 : vector<1x16xf32> to vector<16xf32>
        %parallel_loop3A_549 = vector.shape_cast %parallel_loop3A_544 : vector<16xf32> to vector<1x16xf32>
        tpu.vector_store %arg10[%parallel_loop3A_545, %parallel_loop3A_546], %parallel_loop3A_549 {add = true, strides = array<i32>} : memref<16x768xf32, #tpu.memory_space<vmem>>, vector<1x16xf32>,
        %parallel_loop3A_550 = arith.constant 32 : i32
        %parallel_loop3A_551 = arith.addi %parallel_loop3A_550, %parallel_loop3A_329 : i32
        %parallel_loop3A_552 = arith.index_cast %parallel_loop3A_551 : i32 to index
        %parallel_loop3A_553 = arith.constant 320 : index
        %parallel_loop3A_554 = tpu.vector_load %arg7[%parallel_loop3A_552, %parallel_loop3A_553] {strides = array<i32>} : memref<64x768xf32, #tpu.memory_space<vmem>>, vector<1x16xf32>,
        %parallel_loop3A_555 = vector.shape_cast %parallel_loop3A_554 : vector<1x16xf32> to vector<16xf32>
        %parallel_loop3A_556 = arith.index_cast %parallel_loop3A_329 : i32 to index
        %parallel_loop3A_557 = arith.constant 320 : index
        %parallel_loop3A_558 = tpu.vector_load %arg10[%parallel_loop3A_556, %parallel_loop3A_557] {strides = array<i32>} : memref<16x768xf32, #tpu.memory_space<vmem>>, vector<1x16xf32>,
        %parallel_loop3A_559 = vector.shape_cast %parallel_loop3A_558 : vector<1x16xf32> to vector<16xf32>
        %parallel_loop3A_560 = vector.shape_cast %parallel_loop3A_555 : vector<16xf32> to vector<1x16xf32>
        tpu.vector_store %arg10[%parallel_loop3A_556, %parallel_loop3A_557], %parallel_loop3A_560 {add = true, strides = array<i32>} : memref<16x768xf32, #tpu.memory_space<vmem>>, vector<1x16xf32>,
        %parallel_loop3A_561 = arith.constant 32 : i32
        %parallel_loop3A_562 = arith.addi %parallel_loop3A_561, %parallel_loop3A_329 : i32
        %parallel_loop3A_563 = arith.index_cast %parallel_loop3A_562 : i32 to index
        %parallel_loop3A_564 = arith.constant 336 : index
        %parallel_loop3A_565 = tpu.vector_load %arg7[%parallel_loop3A_563, %parallel_loop3A_564] {strides = array<i32>} : memref<64x768xf32, #tpu.memory_space<vmem>>, vector<1x16xf32>,
        %parallel_loop3A_566 = vector.shape_cast %parallel_loop3A_565 : vector<1x16xf32> to vector<16xf32>
        %parallel_loop3A_567 = arith.index_cast %parallel_loop3A_329 : i32 to index
        %parallel_loop3A_568 = arith.constant 336 : index
        %parallel_loop3A_569 = tpu.vector_load %arg10[%parallel_loop3A_567, %parallel_loop3A_568] {strides = array<i32>} : memref<16x768xf32, #tpu.memory_space<vmem>>, vector<1x16xf32>,
        %parallel_loop3A_570 = vector.shape_cast %parallel_loop3A_569 : vector<1x16xf32> to vector<16xf32>
        %parallel_loop3A_571 = vector.shape_cast %parallel_loop3A_566 : vector<16xf32> to vector<1x16xf32>
        tpu.vector_store %arg10[%parallel_loop3A_567, %parallel_loop3A_568], %parallel_loop3A_571 {add = true, strides = array<i32>} : memref<16x768xf32, #tpu.memory_space<vmem>>, vector<1x16xf32>,
        %parallel_loop3A_572 = arith.constant 32 : i32
        %parallel_loop3A_573 = arith.addi %parallel_loop3A_572, %parallel_loop3A_329 : i32
        %parallel_loop3A_574 = arith.index_cast %parallel_loop3A_573 : i32 to index
        %parallel_loop3A_575 = arith.constant 352 : index
        %parallel_loop3A_576 = tpu.vector_load %arg7[%parallel_loop3A_574, %parallel_loop3A_575] {strides = array<i32>} : memref<64x768xf32, #tpu.memory_space<vmem>>, vector<1x16xf32>,
        %parallel_loop3A_577 = vector.shape_cast %parallel_loop3A_576 : vector<1x16xf32> to vector<16xf32>
        %parallel_loop3A_578 = arith.index_cast %parallel_loop3A_329 : i32 to index
        %parallel_loop3A_579 = arith.constant 352 : index
        %parallel_loop3A_580 = tpu.vector_load %arg10[%parallel_loop3A_578, %parallel_loop3A_579] {strides = array<i32>} : memref<16x768xf32, #tpu.memory_space<vmem>>, vector<1x16xf32>,
        %parallel_loop3A_581 = vector.shape_cast %parallel_loop3A_580 : vector<1x16xf32> to vector<16xf32>
        %parallel_loop3A_582 = vector.shape_cast %parallel_loop3A_577 : vector<16xf32> to vector<1x16xf32>
        tpu.vector_store %arg10[%parallel_loop3A_578, %parallel_loop3A_579], %parallel_loop3A_582 {add = true, strides = array<i32>} : memref<16x768xf32, #tpu.memory_space<vmem>>, vector<1x16xf32>,
        %parallel_loop3A_583 = arith.constant 32 : i32
        %parallel_loop3A_584 = arith.addi %parallel_loop3A_583, %parallel_loop3A_329 : i32
        %parallel_loop3A_585 = arith.index_cast %parallel_loop3A_584 : i32 to index
        %parallel_loop3A_586 = arith.constant 368 : index
        %parallel_loop3A_587 = tpu.vector_load %arg7[%parallel_loop3A_585, %parallel_loop3A_586] {strides = array<i32>} : memref<64x768xf32, #tpu.memory_space<vmem>>, vector<1x16xf32>,
        %parallel_loop3A_588 = vector.shape_cast %parallel_loop3A_587 : vector<1x16xf32> to vector<16xf32>
        %parallel_loop3A_589 = arith.index_cast %parallel_loop3A_329 : i32 to index
        %parallel_loop3A_590 = arith.constant 368 : index
        %parallel_loop3A_591 = tpu.vector_load %arg10[%parallel_loop3A_589, %parallel_loop3A_590] {strides = array<i32>} : memref<16x768xf32, #tpu.memory_space<vmem>>, vector<1x16xf32>,
        %parallel_loop3A_592 = vector.shape_cast %parallel_loop3A_591 : vector<1x16xf32> to vector<16xf32>
        %parallel_loop3A_593 = vector.shape_cast %parallel_loop3A_588 : vector<16xf32> to vector<1x16xf32>
        tpu.vector_store %arg10[%parallel_loop3A_589, %parallel_loop3A_590], %parallel_loop3A_593 {add = true, strides = array<i32>} : memref<16x768xf32, #tpu.memory_space<vmem>>, vector<1x16xf32>,
        %parallel_loop3A_594 = arith.constant 32 : i32
        %parallel_loop3A_595 = arith.addi %parallel_loop3A_594, %parallel_loop3A_329 : i32
        %parallel_loop3A_596 = arith.index_cast %parallel_loop3A_595 : i32 to index
        %parallel_loop3A_597 = arith.constant 384 : index
        %parallel_loop3A_598 = tpu.vector_load %arg7[%parallel_loop3A_596, %parallel_loop3A_597] {strides = array<i32>} : memref<64x768xf32, #tpu.memory_space<vmem>>, vector<1x16xf32>,
        %parallel_loop3A_599 = vector.shape_cast %parallel_loop3A_598 : vector<1x16xf32> to vector<16xf32>
        %parallel_loop3A_600 = arith.index_cast %parallel_loop3A_329 : i32 to index
        %parallel_loop3A_601 = arith.constant 384 : index
        %parallel_loop3A_602 = tpu.vector_load %arg10[%parallel_loop3A_600, %parallel_loop3A_601] {strides = array<i32>} : memref<16x768xf32, #tpu.memory_space<vmem>>, vector<1x16xf32>,
        %parallel_loop3A_603 = vector.shape_cast %parallel_loop3A_602 : vector<1x16xf32> to vector<16xf32>
        %parallel_loop3A_604 = vector.shape_cast %parallel_loop3A_599 : vector<16xf32> to vector<1x16xf32>
        tpu.vector_store %arg10[%parallel_loop3A_600, %parallel_loop3A_601], %parallel_loop3A_604 {add = true, strides = array<i32>} : memref<16x768xf32, #tpu.memory_space<vmem>>, vector<1x16xf32>,
        %parallel_loop3A_605 = arith.constant 32 : i32
        %parallel_loop3A_606 = arith.addi %parallel_loop3A_605, %parallel_loop3A_329 : i32
        %parallel_loop3A_607 = arith.index_cast %parallel_loop3A_606 : i32 to index
        %parallel_loop3A_608 = arith.constant 400 : index
        %parallel_loop3A_609 = tpu.vector_load %arg7[%parallel_loop3A_607, %parallel_loop3A_608] {strides = array<i32>} : memref<64x768xf32, #tpu.memory_space<vmem>>, vector<1x16xf32>,
        %parallel_loop3A_610 = vector.shape_cast %parallel_loop3A_609 : vector<1x16xf32> to vector<16xf32>
        %parallel_loop3A_611 = arith.index_cast %parallel_loop3A_329 : i32 to index
        %parallel_loop3A_612 = arith.constant 400 : index
        %parallel_loop3A_613 = tpu.vector_load %arg10[%parallel_loop3A_611, %parallel_loop3A_612] {strides = array<i32>} : memref<16x768xf32, #tpu.memory_space<vmem>>, vector<1x16xf32>,
        %parallel_loop3A_614 = vector.shape_cast %parallel_loop3A_613 : vector<1x16xf32> to vector<16xf32>
        %parallel_loop3A_615 = vector.shape_cast %parallel_loop3A_610 : vector<16xf32> to vector<1x16xf32>
        tpu.vector_store %arg10[%parallel_loop3A_611, %parallel_loop3A_612], %parallel_loop3A_615 {add = true, strides = array<i32>} : memref<16x768xf32, #tpu.memory_space<vmem>>, vector<1x16xf32>,
        %parallel_loop3A_616 = arith.constant 32 : i32
        %parallel_loop3A_617 = arith.addi %parallel_loop3A_616, %parallel_loop3A_329 : i32
        %parallel_loop3A_618 = arith.index_cast %parallel_loop3A_617 : i32 to index
        %parallel_loop3A_619 = arith.constant 416 : index
        %parallel_loop3A_620 = tpu.vector_load %arg7[%parallel_loop3A_618, %parallel_loop3A_619] {strides = array<i32>} : memref<64x768xf32, #tpu.memory_space<vmem>>, vector<1x16xf32>,
        %parallel_loop3A_621 = vector.shape_cast %parallel_loop3A_620 : vector<1x16xf32> to vector<16xf32>
        %parallel_loop3A_622 = arith.index_cast %parallel_loop3A_329 : i32 to index
        %parallel_loop3A_623 = arith.constant 416 : index
        %parallel_loop3A_624 = tpu.vector_load %arg10[%parallel_loop3A_622, %parallel_loop3A_623] {strides = array<i32>} : memref<16x768xf32, #tpu.memory_space<vmem>>, vector<1x16xf32>,
        %parallel_loop3A_625 = vector.shape_cast %parallel_loop3A_624 : vector<1x16xf32> to vector<16xf32>
        %parallel_loop3A_626 = vector.shape_cast %parallel_loop3A_621 : vector<16xf32> to vector<1x16xf32>
        tpu.vector_store %arg10[%parallel_loop3A_622, %parallel_loop3A_623], %parallel_loop3A_626 {add = true, strides = array<i32>} : memref<16x768xf32, #tpu.memory_space<vmem>>, vector<1x16xf32>,
        %parallel_loop3A_627 = arith.constant 32 : i32
        %parallel_loop3A_628 = arith.addi %parallel_loop3A_627, %parallel_loop3A_329 : i32
        %parallel_loop3A_629 = arith.index_cast %parallel_loop3A_628 : i32 to index
        %parallel_loop3A_630 = arith.constant 432 : index
        %parallel_loop3A_631 = tpu.vector_load %arg7[%parallel_loop3A_629, %parallel_loop3A_630] {strides = array<i32>} : memref<64x768xf32, #tpu.memory_space<vmem>>, vector<1x16xf32>,
        %parallel_loop3A_632 = vector.shape_cast %parallel_loop3A_631 : vector<1x16xf32> to vector<16xf32>
        %parallel_loop3A_633 = arith.index_cast %parallel_loop3A_329 : i32 to index
        %parallel_loop3A_634 = arith.constant 432 : index
        %parallel_loop3A_635 = tpu.vector_load %arg10[%parallel_loop3A_633, %parallel_loop3A_634] {strides = array<i32>} : memref<16x768xf32, #tpu.memory_space<vmem>>, vector<1x16xf32>,
        %parallel_loop3A_636 = vector.shape_cast %parallel_loop3A_635 : vector<1x16xf32> to vector<16xf32>
        %parallel_loop3A_637 = vector.shape_cast %parallel_loop3A_632 : vector<16xf32> to vector<1x16xf32>
        tpu.vector_store %arg10[%parallel_loop3A_633, %parallel_loop3A_634], %parallel_loop3A_637 {add = true, strides = array<i32>} : memref<16x768xf32, #tpu.memory_space<vmem>>, vector<1x16xf32>,
        %parallel_loop3A_638 = arith.constant 32 : i32
        %parallel_loop3A_639 = arith.addi %parallel_loop3A_638, %parallel_loop3A_329 : i32
        %parallel_loop3A_640 = arith.index_cast %parallel_loop3A_639 : i32 to index
        %parallel_loop3A_641 = arith.constant 448 : index
        %parallel_loop3A_642 = tpu.vector_load %arg7[%parallel_loop3A_640, %parallel_loop3A_641] {strides = array<i32>} : memref<64x768xf32, #tpu.memory_space<vmem>>, vector<1x16xf32>,
        %parallel_loop3A_643 = vector.shape_cast %parallel_loop3A_642 : vector<1x16xf32> to vector<16xf32>
        %parallel_loop3A_644 = arith.index_cast %parallel_loop3A_329 : i32 to index
        %parallel_loop3A_645 = arith.constant 448 : index
        %parallel_loop3A_646 = tpu.vector_load %arg10[%parallel_loop3A_644, %parallel_loop3A_645] {strides = array<i32>} : memref<16x768xf32, #tpu.memory_space<vmem>>, vector<1x16xf32>,
        %parallel_loop3A_647 = vector.shape_cast %parallel_loop3A_646 : vector<1x16xf32> to vector<16xf32>
        %parallel_loop3A_648 = vector.shape_cast %parallel_loop3A_643 : vector<16xf32> to vector<1x16xf32>
        tpu.vector_store %arg10[%parallel_loop3A_644, %parallel_loop3A_645], %parallel_loop3A_648 {add = true, strides = array<i32>} : memref<16x768xf32, #tpu.memory_space<vmem>>, vector<1x16xf32>,
        %parallel_loop3A_649 = arith.constant 32 : i32
        %parallel_loop3A_650 = arith.addi %parallel_loop3A_649, %parallel_loop3A_329 : i32
        %parallel_loop3A_651 = arith.index_cast %parallel_loop3A_650 : i32 to index
        %parallel_loop3A_652 = arith.constant 464 : index
        %parallel_loop3A_653 = tpu.vector_load %arg7[%parallel_loop3A_651, %parallel_loop3A_652] {strides = array<i32>} : memref<64x768xf32, #tpu.memory_space<vmem>>, vector<1x16xf32>,
        %parallel_loop3A_654 = vector.shape_cast %parallel_loop3A_653 : vector<1x16xf32> to vector<16xf32>
        %parallel_loop3A_655 = arith.index_cast %parallel_loop3A_329 : i32 to index
        %parallel_loop3A_656 = arith.constant 464 : index
        %parallel_loop3A_657 = tpu.vector_load %arg10[%parallel_loop3A_655, %parallel_loop3A_656] {strides = array<i32>} : memref<16x768xf32, #tpu.memory_space<vmem>>, vector<1x16xf32>,
        %parallel_loop3A_658 = vector.shape_cast %parallel_loop3A_657 : vector<1x16xf32> to vector<16xf32>
        %parallel_loop3A_659 = vector.shape_cast %parallel_loop3A_654 : vector<16xf32> to vector<1x16xf32>
        tpu.vector_store %arg10[%parallel_loop3A_655, %parallel_loop3A_656], %parallel_loop3A_659 {add = true, strides = array<i32>} : memref<16x768xf32, #tpu.memory_space<vmem>>, vector<1x16xf32>,
        %parallel_loop3A_660 = arith.constant 32 : i32
        %parallel_loop3A_661 = arith.addi %parallel_loop3A_660, %parallel_loop3A_329 : i32
        %parallel_loop3A_662 = arith.index_cast %parallel_loop3A_661 : i32 to index
        %parallel_loop3A_663 = arith.constant 480 : index
        %parallel_loop3A_664 = tpu.vector_load %arg7[%parallel_loop3A_662, %parallel_loop3A_663] {strides = array<i32>} : memref<64x768xf32, #tpu.memory_space<vmem>>, vector<1x16xf32>,
        %parallel_loop3A_665 = vector.shape_cast %parallel_loop3A_664 : vector<1x16xf32> to vector<16xf32>
        %parallel_loop3A_666 = arith.index_cast %parallel_loop3A_329 : i32 to index
        %parallel_loop3A_667 = arith.constant 480 : index
        %parallel_loop3A_668 = tpu.vector_load %arg10[%parallel_loop3A_666, %parallel_loop3A_667] {strides = array<i32>} : memref<16x768xf32, #tpu.memory_space<vmem>>, vector<1x16xf32>,
        %parallel_loop3A_669 = vector.shape_cast %parallel_loop3A_668 : vector<1x16xf32> to vector<16xf32>
        %parallel_loop3A_670 = vector.shape_cast %parallel_loop3A_665 : vector<16xf32> to vector<1x16xf32>
        tpu.vector_store %arg10[%parallel_loop3A_666, %parallel_loop3A_667], %parallel_loop3A_670 {add = true, strides = array<i32>} : memref<16x768xf32, #tpu.memory_space<vmem>>, vector<1x16xf32>,
        %parallel_loop3A_671 = arith.constant 32 : i32
        %parallel_loop3A_672 = arith.addi %parallel_loop3A_671, %parallel_loop3A_329 : i32
        %parallel_loop3A_673 = arith.index_cast %parallel_loop3A_672 : i32 to index
        %parallel_loop3A_674 = arith.constant 496 : index
        %parallel_loop3A_675 = tpu.vector_load %arg7[%parallel_loop3A_673, %parallel_loop3A_674] {strides = array<i32>} : memref<64x768xf32, #tpu.memory_space<vmem>>, vector<1x16xf32>,
        %parallel_loop3A_676 = vector.shape_cast %parallel_loop3A_675 : vector<1x16xf32> to vector<16xf32>
        %parallel_loop3A_677 = arith.index_cast %parallel_loop3A_329 : i32 to index
        %parallel_loop3A_678 = arith.constant 496 : index
        %parallel_loop3A_679 = tpu.vector_load %arg10[%parallel_loop3A_677, %parallel_loop3A_678] {strides = array<i32>} : memref<16x768xf32, #tpu.memory_space<vmem>>, vector<1x16xf32>,
        %parallel_loop3A_680 = vector.shape_cast %parallel_loop3A_679 : vector<1x16xf32> to vector<16xf32>
        %parallel_loop3A_681 = vector.shape_cast %parallel_loop3A_676 : vector<16xf32> to vector<1x16xf32>
        tpu.vector_store %arg10[%parallel_loop3A_677, %parallel_loop3A_678], %parallel_loop3A_681 {add = true, strides = array<i32>} : memref<16x768xf32, #tpu.memory_space<vmem>>, vector<1x16xf32>,
        %parallel_loop3A_682 = arith.constant 32 : i32
        %parallel_loop3A_683 = arith.addi %parallel_loop3A_682, %parallel_loop3A_329 : i32
        %parallel_loop3A_684 = arith.index_cast %parallel_loop3A_683 : i32 to index
        %parallel_loop3A_685 = arith.constant 512 : index
        %parallel_loop3A_686 = tpu.vector_load %arg7[%parallel_loop3A_684, %parallel_loop3A_685] {strides = array<i32>} : memref<64x768xf32, #tpu.memory_space<vmem>>, vector<1x16xf32>,
        %parallel_loop3A_687 = vector.shape_cast %parallel_loop3A_686 : vector<1x16xf32> to vector<16xf32>
        %parallel_loop3A_688 = arith.index_cast %parallel_loop3A_329 : i32 to index
        %parallel_loop3A_689 = arith.constant 512 : index
        %parallel_loop3A_690 = tpu.vector_load %arg10[%parallel_loop3A_688, %parallel_loop3A_689] {strides = array<i32>} : memref<16x768xf32, #tpu.memory_space<vmem>>, vector<1x16xf32>,
        %parallel_loop3A_691 = vector.shape_cast %parallel_loop3A_690 : vector<1x16xf32> to vector<16xf32>
        %parallel_loop3A_692 = vector.shape_cast %parallel_loop3A_687 : vector<16xf32> to vector<1x16xf32>
        tpu.vector_store %arg10[%parallel_loop3A_688, %parallel_loop3A_689], %parallel_loop3A_692 {add = true, strides = array<i32>} : memref<16x768xf32, #tpu.memory_space<vmem>>, vector<1x16xf32>,
        %parallel_loop3A_693 = arith.constant 32 : i32
        %parallel_loop3A_694 = arith.addi %parallel_loop3A_693, %parallel_loop3A_329 : i32
        %parallel_loop3A_695 = arith.index_cast %parallel_loop3A_694 : i32 to index
        %parallel_loop3A_696 = arith.constant 528 : index
        %parallel_loop3A_697 = tpu.vector_load %arg7[%parallel_loop3A_695, %parallel_loop3A_696] {strides = array<i32>} : memref<64x768xf32, #tpu.memory_space<vmem>>, vector<1x16xf32>,
        %parallel_loop3A_698 = vector.shape_cast %parallel_loop3A_697 : vector<1x16xf32> to vector<16xf32>
        %parallel_loop3A_699 = arith.index_cast %parallel_loop3A_329 : i32 to index
        %parallel_loop3A_700 = arith.constant 528 : index
        %parallel_loop3A_701 = tpu.vector_load %arg10[%parallel_loop3A_699, %parallel_loop3A_700] {strides = array<i32>} : memref<16x768xf32, #tpu.memory_space<vmem>>, vector<1x16xf32>,
        %parallel_loop3A_702 = vector.shape_cast %parallel_loop3A_701 : vector<1x16xf32> to vector<16xf32>
        %parallel_loop3A_703 = vector.shape_cast %parallel_loop3A_698 : vector<16xf32> to vector<1x16xf32>
        tpu.vector_store %arg10[%parallel_loop3A_699, %parallel_loop3A_700], %parallel_loop3A_703 {add = true, strides = array<i32>} : memref<16x768xf32, #tpu.memory_space<vmem>>, vector<1x16xf32>,
        %parallel_loop3A_704 = arith.constant 32 : i32
        %parallel_loop3A_705 = arith.addi %parallel_loop3A_704, %parallel_loop3A_329 : i32
        %parallel_loop3A_706 = arith.index_cast %parallel_loop3A_705 : i32 to index
        %parallel_loop3A_707 = arith.constant 544 : index
        %parallel_loop3A_708 = tpu.vector_load %arg7[%parallel_loop3A_706, %parallel_loop3A_707] {strides = array<i32>} : memref<64x768xf32, #tpu.memory_space<vmem>>, vector<1x16xf32>,
        %parallel_loop3A_709 = vector.shape_cast %parallel_loop3A_708 : vector<1x16xf32> to vector<16xf32>
        %parallel_loop3A_710 = arith.index_cast %parallel_loop3A_329 : i32 to index
        %parallel_loop3A_711 = arith.constant 544 : index
        %parallel_loop3A_712 = tpu.vector_load %arg10[%parallel_loop3A_710, %parallel_loop3A_711] {strides = array<i32>} : memref<16x768xf32, #tpu.memory_space<vmem>>, vector<1x16xf32>,
        %parallel_loop3A_713 = vector.shape_cast %parallel_loop3A_712 : vector<1x16xf32> to vector<16xf32>
        %parallel_loop3A_714 = vector.shape_cast %parallel_loop3A_709 : vector<16xf32> to vector<1x16xf32>
        tpu.vector_store %arg10[%parallel_loop3A_710, %parallel_loop3A_711], %parallel_loop3A_714 {add = true, strides = array<i32>} : memref<16x768xf32, #tpu.memory_space<vmem>>, vector<1x16xf32>,
        %parallel_loop3A_715 = arith.constant 32 : i32
        %parallel_loop3A_716 = arith.addi %parallel_loop3A_715, %parallel_loop3A_329 : i32
        %parallel_loop3A_717 = arith.index_cast %parallel_loop3A_716 : i32 to index
        %parallel_loop3A_718 = arith.constant 560 : index
        %parallel_loop3A_719 = tpu.vector_load %arg7[%parallel_loop3A_717, %parallel_loop3A_718] {strides = array<i32>} : memref<64x768xf32, #tpu.memory_space<vmem>>, vector<1x16xf32>,
        %parallel_loop3A_720 = vector.shape_cast %parallel_loop3A_719 : vector<1x16xf32> to vector<16xf32>
        %parallel_loop3A_721 = arith.index_cast %parallel_loop3A_329 : i32 to index
        %parallel_loop3A_722 = arith.constant 560 : index
        %parallel_loop3A_723 = tpu.vector_load %arg10[%parallel_loop3A_721, %parallel_loop3A_722] {strides = array<i32>} : memref<16x768xf32, #tpu.memory_space<vmem>>, vector<1x16xf32>,
        %parallel_loop3A_724 = vector.shape_cast %parallel_loop3A_723 : vector<1x16xf32> to vector<16xf32>
        %parallel_loop3A_725 = vector.shape_cast %parallel_loop3A_720 : vector<16xf32> to vector<1x16xf32>
        tpu.vector_store %arg10[%parallel_loop3A_721, %parallel_loop3A_722], %parallel_loop3A_725 {add = true, strides = array<i32>} : memref<16x768xf32, #tpu.memory_space<vmem>>, vector<1x16xf32>,
        %parallel_loop3A_726 = arith.constant 32 : i32
        %parallel_loop3A_727 = arith.addi %parallel_loop3A_726, %parallel_loop3A_329 : i32
        %parallel_loop3A_728 = arith.index_cast %parallel_loop3A_727 : i32 to index
        %parallel_loop3A_729 = arith.constant 576 : index
        %parallel_loop3A_730 = tpu.vector_load %arg7[%parallel_loop3A_728, %parallel_loop3A_729] {strides = array<i32>} : memref<64x768xf32, #tpu.memory_space<vmem>>, vector<1x16xf32>,
        %parallel_loop3A_731 = vector.shape_cast %parallel_loop3A_730 : vector<1x16xf32> to vector<16xf32>
        %parallel_loop3A_732 = arith.index_cast %parallel_loop3A_329 : i32 to index
        %parallel_loop3A_733 = arith.constant 576 : index
        %parallel_loop3A_734 = tpu.vector_load %arg10[%parallel_loop3A_732, %parallel_loop3A_733] {strides = array<i32>} : memref<16x768xf32, #tpu.memory_space<vmem>>, vector<1x16xf32>,
        %parallel_loop3A_735 = vector.shape_cast %parallel_loop3A_734 : vector<1x16xf32> to vector<16xf32>
        %parallel_loop3A_736 = vector.shape_cast %parallel_loop3A_731 : vector<16xf32> to vector<1x16xf32>
        tpu.vector_store %arg10[%parallel_loop3A_732, %parallel_loop3A_733], %parallel_loop3A_736 {add = true, strides = array<i32>} : memref<16x768xf32, #tpu.memory_space<vmem>>, vector<1x16xf32>,
        %parallel_loop3A_737 = arith.constant 32 : i32
        %parallel_loop3A_738 = arith.addi %parallel_loop3A_737, %parallel_loop3A_329 : i32
        %parallel_loop3A_739 = arith.index_cast %parallel_loop3A_738 : i32 to index
        %parallel_loop3A_740 = arith.constant 592 : index
        %parallel_loop3A_741 = tpu.vector_load %arg7[%parallel_loop3A_739, %parallel_loop3A_740] {strides = array<i32>} : memref<64x768xf32, #tpu.memory_space<vmem>>, vector<1x16xf32>,
        %parallel_loop3A_742 = vector.shape_cast %parallel_loop3A_741 : vector<1x16xf32> to vector<16xf32>
        %parallel_loop3A_743 = arith.index_cast %parallel_loop3A_329 : i32 to index
        %parallel_loop3A_744 = arith.constant 592 : index
        %parallel_loop3A_745 = tpu.vector_load %arg10[%parallel_loop3A_743, %parallel_loop3A_744] {strides = array<i32>} : memref<16x768xf32, #tpu.memory_space<vmem>>, vector<1x16xf32>,
        %parallel_loop3A_746 = vector.shape_cast %parallel_loop3A_745 : vector<1x16xf32> to vector<16xf32>
        %parallel_loop3A_747 = vector.shape_cast %parallel_loop3A_742 : vector<16xf32> to vector<1x16xf32>
        tpu.vector_store %arg10[%parallel_loop3A_743, %parallel_loop3A_744], %parallel_loop3A_747 {add = true, strides = array<i32>} : memref<16x768xf32, #tpu.memory_space<vmem>>, vector<1x16xf32>,
        %parallel_loop3A_748 = arith.constant 32 : i32
        %parallel_loop3A_749 = arith.addi %parallel_loop3A_748, %parallel_loop3A_329 : i32
        %parallel_loop3A_750 = arith.index_cast %parallel_loop3A_749 : i32 to index
        %parallel_loop3A_751 = arith.constant 608 : index
        %parallel_loop3A_752 = tpu.vector_load %arg7[%parallel_loop3A_750, %parallel_loop3A_751] {strides = array<i32>} : memref<64x768xf32, #tpu.memory_space<vmem>>, vector<1x16xf32>,
        %parallel_loop3A_753 = vector.shape_cast %parallel_loop3A_752 : vector<1x16xf32> to vector<16xf32>
        %parallel_loop3A_754 = arith.index_cast %parallel_loop3A_329 : i32 to index
        %parallel_loop3A_755 = arith.constant 608 : index
        %parallel_loop3A_756 = tpu.vector_load %arg10[%parallel_loop3A_754, %parallel_loop3A_755] {strides = array<i32>} : memref<16x768xf32, #tpu.memory_space<vmem>>, vector<1x16xf32>,
        %parallel_loop3A_757 = vector.shape_cast %parallel_loop3A_756 : vector<1x16xf32> to vector<16xf32>
        %parallel_loop3A_758 = vector.shape_cast %parallel_loop3A_753 : vector<16xf32> to vector<1x16xf32>
        tpu.vector_store %arg10[%parallel_loop3A_754, %parallel_loop3A_755], %parallel_loop3A_758 {add = true, strides = array<i32>} : memref<16x768xf32, #tpu.memory_space<vmem>>, vector<1x16xf32>,
        %parallel_loop3A_759 = arith.constant 32 : i32
        %parallel_loop3A_760 = arith.addi %parallel_loop3A_759, %parallel_loop3A_329 : i32
        %parallel_loop3A_761 = arith.index_cast %parallel_loop3A_760 : i32 to index
        %parallel_loop3A_762 = arith.constant 624 : index
        %parallel_loop3A_763 = tpu.vector_load %arg7[%parallel_loop3A_761, %parallel_loop3A_762] {strides = array<i32>} : memref<64x768xf32, #tpu.memory_space<vmem>>, vector<1x16xf32>,
        %parallel_loop3A_764 = vector.shape_cast %parallel_loop3A_763 : vector<1x16xf32> to vector<16xf32>
        %parallel_loop3A_765 = arith.index_cast %parallel_loop3A_329 : i32 to index
        %parallel_loop3A_766 = arith.constant 624 : index
        %parallel_loop3A_767 = tpu.vector_load %arg10[%parallel_loop3A_765, %parallel_loop3A_766] {strides = array<i32>} : memref<16x768xf32, #tpu.memory_space<vmem>>, vector<1x16xf32>,
        %parallel_loop3A_768 = vector.shape_cast %parallel_loop3A_767 : vector<1x16xf32> to vector<16xf32>
        %parallel_loop3A_769 = vector.shape_cast %parallel_loop3A_764 : vector<16xf32> to vector<1x16xf32>
        tpu.vector_store %arg10[%parallel_loop3A_765, %parallel_loop3A_766], %parallel_loop3A_769 {add = true, strides = array<i32>} : memref<16x768xf32, #tpu.memory_space<vmem>>, vector<1x16xf32>,
        %parallel_loop3A_770 = arith.constant 32 : i32
        %parallel_loop3A_771 = arith.addi %parallel_loop3A_770, %parallel_loop3A_329 : i32
        %parallel_loop3A_772 = arith.index_cast %parallel_loop3A_771 : i32 to index
        %parallel_loop3A_773 = arith.constant 640 : index
        %parallel_loop3A_774 = tpu.vector_load %arg7[%parallel_loop3A_772, %parallel_loop3A_773] {strides = array<i32>} : memref<64x768xf32, #tpu.memory_space<vmem>>, vector<1x16xf32>,
        %parallel_loop3A_775 = vector.shape_cast %parallel_loop3A_774 : vector<1x16xf32> to vector<16xf32>
        %parallel_loop3A_776 = arith.index_cast %parallel_loop3A_329 : i32 to index
        %parallel_loop3A_777 = arith.constant 640 : index
        %parallel_loop3A_778 = tpu.vector_load %arg10[%parallel_loop3A_776, %parallel_loop3A_777] {strides = array<i32>} : memref<16x768xf32, #tpu.memory_space<vmem>>, vector<1x16xf32>,
        %parallel_loop3A_779 = vector.shape_cast %parallel_loop3A_778 : vector<1x16xf32> to vector<16xf32>
        %parallel_loop3A_780 = vector.shape_cast %parallel_loop3A_775 : vector<16xf32> to vector<1x16xf32>
        tpu.vector_store %arg10[%parallel_loop3A_776, %parallel_loop3A_777], %parallel_loop3A_780 {add = true, strides = array<i32>} : memref<16x768xf32, #tpu.memory_space<vmem>>, vector<1x16xf32>,
        %parallel_loop3A_781 = arith.constant 32 : i32
        %parallel_loop3A_782 = arith.addi %parallel_loop3A_781, %parallel_loop3A_329 : i32
        %parallel_loop3A_783 = arith.index_cast %parallel_loop3A_782 : i32 to index
        %parallel_loop3A_784 = arith.constant 656 : index
        %parallel_loop3A_785 = tpu.vector_load %arg7[%parallel_loop3A_783, %parallel_loop3A_784] {strides = array<i32>} : memref<64x768xf32, #tpu.memory_space<vmem>>, vector<1x16xf32>,
        %parallel_loop3A_786 = vector.shape_cast %parallel_loop3A_785 : vector<1x16xf32> to vector<16xf32>
        %parallel_loop3A_787 = arith.index_cast %parallel_loop3A_329 : i32 to index
        %parallel_loop3A_788 = arith.constant 656 : index
        %parallel_loop3A_789 = tpu.vector_load %arg10[%parallel_loop3A_787, %parallel_loop3A_788] {strides = array<i32>} : memref<16x768xf32, #tpu.memory_space<vmem>>, vector<1x16xf32>,
        %parallel_loop3A_790 = vector.shape_cast %parallel_loop3A_789 : vector<1x16xf32> to vector<16xf32>
        %parallel_loop3A_791 = vector.shape_cast %parallel_loop3A_786 : vector<16xf32> to vector<1x16xf32>
        tpu.vector_store %arg10[%parallel_loop3A_787, %parallel_loop3A_788], %parallel_loop3A_791 {add = true, strides = array<i32>} : memref<16x768xf32, #tpu.memory_space<vmem>>, vector<1x16xf32>,
        %parallel_loop3A_792 = arith.constant 32 : i32
        %parallel_loop3A_793 = arith.addi %parallel_loop3A_792, %parallel_loop3A_329 : i32
        %parallel_loop3A_794 = arith.index_cast %parallel_loop3A_793 : i32 to index
        %parallel_loop3A_795 = arith.constant 672 : index
        %parallel_loop3A_796 = tpu.vector_load %arg7[%parallel_loop3A_794, %parallel_loop3A_795] {strides = array<i32>} : memref<64x768xf32, #tpu.memory_space<vmem>>, vector<1x16xf32>,
        %parallel_loop3A_797 = vector.shape_cast %parallel_loop3A_796 : vector<1x16xf32> to vector<16xf32>
        %parallel_loop3A_798 = arith.index_cast %parallel_loop3A_329 : i32 to index
        %parallel_loop3A_799 = arith.constant 672 : index
        %parallel_loop3A_800 = tpu.vector_load %arg10[%parallel_loop3A_798, %parallel_loop3A_799] {strides = array<i32>} : memref<16x768xf32, #tpu.memory_space<vmem>>, vector<1x16xf32>,
        %parallel_loop3A_801 = vector.shape_cast %parallel_loop3A_800 : vector<1x16xf32> to vector<16xf32>
        %parallel_loop3A_802 = vector.shape_cast %parallel_loop3A_797 : vector<16xf32> to vector<1x16xf32>
        tpu.vector_store %arg10[%parallel_loop3A_798, %parallel_loop3A_799], %parallel_loop3A_802 {add = true, strides = array<i32>} : memref<16x768xf32, #tpu.memory_space<vmem>>, vector<1x16xf32>,
        %parallel_loop3A_803 = arith.constant 32 : i32
        %parallel_loop3A_804 = arith.addi %parallel_loop3A_803, %parallel_loop3A_329 : i32
        %parallel_loop3A_805 = arith.index_cast %parallel_loop3A_804 : i32 to index
        %parallel_loop3A_806 = arith.constant 688 : index
        %parallel_loop3A_807 = tpu.vector_load %arg7[%parallel_loop3A_805, %parallel_loop3A_806] {strides = array<i32>} : memref<64x768xf32, #tpu.memory_space<vmem>>, vector<1x16xf32>,
        %parallel_loop3A_808 = vector.shape_cast %parallel_loop3A_807 : vector<1x16xf32> to vector<16xf32>
        %parallel_loop3A_809 = arith.index_cast %parallel_loop3A_329 : i32 to index
        %parallel_loop3A_810 = arith.constant 688 : index
        %parallel_loop3A_811 = tpu.vector_load %arg10[%parallel_loop3A_809, %parallel_loop3A_810] {strides = array<i32>} : memref<16x768xf32, #tpu.memory_space<vmem>>, vector<1x16xf32>,
        %parallel_loop3A_812 = vector.shape_cast %parallel_loop3A_811 : vector<1x16xf32> to vector<16xf32>
        %parallel_loop3A_813 = vector.shape_cast %parallel_loop3A_808 : vector<16xf32> to vector<1x16xf32>
        tpu.vector_store %arg10[%parallel_loop3A_809, %parallel_loop3A_810], %parallel_loop3A_813 {add = true, strides = array<i32>} : memref<16x768xf32, #tpu.memory_space<vmem>>, vector<1x16xf32>,
        %parallel_loop3A_814 = arith.constant 32 : i32
        %parallel_loop3A_815 = arith.addi %parallel_loop3A_814, %parallel_loop3A_329 : i32
        %parallel_loop3A_816 = arith.index_cast %parallel_loop3A_815 : i32 to index
        %parallel_loop3A_817 = arith.constant 704 : index
        %parallel_loop3A_818 = tpu.vector_load %arg7[%parallel_loop3A_816, %parallel_loop3A_817] {strides = array<i32>} : memref<64x768xf32, #tpu.memory_space<vmem>>, vector<1x16xf32>,
        %parallel_loop3A_819 = vector.shape_cast %parallel_loop3A_818 : vector<1x16xf32> to vector<16xf32>
        %parallel_loop3A_820 = arith.index_cast %parallel_loop3A_329 : i32 to index
        %parallel_loop3A_821 = arith.constant 704 : index
        %parallel_loop3A_822 = tpu.vector_load %arg10[%parallel_loop3A_820, %parallel_loop3A_821] {strides = array<i32>} : memref<16x768xf32, #tpu.memory_space<vmem>>, vector<1x16xf32>,
        %parallel_loop3A_823 = vector.shape_cast %parallel_loop3A_822 : vector<1x16xf32> to vector<16xf32>
        %parallel_loop3A_824 = vector.shape_cast %parallel_loop3A_819 : vector<16xf32> to vector<1x16xf32>
        tpu.vector_store %arg10[%parallel_loop3A_820, %parallel_loop3A_821], %parallel_loop3A_824 {add = true, strides = array<i32>} : memref<16x768xf32, #tpu.memory_space<vmem>>, vector<1x16xf32>,
        %parallel_loop3A_825 = arith.constant 32 : i32
        %parallel_loop3A_826 = arith.addi %parallel_loop3A_825, %parallel_loop3A_329 : i32
        %parallel_loop3A_827 = arith.index_cast %parallel_loop3A_826 : i32 to index
        %parallel_loop3A_828 = arith.constant 720 : index
        %parallel_loop3A_829 = tpu.vector_load %arg7[%parallel_loop3A_827, %parallel_loop3A_828] {strides = array<i32>} : memref<64x768xf32, #tpu.memory_space<vmem>>, vector<1x16xf32>,
        %parallel_loop3A_830 = vector.shape_cast %parallel_loop3A_829 : vector<1x16xf32> to vector<16xf32>
        %parallel_loop3A_831 = arith.index_cast %parallel_loop3A_329 : i32 to index
        %parallel_loop3A_832 = arith.constant 720 : index
        %parallel_loop3A_833 = tpu.vector_load %arg10[%parallel_loop3A_831, %parallel_loop3A_832] {strides = array<i32>} : memref<16x768xf32, #tpu.memory_space<vmem>>, vector<1x16xf32>,
        %parallel_loop3A_834 = vector.shape_cast %parallel_loop3A_833 : vector<1x16xf32> to vector<16xf32>
        %parallel_loop3A_835 = vector.shape_cast %parallel_loop3A_830 : vector<16xf32> to vector<1x16xf32>
        tpu.vector_store %arg10[%parallel_loop3A_831, %parallel_loop3A_832], %parallel_loop3A_835 {add = true, strides = array<i32>} : memref<16x768xf32, #tpu.memory_space<vmem>>, vector<1x16xf32>,
        %parallel_loop3A_836 = arith.constant 32 : i32
        %parallel_loop3A_837 = arith.addi %parallel_loop3A_836, %parallel_loop3A_329 : i32
        %parallel_loop3A_838 = arith.index_cast %parallel_loop3A_837 : i32 to index
        %parallel_loop3A_839 = arith.constant 736 : index
        %parallel_loop3A_840 = tpu.vector_load %arg7[%parallel_loop3A_838, %parallel_loop3A_839] {strides = array<i32>} : memref<64x768xf32, #tpu.memory_space<vmem>>, vector<1x16xf32>,
        %parallel_loop3A_841 = vector.shape_cast %parallel_loop3A_840 : vector<1x16xf32> to vector<16xf32>
        %parallel_loop3A_842 = arith.index_cast %parallel_loop3A_329 : i32 to index
        %parallel_loop3A_843 = arith.constant 736 : index
        %parallel_loop3A_844 = tpu.vector_load %arg10[%parallel_loop3A_842, %parallel_loop3A_843] {strides = array<i32>} : memref<16x768xf32, #tpu.memory_space<vmem>>, vector<1x16xf32>,
        %parallel_loop3A_845 = vector.shape_cast %parallel_loop3A_844 : vector<1x16xf32> to vector<16xf32>
        %parallel_loop3A_846 = vector.shape_cast %parallel_loop3A_841 : vector<16xf32> to vector<1x16xf32>
        tpu.vector_store %arg10[%parallel_loop3A_842, %parallel_loop3A_843], %parallel_loop3A_846 {add = true, strides = array<i32>} : memref<16x768xf32, #tpu.memory_space<vmem>>, vector<1x16xf32>,
        %parallel_loop3A_847 = arith.constant 32 : i32
        %parallel_loop3A_848 = arith.addi %parallel_loop3A_847, %parallel_loop3A_329 : i32
        %parallel_loop3A_849 = arith.index_cast %parallel_loop3A_848 : i32 to index
        %parallel_loop3A_850 = arith.constant 752 : index
        %parallel_loop3A_851 = tpu.vector_load %arg7[%parallel_loop3A_849, %parallel_loop3A_850] {strides = array<i32>} : memref<64x768xf32, #tpu.memory_space<vmem>>, vector<1x16xf32>,
        %parallel_loop3A_852 = vector.shape_cast %parallel_loop3A_851 : vector<1x16xf32> to vector<16xf32>
        %parallel_loop3A_853 = arith.index_cast %parallel_loop3A_329 : i32 to index
        %parallel_loop3A_854 = arith.constant 752 : index
        %parallel_loop3A_855 = tpu.vector_load %arg10[%parallel_loop3A_853, %parallel_loop3A_854] {strides = array<i32>} : memref<16x768xf32, #tpu.memory_space<vmem>>, vector<1x16xf32>,
        %parallel_loop3A_856 = vector.shape_cast %parallel_loop3A_855 : vector<1x16xf32> to vector<16xf32>
        %parallel_loop3A_857 = vector.shape_cast %parallel_loop3A_852 : vector<16xf32> to vector<1x16xf32>
        tpu.vector_store %arg10[%parallel_loop3A_853, %parallel_loop3A_854], %parallel_loop3A_857 {add = true, strides = array<i32>} : memref<16x768xf32, #tpu.memory_space<vmem>>, vector<1x16xf32>,
      } {sc.loop_unroll_factor = 2 : i64, sc.parallel_access}
      %add3A_283 = arith.constant 32 : i32
      %add3A_284 = arith.addi %mul3A_2, %add3A_283 : i32
      %dma_start3A_285 = arith.constant 0 : i32
      %dma_start3A_286 = tpu.memref_slice %arg5[%scan3A_182, %add3A_284, %dma_start3A_285] : memref<4x2048x768xf32, #tpu.memory_space<hbm>> -> memref<1x16x768xf32, #tpu.memory_space<hbm>>
      %dma_start3A_287 = tpu.memref_squeeze %dma_start3A_286 : memref<1x16x768xf32, #tpu.memory_space<hbm>> -> memref<16x768xf32, #tpu.memory_space<hbm>>
      %dma_start3A_288 = arith.constant 0 : i32
      %dma_start3A_289 = tpu.memref_slice %arg5[%scan3A_182, %add3A_284, %dma_start3A_288] : memref<4x2048x768xf32, #tpu.memory_space<hbm>> -> memref<1x16x768xf32, #tpu.memory_space<hbm>>
      %dma_start3A_290 = tpu.memref_squeeze %dma_start3A_289 : memref<1x16x768xf32, #tpu.memory_space<hbm>> -> memref<16x768xf32, #tpu.memory_space<hbm>>
      tpu.enqueue_dma source(%arg10 : memref<16x768xf32, #tpu.memory_space<vmem>>) target(%dma_start3A_290 : memref<16x768xf32, #tpu.memory_space<hbm>>) target_semaphore(%arg18 : memref<!tpu.dma_semaphore, #tpu.memory_space<semaphore_mem>>)
      %mul3A_291 = arith.constant 4 : i32
      %mul3A_292 = arith.muli %mul3A_291, %scan3A_182 : i32
      %add3A_293 = arith.constant 3 : i32
      %add3A_294 = arith.addi %mul3A_292, %add3A_293 : i32
      %add3A_295 = arith.constant 1 : i32
      %add3A_296 = arith.addi %scan3A_182, %add3A_295 : i32
      %ge3A_297 = arith.constant 2 : i32
      %ge3A_298 = arith.cmpi sge, %add3A_294, %ge3A_297 : i32
      %convert_element_type3A_299 = arith.extui %ge3A_298 : i1 to i32
      %cond3A_300 = arith.constant 0 : i32
      %cond3A_301 = arith.cmpi ne, %convert_element_type3A_299, %cond3A_300 : i32
      scf.if %cond3A_301 {
        %dma_wait3A_329 = arith.constant 0 : i32
        %dma_wait3A_330 = arith.constant 0 : i32
        %dma_wait3A_331 = arith.constant 0 : i32
        %dma_wait3A_332 = tpu.memref_slice %arg5[%dma_wait3A_329, %dma_wait3A_330, %dma_wait3A_331] : memref<4x2048x768xf32, #tpu.memory_space<hbm>> -> memref<1x16x768xf32, #tpu.memory_space<hbm>>
        %dma_wait3A_333 = tpu.memref_squeeze %dma_wait3A_332 : memref<1x16x768xf32, #tpu.memory_space<hbm>> -> memref<16x768xf32, #tpu.memory_space<hbm>>
        %dma_wait3A_334 = arith.constant 0 : i32
        %dma_wait3A_335 = arith.constant 0 : i32
        %dma_wait3A_336 = tpu.memref_slice %arg5[%dma_wait3A_329, %dma_wait3A_334, %dma_wait3A_335] : memref<4x2048x768xf32, #tpu.memory_space<hbm>> -> memref<1x16x768xf32, #tpu.memory_space<hbm>>
        %dma_wait3A_337 = tpu.memref_squeeze %dma_wait3A_336 : memref<1x16x768xf32, #tpu.memory_space<hbm>> -> memref<16x768xf32, #tpu.memory_space<hbm>>
        tpu.wait_dma2 semaphore(%arg17 : memref<!tpu.dma_semaphore, #tpu.memory_space<semaphore_mem>>) src(%arg9 : memref<16x768xf32, #tpu.memory_space<vmem>>) dst(%dma_wait3A_337 : memref<16x768xf32, #tpu.memory_space<hbm>>)
      } else {
      }
      %lt3A_302 = arith.constant 14 : i32
      %lt3A_303 = arith.cmpi slt, %add3A_294, %lt3A_302 : i32
      %convert_element_type3A_304 = arith.extui %lt3A_303 : i1 to i32
      %cond3A_305 = arith.constant 0 : i32
      %cond3A_306 = arith.cmpi ne, %convert_element_type3A_304, %cond3A_305 : i32
      scf.if %cond3A_306 {
        %dma_start3A_329 = arith.constant 16 : i32
        %dma_start3A_330 = tpu.memref_slice %arg6[%add3A_296, %dma_start3A_329] : memref<4x64xi32, #tpu.memory_space<vmem>> -> memref<1x16xi32, #tpu.memory_space<vmem>>
        %dma_start3A_331 = tpu.memref_squeeze %dma_start3A_330 : memref<1x16xi32, #tpu.memory_space<vmem>> -> memref<16xi32, #tpu.memory_space<vmem>>
        %dma_start3A_332 = arith.constant 0 : i32
        %dma_start3A_333 = arith.constant 0 : i32
        %dma_start3A_334 = tpu.memref_slice %arg3[%dma_start3A_332, %dma_start3A_333] : memref<50257x768xf32, #tpu.memory_space<hbm>> -> memref<50257x768xf32, #tpu.memory_space<hbm>>
        tpu.enqueue_indirect_dma source(%dma_start3A_334 : memref<50257x768xf32, #tpu.memory_space<hbm>>) target(%arg9 : memref<16x768xf32, #tpu.memory_space<vmem>>) offsets(%dma_start3A_331 : memref<16xi32, #tpu.memory_space<vmem>>) semaphore(%arg13 : memref<!tpu.dma_semaphore, #tpu.memory_space<semaphore_mem>>)
      } else {
      }
      %dma_wait3A_307 = arith.constant 48 : i32
      %dma_wait3A_308 = tpu.memref_slice %arg6[%scan3A_182, %dma_wait3A_307] : memref<4x64xi32, #tpu.memory_space<vmem>> -> memref<1x16xi32, #tpu.memory_space<vmem>>
      %dma_wait3A_309 = tpu.memref_squeeze %dma_wait3A_308 : memref<1x16xi32, #tpu.memory_space<vmem>> -> memref<16xi32, #tpu.memory_space<vmem>>
      %dma_wait3A_310 = arith.constant 0 : i32
      %dma_wait3A_311 = arith.constant 0 : i32
      %dma_wait3A_312 = tpu.memref_slice %arg3[%dma_wait3A_310, %dma_wait3A_311] : memref<50257x768xf32, #tpu.memory_space<hbm>> -> memref<50257x768xf32, #tpu.memory_space<hbm>>
      tpu.wait_indirect_dma semaphore(%arg15 : memref<!tpu.dma_semaphore, #tpu.memory_space<semaphore_mem>>) src(%dma_wait3A_312 : memref<50257x768xf32, #tpu.memory_space<hbm>>) dst(%arg11 : memref<16x768xf32, #tpu.memory_space<vmem>>)
      %eq3A_313 = arith.constant 0 : i32
      %eq3A_314 = arith.cmpi eq, %scan3A_182, %eq3A_313 : i32
      %convert_element_type3A_315 = arith.extui %eq3A_314 : i1 to i32
      %cond3A_316 = arith.constant 0 : i32
      %cond3A_317 = arith.cmpi ne, %convert_element_type3A_315, %cond3A_316 : i32
      scf.if %cond3A_317 {
        %add3A_329 = arith.constant 48 : i32
        %add3A_330 = arith.addi %mul3A_2, %add3A_329 : i32
        %dma_wait3A_331 = arith.constant 48 : i32
        %dma_wait3A_332 = arith.constant 0 : i32
        %dma_wait3A_333 = tpu.memref_slice %arg7[%dma_wait3A_331, %dma_wait3A_332] : memref<64x768xf32, #tpu.memory_space<vmem>> -> memref<16x768xf32, #tpu.memory_space<vmem>>
        %dma_wait3A_334 = arith.constant 0 : i32
        %dma_wait3A_335 = tpu.memref_slice %arg4[%add3A_330, %dma_wait3A_334] : memref<2048x768xf32, #tpu.memory_space<hbm>> -> memref<16x768xf32, #tpu.memory_space<hbm>>
        %dma_wait3A_336 = arith.constant 48 : i32
        %dma_wait3A_337 = arith.constant 0 : i32
        %dma_wait3A_338 = tpu.memref_slice %arg7[%dma_wait3A_336, %dma_wait3A_337] : memref<64x768xf32, #tpu.memory_space<vmem>> -> memref<16x768xf32, #tpu.memory_space<vmem>>
        %dma_wait3A_339 = arith.constant 0 : i32
        %dma_wait3A_340 = tpu.memref_slice %arg4[%add3A_330, %dma_wait3A_339] : memref<2048x768xf32, #tpu.memory_space<hbm>> -> memref<16x768xf32, #tpu.memory_space<hbm>>
        tpu.wait_dma2 semaphore(%arg23 : memref<!tpu.dma_semaphore, #tpu.memory_space<semaphore_mem>>) src(%dma_wait3A_340 : memref<16x768xf32, #tpu.memory_space<hbm>>) dst(%dma_wait3A_338 : memref<16x768xf32, #tpu.memory_space<vmem>>)
      } else {
      }
      %parallel_loop3A_318 = arith.constant 0 : i32
      %parallel_loop3A_319 = arith.constant 16 : i32
      %parallel_loop3A_320 = arith.constant 1 : i32
      scf.for %parallel_loop3A_329 = %parallel_loop3A_318 to %parallel_loop3A_319 step %parallel_loop3A_320  : i32 {
        %parallel_loop3A_330 = arith.constant 48 : i32
        %parallel_loop3A_331 = arith.addi %parallel_loop3A_330, %parallel_loop3A_329 : i32
        %parallel_loop3A_332 = arith.index_cast %parallel_loop3A_331 : i32 to index
        %parallel_loop3A_333 = arith.constant 0 : index
        %parallel_loop3A_334 = tpu.vector_load %arg7[%parallel_loop3A_332, %parallel_loop3A_333] {strides = array<i32>} : memref<64x768xf32, #tpu.memory_space<vmem>>, vector<1x16xf32>,
        %parallel_loop3A_335 = vector.shape_cast %parallel_loop3A_334 : vector<1x16xf32> to vector<16xf32>
        %parallel_loop3A_336 = arith.index_cast %parallel_loop3A_329 : i32 to index
        %parallel_loop3A_337 = arith.constant 0 : index
        %parallel_loop3A_338 = tpu.vector_load %arg11[%parallel_loop3A_336, %parallel_loop3A_337] {strides = array<i32>} : memref<16x768xf32, #tpu.memory_space<vmem>>, vector<1x16xf32>,
        %parallel_loop3A_339 = vector.shape_cast %parallel_loop3A_338 : vector<1x16xf32> to vector<16xf32>
        %parallel_loop3A_340 = vector.shape_cast %parallel_loop3A_335 : vector<16xf32> to vector<1x16xf32>
        tpu.vector_store %arg11[%parallel_loop3A_336, %parallel_loop3A_337], %parallel_loop3A_340 {add = true, strides = array<i32>} : memref<16x768xf32, #tpu.memory_space<vmem>>, vector<1x16xf32>,
        %parallel_loop3A_341 = arith.constant 48 : i32
        %parallel_loop3A_342 = arith.addi %parallel_loop3A_341, %parallel_loop3A_329 : i32
        %parallel_loop3A_343 = arith.index_cast %parallel_loop3A_342 : i32 to index
        %parallel_loop3A_344 = arith.constant 16 : index
        %parallel_loop3A_345 = tpu.vector_load %arg7[%parallel_loop3A_343, %parallel_loop3A_344] {strides = array<i32>} : memref<64x768xf32, #tpu.memory_space<vmem>>, vector<1x16xf32>,
        %parallel_loop3A_346 = vector.shape_cast %parallel_loop3A_345 : vector<1x16xf32> to vector<16xf32>
        %parallel_loop3A_347 = arith.index_cast %parallel_loop3A_329 : i32 to index
        %parallel_loop3A_348 = arith.constant 16 : index
        %parallel_loop3A_349 = tpu.vector_load %arg11[%parallel_loop3A_347, %parallel_loop3A_348] {strides = array<i32>} : memref<16x768xf32, #tpu.memory_space<vmem>>, vector<1x16xf32>,
        %parallel_loop3A_350 = vector.shape_cast %parallel_loop3A_349 : vector<1x16xf32> to vector<16xf32>
        %parallel_loop3A_351 = vector.shape_cast %parallel_loop3A_346 : vector<16xf32> to vector<1x16xf32>
        tpu.vector_store %arg11[%parallel_loop3A_347, %parallel_loop3A_348], %parallel_loop3A_351 {add = true, strides = array<i32>} : memref<16x768xf32, #tpu.memory_space<vmem>>, vector<1x16xf32>,
        %parallel_loop3A_352 = arith.constant 48 : i32
        %parallel_loop3A_353 = arith.addi %parallel_loop3A_352, %parallel_loop3A_329 : i32
        %parallel_loop3A_354 = arith.index_cast %parallel_loop3A_353 : i32 to index
        %parallel_loop3A_355 = arith.constant 32 : index
        %parallel_loop3A_356 = tpu.vector_load %arg7[%parallel_loop3A_354, %parallel_loop3A_355] {strides = array<i32>} : memref<64x768xf32, #tpu.memory_space<vmem>>, vector<1x16xf32>,
        %parallel_loop3A_357 = vector.shape_cast %parallel_loop3A_356 : vector<1x16xf32> to vector<16xf32>
        %parallel_loop3A_358 = arith.index_cast %parallel_loop3A_329 : i32 to index
        %parallel_loop3A_359 = arith.constant 32 : index
        %parallel_loop3A_360 = tpu.vector_load %arg11[%parallel_loop3A_358, %parallel_loop3A_359] {strides = array<i32>} : memref<16x768xf32, #tpu.memory_space<vmem>>, vector<1x16xf32>,
        %parallel_loop3A_361 = vector.shape_cast %parallel_loop3A_360 : vector<1x16xf32> to vector<16xf32>
        %parallel_loop3A_362 = vector.shape_cast %parallel_loop3A_357 : vector<16xf32> to vector<1x16xf32>
        tpu.vector_store %arg11[%parallel_loop3A_358, %parallel_loop3A_359], %parallel_loop3A_362 {add = true, strides = array<i32>} : memref<16x768xf32, #tpu.memory_space<vmem>>, vector<1x16xf32>,
        %parallel_loop3A_363 = arith.constant 48 : i32
        %parallel_loop3A_364 = arith.addi %parallel_loop3A_363, %parallel_loop3A_329 : i32
        %parallel_loop3A_365 = arith.index_cast %parallel_loop3A_364 : i32 to index
        %parallel_loop3A_366 = arith.constant 48 : index
        %parallel_loop3A_367 = tpu.vector_load %arg7[%parallel_loop3A_365, %parallel_loop3A_366] {strides = array<i32>} : memref<64x768xf32, #tpu.memory_space<vmem>>, vector<1x16xf32>,
        %parallel_loop3A_368 = vector.shape_cast %parallel_loop3A_367 : vector<1x16xf32> to vector<16xf32>
        %parallel_loop3A_369 = arith.index_cast %parallel_loop3A_329 : i32 to index
        %parallel_loop3A_370 = arith.constant 48 : index
        %parallel_loop3A_371 = tpu.vector_load %arg11[%parallel_loop3A_369, %parallel_loop3A_370] {strides = array<i32>} : memref<16x768xf32, #tpu.memory_space<vmem>>, vector<1x16xf32>,
        %parallel_loop3A_372 = vector.shape_cast %parallel_loop3A_371 : vector<1x16xf32> to vector<16xf32>
        %parallel_loop3A_373 = vector.shape_cast %parallel_loop3A_368 : vector<16xf32> to vector<1x16xf32>
        tpu.vector_store %arg11[%parallel_loop3A_369, %parallel_loop3A_370], %parallel_loop3A_373 {add = true, strides = array<i32>} : memref<16x768xf32, #tpu.memory_space<vmem>>, vector<1x16xf32>,
        %parallel_loop3A_374 = arith.constant 48 : i32
        %parallel_loop3A_375 = arith.addi %parallel_loop3A_374, %parallel_loop3A_329 : i32
        %parallel_loop3A_376 = arith.index_cast %parallel_loop3A_375 : i32 to index
        %parallel_loop3A_377 = arith.constant 64 : index
        %parallel_loop3A_378 = tpu.vector_load %arg7[%parallel_loop3A_376, %parallel_loop3A_377] {strides = array<i32>} : memref<64x768xf32, #tpu.memory_space<vmem>>, vector<1x16xf32>,
        %parallel_loop3A_379 = vector.shape_cast %parallel_loop3A_378 : vector<1x16xf32> to vector<16xf32>
        %parallel_loop3A_380 = arith.index_cast %parallel_loop3A_329 : i32 to index
        %parallel_loop3A_381 = arith.constant 64 : index
        %parallel_loop3A_382 = tpu.vector_load %arg11[%parallel_loop3A_380, %parallel_loop3A_381] {strides = array<i32>} : memref<16x768xf32, #tpu.memory_space<vmem>>, vector<1x16xf32>,
        %parallel_loop3A_383 = vector.shape_cast %parallel_loop3A_382 : vector<1x16xf32> to vector<16xf32>
        %parallel_loop3A_384 = vector.shape_cast %parallel_loop3A_379 : vector<16xf32> to vector<1x16xf32>
        tpu.vector_store %arg11[%parallel_loop3A_380, %parallel_loop3A_381], %parallel_loop3A_384 {add = true, strides = array<i32>} : memref<16x768xf32, #tpu.memory_space<vmem>>, vector<1x16xf32>,
        %parallel_loop3A_385 = arith.constant 48 : i32
        %parallel_loop3A_386 = arith.addi %parallel_loop3A_385, %parallel_loop3A_329 : i32
        %parallel_loop3A_387 = arith.index_cast %parallel_loop3A_386 : i32 to index
        %parallel_loop3A_388 = arith.constant 80 : index
        %parallel_loop3A_389 = tpu.vector_load %arg7[%parallel_loop3A_387, %parallel_loop3A_388] {strides = array<i32>} : memref<64x768xf32, #tpu.memory_space<vmem>>, vector<1x16xf32>,
        %parallel_loop3A_390 = vector.shape_cast %parallel_loop3A_389 : vector<1x16xf32> to vector<16xf32>
        %parallel_loop3A_391 = arith.index_cast %parallel_loop3A_329 : i32 to index
        %parallel_loop3A_392 = arith.constant 80 : index
        %parallel_loop3A_393 = tpu.vector_load %arg11[%parallel_loop3A_391, %parallel_loop3A_392] {strides = array<i32>} : memref<16x768xf32, #tpu.memory_space<vmem>>, vector<1x16xf32>,
        %parallel_loop3A_394 = vector.shape_cast %parallel_loop3A_393 : vector<1x16xf32> to vector<16xf32>
        %parallel_loop3A_395 = vector.shape_cast %parallel_loop3A_390 : vector<16xf32> to vector<1x16xf32>
        tpu.vector_store %arg11[%parallel_loop3A_391, %parallel_loop3A_392], %parallel_loop3A_395 {add = true, strides = array<i32>} : memref<16x768xf32, #tpu.memory_space<vmem>>, vector<1x16xf32>,
        %parallel_loop3A_396 = arith.constant 48 : i32
        %parallel_loop3A_397 = arith.addi %parallel_loop3A_396, %parallel_loop3A_329 : i32
        %parallel_loop3A_398 = arith.index_cast %parallel_loop3A_397 : i32 to index
        %parallel_loop3A_399 = arith.constant 96 : index
        %parallel_loop3A_400 = tpu.vector_load %arg7[%parallel_loop3A_398, %parallel_loop3A_399] {strides = array<i32>} : memref<64x768xf32, #tpu.memory_space<vmem>>, vector<1x16xf32>,
        %parallel_loop3A_401 = vector.shape_cast %parallel_loop3A_400 : vector<1x16xf32> to vector<16xf32>
        %parallel_loop3A_402 = arith.index_cast %parallel_loop3A_329 : i32 to index
        %parallel_loop3A_403 = arith.constant 96 : index
        %parallel_loop3A_404 = tpu.vector_load %arg11[%parallel_loop3A_402, %parallel_loop3A_403] {strides = array<i32>} : memref<16x768xf32, #tpu.memory_space<vmem>>, vector<1x16xf32>,
        %parallel_loop3A_405 = vector.shape_cast %parallel_loop3A_404 : vector<1x16xf32> to vector<16xf32>
        %parallel_loop3A_406 = vector.shape_cast %parallel_loop3A_401 : vector<16xf32> to vector<1x16xf32>
        tpu.vector_store %arg11[%parallel_loop3A_402, %parallel_loop3A_403], %parallel_loop3A_406 {add = true, strides = array<i32>} : memref<16x768xf32, #tpu.memory_space<vmem>>, vector<1x16xf32>,
        %parallel_loop3A_407 = arith.constant 48 : i32
        %parallel_loop3A_408 = arith.addi %parallel_loop3A_407, %parallel_loop3A_329 : i32
        %parallel_loop3A_409 = arith.index_cast %parallel_loop3A_408 : i32 to index
        %parallel_loop3A_410 = arith.constant 112 : index
        %parallel_loop3A_411 = tpu.vector_load %arg7[%parallel_loop3A_409, %parallel_loop3A_410] {strides = array<i32>} : memref<64x768xf32, #tpu.memory_space<vmem>>, vector<1x16xf32>,
        %parallel_loop3A_412 = vector.shape_cast %parallel_loop3A_411 : vector<1x16xf32> to vector<16xf32>
        %parallel_loop3A_413 = arith.index_cast %parallel_loop3A_329 : i32 to index
        %parallel_loop3A_414 = arith.constant 112 : index
        %parallel_loop3A_415 = tpu.vector_load %arg11[%parallel_loop3A_413, %parallel_loop3A_414] {strides = array<i32>} : memref<16x768xf32, #tpu.memory_space<vmem>>, vector<1x16xf32>,
        %parallel_loop3A_416 = vector.shape_cast %parallel_loop3A_415 : vector<1x16xf32> to vector<16xf32>
        %parallel_loop3A_417 = vector.shape_cast %parallel_loop3A_412 : vector<16xf32> to vector<1x16xf32>
        tpu.vector_store %arg11[%parallel_loop3A_413, %parallel_loop3A_414], %parallel_loop3A_417 {add = true, strides = array<i32>} : memref<16x768xf32, #tpu.memory_space<vmem>>, vector<1x16xf32>,
        %parallel_loop3A_418 = arith.constant 48 : i32
        %parallel_loop3A_419 = arith.addi %parallel_loop3A_418, %parallel_loop3A_329 : i32
        %parallel_loop3A_420 = arith.index_cast %parallel_loop3A_419 : i32 to index
        %parallel_loop3A_421 = arith.constant 128 : index
        %parallel_loop3A_422 = tpu.vector_load %arg7[%parallel_loop3A_420, %parallel_loop3A_421] {strides = array<i32>} : memref<64x768xf32, #tpu.memory_space<vmem>>, vector<1x16xf32>,
        %parallel_loop3A_423 = vector.shape_cast %parallel_loop3A_422 : vector<1x16xf32> to vector<16xf32>
        %parallel_loop3A_424 = arith.index_cast %parallel_loop3A_329 : i32 to index
        %parallel_loop3A_425 = arith.constant 128 : index
        %parallel_loop3A_426 = tpu.vector_load %arg11[%parallel_loop3A_424, %parallel_loop3A_425] {strides = array<i32>} : memref<16x768xf32, #tpu.memory_space<vmem>>, vector<1x16xf32>,
        %parallel_loop3A_427 = vector.shape_cast %parallel_loop3A_426 : vector<1x16xf32> to vector<16xf32>
        %parallel_loop3A_428 = vector.shape_cast %parallel_loop3A_423 : vector<16xf32> to vector<1x16xf32>
        tpu.vector_store %arg11[%parallel_loop3A_424, %parallel_loop3A_425], %parallel_loop3A_428 {add = true, strides = array<i32>} : memref<16x768xf32, #tpu.memory_space<vmem>>, vector<1x16xf32>,
        %parallel_loop3A_429 = arith.constant 48 : i32
        %parallel_loop3A_430 = arith.addi %parallel_loop3A_429, %parallel_loop3A_329 : i32
        %parallel_loop3A_431 = arith.index_cast %parallel_loop3A_430 : i32 to index
        %parallel_loop3A_432 = arith.constant 144 : index
        %parallel_loop3A_433 = tpu.vector_load %arg7[%parallel_loop3A_431, %parallel_loop3A_432] {strides = array<i32>} : memref<64x768xf32, #tpu.memory_space<vmem>>, vector<1x16xf32>,
        %parallel_loop3A_434 = vector.shape_cast %parallel_loop3A_433 : vector<1x16xf32> to vector<16xf32>
        %parallel_loop3A_435 = arith.index_cast %parallel_loop3A_329 : i32 to index
        %parallel_loop3A_436 = arith.constant 144 : index
        %parallel_loop3A_437 = tpu.vector_load %arg11[%parallel_loop3A_435, %parallel_loop3A_436] {strides = array<i32>} : memref<16x768xf32, #tpu.memory_space<vmem>>, vector<1x16xf32>,
        %parallel_loop3A_438 = vector.shape_cast %parallel_loop3A_437 : vector<1x16xf32> to vector<16xf32>
        %parallel_loop3A_439 = vector.shape_cast %parallel_loop3A_434 : vector<16xf32> to vector<1x16xf32>
        tpu.vector_store %arg11[%parallel_loop3A_435, %parallel_loop3A_436], %parallel_loop3A_439 {add = true, strides = array<i32>} : memref<16x768xf32, #tpu.memory_space<vmem>>, vector<1x16xf32>,
        %parallel_loop3A_440 = arith.constant 48 : i32
        %parallel_loop3A_441 = arith.addi %parallel_loop3A_440, %parallel_loop3A_329 : i32
        %parallel_loop3A_442 = arith.index_cast %parallel_loop3A_441 : i32 to index
        %parallel_loop3A_443 = arith.constant 160 : index
        %parallel_loop3A_444 = tpu.vector_load %arg7[%parallel_loop3A_442, %parallel_loop3A_443] {strides = array<i32>} : memref<64x768xf32, #tpu.memory_space<vmem>>, vector<1x16xf32>,
        %parallel_loop3A_445 = vector.shape_cast %parallel_loop3A_444 : vector<1x16xf32> to vector<16xf32>
        %parallel_loop3A_446 = arith.index_cast %parallel_loop3A_329 : i32 to index
        %parallel_loop3A_447 = arith.constant 160 : index
        %parallel_loop3A_448 = tpu.vector_load %arg11[%parallel_loop3A_446, %parallel_loop3A_447] {strides = array<i32>} : memref<16x768xf32, #tpu.memory_space<vmem>>, vector<1x16xf32>,
        %parallel_loop3A_449 = vector.shape_cast %parallel_loop3A_448 : vector<1x16xf32> to vector<16xf32>
        %parallel_loop3A_450 = vector.shape_cast %parallel_loop3A_445 : vector<16xf32> to vector<1x16xf32>
        tpu.vector_store %arg11[%parallel_loop3A_446, %parallel_loop3A_447], %parallel_loop3A_450 {add = true, strides = array<i32>} : memref<16x768xf32, #tpu.memory_space<vmem>>, vector<1x16xf32>,
        %parallel_loop3A_451 = arith.constant 48 : i32
        %parallel_loop3A_452 = arith.addi %parallel_loop3A_451, %parallel_loop3A_329 : i32
        %parallel_loop3A_453 = arith.index_cast %parallel_loop3A_452 : i32 to index
        %parallel_loop3A_454 = arith.constant 176 : index
        %parallel_loop3A_455 = tpu.vector_load %arg7[%parallel_loop3A_453, %parallel_loop3A_454] {strides = array<i32>} : memref<64x768xf32, #tpu.memory_space<vmem>>, vector<1x16xf32>,
        %parallel_loop3A_456 = vector.shape_cast %parallel_loop3A_455 : vector<1x16xf32> to vector<16xf32>
        %parallel_loop3A_457 = arith.index_cast %parallel_loop3A_329 : i32 to index
        %parallel_loop3A_458 = arith.constant 176 : index
        %parallel_loop3A_459 = tpu.vector_load %arg11[%parallel_loop3A_457, %parallel_loop3A_458] {strides = array<i32>} : memref<16x768xf32, #tpu.memory_space<vmem>>, vector<1x16xf32>,
        %parallel_loop3A_460 = vector.shape_cast %parallel_loop3A_459 : vector<1x16xf32> to vector<16xf32>
        %parallel_loop3A_461 = vector.shape_cast %parallel_loop3A_456 : vector<16xf32> to vector<1x16xf32>
        tpu.vector_store %arg11[%parallel_loop3A_457, %parallel_loop3A_458], %parallel_loop3A_461 {add = true, strides = array<i32>} : memref<16x768xf32, #tpu.memory_space<vmem>>, vector<1x16xf32>,
        %parallel_loop3A_462 = arith.constant 48 : i32
        %parallel_loop3A_463 = arith.addi %parallel_loop3A_462, %parallel_loop3A_329 : i32
        %parallel_loop3A_464 = arith.index_cast %parallel_loop3A_463 : i32 to index
        %parallel_loop3A_465 = arith.constant 192 : index
        %parallel_loop3A_466 = tpu.vector_load %arg7[%parallel_loop3A_464, %parallel_loop3A_465] {strides = array<i32>} : memref<64x768xf32, #tpu.memory_space<vmem>>, vector<1x16xf32>,
        %parallel_loop3A_467 = vector.shape_cast %parallel_loop3A_466 : vector<1x16xf32> to vector<16xf32>
        %parallel_loop3A_468 = arith.index_cast %parallel_loop3A_329 : i32 to index
        %parallel_loop3A_469 = arith.constant 192 : index
        %parallel_loop3A_470 = tpu.vector_load %arg11[%parallel_loop3A_468, %parallel_loop3A_469] {strides = array<i32>} : memref<16x768xf32, #tpu.memory_space<vmem>>, vector<1x16xf32>,
        %parallel_loop3A_471 = vector.shape_cast %parallel_loop3A_470 : vector<1x16xf32> to vector<16xf32>
        %parallel_loop3A_472 = vector.shape_cast %parallel_loop3A_467 : vector<16xf32> to vector<1x16xf32>
        tpu.vector_store %arg11[%parallel_loop3A_468, %parallel_loop3A_469], %parallel_loop3A_472 {add = true, strides = array<i32>} : memref<16x768xf32, #tpu.memory_space<vmem>>, vector<1x16xf32>,
        %parallel_loop3A_473 = arith.constant 48 : i32
        %parallel_loop3A_474 = arith.addi %parallel_loop3A_473, %parallel_loop3A_329 : i32
        %parallel_loop3A_475 = arith.index_cast %parallel_loop3A_474 : i32 to index
        %parallel_loop3A_476 = arith.constant 208 : index
        %parallel_loop3A_477 = tpu.vector_load %arg7[%parallel_loop3A_475, %parallel_loop3A_476] {strides = array<i32>} : memref<64x768xf32, #tpu.memory_space<vmem>>, vector<1x16xf32>,
        %parallel_loop3A_478 = vector.shape_cast %parallel_loop3A_477 : vector<1x16xf32> to vector<16xf32>
        %parallel_loop3A_479 = arith.index_cast %parallel_loop3A_329 : i32 to index
        %parallel_loop3A_480 = arith.constant 208 : index
        %parallel_loop3A_481 = tpu.vector_load %arg11[%parallel_loop3A_479, %parallel_loop3A_480] {strides = array<i32>} : memref<16x768xf32, #tpu.memory_space<vmem>>, vector<1x16xf32>,
        %parallel_loop3A_482 = vector.shape_cast %parallel_loop3A_481 : vector<1x16xf32> to vector<16xf32>
        %parallel_loop3A_483 = vector.shape_cast %parallel_loop3A_478 : vector<16xf32> to vector<1x16xf32>
        tpu.vector_store %arg11[%parallel_loop3A_479, %parallel_loop3A_480], %parallel_loop3A_483 {add = true, strides = array<i32>} : memref<16x768xf32, #tpu.memory_space<vmem>>, vector<1x16xf32>,
        %parallel_loop3A_484 = arith.constant 48 : i32
        %parallel_loop3A_485 = arith.addi %parallel_loop3A_484, %parallel_loop3A_329 : i32
        %parallel_loop3A_486 = arith.index_cast %parallel_loop3A_485 : i32 to index
        %parallel_loop3A_487 = arith.constant 224 : index
        %parallel_loop3A_488 = tpu.vector_load %arg7[%parallel_loop3A_486, %parallel_loop3A_487] {strides = array<i32>} : memref<64x768xf32, #tpu.memory_space<vmem>>, vector<1x16xf32>,
        %parallel_loop3A_489 = vector.shape_cast %parallel_loop3A_488 : vector<1x16xf32> to vector<16xf32>
        %parallel_loop3A_490 = arith.index_cast %parallel_loop3A_329 : i32 to index
        %parallel_loop3A_491 = arith.constant 224 : index
        %parallel_loop3A_492 = tpu.vector_load %arg11[%parallel_loop3A_490, %parallel_loop3A_491] {strides = array<i32>} : memref<16x768xf32, #tpu.memory_space<vmem>>, vector<1x16xf32>,
        %parallel_loop3A_493 = vector.shape_cast %parallel_loop3A_492 : vector<1x16xf32> to vector<16xf32>
        %parallel_loop3A_494 = vector.shape_cast %parallel_loop3A_489 : vector<16xf32> to vector<1x16xf32>
        tpu.vector_store %arg11[%parallel_loop3A_490, %parallel_loop3A_491], %parallel_loop3A_494 {add = true, strides = array<i32>} : memref<16x768xf32, #tpu.memory_space<vmem>>, vector<1x16xf32>,
        %parallel_loop3A_495 = arith.constant 48 : i32
        %parallel_loop3A_496 = arith.addi %parallel_loop3A_495, %parallel_loop3A_329 : i32
        %parallel_loop3A_497 = arith.index_cast %parallel_loop3A_496 : i32 to index
        %parallel_loop3A_498 = arith.constant 240 : index
        %parallel_loop3A_499 = tpu.vector_load %arg7[%parallel_loop3A_497, %parallel_loop3A_498] {strides = array<i32>} : memref<64x768xf32, #tpu.memory_space<vmem>>, vector<1x16xf32>,
        %parallel_loop3A_500 = vector.shape_cast %parallel_loop3A_499 : vector<1x16xf32> to vector<16xf32>
        %parallel_loop3A_501 = arith.index_cast %parallel_loop3A_329 : i32 to index
        %parallel_loop3A_502 = arith.constant 240 : index
        %parallel_loop3A_503 = tpu.vector_load %arg11[%parallel_loop3A_501, %parallel_loop3A_502] {strides = array<i32>} : memref<16x768xf32, #tpu.memory_space<vmem>>, vector<1x16xf32>,
        %parallel_loop3A_504 = vector.shape_cast %parallel_loop3A_503 : vector<1x16xf32> to vector<16xf32>
        %parallel_loop3A_505 = vector.shape_cast %parallel_loop3A_500 : vector<16xf32> to vector<1x16xf32>
        tpu.vector_store %arg11[%parallel_loop3A_501, %parallel_loop3A_502], %parallel_loop3A_505 {add = true, strides = array<i32>} : memref<16x768xf32, #tpu.memory_space<vmem>>, vector<1x16xf32>,
        %parallel_loop3A_506 = arith.constant 48 : i32
        %parallel_loop3A_507 = arith.addi %parallel_loop3A_506, %parallel_loop3A_329 : i32
        %parallel_loop3A_508 = arith.index_cast %parallel_loop3A_507 : i32 to index
        %parallel_loop3A_509 = arith.constant 256 : index
        %parallel_loop3A_510 = tpu.vector_load %arg7[%parallel_loop3A_508, %parallel_loop3A_509] {strides = array<i32>} : memref<64x768xf32, #tpu.memory_space<vmem>>, vector<1x16xf32>,
        %parallel_loop3A_511 = vector.shape_cast %parallel_loop3A_510 : vector<1x16xf32> to vector<16xf32>
        %parallel_loop3A_512 = arith.index_cast %parallel_loop3A_329 : i32 to index
        %parallel_loop3A_513 = arith.constant 256 : index
        %parallel_loop3A_514 = tpu.vector_load %arg11[%parallel_loop3A_512, %parallel_loop3A_513] {strides = array<i32>} : memref<16x768xf32, #tpu.memory_space<vmem>>, vector<1x16xf32>,
        %parallel_loop3A_515 = vector.shape_cast %parallel_loop3A_514 : vector<1x16xf32> to vector<16xf32>
        %parallel_loop3A_516 = vector.shape_cast %parallel_loop3A_511 : vector<16xf32> to vector<1x16xf32>
        tpu.vector_store %arg11[%parallel_loop3A_512, %parallel_loop3A_513], %parallel_loop3A_516 {add = true, strides = array<i32>} : memref<16x768xf32, #tpu.memory_space<vmem>>, vector<1x16xf32>,
        %parallel_loop3A_517 = arith.constant 48 : i32
        %parallel_loop3A_518 = arith.addi %parallel_loop3A_517, %parallel_loop3A_329 : i32
        %parallel_loop3A_519 = arith.index_cast %parallel_loop3A_518 : i32 to index
        %parallel_loop3A_520 = arith.constant 272 : index
        %parallel_loop3A_521 = tpu.vector_load %arg7[%parallel_loop3A_519, %parallel_loop3A_520] {strides = array<i32>} : memref<64x768xf32, #tpu.memory_space<vmem>>, vector<1x16xf32>,
        %parallel_loop3A_522 = vector.shape_cast %parallel_loop3A_521 : vector<1x16xf32> to vector<16xf32>
        %parallel_loop3A_523 = arith.index_cast %parallel_loop3A_329 : i32 to index
        %parallel_loop3A_524 = arith.constant 272 : index
        %parallel_loop3A_525 = tpu.vector_load %arg11[%parallel_loop3A_523, %parallel_loop3A_524] {strides = array<i32>} : memref<16x768xf32, #tpu.memory_space<vmem>>, vector<1x16xf32>,
        %parallel_loop3A_526 = vector.shape_cast %parallel_loop3A_525 : vector<1x16xf32> to vector<16xf32>
        %parallel_loop3A_527 = vector.shape_cast %parallel_loop3A_522 : vector<16xf32> to vector<1x16xf32>
        tpu.vector_store %arg11[%parallel_loop3A_523, %parallel_loop3A_524], %parallel_loop3A_527 {add = true, strides = array<i32>} : memref<16x768xf32, #tpu.memory_space<vmem>>, vector<1x16xf32>,
        %parallel_loop3A_528 = arith.constant 48 : i32
        %parallel_loop3A_529 = arith.addi %parallel_loop3A_528, %parallel_loop3A_329 : i32
        %parallel_loop3A_530 = arith.index_cast %parallel_loop3A_529 : i32 to index
        %parallel_loop3A_531 = arith.constant 288 : index
        %parallel_loop3A_532 = tpu.vector_load %arg7[%parallel_loop3A_530, %parallel_loop3A_531] {strides = array<i32>} : memref<64x768xf32, #tpu.memory_space<vmem>>, vector<1x16xf32>,
        %parallel_loop3A_533 = vector.shape_cast %parallel_loop3A_532 : vector<1x16xf32> to vector<16xf32>
        %parallel_loop3A_534 = arith.index_cast %parallel_loop3A_329 : i32 to index
        %parallel_loop3A_535 = arith.constant 288 : index
        %parallel_loop3A_536 = tpu.vector_load %arg11[%parallel_loop3A_534, %parallel_loop3A_535] {strides = array<i32>} : memref<16x768xf32, #tpu.memory_space<vmem>>, vector<1x16xf32>,
        %parallel_loop3A_537 = vector.shape_cast %parallel_loop3A_536 : vector<1x16xf32> to vector<16xf32>
        %parallel_loop3A_538 = vector.shape_cast %parallel_loop3A_533 : vector<16xf32> to vector<1x16xf32>
        tpu.vector_store %arg11[%parallel_loop3A_534, %parallel_loop3A_535], %parallel_loop3A_538 {add = true, strides = array<i32>} : memref<16x768xf32, #tpu.memory_space<vmem>>, vector<1x16xf32>,
        %parallel_loop3A_539 = arith.constant 48 : i32
        %parallel_loop3A_540 = arith.addi %parallel_loop3A_539, %parallel_loop3A_329 : i32
        %parallel_loop3A_541 = arith.index_cast %parallel_loop3A_540 : i32 to index
        %parallel_loop3A_542 = arith.constant 304 : index
        %parallel_loop3A_543 = tpu.vector_load %arg7[%parallel_loop3A_541, %parallel_loop3A_542] {strides = array<i32>} : memref<64x768xf32, #tpu.memory_space<vmem>>, vector<1x16xf32>,
        %parallel_loop3A_544 = vector.shape_cast %parallel_loop3A_543 : vector<1x16xf32> to vector<16xf32>
        %parallel_loop3A_545 = arith.index_cast %parallel_loop3A_329 : i32 to index
        %parallel_loop3A_546 = arith.constant 304 : index
        %parallel_loop3A_547 = tpu.vector_load %arg11[%parallel_loop3A_545, %parallel_loop3A_546] {strides = array<i32>} : memref<16x768xf32, #tpu.memory_space<vmem>>, vector<1x16xf32>,
        %parallel_loop3A_548 = vector.shape_cast %parallel_loop3A_547 : vector<1x16xf32> to vector<16xf32>
        %parallel_loop3A_549 = vector.shape_cast %parallel_loop3A_544 : vector<16xf32> to vector<1x16xf32>
        tpu.vector_store %arg11[%parallel_loop3A_545, %parallel_loop3A_546], %parallel_loop3A_549 {add = true, strides = array<i32>} : memref<16x768xf32, #tpu.memory_space<vmem>>, vector<1x16xf32>,
        %parallel_loop3A_550 = arith.constant 48 : i32
        %parallel_loop3A_551 = arith.addi %parallel_loop3A_550, %parallel_loop3A_329 : i32
        %parallel_loop3A_552 = arith.index_cast %parallel_loop3A_551 : i32 to index
        %parallel_loop3A_553 = arith.constant 320 : index
        %parallel_loop3A_554 = tpu.vector_load %arg7[%parallel_loop3A_552, %parallel_loop3A_553] {strides = array<i32>} : memref<64x768xf32, #tpu.memory_space<vmem>>, vector<1x16xf32>,
        %parallel_loop3A_555 = vector.shape_cast %parallel_loop3A_554 : vector<1x16xf32> to vector<16xf32>
        %parallel_loop3A_556 = arith.index_cast %parallel_loop3A_329 : i32 to index
        %parallel_loop3A_557 = arith.constant 320 : index
        %parallel_loop3A_558 = tpu.vector_load %arg11[%parallel_loop3A_556, %parallel_loop3A_557] {strides = array<i32>} : memref<16x768xf32, #tpu.memory_space<vmem>>, vector<1x16xf32>,
        %parallel_loop3A_559 = vector.shape_cast %parallel_loop3A_558 : vector<1x16xf32> to vector<16xf32>
        %parallel_loop3A_560 = vector.shape_cast %parallel_loop3A_555 : vector<16xf32> to vector<1x16xf32>
        tpu.vector_store %arg11[%parallel_loop3A_556, %parallel_loop3A_557], %parallel_loop3A_560 {add = true, strides = array<i32>} : memref<16x768xf32, #tpu.memory_space<vmem>>, vector<1x16xf32>,
        %parallel_loop3A_561 = arith.constant 48 : i32
        %parallel_loop3A_562 = arith.addi %parallel_loop3A_561, %parallel_loop3A_329 : i32
        %parallel_loop3A_563 = arith.index_cast %parallel_loop3A_562 : i32 to index
        %parallel_loop3A_564 = arith.constant 336 : index
        %parallel_loop3A_565 = tpu.vector_load %arg7[%parallel_loop3A_563, %parallel_loop3A_564] {strides = array<i32>} : memref<64x768xf32, #tpu.memory_space<vmem>>, vector<1x16xf32>,
        %parallel_loop3A_566 = vector.shape_cast %parallel_loop3A_565 : vector<1x16xf32> to vector<16xf32>
        %parallel_loop3A_567 = arith.index_cast %parallel_loop3A_329 : i32 to index
        %parallel_loop3A_568 = arith.constant 336 : index
        %parallel_loop3A_569 = tpu.vector_load %arg11[%parallel_loop3A_567, %parallel_loop3A_568] {strides = array<i32>} : memref<16x768xf32, #tpu.memory_space<vmem>>, vector<1x16xf32>,
        %parallel_loop3A_570 = vector.shape_cast %parallel_loop3A_569 : vector<1x16xf32> to vector<16xf32>
        %parallel_loop3A_571 = vector.shape_cast %parallel_loop3A_566 : vector<16xf32> to vector<1x16xf32>
        tpu.vector_store %arg11[%parallel_loop3A_567, %parallel_loop3A_568], %parallel_loop3A_571 {add = true, strides = array<i32>} : memref<16x768xf32, #tpu.memory_space<vmem>>, vector<1x16xf32>,
        %parallel_loop3A_572 = arith.constant 48 : i32
        %parallel_loop3A_573 = arith.addi %parallel_loop3A_572, %parallel_loop3A_329 : i32
        %parallel_loop3A_574 = arith.index_cast %parallel_loop3A_573 : i32 to index
        %parallel_loop3A_575 = arith.constant 352 : index
        %parallel_loop3A_576 = tpu.vector_load %arg7[%parallel_loop3A_574, %parallel_loop3A_575] {strides = array<i32>} : memref<64x768xf32, #tpu.memory_space<vmem>>, vector<1x16xf32>,
        %parallel_loop3A_577 = vector.shape_cast %parallel_loop3A_576 : vector<1x16xf32> to vector<16xf32>
        %parallel_loop3A_578 = arith.index_cast %parallel_loop3A_329 : i32 to index
        %parallel_loop3A_579 = arith.constant 352 : index
        %parallel_loop3A_580 = tpu.vector_load %arg11[%parallel_loop3A_578, %parallel_loop3A_579] {strides = array<i32>} : memref<16x768xf32, #tpu.memory_space<vmem>>, vector<1x16xf32>,
        %parallel_loop3A_581 = vector.shape_cast %parallel_loop3A_580 : vector<1x16xf32> to vector<16xf32>
        %parallel_loop3A_582 = vector.shape_cast %parallel_loop3A_577 : vector<16xf32> to vector<1x16xf32>
        tpu.vector_store %arg11[%parallel_loop3A_578, %parallel_loop3A_579], %parallel_loop3A_582 {add = true, strides = array<i32>} : memref<16x768xf32, #tpu.memory_space<vmem>>, vector<1x16xf32>,
        %parallel_loop3A_583 = arith.constant 48 : i32
        %parallel_loop3A_584 = arith.addi %parallel_loop3A_583, %parallel_loop3A_329 : i32
        %parallel_loop3A_585 = arith.index_cast %parallel_loop3A_584 : i32 to index
        %parallel_loop3A_586 = arith.constant 368 : index
        %parallel_loop3A_587 = tpu.vector_load %arg7[%parallel_loop3A_585, %parallel_loop3A_586] {strides = array<i32>} : memref<64x768xf32, #tpu.memory_space<vmem>>, vector<1x16xf32>,
        %parallel_loop3A_588 = vector.shape_cast %parallel_loop3A_587 : vector<1x16xf32> to vector<16xf32>
        %parallel_loop3A_589 = arith.index_cast %parallel_loop3A_329 : i32 to index
        %parallel_loop3A_590 = arith.constant 368 : index
        %parallel_loop3A_591 = tpu.vector_load %arg11[%parallel_loop3A_589, %parallel_loop3A_590] {strides = array<i32>} : memref<16x768xf32, #tpu.memory_space<vmem>>, vector<1x16xf32>,
        %parallel_loop3A_592 = vector.shape_cast %parallel_loop3A_591 : vector<1x16xf32> to vector<16xf32>
        %parallel_loop3A_593 = vector.shape_cast %parallel_loop3A_588 : vector<16xf32> to vector<1x16xf32>
        tpu.vector_store %arg11[%parallel_loop3A_589, %parallel_loop3A_590], %parallel_loop3A_593 {add = true, strides = array<i32>} : memref<16x768xf32, #tpu.memory_space<vmem>>, vector<1x16xf32>,
        %parallel_loop3A_594 = arith.constant 48 : i32
        %parallel_loop3A_595 = arith.addi %parallel_loop3A_594, %parallel_loop3A_329 : i32
        %parallel_loop3A_596 = arith.index_cast %parallel_loop3A_595 : i32 to index
        %parallel_loop3A_597 = arith.constant 384 : index
        %parallel_loop3A_598 = tpu.vector_load %arg7[%parallel_loop3A_596, %parallel_loop3A_597] {strides = array<i32>} : memref<64x768xf32, #tpu.memory_space<vmem>>, vector<1x16xf32>,
        %parallel_loop3A_599 = vector.shape_cast %parallel_loop3A_598 : vector<1x16xf32> to vector<16xf32>
        %parallel_loop3A_600 = arith.index_cast %parallel_loop3A_329 : i32 to index
        %parallel_loop3A_601 = arith.constant 384 : index
        %parallel_loop3A_602 = tpu.vector_load %arg11[%parallel_loop3A_600, %parallel_loop3A_601] {strides = array<i32>} : memref<16x768xf32, #tpu.memory_space<vmem>>, vector<1x16xf32>,
        %parallel_loop3A_603 = vector.shape_cast %parallel_loop3A_602 : vector<1x16xf32> to vector<16xf32>
        %parallel_loop3A_604 = vector.shape_cast %parallel_loop3A_599 : vector<16xf32> to vector<1x16xf32>
        tpu.vector_store %arg11[%parallel_loop3A_600, %parallel_loop3A_601], %parallel_loop3A_604 {add = true, strides = array<i32>} : memref<16x768xf32, #tpu.memory_space<vmem>>, vector<1x16xf32>,
        %parallel_loop3A_605 = arith.constant 48 : i32
        %parallel_loop3A_606 = arith.addi %parallel_loop3A_605, %parallel_loop3A_329 : i32
        %parallel_loop3A_607 = arith.index_cast %parallel_loop3A_606 : i32 to index
        %parallel_loop3A_608 = arith.constant 400 : index
        %parallel_loop3A_609 = tpu.vector_load %arg7[%parallel_loop3A_607, %parallel_loop3A_608] {strides = array<i32>} : memref<64x768xf32, #tpu.memory_space<vmem>>, vector<1x16xf32>,
        %parallel_loop3A_610 = vector.shape_cast %parallel_loop3A_609 : vector<1x16xf32> to vector<16xf32>
        %parallel_loop3A_611 = arith.index_cast %parallel_loop3A_329 : i32 to index
        %parallel_loop3A_612 = arith.constant 400 : index
        %parallel_loop3A_613 = tpu.vector_load %arg11[%parallel_loop3A_611, %parallel_loop3A_612] {strides = array<i32>} : memref<16x768xf32, #tpu.memory_space<vmem>>, vector<1x16xf32>,
        %parallel_loop3A_614 = vector.shape_cast %parallel_loop3A_613 : vector<1x16xf32> to vector<16xf32>
        %parallel_loop3A_615 = vector.shape_cast %parallel_loop3A_610 : vector<16xf32> to vector<1x16xf32>
        tpu.vector_store %arg11[%parallel_loop3A_611, %parallel_loop3A_612], %parallel_loop3A_615 {add = true, strides = array<i32>} : memref<16x768xf32, #tpu.memory_space<vmem>>, vector<1x16xf32>,
        %parallel_loop3A_616 = arith.constant 48 : i32
        %parallel_loop3A_617 = arith.addi %parallel_loop3A_616, %parallel_loop3A_329 : i32
        %parallel_loop3A_618 = arith.index_cast %parallel_loop3A_617 : i32 to index
        %parallel_loop3A_619 = arith.constant 416 : index
        %parallel_loop3A_620 = tpu.vector_load %arg7[%parallel_loop3A_618, %parallel_loop3A_619] {strides = array<i32>} : memref<64x768xf32, #tpu.memory_space<vmem>>, vector<1x16xf32>,
        %parallel_loop3A_621 = vector.shape_cast %parallel_loop3A_620 : vector<1x16xf32> to vector<16xf32>
        %parallel_loop3A_622 = arith.index_cast %parallel_loop3A_329 : i32 to index
        %parallel_loop3A_623 = arith.constant 416 : index
        %parallel_loop3A_624 = tpu.vector_load %arg11[%parallel_loop3A_622, %parallel_loop3A_623] {strides = array<i32>} : memref<16x768xf32, #tpu.memory_space<vmem>>, vector<1x16xf32>,
        %parallel_loop3A_625 = vector.shape_cast %parallel_loop3A_624 : vector<1x16xf32> to vector<16xf32>
        %parallel_loop3A_626 = vector.shape_cast %parallel_loop3A_621 : vector<16xf32> to vector<1x16xf32>
        tpu.vector_store %arg11[%parallel_loop3A_622, %parallel_loop3A_623], %parallel_loop3A_626 {add = true, strides = array<i32>} : memref<16x768xf32, #tpu.memory_space<vmem>>, vector<1x16xf32>,
        %parallel_loop3A_627 = arith.constant 48 : i32
        %parallel_loop3A_628 = arith.addi %parallel_loop3A_627, %parallel_loop3A_329 : i32
        %parallel_loop3A_629 = arith.index_cast %parallel_loop3A_628 : i32 to index
        %parallel_loop3A_630 = arith.constant 432 : index
        %parallel_loop3A_631 = tpu.vector_load %arg7[%parallel_loop3A_629, %parallel_loop3A_630] {strides = array<i32>} : memref<64x768xf32, #tpu.memory_space<vmem>>, vector<1x16xf32>,
        %parallel_loop3A_632 = vector.shape_cast %parallel_loop3A_631 : vector<1x16xf32> to vector<16xf32>
        %parallel_loop3A_633 = arith.index_cast %parallel_loop3A_329 : i32 to index
        %parallel_loop3A_634 = arith.constant 432 : index
        %parallel_loop3A_635 = tpu.vector_load %arg11[%parallel_loop3A_633, %parallel_loop3A_634] {strides = array<i32>} : memref<16x768xf32, #tpu.memory_space<vmem>>, vector<1x16xf32>,
        %parallel_loop3A_636 = vector.shape_cast %parallel_loop3A_635 : vector<1x16xf32> to vector<16xf32>
        %parallel_loop3A_637 = vector.shape_cast %parallel_loop3A_632 : vector<16xf32> to vector<1x16xf32>
        tpu.vector_store %arg11[%parallel_loop3A_633, %parallel_loop3A_634], %parallel_loop3A_637 {add = true, strides = array<i32>} : memref<16x768xf32, #tpu.memory_space<vmem>>, vector<1x16xf32>,
        %parallel_loop3A_638 = arith.constant 48 : i32
        %parallel_loop3A_639 = arith.addi %parallel_loop3A_638, %parallel_loop3A_329 : i32
        %parallel_loop3A_640 = arith.index_cast %parallel_loop3A_639 : i32 to index
        %parallel_loop3A_641 = arith.constant 448 : index
        %parallel_loop3A_642 = tpu.vector_load %arg7[%parallel_loop3A_640, %parallel_loop3A_641] {strides = array<i32>} : memref<64x768xf32, #tpu.memory_space<vmem>>, vector<1x16xf32>,
        %parallel_loop3A_643 = vector.shape_cast %parallel_loop3A_642 : vector<1x16xf32> to vector<16xf32>
        %parallel_loop3A_644 = arith.index_cast %parallel_loop3A_329 : i32 to index
        %parallel_loop3A_645 = arith.constant 448 : index
        %parallel_loop3A_646 = tpu.vector_load %arg11[%parallel_loop3A_644, %parallel_loop3A_645] {strides = array<i32>} : memref<16x768xf32, #tpu.memory_space<vmem>>, vector<1x16xf32>,
        %parallel_loop3A_647 = vector.shape_cast %parallel_loop3A_646 : vector<1x16xf32> to vector<16xf32>
        %parallel_loop3A_648 = vector.shape_cast %parallel_loop3A_643 : vector<16xf32> to vector<1x16xf32>
        tpu.vector_store %arg11[%parallel_loop3A_644, %parallel_loop3A_645], %parallel_loop3A_648 {add = true, strides = array<i32>} : memref<16x768xf32, #tpu.memory_space<vmem>>, vector<1x16xf32>,
        %parallel_loop3A_649 = arith.constant 48 : i32
        %parallel_loop3A_650 = arith.addi %parallel_loop3A_649, %parallel_loop3A_329 : i32
        %parallel_loop3A_651 = arith.index_cast %parallel_loop3A_650 : i32 to index
        %parallel_loop3A_652 = arith.constant 464 : index
        %parallel_loop3A_653 = tpu.vector_load %arg7[%parallel_loop3A_651, %parallel_loop3A_652] {strides = array<i32>} : memref<64x768xf32, #tpu.memory_space<vmem>>, vector<1x16xf32>,
        %parallel_loop3A_654 = vector.shape_cast %parallel_loop3A_653 : vector<1x16xf32> to vector<16xf32>
        %parallel_loop3A_655 = arith.index_cast %parallel_loop3A_329 : i32 to index
        %parallel_loop3A_656 = arith.constant 464 : index
        %parallel_loop3A_657 = tpu.vector_load %arg11[%parallel_loop3A_655, %parallel_loop3A_656] {strides = array<i32>} : memref<16x768xf32, #tpu.memory_space<vmem>>, vector<1x16xf32>,
        %parallel_loop3A_658 = vector.shape_cast %parallel_loop3A_657 : vector<1x16xf32> to vector<16xf32>
        %parallel_loop3A_659 = vector.shape_cast %parallel_loop3A_654 : vector<16xf32> to vector<1x16xf32>
        tpu.vector_store %arg11[%parallel_loop3A_655, %parallel_loop3A_656], %parallel_loop3A_659 {add = true, strides = array<i32>} : memref<16x768xf32, #tpu.memory_space<vmem>>, vector<1x16xf32>,
        %parallel_loop3A_660 = arith.constant 48 : i32
        %parallel_loop3A_661 = arith.addi %parallel_loop3A_660, %parallel_loop3A_329 : i32
        %parallel_loop3A_662 = arith.index_cast %parallel_loop3A_661 : i32 to index
        %parallel_loop3A_663 = arith.constant 480 : index
        %parallel_loop3A_664 = tpu.vector_load %arg7[%parallel_loop3A_662, %parallel_loop3A_663] {strides = array<i32>} : memref<64x768xf32, #tpu.memory_space<vmem>>, vector<1x16xf32>,
        %parallel_loop3A_665 = vector.shape_cast %parallel_loop3A_664 : vector<1x16xf32> to vector<16xf32>
        %parallel_loop3A_666 = arith.index_cast %parallel_loop3A_329 : i32 to index
        %parallel_loop3A_667 = arith.constant 480 : index
        %parallel_loop3A_668 = tpu.vector_load %arg11[%parallel_loop3A_666, %parallel_loop3A_667] {strides = array<i32>} : memref<16x768xf32, #tpu.memory_space<vmem>>, vector<1x16xf32>,
        %parallel_loop3A_669 = vector.shape_cast %parallel_loop3A_668 : vector<1x16xf32> to vector<16xf32>
        %parallel_loop3A_670 = vector.shape_cast %parallel_loop3A_665 : vector<16xf32> to vector<1x16xf32>
        tpu.vector_store %arg11[%parallel_loop3A_666, %parallel_loop3A_667], %parallel_loop3A_670 {add = true, strides = array<i32>} : memref<16x768xf32, #tpu.memory_space<vmem>>, vector<1x16xf32>,
        %parallel_loop3A_671 = arith.constant 48 : i32
        %parallel_loop3A_672 = arith.addi %parallel_loop3A_671, %parallel_loop3A_329 : i32
        %parallel_loop3A_673 = arith.index_cast %parallel_loop3A_672 : i32 to index
        %parallel_loop3A_674 = arith.constant 496 : index
        %parallel_loop3A_675 = tpu.vector_load %arg7[%parallel_loop3A_673, %parallel_loop3A_674] {strides = array<i32>} : memref<64x768xf32, #tpu.memory_space<vmem>>, vector<1x16xf32>,
        %parallel_loop3A_676 = vector.shape_cast %parallel_loop3A_675 : vector<1x16xf32> to vector<16xf32>
        %parallel_loop3A_677 = arith.index_cast %parallel_loop3A_329 : i32 to index
        %parallel_loop3A_678 = arith.constant 496 : index
        %parallel_loop3A_679 = tpu.vector_load %arg11[%parallel_loop3A_677, %parallel_loop3A_678] {strides = array<i32>} : memref<16x768xf32, #tpu.memory_space<vmem>>, vector<1x16xf32>,
        %parallel_loop3A_680 = vector.shape_cast %parallel_loop3A_679 : vector<1x16xf32> to vector<16xf32>
        %parallel_loop3A_681 = vector.shape_cast %parallel_loop3A_676 : vector<16xf32> to vector<1x16xf32>
        tpu.vector_store %arg11[%parallel_loop3A_677, %parallel_loop3A_678], %parallel_loop3A_681 {add = true, strides = array<i32>} : memref<16x768xf32, #tpu.memory_space<vmem>>, vector<1x16xf32>,
        %parallel_loop3A_682 = arith.constant 48 : i32
        %parallel_loop3A_683 = arith.addi %parallel_loop3A_682, %parallel_loop3A_329 : i32
        %parallel_loop3A_684 = arith.index_cast %parallel_loop3A_683 : i32 to index
        %parallel_loop3A_685 = arith.constant 512 : index
        %parallel_loop3A_686 = tpu.vector_load %arg7[%parallel_loop3A_684, %parallel_loop3A_685] {strides = array<i32>} : memref<64x768xf32, #tpu.memory_space<vmem>>, vector<1x16xf32>,
        %parallel_loop3A_687 = vector.shape_cast %parallel_loop3A_686 : vector<1x16xf32> to vector<16xf32>
        %parallel_loop3A_688 = arith.index_cast %parallel_loop3A_329 : i32 to index
        %parallel_loop3A_689 = arith.constant 512 : index
        %parallel_loop3A_690 = tpu.vector_load %arg11[%parallel_loop3A_688, %parallel_loop3A_689] {strides = array<i32>} : memref<16x768xf32, #tpu.memory_space<vmem>>, vector<1x16xf32>,
        %parallel_loop3A_691 = vector.shape_cast %parallel_loop3A_690 : vector<1x16xf32> to vector<16xf32>
        %parallel_loop3A_692 = vector.shape_cast %parallel_loop3A_687 : vector<16xf32> to vector<1x16xf32>
        tpu.vector_store %arg11[%parallel_loop3A_688, %parallel_loop3A_689], %parallel_loop3A_692 {add = true, strides = array<i32>} : memref<16x768xf32, #tpu.memory_space<vmem>>, vector<1x16xf32>,
        %parallel_loop3A_693 = arith.constant 48 : i32
        %parallel_loop3A_694 = arith.addi %parallel_loop3A_693, %parallel_loop3A_329 : i32
        %parallel_loop3A_695 = arith.index_cast %parallel_loop3A_694 : i32 to index
        %parallel_loop3A_696 = arith.constant 528 : index
        %parallel_loop3A_697 = tpu.vector_load %arg7[%parallel_loop3A_695, %parallel_loop3A_696] {strides = array<i32>} : memref<64x768xf32, #tpu.memory_space<vmem>>, vector<1x16xf32>,
        %parallel_loop3A_698 = vector.shape_cast %parallel_loop3A_697 : vector<1x16xf32> to vector<16xf32>
        %parallel_loop3A_699 = arith.index_cast %parallel_loop3A_329 : i32 to index
        %parallel_loop3A_700 = arith.constant 528 : index
        %parallel_loop3A_701 = tpu.vector_load %arg11[%parallel_loop3A_699, %parallel_loop3A_700] {strides = array<i32>} : memref<16x768xf32, #tpu.memory_space<vmem>>, vector<1x16xf32>,
        %parallel_loop3A_702 = vector.shape_cast %parallel_loop3A_701 : vector<1x16xf32> to vector<16xf32>
        %parallel_loop3A_703 = vector.shape_cast %parallel_loop3A_698 : vector<16xf32> to vector<1x16xf32>
        tpu.vector_store %arg11[%parallel_loop3A_699, %parallel_loop3A_700], %parallel_loop3A_703 {add = true, strides = array<i32>} : memref<16x768xf32, #tpu.memory_space<vmem>>, vector<1x16xf32>,
        %parallel_loop3A_704 = arith.constant 48 : i32
        %parallel_loop3A_705 = arith.addi %parallel_loop3A_704, %parallel_loop3A_329 : i32
        %parallel_loop3A_706 = arith.index_cast %parallel_loop3A_705 : i32 to index
        %parallel_loop3A_707 = arith.constant 544 : index
        %parallel_loop3A_708 = tpu.vector_load %arg7[%parallel_loop3A_706, %parallel_loop3A_707] {strides = array<i32>} : memref<64x768xf32, #tpu.memory_space<vmem>>, vector<1x16xf32>,
        %parallel_loop3A_709 = vector.shape_cast %parallel_loop3A_708 : vector<1x16xf32> to vector<16xf32>
        %parallel_loop3A_710 = arith.index_cast %parallel_loop3A_329 : i32 to index
        %parallel_loop3A_711 = arith.constant 544 : index
        %parallel_loop3A_712 = tpu.vector_load %arg11[%parallel_loop3A_710, %parallel_loop3A_711] {strides = array<i32>} : memref<16x768xf32, #tpu.memory_space<vmem>>, vector<1x16xf32>,
        %parallel_loop3A_713 = vector.shape_cast %parallel_loop3A_712 : vector<1x16xf32> to vector<16xf32>
        %parallel_loop3A_714 = vector.shape_cast %parallel_loop3A_709 : vector<16xf32> to vector<1x16xf32>
        tpu.vector_store %arg11[%parallel_loop3A_710, %parallel_loop3A_711], %parallel_loop3A_714 {add = true, strides = array<i32>} : memref<16x768xf32, #tpu.memory_space<vmem>>, vector<1x16xf32>,
        %parallel_loop3A_715 = arith.constant 48 : i32
        %parallel_loop3A_716 = arith.addi %parallel_loop3A_715, %parallel_loop3A_329 : i32
        %parallel_loop3A_717 = arith.index_cast %parallel_loop3A_716 : i32 to index
        %parallel_loop3A_718 = arith.constant 560 : index
        %parallel_loop3A_719 = tpu.vector_load %arg7[%parallel_loop3A_717, %parallel_loop3A_718] {strides = array<i32>} : memref<64x768xf32, #tpu.memory_space<vmem>>, vector<1x16xf32>,
        %parallel_loop3A_720 = vector.shape_cast %parallel_loop3A_719 : vector<1x16xf32> to vector<16xf32>
        %parallel_loop3A_721 = arith.index_cast %parallel_loop3A_329 : i32 to index
        %parallel_loop3A_722 = arith.constant 560 : index
        %parallel_loop3A_723 = tpu.vector_load %arg11[%parallel_loop3A_721, %parallel_loop3A_722] {strides = array<i32>} : memref<16x768xf32, #tpu.memory_space<vmem>>, vector<1x16xf32>,
        %parallel_loop3A_724 = vector.shape_cast %parallel_loop3A_723 : vector<1x16xf32> to vector<16xf32>
        %parallel_loop3A_725 = vector.shape_cast %parallel_loop3A_720 : vector<16xf32> to vector<1x16xf32>
        tpu.vector_store %arg11[%parallel_loop3A_721, %parallel_loop3A_722], %parallel_loop3A_725 {add = true, strides = array<i32>} : memref<16x768xf32, #tpu.memory_space<vmem>>, vector<1x16xf32>,
        %parallel_loop3A_726 = arith.constant 48 : i32
        %parallel_loop3A_727 = arith.addi %parallel_loop3A_726, %parallel_loop3A_329 : i32
        %parallel_loop3A_728 = arith.index_cast %parallel_loop3A_727 : i32 to index
        %parallel_loop3A_729 = arith.constant 576 : index
        %parallel_loop3A_730 = tpu.vector_load %arg7[%parallel_loop3A_728, %parallel_loop3A_729] {strides = array<i32>} : memref<64x768xf32, #tpu.memory_space<vmem>>, vector<1x16xf32>,
        %parallel_loop3A_731 = vector.shape_cast %parallel_loop3A_730 : vector<1x16xf32> to vector<16xf32>
        %parallel_loop3A_732 = arith.index_cast %parallel_loop3A_329 : i32 to index
        %parallel_loop3A_733 = arith.constant 576 : index
        %parallel_loop3A_734 = tpu.vector_load %arg11[%parallel_loop3A_732, %parallel_loop3A_733] {strides = array<i32>} : memref<16x768xf32, #tpu.memory_space<vmem>>, vector<1x16xf32>,
        %parallel_loop3A_735 = vector.shape_cast %parallel_loop3A_734 : vector<1x16xf32> to vector<16xf32>
        %parallel_loop3A_736 = vector.shape_cast %parallel_loop3A_731 : vector<16xf32> to vector<1x16xf32>
        tpu.vector_store %arg11[%parallel_loop3A_732, %parallel_loop3A_733], %parallel_loop3A_736 {add = true, strides = array<i32>} : memref<16x768xf32, #tpu.memory_space<vmem>>, vector<1x16xf32>,
        %parallel_loop3A_737 = arith.constant 48 : i32
        %parallel_loop3A_738 = arith.addi %parallel_loop3A_737, %parallel_loop3A_329 : i32
        %parallel_loop3A_739 = arith.index_cast %parallel_loop3A_738 : i32 to index
        %parallel_loop3A_740 = arith.constant 592 : index
        %parallel_loop3A_741 = tpu.vector_load %arg7[%parallel_loop3A_739, %parallel_loop3A_740] {strides = array<i32>} : memref<64x768xf32, #tpu.memory_space<vmem>>, vector<1x16xf32>,
        %parallel_loop3A_742 = vector.shape_cast %parallel_loop3A_741 : vector<1x16xf32> to vector<16xf32>
        %parallel_loop3A_743 = arith.index_cast %parallel_loop3A_329 : i32 to index
        %parallel_loop3A_744 = arith.constant 592 : index
        %parallel_loop3A_745 = tpu.vector_load %arg11[%parallel_loop3A_743, %parallel_loop3A_744] {strides = array<i32>} : memref<16x768xf32, #tpu.memory_space<vmem>>, vector<1x16xf32>,
        %parallel_loop3A_746 = vector.shape_cast %parallel_loop3A_745 : vector<1x16xf32> to vector<16xf32>
        %parallel_loop3A_747 = vector.shape_cast %parallel_loop3A_742 : vector<16xf32> to vector<1x16xf32>
        tpu.vector_store %arg11[%parallel_loop3A_743, %parallel_loop3A_744], %parallel_loop3A_747 {add = true, strides = array<i32>} : memref<16x768xf32, #tpu.memory_space<vmem>>, vector<1x16xf32>,
        %parallel_loop3A_748 = arith.constant 48 : i32
        %parallel_loop3A_749 = arith.addi %parallel_loop3A_748, %parallel_loop3A_329 : i32
        %parallel_loop3A_750 = arith.index_cast %parallel_loop3A_749 : i32 to index
        %parallel_loop3A_751 = arith.constant 608 : index
        %parallel_loop3A_752 = tpu.vector_load %arg7[%parallel_loop3A_750, %parallel_loop3A_751] {strides = array<i32>} : memref<64x768xf32, #tpu.memory_space<vmem>>, vector<1x16xf32>,
        %parallel_loop3A_753 = vector.shape_cast %parallel_loop3A_752 : vector<1x16xf32> to vector<16xf32>
        %parallel_loop3A_754 = arith.index_cast %parallel_loop3A_329 : i32 to index
        %parallel_loop3A_755 = arith.constant 608 : index
        %parallel_loop3A_756 = tpu.vector_load %arg11[%parallel_loop3A_754, %parallel_loop3A_755] {strides = array<i32>} : memref<16x768xf32, #tpu.memory_space<vmem>>, vector<1x16xf32>,
        %parallel_loop3A_757 = vector.shape_cast %parallel_loop3A_756 : vector<1x16xf32> to vector<16xf32>
        %parallel_loop3A_758 = vector.shape_cast %parallel_loop3A_753 : vector<16xf32> to vector<1x16xf32>
        tpu.vector_store %arg11[%parallel_loop3A_754, %parallel_loop3A_755], %parallel_loop3A_758 {add = true, strides = array<i32>} : memref<16x768xf32, #tpu.memory_space<vmem>>, vector<1x16xf32>,
        %parallel_loop3A_759 = arith.constant 48 : i32
        %parallel_loop3A_760 = arith.addi %parallel_loop3A_759, %parallel_loop3A_329 : i32
        %parallel_loop3A_761 = arith.index_cast %parallel_loop3A_760 : i32 to index
        %parallel_loop3A_762 = arith.constant 624 : index
        %parallel_loop3A_763 = tpu.vector_load %arg7[%parallel_loop3A_761, %parallel_loop3A_762] {strides = array<i32>} : memref<64x768xf32, #tpu.memory_space<vmem>>, vector<1x16xf32>,
        %parallel_loop3A_764 = vector.shape_cast %parallel_loop3A_763 : vector<1x16xf32> to vector<16xf32>
        %parallel_loop3A_765 = arith.index_cast %parallel_loop3A_329 : i32 to index
        %parallel_loop3A_766 = arith.constant 624 : index
        %parallel_loop3A_767 = tpu.vector_load %arg11[%parallel_loop3A_765, %parallel_loop3A_766] {strides = array<i32>} : memref<16x768xf32, #tpu.memory_space<vmem>>, vector<1x16xf32>,
        %parallel_loop3A_768 = vector.shape_cast %parallel_loop3A_767 : vector<1x16xf32> to vector<16xf32>
        %parallel_loop3A_769 = vector.shape_cast %parallel_loop3A_764 : vector<16xf32> to vector<1x16xf32>
        tpu.vector_store %arg11[%parallel_loop3A_765, %parallel_loop3A_766], %parallel_loop3A_769 {add = true, strides = array<i32>} : memref<16x768xf32, #tpu.memory_space<vmem>>, vector<1x16xf32>,
        %parallel_loop3A_770 = arith.constant 48 : i32
        %parallel_loop3A_771 = arith.addi %parallel_loop3A_770, %parallel_loop3A_329 : i32
        %parallel_loop3A_772 = arith.index_cast %parallel_loop3A_771 : i32 to index
        %parallel_loop3A_773 = arith.constant 640 : index
        %parallel_loop3A_774 = tpu.vector_load %arg7[%parallel_loop3A_772, %parallel_loop3A_773] {strides = array<i32>} : memref<64x768xf32, #tpu.memory_space<vmem>>, vector<1x16xf32>,
        %parallel_loop3A_775 = vector.shape_cast %parallel_loop3A_774 : vector<1x16xf32> to vector<16xf32>
        %parallel_loop3A_776 = arith.index_cast %parallel_loop3A_329 : i32 to index
        %parallel_loop3A_777 = arith.constant 640 : index
        %parallel_loop3A_778 = tpu.vector_load %arg11[%parallel_loop3A_776, %parallel_loop3A_777] {strides = array<i32>} : memref<16x768xf32, #tpu.memory_space<vmem>>, vector<1x16xf32>,
        %parallel_loop3A_779 = vector.shape_cast %parallel_loop3A_778 : vector<1x16xf32> to vector<16xf32>
        %parallel_loop3A_780 = vector.shape_cast %parallel_loop3A_775 : vector<16xf32> to vector<1x16xf32>
        tpu.vector_store %arg11[%parallel_loop3A_776, %parallel_loop3A_777], %parallel_loop3A_780 {add = true, strides = array<i32>} : memref<16x768xf32, #tpu.memory_space<vmem>>, vector<1x16xf32>,
        %parallel_loop3A_781 = arith.constant 48 : i32
        %parallel_loop3A_782 = arith.addi %parallel_loop3A_781, %parallel_loop3A_329 : i32
        %parallel_loop3A_783 = arith.index_cast %parallel_loop3A_782 : i32 to index
        %parallel_loop3A_784 = arith.constant 656 : index
        %parallel_loop3A_785 = tpu.vector_load %arg7[%parallel_loop3A_783, %parallel_loop3A_784] {strides = array<i32>} : memref<64x768xf32, #tpu.memory_space<vmem>>, vector<1x16xf32>,
        %parallel_loop3A_786 = vector.shape_cast %parallel_loop3A_785 : vector<1x16xf32> to vector<16xf32>
        %parallel_loop3A_787 = arith.index_cast %parallel_loop3A_329 : i32 to index
        %parallel_loop3A_788 = arith.constant 656 : index
        %parallel_loop3A_789 = tpu.vector_load %arg11[%parallel_loop3A_787, %parallel_loop3A_788] {strides = array<i32>} : memref<16x768xf32, #tpu.memory_space<vmem>>, vector<1x16xf32>,
        %parallel_loop3A_790 = vector.shape_cast %parallel_loop3A_789 : vector<1x16xf32> to vector<16xf32>
        %parallel_loop3A_791 = vector.shape_cast %parallel_loop3A_786 : vector<16xf32> to vector<1x16xf32>
        tpu.vector_store %arg11[%parallel_loop3A_787, %parallel_loop3A_788], %parallel_loop3A_791 {add = true, strides = array<i32>} : memref<16x768xf32, #tpu.memory_space<vmem>>, vector<1x16xf32>,
        %parallel_loop3A_792 = arith.constant 48 : i32
        %parallel_loop3A_793 = arith.addi %parallel_loop3A_792, %parallel_loop3A_329 : i32
        %parallel_loop3A_794 = arith.index_cast %parallel_loop3A_793 : i32 to index
        %parallel_loop3A_795 = arith.constant 672 : index
        %parallel_loop3A_796 = tpu.vector_load %arg7[%parallel_loop3A_794, %parallel_loop3A_795] {strides = array<i32>} : memref<64x768xf32, #tpu.memory_space<vmem>>, vector<1x16xf32>,
        %parallel_loop3A_797 = vector.shape_cast %parallel_loop3A_796 : vector<1x16xf32> to vector<16xf32>
        %parallel_loop3A_798 = arith.index_cast %parallel_loop3A_329 : i32 to index
        %parallel_loop3A_799 = arith.constant 672 : index
        %parallel_loop3A_800 = tpu.vector_load %arg11[%parallel_loop3A_798, %parallel_loop3A_799] {strides = array<i32>} : memref<16x768xf32, #tpu.memory_space<vmem>>, vector<1x16xf32>,
        %parallel_loop3A_801 = vector.shape_cast %parallel_loop3A_800 : vector<1x16xf32> to vector<16xf32>
        %parallel_loop3A_802 = vector.shape_cast %parallel_loop3A_797 : vector<16xf32> to vector<1x16xf32>
        tpu.vector_store %arg11[%parallel_loop3A_798, %parallel_loop3A_799], %parallel_loop3A_802 {add = true, strides = array<i32>} : memref<16x768xf32, #tpu.memory_space<vmem>>, vector<1x16xf32>,
        %parallel_loop3A_803 = arith.constant 48 : i32
        %parallel_loop3A_804 = arith.addi %parallel_loop3A_803, %parallel_loop3A_329 : i32
        %parallel_loop3A_805 = arith.index_cast %parallel_loop3A_804 : i32 to index
        %parallel_loop3A_806 = arith.constant 688 : index
        %parallel_loop3A_807 = tpu.vector_load %arg7[%parallel_loop3A_805, %parallel_loop3A_806] {strides = array<i32>} : memref<64x768xf32, #tpu.memory_space<vmem>>, vector<1x16xf32>,
        %parallel_loop3A_808 = vector.shape_cast %parallel_loop3A_807 : vector<1x16xf32> to vector<16xf32>
        %parallel_loop3A_809 = arith.index_cast %parallel_loop3A_329 : i32 to index
        %parallel_loop3A_810 = arith.constant 688 : index
        %parallel_loop3A_811 = tpu.vector_load %arg11[%parallel_loop3A_809, %parallel_loop3A_810] {strides = array<i32>} : memref<16x768xf32, #tpu.memory_space<vmem>>, vector<1x16xf32>,
        %parallel_loop3A_812 = vector.shape_cast %parallel_loop3A_811 : vector<1x16xf32> to vector<16xf32>
        %parallel_loop3A_813 = vector.shape_cast %parallel_loop3A_808 : vector<16xf32> to vector<1x16xf32>
        tpu.vector_store %arg11[%parallel_loop3A_809, %parallel_loop3A_810], %parallel_loop3A_813 {add = true, strides = array<i32>} : memref<16x768xf32, #tpu.memory_space<vmem>>, vector<1x16xf32>,
        %parallel_loop3A_814 = arith.constant 48 : i32
        %parallel_loop3A_815 = arith.addi %parallel_loop3A_814, %parallel_loop3A_329 : i32
        %parallel_loop3A_816 = arith.index_cast %parallel_loop3A_815 : i32 to index
        %parallel_loop3A_817 = arith.constant 704 : index
        %parallel_loop3A_818 = tpu.vector_load %arg7[%parallel_loop3A_816, %parallel_loop3A_817] {strides = array<i32>} : memref<64x768xf32, #tpu.memory_space<vmem>>, vector<1x16xf32>,
        %parallel_loop3A_819 = vector.shape_cast %parallel_loop3A_818 : vector<1x16xf32> to vector<16xf32>
        %parallel_loop3A_820 = arith.index_cast %parallel_loop3A_329 : i32 to index
        %parallel_loop3A_821 = arith.constant 704 : index
        %parallel_loop3A_822 = tpu.vector_load %arg11[%parallel_loop3A_820, %parallel_loop3A_821] {strides = array<i32>} : memref<16x768xf32, #tpu.memory_space<vmem>>, vector<1x16xf32>,
        %parallel_loop3A_823 = vector.shape_cast %parallel_loop3A_822 : vector<1x16xf32> to vector<16xf32>
        %parallel_loop3A_824 = vector.shape_cast %parallel_loop3A_819 : vector<16xf32> to vector<1x16xf32>
        tpu.vector_store %arg11[%parallel_loop3A_820, %parallel_loop3A_821], %parallel_loop3A_824 {add = true, strides = array<i32>} : memref<16x768xf32, #tpu.memory_space<vmem>>, vector<1x16xf32>,
        %parallel_loop3A_825 = arith.constant 48 : i32
        %parallel_loop3A_826 = arith.addi %parallel_loop3A_825, %parallel_loop3A_329 : i32
        %parallel_loop3A_827 = arith.index_cast %parallel_loop3A_826 : i32 to index
        %parallel_loop3A_828 = arith.constant 720 : index
        %parallel_loop3A_829 = tpu.vector_load %arg7[%parallel_loop3A_827, %parallel_loop3A_828] {strides = array<i32>} : memref<64x768xf32, #tpu.memory_space<vmem>>, vector<1x16xf32>,
        %parallel_loop3A_830 = vector.shape_cast %parallel_loop3A_829 : vector<1x16xf32> to vector<16xf32>
        %parallel_loop3A_831 = arith.index_cast %parallel_loop3A_329 : i32 to index
        %parallel_loop3A_832 = arith.constant 720 : index
        %parallel_loop3A_833 = tpu.vector_load %arg11[%parallel_loop3A_831, %parallel_loop3A_832] {strides = array<i32>} : memref<16x768xf32, #tpu.memory_space<vmem>>, vector<1x16xf32>,
        %parallel_loop3A_834 = vector.shape_cast %parallel_loop3A_833 : vector<1x16xf32> to vector<16xf32>
        %parallel_loop3A_835 = vector.shape_cast %parallel_loop3A_830 : vector<16xf32> to vector<1x16xf32>
        tpu.vector_store %arg11[%parallel_loop3A_831, %parallel_loop3A_832], %parallel_loop3A_835 {add = true, strides = array<i32>} : memref<16x768xf32, #tpu.memory_space<vmem>>, vector<1x16xf32>,
        %parallel_loop3A_836 = arith.constant 48 : i32
        %parallel_loop3A_837 = arith.addi %parallel_loop3A_836, %parallel_loop3A_329 : i32
        %parallel_loop3A_838 = arith.index_cast %parallel_loop3A_837 : i32 to index
        %parallel_loop3A_839 = arith.constant 736 : index
        %parallel_loop3A_840 = tpu.vector_load %arg7[%parallel_loop3A_838, %parallel_loop3A_839] {strides = array<i32>} : memref<64x768xf32, #tpu.memory_space<vmem>>, vector<1x16xf32>,
        %parallel_loop3A_841 = vector.shape_cast %parallel_loop3A_840 : vector<1x16xf32> to vector<16xf32>
        %parallel_loop3A_842 = arith.index_cast %parallel_loop3A_329 : i32 to index
        %parallel_loop3A_843 = arith.constant 736 : index
        %parallel_loop3A_844 = tpu.vector_load %arg11[%parallel_loop3A_842, %parallel_loop3A_843] {strides = array<i32>} : memref<16x768xf32, #tpu.memory_space<vmem>>, vector<1x16xf32>,
        %parallel_loop3A_845 = vector.shape_cast %parallel_loop3A_844 : vector<1x16xf32> to vector<16xf32>
        %parallel_loop3A_846 = vector.shape_cast %parallel_loop3A_841 : vector<16xf32> to vector<1x16xf32>
        tpu.vector_store %arg11[%parallel_loop3A_842, %parallel_loop3A_843], %parallel_loop3A_846 {add = true, strides = array<i32>} : memref<16x768xf32, #tpu.memory_space<vmem>>, vector<1x16xf32>,
        %parallel_loop3A_847 = arith.constant 48 : i32
        %parallel_loop3A_848 = arith.addi %parallel_loop3A_847, %parallel_loop3A_329 : i32
        %parallel_loop3A_849 = arith.index_cast %parallel_loop3A_848 : i32 to index
        %parallel_loop3A_850 = arith.constant 752 : index
        %parallel_loop3A_851 = tpu.vector_load %arg7[%parallel_loop3A_849, %parallel_loop3A_850] {strides = array<i32>} : memref<64x768xf32, #tpu.memory_space<vmem>>, vector<1x16xf32>,
        %parallel_loop3A_852 = vector.shape_cast %parallel_loop3A_851 : vector<1x16xf32> to vector<16xf32>
        %parallel_loop3A_853 = arith.index_cast %parallel_loop3A_329 : i32 to index
        %parallel_loop3A_854 = arith.constant 752 : index
        %parallel_loop3A_855 = tpu.vector_load %arg11[%parallel_loop3A_853, %parallel_loop3A_854] {strides = array<i32>} : memref<16x768xf32, #tpu.memory_space<vmem>>, vector<1x16xf32>,
        %parallel_loop3A_856 = vector.shape_cast %parallel_loop3A_855 : vector<1x16xf32> to vector<16xf32>
        %parallel_loop3A_857 = vector.shape_cast %parallel_loop3A_852 : vector<16xf32> to vector<1x16xf32>
        tpu.vector_store %arg11[%parallel_loop3A_853, %parallel_loop3A_854], %parallel_loop3A_857 {add = true, strides = array<i32>} : memref<16x768xf32, #tpu.memory_space<vmem>>, vector<1x16xf32>,
      } {sc.loop_unroll_factor = 2 : i64, sc.parallel_access}
      %add3A_321 = arith.constant 48 : i32
      %add3A_322 = arith.addi %mul3A_2, %add3A_321 : i32
      %dma_start3A_323 = arith.constant 0 : i32
      %dma_start3A_324 = tpu.memref_slice %arg5[%scan3A_182, %add3A_322, %dma_start3A_323] : memref<4x2048x768xf32, #tpu.memory_space<hbm>> -> memref<1x16x768xf32, #tpu.memory_space<hbm>>
      %dma_start3A_325 = tpu.memref_squeeze %dma_start3A_324 : memref<1x16x768xf32, #tpu.memory_space<hbm>> -> memref<16x768xf32, #tpu.memory_space<hbm>>
      %dma_start3A_326 = arith.constant 0 : i32
      %dma_start3A_327 = tpu.memref_slice %arg5[%scan3A_182, %add3A_322, %dma_start3A_326] : memref<4x2048x768xf32, #tpu.memory_space<hbm>> -> memref<1x16x768xf32, #tpu.memory_space<hbm>>
      %dma_start3A_328 = tpu.memref_squeeze %dma_start3A_327 : memref<1x16x768xf32, #tpu.memory_space<hbm>> -> memref<16x768xf32, #tpu.memory_space<hbm>>
      tpu.enqueue_dma source(%arg11 : memref<16x768xf32, #tpu.memory_space<vmem>>) target(%dma_start3A_328 : memref<16x768xf32, #tpu.memory_space<hbm>>) target_semaphore(%arg19 : memref<!tpu.dma_semaphore, #tpu.memory_space<semaphore_mem>>)
    }
    %scan3A_163 = arith.constant 4 : i32
    %dma_wait3A_164 = arith.constant 0 : i32
    %dma_wait3A_165 = arith.constant 0 : i32
    %dma_wait3A_166 = arith.constant 0 : i32
    %dma_wait3A_167 = tpu.memref_slice %arg5[%dma_wait3A_164, %dma_wait3A_165, %dma_wait3A_166] : memref<4x2048x768xf32, #tpu.memory_space<hbm>> -> memref<1x16x768xf32, #tpu.memory_space<hbm>>
    %dma_wait3A_168 = tpu.memref_squeeze %dma_wait3A_167 : memref<1x16x768xf32, #tpu.memory_space<hbm>> -> memref<16x768xf32, #tpu.memory_space<hbm>>
    %dma_wait3A_169 = arith.constant 0 : i32
    %dma_wait3A_170 = arith.constant 0 : i32
    %dma_wait3A_171 = tpu.memref_slice %arg5[%dma_wait3A_164, %dma_wait3A_169, %dma_wait3A_170] : memref<4x2048x768xf32, #tpu.memory_space<hbm>> -> memref<1x16x768xf32, #tpu.memory_space<hbm>>
    %dma_wait3A_172 = tpu.memref_squeeze %dma_wait3A_171 : memref<1x16x768xf32, #tpu.memory_space<hbm>> -> memref<16x768xf32, #tpu.memory_space<hbm>>
    tpu.wait_dma2 semaphore(%arg18 : memref<!tpu.dma_semaphore, #tpu.memory_space<semaphore_mem>>) src(%arg10 : memref<16x768xf32, #tpu.memory_space<vmem>>) dst(%dma_wait3A_172 : memref<16x768xf32, #tpu.memory_space<hbm>>)
    %dma_wait3A_173 = arith.constant 0 : i32
    %dma_wait3A_174 = arith.constant 0 : i32
    %dma_wait3A_175 = arith.constant 0 : i32
    %dma_wait3A_176 = tpu.memref_slice %arg5[%dma_wait3A_173, %dma_wait3A_174, %dma_wait3A_175] : memref<4x2048x768xf32, #tpu.memory_space<hbm>> -> memref<1x16x768xf32, #tpu.memory_space<hbm>>
    %dma_wait3A_177 = tpu.memref_squeeze %dma_wait3A_176 : memref<1x16x768xf32, #tpu.memory_space<hbm>> -> memref<16x768xf32, #tpu.memory_space<hbm>>
    %dma_wait3A_178 = arith.constant 0 : i32
    %dma_wait3A_179 = arith.constant 0 : i32
    %dma_wait3A_180 = tpu.memref_slice %arg5[%dma_wait3A_173, %dma_wait3A_178, %dma_wait3A_179] : memref<4x2048x768xf32, #tpu.memory_space<hbm>> -> memref<1x16x768xf32, #tpu.memory_space<hbm>>
    %dma_wait3A_181 = tpu.memref_squeeze %dma_wait3A_180 : memref<1x16x768xf32, #tpu.memory_space<hbm>> -> memref<16x768xf32, #tpu.memory_space<hbm>>
    tpu.wait_dma2 semaphore(%arg19 : memref<!tpu.dma_semaphore, #tpu.memory_space<semaphore_mem>>) src(%arg11 : memref<16x768xf32, #tpu.memory_space<vmem>>) dst(%dma_wait3A_181 : memref<16x768xf32, #tpu.memory_space<hbm>>)
    return
  }
}

</mosaic_0001>

<sc_bundles>
// kernel: kernel.3.cloned.1.call-start
scs
__scs_entry_jumppad:
0x0: {  	(pc) =	sbr.rel $0x88, $3  }
0x1: {  	(tag) =	ssettag $0x0;
	lr =	simm.s32 $0x1  }
0x2: {  	[smem:$0x3F9E] =	sst lr;
	_ =	strace $0xD0000000  }
0x3: {  	_ = 	snop  }
0x4: {  	_ = 	snop  }
0x5: {  	_ = 	snop  }
0x6: {  	_ = 	snop  }
0x7: {  	_ = 	snop  }
__scs_overlays_trampoline_lowered:
0x8: {  	[smem:$0x3FAD] =	sst s0  }
0x9: {  	[smem:$0x3FAE] =	sst s1  }
0xa: {  	[smem:$0x3FAF] =	sst s2  }
0xb: {  	[smem:$0x3FB0] =	sst s3  }
0xc: {  	[smem:$0x3FB1] =	sst s4  }
0xd: {  	[smem:$0x3FB2] =	sst s5  }
0xe: {  	[smem:$0x3FB3] =	sst s6  }
0xf: {  	[smem:$0x3FB4] =	sst s7  }
0x10: {  	[smem:$0x3FB5] =	sst s8  }
0x11: {  	[smem:$0x3FB6] =	sst s9;
	s0 =	simm.s32 @!p0 $0x0  }
0x12: {  	s1 =	sld [smem:$0x3F9C];
	s0 =	simm.s32 @p0 $0x1  }
0x13: {  	[smem:$0x3FB7] =	sst s0;
	s0 =	simm.s32 @!p1 $0x0  }
0x14: {  	s2 =	sld [smem:$0x3F9B];
	s0 =	simm.s32 @p1 $0x1  }
0x15: {  	[smem:$0x3FB8] =	sst s0;
	s0 =	simm.s32 @!p2 $0x0  }
0x16: {  	s3 =	sld [smem:$0x3FDB];
	s0 =	simm.s32 @p2 $0x1  }
0x17: {  	s4 =	simm.s32 $0x1BF5;
	[smem:$0x3FBA] =	sst s0  }
0x18: {  	s0 =	sld [smem:$0x3F9D];
	_ =	swait.ge [sflag:s4], $0x0  }
0x19: {  	s7 =	sld [smem:$0x3F9E]  }
0x1a: {  	s8 =	sadd.s32 $0xFFFFE003, lr  }
0x1b: {  	s9 =	sadd.s32 $0xFFFFFEF7, lr;
	s5 =	simm.s32 $0xFFFFFFFF;
	p2 =	slt.u32 s8, $0xFFFFF086  }
0x1c: {  	p1 =	slt.u32 s9, $0xF7A;
	s5 =	simm.s32 @!p2 $0x0  }
0x1d: {  	s5 =	simm.s32 @p1 $0x1;
	p0 =	seq.s32 s7, s2  }
0x1e: {  	s7 =	smul.u32 @!p0 $0xF7A, s2;
	p2 =	seq.s32 @!p0 s5, $0x0  }
0x1f: {  	s9 =	smul.u32 $0xF7A, s1;
	s8 =	simm.s32 @!p0 $0x1BF5;
	p2 =	por !p2, p0  }
0x20: {  	[sflag:s8] =	ssyncset.s32 @!p0 $0xFFFFF086;
	s6 =	sadd.s32 @!p0 s3, s7;
	s7 =	simm.s32 @!p0 $0x108  }
0x21: {  	s3 =	sadd.s32 s3, s9;
	s6 =	sadd.s32 @!p0 $0x88, s6;
	s7 =	simm.s32 @p2 $0x1082  }
0x22: {  	[simem:s7], [sflag:s8] =	dma.local @!p0 [hbm:s6], $0xF7A  }
0x23: {  	s9 =	sor.u32 $0xD0000000, s2;
	s6 =	simm.s32 $0x108;
	_ =	swait.ge @!p0 [sflag:s8], $0x0  }
0x24: {  	s3 =	sadd.s32 $0x88, s3;
	s6 =	simm.s32 @!p1 $0x1082;
	[sflag:s4] =	ssyncset.s32 $0xFFFFF086  }
0x25: {  	[simem:s6], [sflag:s4] =	dma.local [hbm:s3], $0xF7A  }
0x26: {  	[smem:$0x3F9E] =	sst s1;
	(tag) =	ssettag s2;
	_ =	strace s9  }
0x27: {  	s1 =	sld [smem:$0x3FAE]  }
0x28: {  	s2 =	sld [smem:$0x3FAF]  }
0x29: {  	s4 =	sld [smem:$0x3FB1]  }
0x2a: {  	p0 =	seq.s32 s5, $0x0;
	s5 =	sld [smem:$0x3FB2]  }
0x2b: {  	s6 =	sld [smem:$0x3FB3]  }
0x2c: {  	s7 =	sld [smem:$0x3FB4]  }
0x2d: {  	s3 =	simm.s32 $0x108;
	s8 =	sld [smem:$0x3FB5]  }
0x2e: {  	s3 =	simm.s32 @!p0 $0x1082;
	s9 =	sld [smem:$0x3FB6]  }
0x2f: {  	lr =	sadd.s32 s0, s3;
	s0 =	sld [smem:$0x3FAD]  }
0x30: {  	s3 =	sld [smem:$0x3FB0]  }
0x31: {  	[smem:$0x3FB9] =	sst s10  }
0x32: {  	s10 =	sld [smem:$0x3FB7];
	_ =	sdelay $0x3  }
0x33: {  	p0 =	seq.s32 s10, $0x1;
	s10 =	sld [smem:$0x3FB9];
	_ =	sdelay $0x3  }
0x34: {  	[smem:$0x3FB9] =	sst s10  }
0x35: {  	s10 =	sld [smem:$0x3FB8];
	_ =	sdelay $0x3  }
0x36: {  	p1 =	seq.s32 s10, $0x1;
	s10 =	sld [smem:$0x3FB9];
	_ =	sdelay $0x3  }
0x37: {  	[smem:$0x3FB9] =	sst s10  }
0x38: {  	s10 =	sld [smem:$0x3FBA]  }
0x39: {  	_ = 	snop;
	(pc) =	sbr.ind lr, $3  }
0x3a: {  	_ = 	snop  }
0x3b: {  	_ = 	snop  }
0x3c: {  	p2 =	seq.s32 s10, $0x1;
	s10 =	sld [smem:$0x3FB9]  }
0x3d: {  	_ =	shalt  }
0x3e: {  	_ =	shalt  }
0x3f: {  	_ =	shalt  }
0x40: {  	_ =	shalt  }
0x41: {  	_ =	shalt  }
0x42: {  	_ =	shalt  }
0x43: {  	_ =	shalt  }
0x44: {  	_ =	shalt  }
0x45: {  	_ =	shalt  }
0x46: {  	_ =	shalt  }
0x47: {  	_ =	shalt  }
0x48: {  	_ =	shalt  }
0x49: {  	_ =	shalt  }
0x4a: {  	_ =	shalt  }
0x4b: {  	_ =	shalt  }
0x4c: {  	_ =	shalt  }
0x4d: {  	_ =	shalt  }
0x4e: {  	_ =	shalt  }
0x4f: {  	_ =	shalt  }
0x50: {  	_ =	shalt  }
0x51: {  	_ =	shalt  }
0x52: {  	_ =	shalt  }
0x53: {  	_ =	shalt  }
0x54: {  	_ =	shalt  }
0x55: {  	_ =	shalt  }
0x56: {  	_ =	shalt  }
0x57: {  	_ =	shalt  }
0x58: {  	_ =	shalt  }
0x59: {  	_ =	shalt  }
0x5a: {  	_ =	shalt  }
0x5b: {  	_ =	shalt  }
0x5c: {  	_ =	shalt  }
0x5d: {  	_ =	shalt  }
0x5e: {  	_ =	shalt  }
0x5f: {  	_ =	shalt  }
0x60: {  	_ =	shalt  }
0x61: {  	_ =	shalt  }
0x62: {  	_ =	shalt  }
0x63: {  	_ =	shalt  }
0x64: {  	_ =	shalt  }
0x65: {  	_ =	shalt  }
0x66: {  	_ =	shalt  }
0x67: {  	_ =	shalt  }
0x68: {  	_ =	shalt  }
0x69: {  	_ =	shalt  }
0x6a: {  	_ =	shalt  }
0x6b: {  	_ =	shalt  }
0x6c: {  	_ =	shalt  }
0x6d: {  	_ =	shalt  }
0x6e: {  	_ =	shalt  }
0x6f: {  	_ =	shalt  }
0x70: {  	_ =	shalt  }
0x71: {  	_ =	shalt  }
0x72: {  	_ =	shalt  }
0x73: {  	_ =	shalt  }
0x74: {  	_ =	shalt  }
0x75: {  	_ =	shalt  }
0x76: {  	_ =	shalt  }
0x77: {  	_ =	shalt  }
0x78: {  	_ =	shalt  }
0x79: {  	_ =	shalt  }
0x7a: {  	_ =	shalt  }
0x7b: {  	_ =	shalt  }
0x7c: {  	_ =	shalt  }
0x7d: {  	_ =	shalt  }
0x7e: {  	_ =	shalt  }
0x7f: {  	_ =	shalt  }
0x80: {  	_ =	shalt  }
0x81: {  	_ =	shalt  }
0x82: {  	_ =	shalt  }
0x83: {  	_ =	shalt  }
0x84: {  	_ =	shalt  }
0x85: {  	_ =	shalt  }
0x86: {  	_ =	shalt  }
0x87: {  	_ =	shalt  }
.Lfunc_end0:
.L_simem_size_0:
called_computation_lowered:
.L_overlay_start_0:
0x88: {  	s2 =	sld [smem:$0x3FD9]  }
0x89: {  	s3 =	sld [smem:$0x3FFE];
	_ =	sdelay $0x1  }
0x8a: {  	s1 =	srdreg.scid  }
0x8b: {  	s0 =	sand.u32 $0x1, s1  }
0x8c: {  	s18 =	sshll.u32 s0, $0xA;
	s2 =	sadd.s32 s3, s2  }
0x8d: {  	s2 =	sadd.s32 s2, s18  }
0x8e: {  	[smem:$0x3FC5] =	sst s2  }
0x8f: {  	_ = 	snop  }
0x90: {  	s2 =	sld [smem:$0x3FC9]  }
0x91: {  	s19 =	sld [smem:$0x3FC8]  }
0x92: {  	s4 =	sld [smem:$0x3FC7]  }
0x93: {  	s5 =	sld [smem:$0x3FD0];
	(tm) =	ssettm $0x1  }
0x94: {  	s6 =	sld [smem:$0x3FFB];
	_ =	sdelay $0x3  }
0x95: {  	_ =	strace s6  }
0x96: {  	s6 =	sld [smem:$0x3FFC];
	_ =	sdelay $0x3  }
0x97: {  	_ =	strace s6  }
0x98: {  	s6 =	sld [smem:$0x3FFD];
	_ =	sdelay $0x3  }
0x99: {  	_ =	strace s6  }
0x9a: {  	_ =	strace $0x8FFFFFFF  }
0x9b: {  	s20 =	sld [smem:$0x3FDB];
	_ =	sdelay $0x1  }
0x9c: {  	s7 =	simm.s32 $_scs_section_size  }
0x9d: {  	s8 =	simm.s32 $_size__tile_overlayer_lowered;
	s9 =	simm.s32 $_tile_overlayer_lowered  }
0x9e: {  	s23 =	simm.s32 $0x1BFF;
	s22 =	sshll.u32 s9, $0x1;
	s6 =	sadd.s32 s7, s20  }
0x9f: {  	s10 =	simm.s32 $0x0;
	s21 =	sshll.u32 s8, $0x1;
	s8 =	sadd.s32 s22, s6  }
0xa0: {  	[timem:s10], [sflag:s23] =	dma.local [hbm:s8], s21  }
0xa1: {  	_ =	swait.ge [sflag:s23], s21  }
0xa2: {  	s7 =	ssub.s32 $0x0, s21;
	[sflag:s23] =	ssyncset.done $0x0  }
0xa3: {  	[sflag:s23] =	ssyncadd.s32 s7;
	_ =	sdelay $0x1  }
0xa4: {  	s24 =	simm.s32 $0x1B8B  }
0xa5: {  	_ =	swait.ge [sflag:s24], $0x1  }
0xa6: {  	[sflag:s24] =	ssyncset.done $0x0  }
0xa7: {  	s25 =	simm.s32 $0x1B8E;
	[sflag:s24] =	ssyncadd.s32 $0xFFFFFFFF  }
0xa8: {  	s26 =	simm.s32 $execute0_lowered;
	[smem:$0x3FD2] =	sst s25  }
0xa9: {  	s7 =	sshll.u32 s26, $0x1;
	_ =	strace $0x80000046;
	[dreg:$0x1] =	wrdreg $0xFFFFFFFF  }
0xaa: {  	s28 =	simm.s32 $_size_execute0_lowered;
	s6 =	sadd.s32 s6, s7;
	[dreg:$0x0] =	wrdreg $0x0  }
0xab: {  	s7 =	sshll.u32 s28, $0x1;
	[dreg:$0x2] =	wrdreg s6  }
0xac: {  	[dreg:$0x3] =	wrdreg s7  }
0xad: {  	[dreg:$0x4] =	wrdreg $0xC0  }
0xae: {  	_ =	task [dreg:s10], $0x5FFFF  }
0xaf: {  	[dreg:$0x1] =	wrdreg $0xFFFFFFFF  }
0xb0: {  	[dreg:$0x0] =	wrdreg $0x60  }
0xb1: {  	[dreg:$0x2] =	wrdreg s2  }
0xb2: {  	[dreg:$0x3] =	wrdreg s19  }
0xb3: {  	[dreg:$0x4] =	wrdreg s4  }
0xb4: {  	[dreg:$0x5] =	wrdreg s5  }
0xb5: {  	[dreg:$0x6] =	wrdreg $0x9  }
0xb6: {  	_ =	task.clear_ibuf [dreg:s10], $0x7FFFF;
	_ =	strace $0x90000046  }
0xb7: {  	s29 =	simm.s32 $0x9;
	_ =	strace $0x80000048  }
0xb8: {  	_ =	swait.ge [sflag:s29], $0x1  }
0xb9: {  	[sflag:s29] =	ssyncadd.s32 $0xFFFFFFFF  }
0xba: {  	_ =	strace $0x90000048  }
0xbb: {  	_ =	sfence  }
0xbc: {  	s30 =	sld [smem:$0x0];
	_ =	sdelay $0x2  }
0xbd: {  	s31 =	sshll.u32 s1, $0xD;
	s1 =	sshrl.u32 s1, $0x2  }
0xbe: {  	s3 =	sand.u32 $0x4000, s31;
	s1 =	sadd.s32 s1, s30  }
0xbf: {  	s0 =	sor.u32 s3, s0;
	s1 =	sshll.u32 s1, $0x11  }
0xc0: {  	s0 =	sor.u32 s1, s0  }
0xc1: {  	s0 =	sadd.s32 $0x8F2B, s0  }
0xc2: {  	[sflag:s0] =	ssyncadd.remote.s32 $0x1  }
0xc3: {  	_ =	sfence.sel $0xFFFF  }
0xc4: {  	[dreg:$0x0] =	wrdreg $0xFFFFFFFF;
	(pc) =	sbr.abs _section_cstart, $3  }
0xc5: {  	[dreg:$0x1] =	wrdreg $0xFFFFFFFF  }
0xc6: {  	_ =	task.clear_ibuf [dreg:s10], $0x2FFFF;
	_ =	strace $0x9FFFFFFF  }
0xc7: {  	(tm) =	ssettm $0x7FFFFFFF  }
tec
execute0_lowered:
.L_overlay_start_1:
0x0: {  	(tag) =	ssettag $0x1  }
0x1: {  	s0 =	rddreg [dreg:$0x0]  }
0x2: {  	s1 =	srdreg.scid;
	s8 =	rddreg [dreg:$0x1]  }
0x3: {  	s3 =	stileid.u32;
	s2 =	rddreg [dreg:$0x2]  }
0x4: {  	s11 =	simm.s32 $0x0;
	s1 =	sand.u32 $0x1, s1;
	s3 =	sshll.u32 s3, $0x7  }
0x5: {  	[smem:$0x7FF] =	sst s11;
	s22 =	sadd.s32 $0x100, s8;
	s23 =	sadd.s32 $0x200, s8  }
0x6: {  	s4 =	sshll.u32 s1, $0x6;
	s1 =	ssub.s32 $0x2, s1;
	_ =	strace $0x80000047  }
0x7: {  	[dreg:$0x10] =	wrdreg s22;
	s3 =	sor.u32 s4, s3;
	s7 =	sshrl.u32 s1, $0x1  }
0x8: {  	s5 =	sshll.u32 s3, $0x2;
	s1 =	ssub.s32 s1, s7;
	s3 =	sshrl.u32 s3, $0x3  }
0x9: {  	[dreg:$0x11] =	wrdreg s23;
	s19 =	smul.u32 $0x1800, s3;
	s31 =	smax.u32 s1, $0x1  }
0xa: {  	s6 =	sand.u32 $0x1E00, s5;
	[dreg:$0x19] =	wrdreg s31  }
0xb: {  	s6 =	sor.u32 s4, s6;
	s25 =	sor.u32 $0x3000, s19;
	[dreg:$0xc] =	wrdreg s19  }
0xc: {  	s4 =	sor.u32 s4, s5;
	s26 =	sadd.s32 $0x6000, s19;
	[dreg:$0x13] =	wrdreg s25  }
0xd: {  	s6 =	sshrl.u32 s6, $0x3;
	s28 =	sadd.s32 $0x9000, s19;
	[dreg:$0x14] =	wrdreg s26  }
0xe: {  	s4 =	sshrl.u32 s4, $0x3;
	s6 =	sadd.s32 s0, s6;
	[dreg:$0x15] =	wrdreg s28  }
0xf: {  	s18 =	sor.u32 $0x20, s4;
	[dreg:$0xb] =	wrdreg s6;
	s20 =	sadd.s32 $0x10, s6  }
0x10: {  	s4 =	sor.u32 $0x30, s4;
	s21 =	sadd.s32 s0, s18;
	[dreg:$0xd] =	wrdreg s20  }
0x11: {  	s24 =	sshrl.u32 s19, $0x3;
	s0 =	sadd.s32 s0, s4;
	[dreg:$0xe] =	wrdreg s21  }
0x12: {  	s3 =	sshrl.u32 s26, $0x3;
	[dreg:$0xf] =	wrdreg s0;
	s0 =	sadd.s32 s2, s24  }
0x13: {  	s29 =	sadd.s32 s2, s3;
	[dreg:$0x12] =	wrdreg s0;
	s0 =	sshrl.u32 s25, $0x3  }
0x14: {  	v2 =	vlaneseq.u32;
	s30 =	sshrl.u32 s28, $0x3;
	[dreg:$0x17] =	wrdreg s29;
	s0 =	sadd.s32 s2, s0  }
0x15: {  	vm0 =	vmmov $0xffff;
	v1 =	vshrl.u32 v2, $0x3;
	[dreg:$0x16] =	wrdreg s0;
	s0 =	sadd.s32 s2, s30  }
0x16: {  	s13 =	simm.s32 $0x15200;
	v0 =	vand.u32 $0x7, v2;
	v2 =	vor.u32 $0x8, v2;
	v1 =	vmul.u32 $0x8, v1;
	s2 =	simm.s32 $0x0;
	[dreg:$0x18] =	wrdreg s0  }
.LBB2_1:
0x17: {  	[dreg:$0x1a] =	wrdreg s2  }
0x18: {  	s0 =	rddreg [dreg:$0xb]  }
0x19: {  	[tilespmem:s11], [sflag:$0x1] =	stream.linear.gather [hbm4b:s0+s11], $0x40, $0x38;
	[tilespmem:$0x18200] =	vst v63  }
0x1a: {  	s29 =	rddreg [dreg:$0xd];
	s1 =	simm.s32 $0x80  }
0x1b: {  	[tilespmem:s1], [sflag:$0x2] =	stream.linear.gather [hbm4b:s29+s11], $0x40, $0x38;
	[tilespmem:$0x18200] =	vst v63  }
0x1c: {  	s30 =	rddreg [dreg:$0xe];
	s31 =	simm.s32 $0x100  }
0x1d: {  	[tilespmem:s31], [sflag:$0x3] =	stream.linear.gather [hbm4b:s30+s11], $0x40, $0x38;
	[tilespmem:$0x18200] =	vst v63  }
0x1e: {  	s2 =	rddreg [dreg:$0xf];
	s3 =	simm.s32 $0x180;
	s4 =	simm.s32 $0x1  }
0x1f: {  	[tilespmem:s3], [sflag:$0x4] =	stream.linear.gather [hbm4b:s2+s11], $0x40, $0x38;
	[tilespmem:$0x18200] =	vst v63  }
0x20: {  	_ =	swait.ge [sflag:s4], $0x40  }
0x21: {  	[sflag:s4] =	ssyncset.done $0x0  }
0x22: {  	s5 =	simm.s32 $0x2;
	[sflag:s4] =	ssyncadd.s32 $0xFFFFFFC0  }
0x23: {  	_ =	swait.ge [sflag:s5], $0x40  }
0x24: {  	[sflag:s5] =	ssyncset.done $0x0  }
0x25: {  	s6 =	simm.s32 $0x3;
	[sflag:s5] =	ssyncadd.s32 $0xFFFFFFC0  }
0x26: {  	_ =	swait.ge [sflag:s6], $0x40  }
0x27: {  	[sflag:s6] =	ssyncset.done $0x0  }
0x28: {  	s7 =	simm.s32 $0x4;
	[sflag:s6] =	ssyncadd.s32 $0xFFFFFFC0  }
0x29: {  	_ =	swait.ge [sflag:s7], $0x40  }
0x2a: {  	[sflag:s7] =	ssyncset.done $0x0  }
0x2b: {  	[sflag:s7] =	ssyncadd.s32 $0xFFFFFFC0  }
0x2c: {  	v3 =	vld [tilespmem:$0x0];
	_ =	sdelay $0x4  }
0x2d: {  	v4 =	vshrl.u32 v3, $0x3  }
0x2e: {  	v4 =	vmul.u32 $0x30, v4  }
0x2f: {  	v3 =	vand.u32 $0x7, v3  }
0x30: {  	v3 =	vor.u32 v3, v4  }
0x31: {  	v4 =	vperm.xlane v3, v0;
	_ =	sdelay $0x1  }
0x32: {  	v4 =	vadd.s32 v1, v4;
	_ =	sdelay $0x3  }
0x33: {  	s8 =	simm.s32 $0xC200;
	s0 =	rddreg [dreg:$0x1];
	v3 =	vperm.xlane v3, v2  }
0x34: {  	[tilespmem:s8], [sflag:$0x1] =	stream.indirect_vreg.gather [hbm4b:s0+s11], $0x80, v4, vm0, $0xb8;
	[tilespmem:$0x18200] =	vst v63  }
0x35: {  	s10 =	simm.s32 $0xCA00;
	s9 =	rddreg [dreg:$0x10];
	v3 =	vadd.s32 v1, v3  }
0x36: {  	[tilespmem:s10], [sflag:$0x1] =	stream.indirect_vreg.gather [hbm4b:s9+s11], $0x80, v4, vm0, $0xb8;
	[tilespmem:$0x18200] =	vst v63  }
0x37: {  	s3 =	simm.s32 $0xD200;
	s12 =	rddreg [dreg:$0x11]  }
0x38: {  	[tilespmem:s3], [sflag:$0x1] =	stream.indirect_vreg.gather [hbm4b:s12+s11], $0x80, v4, vm0, $0xb8;
	[tilespmem:$0x18200] =	vst v63  }
0x39: {  	s14 =	simm.s32 $0xDA00  }
0x3a: {  	[tilespmem:s14], [sflag:$0x1] =	stream.indirect_vreg.gather [hbm4b:s0+s11], $0x80, v3, vm0, $0xb8;
	[tilespmem:$0x18200] =	vst v63  }
0x3b: {  	s15 =	simm.s32 $0xE200  }
0x3c: {  	[tilespmem:s15], [sflag:$0x1] =	stream.indirect_vreg.gather [hbm4b:s9+s11], $0x80, v3, vm0, $0xb8;
	[tilespmem:$0x18200] =	vst v63  }
0x3d: {  	s16 =	simm.s32 $0xEA00  }
0x3e: {  	[tilespmem:s16], [sflag:$0x1] =	stream.indirect_vreg.gather [hbm4b:s12+s11], $0x80, v3, vm0, $0xb8;
	[tilespmem:$0x18200] =	vst v63  }
0x3f: {  	v3 =	vld [tilespmem:$0x10];
	_ =	sdelay $0x4  }
0x40: {  	v63 =	vshrl.u32 v3, $0x3  }
0x41: {  	v4 =	vmul.u32 $0x30, v63  }
0x42: {  	v3 =	vand.u32 $0x7, v3  }
0x43: {  	v3 =	vor.u32 v3, v4  }
0x44: {  	v4 =	vperm.xlane v3, v0;
	_ =	sdelay $0x1  }
0x45: {  	v4 =	vadd.s32 v1, v4;
	_ =	sdelay $0x3  }
0x46: {  	s17 =	simm.s32 $0xF200;
	v3 =	vperm.xlane v3, v2  }
0x47: {  	[tilespmem:s17], [sflag:$0x2] =	stream.indirect_vreg.gather [hbm4b:s0+s11], $0x80, v4, vm0, $0xb8;
	[tilespmem:$0x18200] =	vst v63  }
0x48: {  	s18 =	simm.s32 $0xFA00;
	v3 =	vadd.s32 v1, v3  }
0x49: {  	[tilespmem:s18], [sflag:$0x2] =	stream.indirect_vreg.gather [hbm4b:s9+s11], $0x80, v4, vm0, $0xb8;
	[tilespmem:$0x18200] =	vst v63  }
0x4a: {  	s19 =	simm.s32 $0x10200  }
0x4b: {  	[tilespmem:s19], [sflag:$0x2] =	stream.indirect_vreg.gather [hbm4b:s12+s11], $0x80, v4, vm0, $0xb8;
	[tilespmem:$0x18200] =	vst v63  }
0x4c: {  	s20 =	simm.s32 $0x10A00  }
0x4d: {  	[tilespmem:s20], [sflag:$0x2] =	stream.indirect_vreg.gather [hbm4b:s0+s11], $0x80, v3, vm0, $0xb8;
	[tilespmem:$0x18200] =	vst v63  }
0x4e: {  	s21 =	simm.s32 $0x11200  }
0x4f: {  	[tilespmem:s21], [sflag:$0x2] =	stream.indirect_vreg.gather [hbm4b:s9+s11], $0x80, v3, vm0, $0xb8;
	[tilespmem:$0x18200] =	vst v63  }
0x50: {  	s22 =	simm.s32 $0x11A00  }
0x51: {  	[tilespmem:s22], [sflag:$0x2] =	stream.indirect_vreg.gather [hbm4b:s12+s11], $0x80, v3, vm0, $0xb8;
	[tilespmem:$0x18200] =	vst v63  }
0x52: {  	s24 =	simm.s32 $0x200;
	s23 =	rddreg [dreg:$0x12]  }
0x53: {  	[tilespmem:s24], [sflag:$0x9] =	stream.linear.gather [hbm4b:s23+s11], $0x3000, $0x38;
	[tilespmem:$0x18200] =	vst v63  }
0x54: {  	s26 =	simm.s32 $0x3200;
	s25 =	rddreg [dreg:$0x16]  }
0x55: {  	[tilespmem:s26], [sflag:$0xA] =	stream.linear.gather [hbm4b:s25+s11], $0x3000, $0x38;
	[tilespmem:$0x18200] =	vst v63  }
0x56: {  	s29 =	simm.s32 $0x6200;
	s28 =	rddreg [dreg:$0x17]  }
0x57: {  	[tilespmem:s29], [sflag:$0xB] =	stream.linear.gather [hbm4b:s28+s11], $0x3000, $0x38;
	[tilespmem:$0x18200] =	vst v63  }
0x58: {  	s31 =	simm.s32 $0x9200;
	s30 =	rddreg [dreg:$0x18];
	s14 =	simm.s32 $0x0  }
0x59: {  	[tilespmem:s31], [sflag:$0xC] =	stream.linear.gather [hbm4b:s30+s11], $0x3000, $0x38;
	[tilespmem:$0x18200] =	vst v63  }
.LBB2_2:
0x5a: {  	p1 =	seq.s32 s14, $0x0  }
0x5b: {  	s0 =	simm.s32 @!p1 $0x7  }
0x5c: {  	_ =	swait.ge @!p1 [sflag:s0], $0x3000  }
0x5d: {  	s1 =	sshll.u32 s14, $0x7;
	[sflag:s0] =	ssyncset.done @!p1 $0x0  }
0x5e: {  	[sflag:s0] =	ssyncadd.s32 @!p1 $0xFFFFD000;
	s0 =	sand.u32 $0x3FFFFF80, s1  }
0x5f: {  	v3 =	vld [tilespmem:s0+$0x20];
	_ =	sdelay $0x4  }
0x60: {  	v4 =	vshrl.u32 v3, $0x3  }
0x61: {  	v4 =	vmul.u32 $0x30, v4  }
0x62: {  	v3 =	vand.u32 $0x7, v3  }
0x63: {  	v3 =	vor.u32 v3, v4  }
0x64: {  	v4 =	vperm.xlane v3, v0;
	_ =	sdelay $0x1  }
0x65: {  	v4 =	vadd.s32 v1, v4;
	_ =	sdelay $0x3  }
0x66: {  	s2 =	simm.s32 $0x12200;
	s15 =	rddreg [dreg:$0x1];
	v3 =	vperm.xlane v3, v2  }
0x67: {  	[tilespmem:s2], [sflag:$0x3] =	stream.indirect_vreg.gather [hbm4b:s15+s11], $0x80, v4, vm0, $0xb8;
	[tilespmem:$0x18200] =	vst v63  }
0x68: {  	s3 =	simm.s32 $0x12A00;
	s16 =	rddreg [dreg:$0x10];
	v3 =	vadd.s32 v1, v3  }
0x69: {  	[tilespmem:s3], [sflag:$0x3] =	stream.indirect_vreg.gather [hbm4b:s16+s11], $0x80, v4, vm0, $0xb8;
	[tilespmem:$0x18200] =	vst v63  }
0x6a: {  	s4 =	simm.s32 $0x13200;
	s17 =	rddreg [dreg:$0x11]  }
0x6b: {  	[tilespmem:s4], [sflag:$0x3] =	stream.indirect_vreg.gather [hbm4b:s17+s11], $0x80, v4, vm0, $0xb8;
	[tilespmem:$0x18200] =	vst v63  }
0x6c: {  	s18 =	simm.s32 $0x13A00  }
0x6d: {  	[tilespmem:s18], [sflag:$0x3] =	stream.indirect_vreg.gather [hbm4b:s15+s11], $0x80, v3, vm0, $0xb8;
	[tilespmem:$0x18200] =	vst v63  }
0x6e: {  	s19 =	simm.s32 $0x14200  }
0x6f: {  	[tilespmem:s19], [sflag:$0x3] =	stream.indirect_vreg.gather [hbm4b:s16+s11], $0x80, v3, vm0, $0xb8;
	[tilespmem:$0x18200] =	vst v63  }
0x70: {  	s20 =	simm.s32 $0x14A00;
	s21 =	simm.s32 $0x1  }
0x71: {  	[tilespmem:s20], [sflag:$0x3] =	stream.indirect_vreg.gather [hbm4b:s17+s11], $0x80, v3, vm0, $0xb8;
	[tilespmem:$0x18200] =	vst v63  }
0x72: {  	_ =	swait.ge [sflag:s21], $0x3000  }
0x73: {  	p0 =	sne.s32 s14, $0x0;
	s22 =	simm.s32 $0x0;
	[sflag:s21] =	ssyncset.done $0x0  }
0x74: {  	s2 =	simm.s32 $0x0;
	s4 =	simm.s32 @!p0 $0x9;
	[sflag:s21] =	ssyncadd.s32 $0xFFFFD000  }
0x75: {  	s23 =	smul.u32 $0x1800, s22;
	s24 =	sand.u32 $0x300, s2;
	_ =	swait.ge @!p0 [sflag:s4], $0x3000  }
0x76: {  	s6 =	sor.u32 $0x80, s24;
	[sflag:s4] =	ssyncset.done @!p0 $0x0  }
0x77: {  	s5 =	sor.u32 s23, s6;
	[sflag:s4] =	ssyncadd.s32 @!p0 $0xFFFFD000  }
0x78: {  	v3 =	vld [tilespmem:s5+$0x200]  }
0x79: {  	v4 =	vld [tilespmem:s5+$0x210]  }
0x7a: {  	v5 =	vld [tilespmem:s5+$0x220]  }
0x7b: {  	v6 =	vld [tilespmem:s5+$0x230]  }
0x7c: {  	v7 =	vld [tilespmem:s5+$0x240]  }
0x7d: {  	v8 =	vld [tilespmem:s5+$0x250]  }
0x7e: {  	v9 =	vld [tilespmem:s5+$0x260]  }
0x7f: {  	v10 =	vld [tilespmem:s5+$0x270]  }
0x80: {  	v11 =	vld [tilespmem:s5+$0x600]  }
0x81: {  	v12 =	vld [tilespmem:s5+$0x610]  }
0x82: {  	v13 =	vld [tilespmem:s5+$0x620]  }
0x83: {  	v14 =	vld [tilespmem:s5+$0x630]  }
0x84: {  	v15 =	vld [tilespmem:s5+$0x640]  }
0x85: {  	v16 =	vld [tilespmem:s5+$0x650]  }
0x86: {  	v17 =	vld [tilespmem:s5+$0x660]  }
0x87: {  	s3 =	sor.u32 s24, s23;
	v18 =	vld [tilespmem:s5+$0x670]  }
0x88: {  	v52 =	vld [tilespmem:s3+$0x260]  }
0x89: {  	v53 =	vld [tilespmem:s3+$0x270]  }
0x8a: {  	v54 =	vld [tilespmem:s3+$0x600]  }
0x8b: {  	v55 =	vld [tilespmem:s3+$0x610]  }
0x8c: {  	v56 =	vld [tilespmem:s3+$0x620]  }
0x8d: {  	v57 =	vld [tilespmem:s3+$0x630]  }
0x8e: {  	v58 =	vld [tilespmem:s3+$0x640]  }
0x8f: {  	v59 =	vld [tilespmem:s3+$0x650]  }
0x90: {  	v60 =	vld [tilespmem:s3+$0x660]  }
0x91: {  	v61 =	vld [tilespmem:s3+$0x670]  }
0x92: {  	[tilespmem:s5+$0xC200] =	vst.add.f32.msk $0xffff, v3  }
0x93: {  	[tilespmem:s5+$0xC210] =	vst.add.f32.msk $0xffff, v4  }
0x94: {  	[tilespmem:s5+$0xC220] =	vst.add.f32.msk $0xffff, v5  }
0x95: {  	[tilespmem:s5+$0xC230] =	vst.add.f32.msk $0xffff, v6  }
0x96: {  	[tilespmem:s5+$0xC240] =	vst.add.f32.msk $0xffff, v7  }
0x97: {  	[tilespmem:s5+$0xC250] =	vst.add.f32.msk $0xffff, v8  }
0x98: {  	[tilespmem:s5+$0xC260] =	vst.add.f32.msk $0xffff, v9  }
0x99: {  	[tilespmem:s5+$0xC270] =	vst.add.f32.msk $0xffff, v10  }
0x9a: {  	[tilespmem:s5+$0xC600] =	vst.add.f32.msk $0xffff, v11  }
0x9b: {  	[tilespmem:s5+$0xC610] =	vst.add.f32.msk $0xffff, v12  }
0x9c: {  	[tilespmem:s5+$0xC620] =	vst.add.f32.msk $0xffff, v13  }
0x9d: {  	[tilespmem:s5+$0xC630] =	vst.add.f32.msk $0xffff, v14  }
0x9e: {  	[tilespmem:s5+$0xC640] =	vst.add.f32.msk $0xffff, v15  }
0x9f: {  	[tilespmem:s5+$0xC650] =	vst.add.f32.msk $0xffff, v16  }
0xa0: {  	[tilespmem:s5+$0xC660] =	vst.add.f32.msk $0xffff, v17  }
0xa1: {  	[tilespmem:s5+$0xC670] =	vst.add.f32.msk $0xffff, v18  }
0xa2: {  	[tilespmem:s3+$0xC260] =	vst.add.f32.msk $0xffff, v52  }
0xa3: {  	[tilespmem:s3+$0xC270] =	vst.add.f32.msk $0xffff, v53  }
0xa4: {  	[tilespmem:s3+$0xC600] =	vst.add.f32.msk $0xffff, v54  }
0xa5: {  	[tilespmem:s3+$0xC610] =	vst.add.f32.msk $0xffff, v55  }
0xa6: {  	[tilespmem:s3+$0xC620] =	vst.add.f32.msk $0xffff, v56  }
0xa7: {  	[tilespmem:s3+$0xC630] =	vst.add.f32.msk $0xffff, v57  }
0xa8: {  	[tilespmem:s3+$0xC640] =	vst.add.f32.msk $0xffff, v58  }
0xa9: {  	[tilespmem:s3+$0xC650] =	vst.add.f32.msk $0xffff, v59  }
0xaa: {  	s25 =	sadd.s32 $0x800, s23;
	[tilespmem:s3+$0xC660] =	vst.add.f32.msk $0xffff, v60  }
0xab: {  	s7 =	sor.u32 s6, s25;
	[tilespmem:s3+$0xC670] =	vst.add.f32.msk $0xffff, v61  }
0xac: {  	v3 =	vld [tilespmem:s7+$0x200]  }
0xad: {  	v4 =	vld [tilespmem:s7+$0x210]  }
0xae: {  	v5 =	vld [tilespmem:s7+$0x220]  }
0xaf: {  	v6 =	vld [tilespmem:s7+$0x230]  }
0xb0: {  	v7 =	vld [tilespmem:s7+$0x240]  }
0xb1: {  	v8 =	vld [tilespmem:s7+$0x250]  }
0xb2: {  	v9 =	vld [tilespmem:s7+$0x260]  }
0xb3: {  	v10 =	vld [tilespmem:s7+$0x270]  }
0xb4: {  	[tilespmem:s7+$0xC200] =	vst.add.f32.msk $0xffff, v3  }
0xb5: {  	[tilespmem:s7+$0xC210] =	vst.add.f32.msk $0xffff, v4  }
0xb6: {  	[tilespmem:s7+$0xC220] =	vst.add.f32.msk $0xffff, v5  }
0xb7: {  	[tilespmem:s7+$0xC230] =	vst.add.f32.msk $0xffff, v6  }
0xb8: {  	[tilespmem:s7+$0xC240] =	vst.add.f32.msk $0xffff, v7  }
0xb9: {  	[tilespmem:s7+$0xC250] =	vst.add.f32.msk $0xffff, v8  }
0xba: {  	s26 =	sadd.s32 $0xC00, s23;
	[tilespmem:s7+$0xC260] =	vst.add.f32.msk $0xffff, v9  }
0xbb: {  	s28 =	sor.u32 s6, s26;
	[tilespmem:s7+$0xC270] =	vst.add.f32.msk $0xffff, v10  }
0xbc: {  	v3 =	vld [tilespmem:s28+$0x200]  }
0xbd: {  	v4 =	vld [tilespmem:s28+$0x210]  }
0xbe: {  	v5 =	vld [tilespmem:s28+$0x220]  }
0xbf: {  	v6 =	vld [tilespmem:s28+$0x230]  }
0xc0: {  	v7 =	vld [tilespmem:s28+$0x240]  }
0xc1: {  	v8 =	vld [tilespmem:s28+$0x250]  }
0xc2: {  	v9 =	vld [tilespmem:s28+$0x260]  }
0xc3: {  	v10 =	vld [tilespmem:s28+$0x270]  }
0xc4: {  	[tilespmem:s28+$0xC200] =	vst.add.f32.msk $0xffff, v3  }
0xc5: {  	[tilespmem:s28+$0xC210] =	vst.add.f32.msk $0xffff, v4  }
0xc6: {  	[tilespmem:s28+$0xC220] =	vst.add.f32.msk $0xffff, v5  }
0xc7: {  	[tilespmem:s28+$0xC230] =	vst.add.f32.msk $0xffff, v6  }
0xc8: {  	[tilespmem:s28+$0xC240] =	vst.add.f32.msk $0xffff, v7  }
0xc9: {  	[tilespmem:s28+$0xC250] =	vst.add.f32.msk $0xffff, v8  }
0xca: {  	s8 =	sadd.s32 $0x1000, s23;
	[tilespmem:s28+$0xC260] =	vst.add.f32.msk $0xffff, v9  }
0xcb: {  	s29 =	sor.u32 s6, s8;
	[tilespmem:s28+$0xC270] =	vst.add.f32.msk $0xffff, v10  }
0xcc: {  	v3 =	vld [tilespmem:s29+$0x200]  }
0xcd: {  	v4 =	vld [tilespmem:s29+$0x210]  }
0xce: {  	v5 =	vld [tilespmem:s29+$0x220]  }
0xcf: {  	v6 =	vld [tilespmem:s29+$0x230]  }
0xd0: {  	v7 =	vld [tilespmem:s29+$0x240]  }
0xd1: {  	v8 =	vld [tilespmem:s29+$0x250]  }
0xd2: {  	v9 =	vld [tilespmem:s29+$0x260]  }
0xd3: {  	v10 =	vld [tilespmem:s29+$0x270]  }
0xd4: {  	[tilespmem:s29+$0xC200] =	vst.add.f32.msk $0xffff, v3  }
0xd5: {  	[tilespmem:s29+$0xC210] =	vst.add.f32.msk $0xffff, v4  }
0xd6: {  	[tilespmem:s29+$0xC220] =	vst.add.f32.msk $0xffff, v5  }
0xd7: {  	[tilespmem:s29+$0xC230] =	vst.add.f32.msk $0xffff, v6  }
0xd8: {  	[tilespmem:s29+$0xC240] =	vst.add.f32.msk $0xffff, v7  }
0xd9: {  	[tilespmem:s29+$0xC250] =	vst.add.f32.msk $0xffff, v8  }
0xda: {  	[tilespmem:s29+$0xC260] =	vst.add.f32.msk $0xffff, v9  }
0xdb: {  	[tilespmem:s29+$0xC270] =	vst.add.f32.msk $0xffff, v10  }
0xdc: {  	v4 =	vld [tilespmem:s3+$0x200]  }
0xdd: {  	v5 =	vld [tilespmem:s3+$0x210]  }
0xde: {  	v6 =	vld [tilespmem:s3+$0x220]  }
0xdf: {  	s9 =	sadd.s32 $0x1400, s23;
	v7 =	vld [tilespmem:s3+$0x230]  }
0xe0: {  	s7 =	sor.u32 s6, s9;
	v8 =	vld [tilespmem:s3+$0x250]  }
0xe1: {  	v3 =	vld [tilespmem:s7+$0x270]  }
0xe2: {  	v62 =	vld [tilespmem:s7+$0x200]  }
0xe3: {  	v63 =	vld [tilespmem:s7+$0x210]  }
0xe4: {  	[tilespmem:s3+$0xC200] =	vst.add.f32.msk $0xffff, v4  }
0xe5: {  	[tilespmem:s3+$0xC210] =	vst.add.f32.msk $0xffff, v5  }
0xe6: {  	[tilespmem:s3+$0xC220] =	vst.add.f32.msk $0xffff, v6  }
0xe7: {  	[tilespmem:s7+$0xC270] =	vst.add.f32.msk $0xffff, v3  }
0xe8: {  	v3 =	vld [tilespmem:s3+$0x240]  }
0xe9: {  	[tilespmem:s3+$0xC230] =	vst.add.f32.msk $0xffff, v7  }
0xea: {  	[tilespmem:s3+$0xC250] =	vst.add.f32.msk $0xffff, v8  }
0xeb: {  	[tilespmem:s7+$0xC200] =	vst.add.f32.msk $0xffff, v62  }
0xec: {  	[tilespmem:s7+$0xC210] =	vst.add.f32.msk $0xffff, v63  }
0xed: {  	s4 =	sor.u32 s24, s25;
	[tilespmem:s3+$0xC240] =	vst.add.f32.msk $0xffff, v3  }
0xee: {  	v3 =	vld [tilespmem:s4+$0x200]  }
0xef: {  	v4 =	vld [tilespmem:s4+$0x210]  }
0xf0: {  	v5 =	vld [tilespmem:s4+$0x220]  }
0xf1: {  	v6 =	vld [tilespmem:s4+$0x230]  }
0xf2: {  	v7 =	vld [tilespmem:s4+$0x240]  }
0xf3: {  	v8 =	vld [tilespmem:s4+$0x250]  }
0xf4: {  	v9 =	vld [tilespmem:s4+$0x260]  }
0xf5: {  	v10 =	vld [tilespmem:s4+$0x270]  }
0xf6: {  	[tilespmem:s4+$0xC200] =	vst.add.f32.msk $0xffff, v3  }
0xf7: {  	[tilespmem:s4+$0xC210] =	vst.add.f32.msk $0xffff, v4  }
0xf8: {  	[tilespmem:s4+$0xC220] =	vst.add.f32.msk $0xffff, v5  }
0xf9: {  	[tilespmem:s4+$0xC230] =	vst.add.f32.msk $0xffff, v6  }
0xfa: {  	[tilespmem:s4+$0xC240] =	vst.add.f32.msk $0xffff, v7  }
0xfb: {  	[tilespmem:s4+$0xC250] =	vst.add.f32.msk $0xffff, v8  }
0xfc: {  	[tilespmem:s4+$0xC260] =	vst.add.f32.msk $0xffff, v9  }
0xfd: {  	s30 =	sor.u32 s24, s26;
	[tilespmem:s4+$0xC270] =	vst.add.f32.msk $0xffff, v10  }
0xfe: {  	v3 =	vld [tilespmem:s30+$0x200]  }
0xff: {  	v4 =	vld [tilespmem:s30+$0x210]  }
0x100: {  	v5 =	vld [tilespmem:s30+$0x220]  }
0x101: {  	v6 =	vld [tilespmem:s30+$0x230]  }
0x102: {  	v7 =	vld [tilespmem:s30+$0x240]  }
0x103: {  	v8 =	vld [tilespmem:s30+$0x250]  }
0x104: {  	v9 =	vld [tilespmem:s30+$0x260]  }
0x105: {  	v10 =	vld [tilespmem:s30+$0x270]  }
0x106: {  	[tilespmem:s30+$0xC200] =	vst.add.f32.msk $0xffff, v3  }
0x107: {  	[tilespmem:s30+$0xC210] =	vst.add.f32.msk $0xffff, v4  }
0x108: {  	[tilespmem:s30+$0xC220] =	vst.add.f32.msk $0xffff, v5  }
0x109: {  	[tilespmem:s30+$0xC230] =	vst.add.f32.msk $0xffff, v6  }
0x10a: {  	[tilespmem:s30+$0xC240] =	vst.add.f32.msk $0xffff, v7  }
0x10b: {  	[tilespmem:s30+$0xC250] =	vst.add.f32.msk $0xffff, v8  }
0x10c: {  	[tilespmem:s30+$0xC260] =	vst.add.f32.msk $0xffff, v9  }
0x10d: {  	s31 =	sor.u32 s24, s8;
	[tilespmem:s30+$0xC270] =	vst.add.f32.msk $0xffff, v10  }
0x10e: {  	v3 =	vld [tilespmem:s31+$0x200]  }
0x10f: {  	v4 =	vld [tilespmem:s31+$0x210]  }
0x110: {  	v5 =	vld [tilespmem:s31+$0x220]  }
0x111: {  	v6 =	vld [tilespmem:s31+$0x230]  }
0x112: {  	v7 =	vld [tilespmem:s31+$0x240]  }
0x113: {  	v8 =	vld [tilespmem:s31+$0x250]  }
0x114: {  	v9 =	vld [tilespmem:s31+$0x260]  }
0x115: {  	v10 =	vld [tilespmem:s31+$0x270]  }
0x116: {  	[tilespmem:s31+$0xC200] =	vst.add.f32.msk $0xffff, v3  }
0x117: {  	[tilespmem:s31+$0xC210] =	vst.add.f32.msk $0xffff, v4  }
0x118: {  	[tilespmem:s31+$0xC220] =	vst.add.f32.msk $0xffff, v5  }
0x119: {  	[tilespmem:s31+$0xC230] =	vst.add.f32.msk $0xffff, v6  }
0x11a: {  	[tilespmem:s31+$0xC240] =	vst.add.f32.msk $0xffff, v7  }
0x11b: {  	[tilespmem:s31+$0xC250] =	vst.add.f32.msk $0xffff, v8  }
0x11c: {  	[tilespmem:s31+$0xC260] =	vst.add.f32.msk $0xffff, v9  }
0x11d: {  	[tilespmem:s31+$0xC270] =	vst.add.f32.msk $0xffff, v10  }
0x11e: {  	v7 =	vld [tilespmem:s7+$0x220]  }
0x11f: {  	v6 =	vld [tilespmem:s7+$0x230]  }
0x120: {  	v5 =	vld [tilespmem:s7+$0x240]  }
0x121: {  	v4 =	vld [tilespmem:s7+$0x250]  }
0x122: {  	s1 =	sor.u32 s24, s9;
	v3 =	vld [tilespmem:s7+$0x260]  }
0x123: {  	v8 =	vld [tilespmem:s1+$0x200]  }
0x124: {  	v9 =	vld [tilespmem:s1+$0x210]  }
0x125: {  	v10 =	vld [tilespmem:s1+$0x220]  }
0x126: {  	v11 =	vld [tilespmem:s1+$0x230]  }
0x127: {  	v12 =	vld [tilespmem:s1+$0x240]  }
0x128: {  	v13 =	vld [tilespmem:s1+$0x250]  }
0x129: {  	v14 =	vld [tilespmem:s1+$0x260]  }
0x12a: {  	v15 =	vld [tilespmem:s1+$0x270]  }
0x12b: {  	[tilespmem:s1+$0xC200] =	vst.add.f32.msk $0xffff, v8  }
0x12c: {  	[tilespmem:s1+$0xC210] =	vst.add.f32.msk $0xffff, v9  }
0x12d: {  	[tilespmem:s1+$0xC220] =	vst.add.f32.msk $0xffff, v10  }
0x12e: {  	[tilespmem:s1+$0xC230] =	vst.add.f32.msk $0xffff, v11  }
0x12f: {  	[tilespmem:s1+$0xC240] =	vst.add.f32.msk $0xffff, v12  }
0x130: {  	[tilespmem:s1+$0xC250] =	vst.add.f32.msk $0xffff, v13  }
0x131: {  	[tilespmem:s1+$0xC260] =	vst.add.f32.msk $0xffff, v14  }
0x132: {  	s5 =	simm.s32 $0x0;
	[tilespmem:s1+$0xC270] =	vst.add.f32.msk $0xffff, v15  }
.LBB2_3:
0x133: {  	s5 =	sadd.s32 $0x2, s5;
	[tilespmem:s7+$0xC220] =	vst.add.f32.msk $0xffff, v7  }
0x134: {  	s2 =	sadd.s32 $0x100, s2;
	s1 =	sshrl.u32 s5, $0x3;
	p2 =	slt.u32 s5, $0xE;
	[tilespmem:s7+$0xC230] =	vst.add.f32.msk $0xffff, v6  }
0x135: {  	s12 =	smul.u32 $0x1800, s1;
	s1 =	sand.u32 $0x300, s2;
	[tilespmem:s7+$0xC240] =	vst.add.f32.msk $0xffff, v5  }
0x136: {  	s10 =	sor.u32 $0x80, s1;
	[tilespmem:s7+$0xC250] =	vst.add.f32.msk $0xffff, v4  }
0x137: {  	s3 =	sor.u32 s1, s12;
	s4 =	sor.u32 s12, s10;
	[tilespmem:s7+$0xC260] =	vst.add.f32.msk $0xffff, v3  }
0x138: {  	v3 =	vld [tilespmem:s4+$0x200]  }
0x139: {  	v4 =	vld [tilespmem:s4+$0x210]  }
0x13a: {  	v5 =	vld [tilespmem:s4+$0x220]  }
0x13b: {  	v6 =	vld [tilespmem:s4+$0x230]  }
0x13c: {  	v7 =	vld [tilespmem:s4+$0x240]  }
0x13d: {  	v8 =	vld [tilespmem:s4+$0x250]  }
0x13e: {  	v9 =	vld [tilespmem:s4+$0x260]  }
0x13f: {  	v10 =	vld [tilespmem:s4+$0x270]  }
0x140: {  	v11 =	vld [tilespmem:s4+$0x600]  }
0x141: {  	v12 =	vld [tilespmem:s4+$0x610]  }
0x142: {  	v13 =	vld [tilespmem:s4+$0x620]  }
0x143: {  	v14 =	vld [tilespmem:s4+$0x630]  }
0x144: {  	v15 =	vld [tilespmem:s4+$0x640]  }
0x145: {  	v16 =	vld [tilespmem:s4+$0x650]  }
0x146: {  	v17 =	vld [tilespmem:s4+$0x660]  }
0x147: {  	v18 =	vld [tilespmem:s4+$0x670]  }
0x148: {  	[tilespmem:s4+$0xC200] =	vst.add.f32.msk $0xffff, v3  }
0x149: {  	[tilespmem:s4+$0xC210] =	vst.add.f32.msk $0xffff, v4  }
0x14a: {  	[tilespmem:s4+$0xC220] =	vst.add.f32.msk $0xffff, v5  }
0x14b: {  	[tilespmem:s4+$0xC230] =	vst.add.f32.msk $0xffff, v6  }
0x14c: {  	[tilespmem:s4+$0xC240] =	vst.add.f32.msk $0xffff, v7  }
0x14d: {  	[tilespmem:s4+$0xC250] =	vst.add.f32.msk $0xffff, v8  }
0x14e: {  	[tilespmem:s4+$0xC260] =	vst.add.f32.msk $0xffff, v9  }
0x14f: {  	[tilespmem:s4+$0xC270] =	vst.add.f32.msk $0xffff, v10  }
0x150: {  	[tilespmem:s4+$0xC600] =	vst.add.f32.msk $0xffff, v11  }
0x151: {  	[tilespmem:s4+$0xC610] =	vst.add.f32.msk $0xffff, v12  }
0x152: {  	[tilespmem:s4+$0xC620] =	vst.add.f32.msk $0xffff, v13  }
0x153: {  	[tilespmem:s4+$0xC630] =	vst.add.f32.msk $0xffff, v14  }
0x154: {  	[tilespmem:s4+$0xC640] =	vst.add.f32.msk $0xffff, v15  }
0x155: {  	[tilespmem:s4+$0xC650] =	vst.add.f32.msk $0xffff, v16  }
0x156: {  	s7 =	sadd.s32 $0x800, s12;
	[tilespmem:s4+$0xC660] =	vst.add.f32.msk $0xffff, v17  }
0x157: {  	s6 =	sor.u32 s1, s7;
	[tilespmem:s4+$0xC670] =	vst.add.f32.msk $0xffff, v18;
	s4 =	sor.u32 s10, s7  }
0x158: {  	v3 =	vld [tilespmem:s4+$0x200]  }
0x159: {  	v4 =	vld [tilespmem:s4+$0x210]  }
0x15a: {  	v5 =	vld [tilespmem:s4+$0x220]  }
0x15b: {  	v6 =	vld [tilespmem:s4+$0x230]  }
0x15c: {  	v7 =	vld [tilespmem:s4+$0x240]  }
0x15d: {  	v8 =	vld [tilespmem:s4+$0x250]  }
0x15e: {  	v9 =	vld [tilespmem:s4+$0x260]  }
0x15f: {  	v10 =	vld [tilespmem:s4+$0x270]  }
0x160: {  	[tilespmem:s4+$0xC200] =	vst.add.f32.msk $0xffff, v3  }
0x161: {  	[tilespmem:s4+$0xC210] =	vst.add.f32.msk $0xffff, v4  }
0x162: {  	[tilespmem:s4+$0xC220] =	vst.add.f32.msk $0xffff, v5  }
0x163: {  	[tilespmem:s4+$0xC230] =	vst.add.f32.msk $0xffff, v6  }
0x164: {  	[tilespmem:s4+$0xC240] =	vst.add.f32.msk $0xffff, v7  }
0x165: {  	[tilespmem:s4+$0xC250] =	vst.add.f32.msk $0xffff, v8  }
0x166: {  	s7 =	sadd.s32 $0xC00, s12;
	[tilespmem:s4+$0xC260] =	vst.add.f32.msk $0xffff, v9  }
0x167: {  	s8 =	sor.u32 s1, s7;
	[tilespmem:s4+$0xC270] =	vst.add.f32.msk $0xffff, v10;
	s4 =	sor.u32 s10, s7  }
0x168: {  	v3 =	vld [tilespmem:s4+$0x200]  }
0x169: {  	v4 =	vld [tilespmem:s4+$0x210]  }
0x16a: {  	v5 =	vld [tilespmem:s4+$0x220]  }
0x16b: {  	v6 =	vld [tilespmem:s4+$0x230]  }
0x16c: {  	v7 =	vld [tilespmem:s4+$0x240]  }
0x16d: {  	v8 =	vld [tilespmem:s4+$0x250]  }
0x16e: {  	v9 =	vld [tilespmem:s4+$0x260]  }
0x16f: {  	v10 =	vld [tilespmem:s4+$0x270]  }
0x170: {  	[tilespmem:s4+$0xC200] =	vst.add.f32.msk $0xffff, v3  }
0x171: {  	[tilespmem:s4+$0xC210] =	vst.add.f32.msk $0xffff, v4  }
0x172: {  	[tilespmem:s4+$0xC220] =	vst.add.f32.msk $0xffff, v5  }
0x173: {  	[tilespmem:s4+$0xC230] =	vst.add.f32.msk $0xffff, v6  }
0x174: {  	[tilespmem:s4+$0xC240] =	vst.add.f32.msk $0xffff, v7  }
0x175: {  	[tilespmem:s4+$0xC250] =	vst.add.f32.msk $0xffff, v8  }
0x176: {  	s7 =	sadd.s32 $0x1000, s12;
	[tilespmem:s4+$0xC260] =	vst.add.f32.msk $0xffff, v9  }
0x177: {  	s9 =	sor.u32 s1, s7;
	[tilespmem:s4+$0xC270] =	vst.add.f32.msk $0xffff, v10;
	s4 =	sor.u32 s10, s7  }
0x178: {  	v3 =	vld [tilespmem:s4+$0x200]  }
0x179: {  	v4 =	vld [tilespmem:s4+$0x210]  }
0x17a: {  	v5 =	vld [tilespmem:s4+$0x220]  }
0x17b: {  	v6 =	vld [tilespmem:s4+$0x230]  }
0x17c: {  	v7 =	vld [tilespmem:s4+$0x240]  }
0x17d: {  	v8 =	vld [tilespmem:s4+$0x250]  }
0x17e: {  	v9 =	vld [tilespmem:s4+$0x260]  }
0x17f: {  	v10 =	vld [tilespmem:s4+$0x270]  }
0x180: {  	[tilespmem:s4+$0xC200] =	vst.add.f32.msk $0xffff, v3  }
0x181: {  	[tilespmem:s4+$0xC210] =	vst.add.f32.msk $0xffff, v4  }
0x182: {  	[tilespmem:s4+$0xC220] =	vst.add.f32.msk $0xffff, v5  }
0x183: {  	[tilespmem:s4+$0xC230] =	vst.add.f32.msk $0xffff, v6  }
0x184: {  	[tilespmem:s4+$0xC240] =	vst.add.f32.msk $0xffff, v7  }
0x185: {  	[tilespmem:s4+$0xC250] =	vst.add.f32.msk $0xffff, v8  }
0x186: {  	s7 =	sadd.s32 $0x1400, s12;
	[tilespmem:s4+$0xC260] =	vst.add.f32.msk $0xffff, v9  }
0x187: {  	s1 =	sor.u32 s1, s7;
	s7 =	sor.u32 s10, s7;
	[tilespmem:s4+$0xC270] =	vst.add.f32.msk $0xffff, v10  }
0x188: {  	v3 =	vld [tilespmem:s7+$0x270]  }
0x189: {  	v4 =	vld [tilespmem:s3+$0x200]  }
0x18a: {  	v5 =	vld [tilespmem:s3+$0x210]  }
0x18b: {  	v6 =	vld [tilespmem:s3+$0x220]  }
0x18c: {  	v7 =	vld [tilespmem:s3+$0x230]  }
0x18d: {  	[tilespmem:s7+$0xC270] =	vst.add.f32.msk $0xffff, v3  }
0x18e: {  	v3 =	vld [tilespmem:s3+$0x240]  }
0x18f: {  	v8 =	vld [tilespmem:s3+$0x250]  }
0x190: {  	v9 =	vld [tilespmem:s3+$0x260]  }
0x191: {  	v10 =	vld [tilespmem:s3+$0x270]  }
0x192: {  	v11 =	vld [tilespmem:s3+$0x600]  }
0x193: {  	v12 =	vld [tilespmem:s3+$0x610]  }
0x194: {  	v13 =	vld [tilespmem:s3+$0x620]  }
0x195: {  	v14 =	vld [tilespmem:s3+$0x630]  }
0x196: {  	v15 =	vld [tilespmem:s3+$0x640]  }
0x197: {  	v16 =	vld [tilespmem:s3+$0x650]  }
0x198: {  	v17 =	vld [tilespmem:s3+$0x660]  }
0x199: {  	v18 =	vld [tilespmem:s3+$0x670]  }
0x19a: {  	[tilespmem:s3+$0xC200] =	vst.add.f32.msk $0xffff, v4  }
0x19b: {  	[tilespmem:s3+$0xC210] =	vst.add.f32.msk $0xffff, v5  }
0x19c: {  	[tilespmem:s3+$0xC220] =	vst.add.f32.msk $0xffff, v6  }
0x19d: {  	[tilespmem:s3+$0xC230] =	vst.add.f32.msk $0xffff, v7  }
0x19e: {  	[tilespmem:s3+$0xC240] =	vst.add.f32.msk $0xffff, v3  }
0x19f: {  	[tilespmem:s3+$0xC250] =	vst.add.f32.msk $0xffff, v8  }
0x1a0: {  	[tilespmem:s3+$0xC260] =	vst.add.f32.msk $0xffff, v9  }
0x1a1: {  	[tilespmem:s3+$0xC270] =	vst.add.f32.msk $0xffff, v10  }
0x1a2: {  	[tilespmem:s3+$0xC600] =	vst.add.f32.msk $0xffff, v11  }
0x1a3: {  	[tilespmem:s3+$0xC610] =	vst.add.f32.msk $0xffff, v12  }
0x1a4: {  	[tilespmem:s3+$0xC620] =	vst.add.f32.msk $0xffff, v13  }
0x1a5: {  	[tilespmem:s3+$0xC630] =	vst.add.f32.msk $0xffff, v14  }
0x1a6: {  	[tilespmem:s3+$0xC640] =	vst.add.f32.msk $0xffff, v15  }
0x1a7: {  	[tilespmem:s3+$0xC650] =	vst.add.f32.msk $0xffff, v16  }
0x1a8: {  	[tilespmem:s3+$0xC660] =	vst.add.f32.msk $0xffff, v17  }
0x1a9: {  	[tilespmem:s3+$0xC670] =	vst.add.f32.msk $0xffff, v18  }
0x1aa: {  	v3 =	vld [tilespmem:s6+$0x200]  }
0x1ab: {  	v4 =	vld [tilespmem:s6+$0x210]  }
0x1ac: {  	v5 =	vld [tilespmem:s6+$0x220]  }
0x1ad: {  	v6 =	vld [tilespmem:s6+$0x230]  }
0x1ae: {  	v7 =	vld [tilespmem:s6+$0x240]  }
0x1af: {  	v8 =	vld [tilespmem:s6+$0x250]  }
0x1b0: {  	v9 =	vld [tilespmem:s6+$0x260]  }
0x1b1: {  	v10 =	vld [tilespmem:s6+$0x270]  }
0x1b2: {  	[tilespmem:s6+$0xC200] =	vst.add.f32.msk $0xffff, v3  }
0x1b3: {  	[tilespmem:s6+$0xC210] =	vst.add.f32.msk $0xffff, v4  }
0x1b4: {  	[tilespmem:s6+$0xC220] =	vst.add.f32.msk $0xffff, v5  }
0x1b5: {  	[tilespmem:s6+$0xC230] =	vst.add.f32.msk $0xffff, v6  }
0x1b6: {  	[tilespmem:s6+$0xC240] =	vst.add.f32.msk $0xffff, v7  }
0x1b7: {  	[tilespmem:s6+$0xC250] =	vst.add.f32.msk $0xffff, v8  }
0x1b8: {  	[tilespmem:s6+$0xC260] =	vst.add.f32.msk $0xffff, v9  }
0x1b9: {  	[tilespmem:s6+$0xC270] =	vst.add.f32.msk $0xffff, v10  }
0x1ba: {  	v3 =	vld [tilespmem:s8+$0x200]  }
0x1bb: {  	v4 =	vld [tilespmem:s8+$0x210]  }
0x1bc: {  	v5 =	vld [tilespmem:s8+$0x220]  }
0x1bd: {  	v6 =	vld [tilespmem:s8+$0x230]  }
0x1be: {  	v7 =	vld [tilespmem:s8+$0x240]  }
0x1bf: {  	v8 =	vld [tilespmem:s8+$0x250]  }
0x1c0: {  	v9 =	vld [tilespmem:s8+$0x260]  }
0x1c1: {  	v10 =	vld [tilespmem:s8+$0x270]  }
0x1c2: {  	[tilespmem:s8+$0xC200] =	vst.add.f32.msk $0xffff, v3  }
0x1c3: {  	[tilespmem:s8+$0xC210] =	vst.add.f32.msk $0xffff, v4  }
0x1c4: {  	[tilespmem:s8+$0xC220] =	vst.add.f32.msk $0xffff, v5  }
0x1c5: {  	[tilespmem:s8+$0xC230] =	vst.add.f32.msk $0xffff, v6  }
0x1c6: {  	[tilespmem:s8+$0xC240] =	vst.add.f32.msk $0xffff, v7  }
0x1c7: {  	[tilespmem:s8+$0xC250] =	vst.add.f32.msk $0xffff, v8  }
0x1c8: {  	[tilespmem:s8+$0xC260] =	vst.add.f32.msk $0xffff, v9  }
0x1c9: {  	[tilespmem:s8+$0xC270] =	vst.add.f32.msk $0xffff, v10  }
0x1ca: {  	v3 =	vld [tilespmem:s9+$0x200]  }
0x1cb: {  	v4 =	vld [tilespmem:s9+$0x210]  }
0x1cc: {  	v5 =	vld [tilespmem:s9+$0x220]  }
0x1cd: {  	v6 =	vld [tilespmem:s9+$0x230]  }
0x1ce: {  	v7 =	vld [tilespmem:s9+$0x240]  }
0x1cf: {  	v8 =	vld [tilespmem:s9+$0x250]  }
0x1d0: {  	v9 =	vld [tilespmem:s9+$0x260]  }
0x1d1: {  	v10 =	vld [tilespmem:s9+$0x270]  }
0x1d2: {  	[tilespmem:s9+$0xC200] =	vst.add.f32.msk $0xffff, v3  }
0x1d3: {  	[tilespmem:s9+$0xC210] =	vst.add.f32.msk $0xffff, v4  }
0x1d4: {  	[tilespmem:s9+$0xC220] =	vst.add.f32.msk $0xffff, v5  }
0x1d5: {  	[tilespmem:s9+$0xC230] =	vst.add.f32.msk $0xffff, v6  }
0x1d6: {  	[tilespmem:s9+$0xC240] =	vst.add.f32.msk $0xffff, v7  }
0x1d7: {  	[tilespmem:s9+$0xC250] =	vst.add.f32.msk $0xffff, v8  }
0x1d8: {  	[tilespmem:s9+$0xC260] =	vst.add.f32.msk $0xffff, v9  }
0x1d9: {  	[tilespmem:s9+$0xC270] =	vst.add.f32.msk $0xffff, v10  }
0x1da: {  	v8 =	vld [tilespmem:s1+$0x200]  }
0x1db: {  	v9 =	vld [tilespmem:s1+$0x210]  }
0x1dc: {  	v10 =	vld [tilespmem:s1+$0x220]  }
0x1dd: {  	v11 =	vld [tilespmem:s1+$0x230]  }
0x1de: {  	v12 =	vld [tilespmem:s1+$0x240]  }
0x1df: {  	v13 =	vld [tilespmem:s1+$0x250]  }
0x1e0: {  	v14 =	vld [tilespmem:s1+$0x260]  }
0x1e1: {  	v15 =	vld [tilespmem:s1+$0x270]  }
0x1e2: {  	v16 =	vld [tilespmem:s7+$0x200]  }
0x1e3: {  	v17 =	vld [tilespmem:s7+$0x210]  }
0x1e4: {  	v7 =	vld [tilespmem:s7+$0x220]  }
0x1e5: {  	v6 =	vld [tilespmem:s7+$0x230]  }
0x1e6: {  	v5 =	vld [tilespmem:s7+$0x240]  }
0x1e7: {  	v4 =	vld [tilespmem:s7+$0x250]  }
0x1e8: {  	v3 =	vld [tilespmem:s7+$0x260]  }
0x1e9: {  	[tilespmem:s1+$0xC200] =	vst.add.f32.msk $0xffff, v8  }
0x1ea: {  	[tilespmem:s1+$0xC210] =	vst.add.f32.msk $0xffff, v9  }
0x1eb: {  	[tilespmem:s1+$0xC220] =	vst.add.f32.msk $0xffff, v10  }
0x1ec: {  	[tilespmem:s1+$0xC230] =	vst.add.f32.msk $0xffff, v11  }
0x1ed: {  	[tilespmem:s1+$0xC240] =	vst.add.f32.msk $0xffff, v12  }
.Ltmp0:
0x1ee: {  	[tilespmem:s1+$0xC250] =	vst.add.f32.msk $0xffff, v13;
	(pc) =	sbr.rel @p2 .LBB2_3-.Ltmp0, $4  }
0x1ef: {  	[tilespmem:s1+$0xC260] =	vst.add.f32.msk $0xffff, v14  }
0x1f0: {  	[tilespmem:s1+$0xC270] =	vst.add.f32.msk $0xffff, v15  }
0x1f1: {  	[tilespmem:s7+$0xC200] =	vst.add.f32.msk $0xffff, v16  }
0x1f2: {  	[tilespmem:s7+$0xC210] =	vst.add.f32.msk $0xffff, v17  }
0x1f3: {  	[tilespmem:s7+$0xC220] =	vst.add.f32.msk $0xffff, v7  }
0x1f4: {  	[dreg:$0x1d] =	wrdreg s14  }
0x1f5: {  	[tilespmem:s7+$0xC230] =	vst.add.f32.msk $0xffff, v6  }
0x1f6: {  	s2 =	smul.u32 $0x180000, s14;
	[tilespmem:s7+$0xC240] =	vst.add.f32.msk $0xffff, v5  }
0x1f7: {  	s1 =	rddreg [dreg:$0xc]  }
0x1f8: {  	[dreg:$0x1b] =	wrdreg s2;
	s1 =	sadd.s32 s1, s2  }
0x1f9: {  	s5 =	rddreg [dreg:$0x3];
	[tilespmem:s7+$0xC250] =	vst.add.f32.msk $0xffff, v4;
	s1 =	sshrl.u32 s1, $0x3  }
0x1fa: {  	s6 =	simm.s32 $0xC200;
	[tilespmem:s7+$0xC260] =	vst.add.f32.msk $0xffff, v3;
	s1 =	sadd.s32 s5, s1  }
0x1fb: {  	[hbm4b:s1+s11] =	stream.linear.scatter [tilespmem:s6], [sflag:$0x5], $0x3000, $0x38;
	[tilespmem:$0x18200] =	vst v63  }
0x1fc: {  	s1 =	simm.s32 @!p1 $0x8  }
0x1fd: {  	_ =	swait.ge @!p1 [sflag:s1], $0x3000  }
0x1fe: {  	[sflag:s1] =	ssyncset.done @!p1 $0x0  }
0x1ff: {  	[sflag:s1] =	ssyncadd.s32 @!p1 $0xFFFFD000  }
0x200: {  	v3 =	vld [tilespmem:s0+$0x30];
	_ =	sdelay $0x4  }
0x201: {  	v4 =	vshrl.u32 v3, $0x3  }
0x202: {  	v4 =	vmul.u32 $0x30, v4  }
0x203: {  	v3 =	vand.u32 $0x7, v3  }
0x204: {  	v3 =	vor.u32 v3, v4  }
0x205: {  	v4 =	vperm.xlane v3, v0;
	_ =	sdelay $0x1  }
0x206: {  	v4 =	vadd.s32 v1, v4;
	_ =	sdelay $0x3  }
0x207: {  	s7 =	rddreg [dreg:$0x1];
	v3 =	vperm.xlane v3, v2  }
0x208: {  	[tilespmem:s13], [sflag:$0x4] =	stream.indirect_vreg.gather [hbm4b:s7+s11], $0x80, v4, vm0, $0xb8;
	[tilespmem:$0x18200] =	vst v63  }
0x209: {  	s9 =	simm.s32 $0x15A00;
	s8 =	rddreg [dreg:$0x10];
	v3 =	vadd.s32 v1, v3  }
0x20a: {  	[tilespmem:s9], [sflag:$0x4] =	stream.indirect_vreg.gather [hbm4b:s8+s11], $0x80, v4, vm0, $0xb8;
	[tilespmem:$0x18200] =	vst v63  }
0x20b: {  	s3 =	simm.s32 $0x16200;
	s10 =	rddreg [dreg:$0x11]  }
0x20c: {  	[tilespmem:s3], [sflag:$0x4] =	stream.indirect_vreg.gather [hbm4b:s10+s11], $0x80, v4, vm0, $0xb8;
	[tilespmem:$0x18200] =	vst v63  }
0x20d: {  	s12 =	simm.s32 $0x16A00  }
0x20e: {  	[tilespmem:s12], [sflag:$0x4] =	stream.indirect_vreg.gather [hbm4b:s7+s11], $0x80, v3, vm0, $0xb8;
	[tilespmem:$0x18200] =	vst v63  }
0x20f: {  	s13 =	simm.s32 $0x17200  }
0x210: {  	[tilespmem:s13], [sflag:$0x4] =	stream.indirect_vreg.gather [hbm4b:s8+s11], $0x80, v3, vm0, $0xb8;
	[tilespmem:$0x18200] =	vst v63  }
0x211: {  	s15 =	simm.s32 $0x2;
	s14 =	simm.s32 $0x17A00  }
0x212: {  	[tilespmem:s14], [sflag:$0x4] =	stream.indirect_vreg.gather [hbm4b:s10+s11], $0x80, v3, vm0, $0xb8;
	[tilespmem:$0x18200] =	vst v63  }
0x213: {  	_ =	swait.ge [sflag:s15], $0x3000  }
0x214: {  	s16 =	simm.s32 $0x2;
	[sflag:s15] =	ssyncset.done $0x0  }
0x215: {  	s1 =	simm.s32 @!p0 $0xA;
	s0 =	smul.u32 $0x6000, s16;
	[sflag:s15] =	ssyncadd.s32 $0xFFFFD000  }
0x216: {  	s17 =	simm.s32 $0x880;
	_ =	swait.ge @!p0 [sflag:s1], $0x3000  }
0x217: {  	s2 =	sand.u32 $0x380, s17;
	s0 =	sshra.s32 s0, $0x2;
	[sflag:s1] =	ssyncset.done @!p0 $0x0  }
0x218: {  	s13 =	sor.u32 s2, s0;
	[sflag:s1] =	ssyncadd.s32 @!p0 $0xFFFFD000  }
0x219: {  	v3 =	vld [tilespmem:s13+$0x200]  }
0x21a: {  	s18 =	simm.s32 $0x0;
	s9 =	simm.s32 $0x0  }
0x21b: {  	s30 =	smul.u32 $0x1800, s18;
	s8 =	sand.u32 $0x300, s9  }
0x21c: {  	s3 =	sor.u32 $0x80, s8  }
0x21d: {  	s0 =	sor.u32 s3, s30  }
0x21e: {  	[tilespmem:s0+$0xF200] =	vst.add.f32.msk $0xffff, v3  }
0x21f: {  	v3 =	vld [tilespmem:s13+$0x210];
	_ =	sdelay $0x4  }
0x220: {  	[tilespmem:s0+$0xF210] =	vst.add.f32.msk $0xffff, v3  }
0x221: {  	v3 =	vld [tilespmem:s13+$0x220];
	_ =	sdelay $0x4  }
0x222: {  	[tilespmem:s0+$0xF220] =	vst.add.f32.msk $0xffff, v3  }
0x223: {  	v3 =	vld [tilespmem:s13+$0x230];
	_ =	sdelay $0x4  }
0x224: {  	[tilespmem:s0+$0xF230] =	vst.add.f32.msk $0xffff, v3  }
0x225: {  	v3 =	vld [tilespmem:s13+$0x240];
	_ =	sdelay $0x4  }
0x226: {  	[tilespmem:s0+$0xF240] =	vst.add.f32.msk $0xffff, v3  }
0x227: {  	v3 =	vld [tilespmem:s13+$0x250];
	_ =	sdelay $0x4  }
0x228: {  	[tilespmem:s0+$0xF250] =	vst.add.f32.msk $0xffff, v3  }
0x229: {  	v3 =	vld [tilespmem:s13+$0x260];
	_ =	sdelay $0x4  }
0x22a: {  	[tilespmem:s0+$0xF260] =	vst.add.f32.msk $0xffff, v3  }
0x22b: {  	v3 =	vld [tilespmem:s13+$0x270];
	_ =	sdelay $0x4  }
0x22c: {  	[tilespmem:s0+$0xF270] =	vst.add.f32.msk $0xffff, v3  }
0x22d: {  	s12 =	sor.u32 s8, s30;
	v3 =	vld [tilespmem:s13+$0x600]  }
0x22e: {  	v4 =	vld [tilespmem:s12+$0x3200]  }
0x22f: {  	v5 =	vld [tilespmem:s12+$0x3210]  }
0x230: {  	v6 =	vld [tilespmem:s12+$0x3220]  }
0x231: {  	v7 =	vld [tilespmem:s12+$0x3230]  }
0x232: {  	[tilespmem:s0+$0xF600] =	vst.add.f32.msk $0xffff, v3  }
0x233: {  	v3 =	vld [tilespmem:s13+$0x610]  }
0x234: {  	v8 =	vld [tilespmem:s12+$0x3240]  }
0x235: {  	v9 =	vld [tilespmem:s12+$0x3250]  }
0x236: {  	v10 =	vld [tilespmem:s12+$0x3260]  }
0x237: {  	v11 =	vld [tilespmem:s12+$0x3270]  }
0x238: {  	[tilespmem:s0+$0xF610] =	vst.add.f32.msk $0xffff, v3  }
0x239: {  	v3 =	vld [tilespmem:s13+$0x620]  }
0x23a: {  	v12 =	vld [tilespmem:s12+$0x3600]  }
0x23b: {  	v13 =	vld [tilespmem:s12+$0x3610]  }
0x23c: {  	v14 =	vld [tilespmem:s12+$0x3620]  }
0x23d: {  	v15 =	vld [tilespmem:s12+$0x3630]  }
0x23e: {  	[tilespmem:s0+$0xF620] =	vst.add.f32.msk $0xffff, v3  }
0x23f: {  	v3 =	vld [tilespmem:s13+$0x630]  }
0x240: {  	v16 =	vld [tilespmem:s12+$0x3640]  }
0x241: {  	v17 =	vld [tilespmem:s12+$0x3650]  }
0x242: {  	v18 =	vld [tilespmem:s12+$0x3660]  }
0x243: {  	v19 =	vld [tilespmem:s12+$0x3670]  }
0x244: {  	[tilespmem:s0+$0xF630] =	vst.add.f32.msk $0xffff, v3  }
0x245: {  	v3 =	vld [tilespmem:s13+$0x640]  }
0x246: {  	v20 =	vld [tilespmem:s12+$0x3A00]  }
0x247: {  	[tilespmem:s12+$0xF200] =	vst.add.f32.msk $0xffff, v4  }
0x248: {  	[tilespmem:s12+$0xF210] =	vst.add.f32.msk $0xffff, v5  }
0x249: {  	[tilespmem:s12+$0xF220] =	vst.add.f32.msk $0xffff, v6  }
0x24a: {  	[tilespmem:s0+$0xF640] =	vst.add.f32.msk $0xffff, v3  }
0x24b: {  	v3 =	vld [tilespmem:s13+$0x650]  }
0x24c: {  	[tilespmem:s12+$0xF230] =	vst.add.f32.msk $0xffff, v7  }
0x24d: {  	[tilespmem:s12+$0xF240] =	vst.add.f32.msk $0xffff, v8  }
0x24e: {  	[tilespmem:s12+$0xF250] =	vst.add.f32.msk $0xffff, v9  }
0x24f: {  	[tilespmem:s12+$0xF260] =	vst.add.f32.msk $0xffff, v10  }
0x250: {  	[tilespmem:s0+$0xF650] =	vst.add.f32.msk $0xffff, v3  }
0x251: {  	v3 =	vld [tilespmem:s13+$0x660]  }
0x252: {  	[tilespmem:s12+$0xF270] =	vst.add.f32.msk $0xffff, v11  }
0x253: {  	[tilespmem:s12+$0xF600] =	vst.add.f32.msk $0xffff, v12  }
0x254: {  	[tilespmem:s12+$0xF610] =	vst.add.f32.msk $0xffff, v13  }
0x255: {  	[tilespmem:s12+$0xF620] =	vst.add.f32.msk $0xffff, v14  }
0x256: {  	[tilespmem:s0+$0xF660] =	vst.add.f32.msk $0xffff, v3  }
0x257: {  	v3 =	vld [tilespmem:s13+$0x670]  }
0x258: {  	[tilespmem:s12+$0xF630] =	vst.add.f32.msk $0xffff, v15  }
0x259: {  	[tilespmem:s12+$0xF640] =	vst.add.f32.msk $0xffff, v16  }
0x25a: {  	[tilespmem:s12+$0xF650] =	vst.add.f32.msk $0xffff, v17  }
0x25b: {  	[tilespmem:s12+$0xF660] =	vst.add.f32.msk $0xffff, v18  }
0x25c: {  	[tilespmem:s0+$0xF670] =	vst.add.f32.msk $0xffff, v3  }
0x25d: {  	s19 =	sadd.s32 $0xFA00, s30;
	v3 =	vld [tilespmem:s13+$0xA00]  }
0x25e: {  	[tilespmem:s12+$0xF670] =	vst.add.f32.msk $0xffff, v19;
	s0 =	sadd.s32 s8, s19  }
0x25f: {  	[tilespmem:s0+$0x0] =	vst.add.f32.msk $0xffff, v20  }
0x260: {  	v4 =	vld [tilespmem:s12+$0x3A10]  }
0x261: {  	s20 =	sadd.s32 s3, s19  }
0x262: {  	[tilespmem:s20+$0x0] =	vst.add.f32.msk $0xffff, v3  }
0x263: {  	v3 =	vld [tilespmem:s13+$0xA10]  }
0x264: {  	s22 =	sor.u32 $0x10, s0  }
0x265: {  	[tilespmem:s22+$0x0] =	vst.add.f32.msk $0xffff, v4  }
0x266: {  	v4 =	vld [tilespmem:s12+$0x3A20]  }
0x267: {  	s21 =	sor.u32 $0x10, s20  }
0x268: {  	[tilespmem:s21+$0x0] =	vst.add.f32.msk $0xffff, v3  }
0x269: {  	v3 =	vld [tilespmem:s13+$0xA20]  }
0x26a: {  	s24 =	sor.u32 $0x20, s0  }
0x26b: {  	[tilespmem:s24+$0x0] =	vst.add.f32.msk $0xffff, v4  }
0x26c: {  	v4 =	vld [tilespmem:s12+$0x3A30]  }
0x26d: {  	s23 =	sor.u32 $0x20, s20  }
0x26e: {  	[tilespmem:s23+$0x0] =	vst.add.f32.msk $0xffff, v3  }
0x26f: {  	v3 =	vld [tilespmem:s13+$0xA30]  }
0x270: {  	s26 =	sor.u32 $0x30, s0  }
0x271: {  	[tilespmem:s26+$0x0] =	vst.add.f32.msk $0xffff, v4  }
0x272: {  	v4 =	vld [tilespmem:s12+$0x3A40]  }
0x273: {  	s25 =	sor.u32 $0x30, s20  }
0x274: {  	[tilespmem:s25+$0x0] =	vst.add.f32.msk $0xffff, v3  }
0x275: {  	v3 =	vld [tilespmem:s13+$0xA40]  }
0x276: {  	s29 =	sor.u32 $0x40, s0  }
0x277: {  	[tilespmem:s29+$0x0] =	vst.add.f32.msk $0xffff, v4  }
0x278: {  	v4 =	vld [tilespmem:s12+$0x3A50]  }
0x279: {  	s28 =	sor.u32 $0x40, s20  }
0x27a: {  	[tilespmem:s28+$0x0] =	vst.add.f32.msk $0xffff, v3  }
0x27b: {  	v3 =	vld [tilespmem:s13+$0xA50]  }
0x27c: {  	s4 =	sor.u32 $0x50, s0  }
0x27d: {  	[tilespmem:s4+$0x0] =	vst.add.f32.msk $0xffff, v4  }
0x27e: {  	v4 =	vld [tilespmem:s12+$0x3A60]  }
0x27f: {  	s31 =	sor.u32 $0x50, s20  }
0x280: {  	[tilespmem:s31+$0x0] =	vst.add.f32.msk $0xffff, v3  }
0x281: {  	v3 =	vld [tilespmem:s13+$0xA60]  }
0x282: {  	s6 =	sor.u32 $0x60, s0  }
0x283: {  	[tilespmem:s6+$0x0] =	vst.add.f32.msk $0xffff, v4  }
0x284: {  	v4 =	vld [tilespmem:s12+$0x3A70]  }
0x285: {  	s5 =	sor.u32 $0x60, s20  }
0x286: {  	[tilespmem:s5+$0x0] =	vst.add.f32.msk $0xffff, v3  }
0x287: {  	v3 =	vld [tilespmem:s13+$0xA70]  }
0x288: {  	s0 =	sor.u32 $0x70, s0;
	s4 =	simm.s32 $0x2  }
0x289: {  	s7 =	sadd.s32 $0xFE00, s30;
	s4 =	smul.u32 $0x6000, s4;
	[tilespmem:s0+$0x0] =	vst.add.f32.msk $0xffff, v4  }
0x28a: {  	s10 =	sadd.s32 s3, s7;
	s1 =	sor.u32 $0x70, s20;
	s26 =	simm.s32 $0x0;
	v4 =	vld [tilespmem:s12+$0x3E00]  }
0x28b: {  	s2 =	smul.u32 $0x1800, s26;
	s4 =	sshra.s32 s4, $0x2;
	s5 =	simm.s32 $0x980  }
0x28c: {  	s0 =	sadd.s32 s8, s7;
	s25 =	sand.u32 $0x380, s5;
	s7 =	simm.s32 $0x100;
	[tilespmem:s1+$0x0] =	vst.add.f32.msk $0xffff, v3  }
0x28d: {  	s14 =	sor.u32 $0x10, s0;
	s16 =	sor.u32 $0x20, s0;
	s5 =	sor.u32 s25, s4;
	v3 =	vld [tilespmem:s13+$0xE00]  }
0x28e: {  	s18 =	sor.u32 $0x30, s0;
	s20 =	sor.u32 $0x40, s0;
	s22 =	sor.u32 $0x50, s0;
	v5 =	vld [tilespmem:s5+$0x200]  }
0x28f: {  	s24 =	sor.u32 $0x60, s0;
	s28 =	sor.u32 $0x70, s0;
	[tilespmem:s0+$0x0] =	vst.add.f32.msk $0xffff, v4;
	s0 =	sand.u32 $0x300, s7  }
0x290: {  	v4 =	vld [tilespmem:s12+$0x3E10];
	s25 =	sor.u32 s0, s2  }
0x291: {  	v6 =	vld [tilespmem:s25+$0x3200]  }
0x292: {  	[tilespmem:s10+$0x0] =	vst.add.f32.msk $0xffff, v3  }
0x293: {  	v3 =	vld [tilespmem:s13+$0xE10]  }
0x294: {  	v7 =	vld [tilespmem:s25+$0x3210]  }
0x295: {  	v51 =	vld [tilespmem:s25+$0x3220]  }
0x296: {  	v52 =	vld [tilespmem:s25+$0x3230]  }
0x297: {  	s11 =	sor.u32 $0x10, s10;
	v53 =	vld [tilespmem:s25+$0x3240]  }
0x298: {  	[tilespmem:s11+$0x0] =	vst.add.f32.msk $0xffff, v3  }
0x299: {  	v3 =	vld [tilespmem:s13+$0xE20]  }
0x29a: {  	v54 =	vld [tilespmem:s25+$0x3250]  }
0x29b: {  	v55 =	vld [tilespmem:s25+$0x3260]  }
0x29c: {  	v56 =	vld [tilespmem:s25+$0x3270]  }
0x29d: {  	s15 =	sor.u32 $0x20, s10;
	v57 =	vld [tilespmem:s25+$0x3600]  }
0x29e: {  	[tilespmem:s15+$0x0] =	vst.add.f32.msk $0xffff, v3  }
0x29f: {  	v3 =	vld [tilespmem:s13+$0xE30]  }
0x2a0: {  	v58 =	vld [tilespmem:s25+$0x3610]  }
0x2a1: {  	v59 =	vld [tilespmem:s25+$0x3620]  }
0x2a2: {  	v60 =	vld [tilespmem:s25+$0x3630]  }
0x2a3: {  	s17 =	sor.u32 $0x30, s10;
	v61 =	vld [tilespmem:s25+$0x3640]  }
0x2a4: {  	[tilespmem:s17+$0x0] =	vst.add.f32.msk $0xffff, v3  }
0x2a5: {  	v3 =	vld [tilespmem:s13+$0xE40]  }
0x2a6: {  	v62 =	vld [tilespmem:s25+$0x3650]  }
0x2a7: {  	v63 =	vld [tilespmem:s25+$0x3660]  }
0x2a8: {  	v21 =	vld [tilespmem:s25+$0x3670]  }
0x2a9: {  	s19 =	sor.u32 $0x40, s10;
	v22 =	vld [tilespmem:s25+$0x3A00]  }
0x2aa: {  	[tilespmem:s19+$0x0] =	vst.add.f32.msk $0xffff, v3  }
0x2ab: {  	v3 =	vld [tilespmem:s13+$0xE50]  }
0x2ac: {  	[tilespmem:s14+$0x0] =	vst.add.f32.msk $0xffff, v4  }
0x2ad: {  	v4 =	vld [tilespmem:s12+$0x3E20]  }
0x2ae: {  	[tilespmem:s25+$0xF200] =	vst.add.f32.msk $0xffff, v6  }
0x2af: {  	s21 =	sor.u32 $0x50, s10;
	[tilespmem:s25+$0xF210] =	vst.add.f32.msk $0xffff, v7  }
0x2b0: {  	[tilespmem:s21+$0x0] =	vst.add.f32.msk $0xffff, v3;
	s21 =	sor.u32 $0x80, s0  }
0x2b1: {  	v3 =	vld [tilespmem:s13+$0xE60];
	s6 =	sor.u32 s21, s2  }
0x2b2: {  	[tilespmem:s6+$0xF200] =	vst.add.f32.msk $0xffff, v5  }
0x2b3: {  	v5 =	vld [tilespmem:s5+$0x210]  }
0x2b4: {  	[tilespmem:s25+$0xF220] =	vst.add.f32.msk $0xffff, v51  }
0x2b5: {  	s23 =	sor.u32 $0x60, s10;
	[tilespmem:s25+$0xF230] =	vst.add.f32.msk $0xffff, v52  }
0x2b6: {  	[tilespmem:s23+$0x0] =	vst.add.f32.msk $0xffff, v3  }
0x2b7: {  	v3 =	vld [tilespmem:s13+$0xE70]  }
0x2b8: {  	[tilespmem:s6+$0xF210] =	vst.add.f32.msk $0xffff, v5  }
0x2b9: {  	v5 =	vld [tilespmem:s5+$0x220]  }
0x2ba: {  	[tilespmem:s25+$0xF240] =	vst.add.f32.msk $0xffff, v53  }
0x2bb: {  	s1 =	sor.u32 $0x70, s10;
	[tilespmem:s25+$0xF250] =	vst.add.f32.msk $0xffff, v54  }
0x2bc: {  	[tilespmem:s1+$0x0] =	vst.add.f32.msk $0xffff, v3  }
0x2bd: {  	v3 =	vld [tilespmem:s13+$0x1200]  }
0x2be: {  	[tilespmem:s6+$0xF220] =	vst.add.f32.msk $0xffff, v5  }
0x2bf: {  	v5 =	vld [tilespmem:s5+$0x230]  }
0x2c0: {  	s10 =	sadd.s32 $0x10200, s30;
	[tilespmem:s25+$0xF260] =	vst.add.f32.msk $0xffff, v55  }
0x2c1: {  	s29 =	sadd.s32 s3, s10;
	[tilespmem:s25+$0xF270] =	vst.add.f32.msk $0xffff, v56  }
0x2c2: {  	[tilespmem:s29+$0x0] =	vst.add.f32.msk $0xffff, v3  }
0x2c3: {  	v3 =	vld [tilespmem:s13+$0x1210]  }
0x2c4: {  	[tilespmem:s6+$0xF230] =	vst.add.f32.msk $0xffff, v5  }
0x2c5: {  	v5 =	vld [tilespmem:s5+$0x240]  }
0x2c6: {  	[tilespmem:s25+$0xF600] =	vst.add.f32.msk $0xffff, v57  }
0x2c7: {  	s31 =	sor.u32 $0x10, s29;
	[tilespmem:s25+$0xF610] =	vst.add.f32.msk $0xffff, v58  }
0x2c8: {  	[tilespmem:s31+$0x0] =	vst.add.f32.msk $0xffff, v3  }
0x2c9: {  	v3 =	vld [tilespmem:s13+$0x1220]  }
0x2ca: {  	[tilespmem:s6+$0xF240] =	vst.add.f32.msk $0xffff, v5  }
0x2cb: {  	v5 =	vld [tilespmem:s5+$0x250]  }
0x2cc: {  	[tilespmem:s25+$0xF620] =	vst.add.f32.msk $0xffff, v59  }
0x2cd: {  	[tilespmem:s25+$0xF630] =	vst.add.f32.msk $0xffff, v60;
	s11 =	sor.u32 $0x20, s29  }
0x2ce: {  	[tilespmem:s11+$0x0] =	vst.add.f32.msk $0xffff, v3  }
0x2cf: {  	v3 =	vld [tilespmem:s13+$0x1230]  }
0x2d0: {  	[tilespmem:s6+$0xF250] =	vst.add.f32.msk $0xffff, v5  }
0x2d1: {  	v5 =	vld [tilespmem:s5+$0x260]  }
0x2d2: {  	[tilespmem:s25+$0xF640] =	vst.add.f32.msk $0xffff, v61  }
0x2d3: {  	s14 =	sor.u32 $0x30, s29;
	[tilespmem:s25+$0xF650] =	vst.add.f32.msk $0xffff, v62  }
0x2d4: {  	[tilespmem:s14+$0x0] =	vst.add.f32.msk $0xffff, v3  }
0x2d5: {  	v3 =	vld [tilespmem:s13+$0x1240]  }
0x2d6: {  	[tilespmem:s6+$0xF260] =	vst.add.f32.msk $0xffff, v5  }
0x2d7: {  	v5 =	vld [tilespmem:s5+$0x270]  }
0x2d8: {  	[tilespmem:s25+$0xF660] =	vst.add.f32.msk $0xffff, v63  }
0x2d9: {  	[tilespmem:s25+$0xF670] =	vst.add.f32.msk $0xffff, v21;
	s15 =	sor.u32 $0x40, s29  }
0x2da: {  	[tilespmem:s15+$0x0] =	vst.add.f32.msk $0xffff, v3  }
0x2db: {  	v3 =	vld [tilespmem:s13+$0x1250]  }
0x2dc: {  	[tilespmem:s6+$0xF270] =	vst.add.f32.msk $0xffff, v5  }
0x2dd: {  	v5 =	vld [tilespmem:s5+$0x600]  }
0x2de: {  	[tilespmem:s16+$0x0] =	vst.add.f32.msk $0xffff, v4  }
0x2df: {  	s16 =	sor.u32 $0x50, s29;
	v4 =	vld [tilespmem:s12+$0x3E30]  }
0x2e0: {  	[tilespmem:s16+$0x0] =	vst.add.f32.msk $0xffff, v3  }
0x2e1: {  	v3 =	vld [tilespmem:s13+$0x1260]  }
0x2e2: {  	[tilespmem:s6+$0xF600] =	vst.add.f32.msk $0xffff, v5  }
0x2e3: {  	v5 =	vld [tilespmem:s5+$0x610]  }
0x2e4: {  	[tilespmem:s18+$0x0] =	vst.add.f32.msk $0xffff, v4  }
0x2e5: {  	v4 =	vld [tilespmem:s12+$0x3E40];
	s17 =	sor.u32 $0x60, s29  }
0x2e6: {  	[tilespmem:s17+$0x0] =	vst.add.f32.msk $0xffff, v3  }
0x2e7: {  	v3 =	vld [tilespmem:s13+$0x1270]  }
0x2e8: {  	[tilespmem:s6+$0xF610] =	vst.add.f32.msk $0xffff, v5  }
0x2e9: {  	v5 =	vld [tilespmem:s5+$0x620]  }
0x2ea: {  	[tilespmem:s20+$0x0] =	vst.add.f32.msk $0xffff, v4  }
0x2eb: {  	v4 =	vld [tilespmem:s12+$0x3E50];
	s1 =	sor.u32 $0x70, s29  }
0x2ec: {  	[tilespmem:s1+$0x0] =	vst.add.f32.msk $0xffff, v3  }
0x2ed: {  	v3 =	vld [tilespmem:s13+$0x1600]  }
0x2ee: {  	[tilespmem:s6+$0xF620] =	vst.add.f32.msk $0xffff, v5  }
0x2ef: {  	v5 =	vld [tilespmem:s5+$0x630]  }
0x2f0: {  	[tilespmem:s22+$0x0] =	vst.add.f32.msk $0xffff, v4;
	s1 =	sadd.s32 $0x10600, s30  }
0x2f1: {  	v4 =	vld [tilespmem:s12+$0x3E60];
	s3 =	sadd.s32 s3, s1  }
0x2f2: {  	[tilespmem:s3+$0x0] =	vst.add.f32.msk $0xffff, v3  }
0x2f3: {  	v3 =	vld [tilespmem:s13+$0x1610]  }
0x2f4: {  	[tilespmem:s6+$0xF630] =	vst.add.f32.msk $0xffff, v5  }
0x2f5: {  	v5 =	vld [tilespmem:s5+$0x640]  }
0x2f6: {  	[tilespmem:s24+$0x0] =	vst.add.f32.msk $0xffff, v4  }
0x2f7: {  	v4 =	vld [tilespmem:s12+$0x3E70];
	s18 =	sor.u32 $0x10, s3  }
0x2f8: {  	[tilespmem:s18+$0x0] =	vst.add.f32.msk $0xffff, v3  }
0x2f9: {  	v3 =	vld [tilespmem:s13+$0x1620]  }
0x2fa: {  	[tilespmem:s6+$0xF640] =	vst.add.f32.msk $0xffff, v5  }
0x2fb: {  	v5 =	vld [tilespmem:s5+$0x650]  }
0x2fc: {  	[tilespmem:s28+$0x0] =	vst.add.f32.msk $0xffff, v4  }
0x2fd: {  	v4 =	vld [tilespmem:s12+$0x4200];
	s19 =	sor.u32 $0x20, s3  }
0x2fe: {  	[tilespmem:s19+$0x0] =	vst.add.f32.msk $0xffff, v3  }
0x2ff: {  	v3 =	vld [tilespmem:s13+$0x1630]  }
0x300: {  	[tilespmem:s6+$0xF650] =	vst.add.f32.msk $0xffff, v5  }
0x301: {  	s4 =	sadd.s32 s8, s10;
	v5 =	vld [tilespmem:s5+$0x660]  }
0x302: {  	[tilespmem:s4+$0x0] =	vst.add.f32.msk $0xffff, v4  }
0x303: {  	v4 =	vld [tilespmem:s12+$0x4210];
	s20 =	sor.u32 $0x30, s3  }
0x304: {  	[tilespmem:s20+$0x0] =	vst.add.f32.msk $0xffff, v3  }
0x305: {  	v3 =	vld [tilespmem:s13+$0x1640]  }
0x306: {  	[tilespmem:s6+$0xF660] =	vst.add.f32.msk $0xffff, v5  }
0x307: {  	s28 =	sor.u32 $0x10, s4;
	v5 =	vld [tilespmem:s5+$0x670]  }
0x308: {  	[tilespmem:s28+$0x0] =	vst.add.f32.msk $0xffff, v4  }
0x309: {  	v4 =	vld [tilespmem:s12+$0x4220];
	s22 =	sor.u32 $0x40, s3  }
0x30a: {  	[tilespmem:s22+$0x0] =	vst.add.f32.msk $0xffff, v3  }
0x30b: {  	v3 =	vld [tilespmem:s13+$0x1650]  }
0x30c: {  	s26 =	sadd.s32 $0xFA00, s2;
	[tilespmem:s6+$0xF670] =	vst.add.f32.msk $0xffff, v5  }
0x30d: {  	s6 =	sadd.s32 s0, s26;
	v5 =	vld [tilespmem:s5+$0xA00]  }
0x30e: {  	[tilespmem:s6+$0x0] =	vst.add.f32.msk $0xffff, v22  }
0x30f: {  	s23 =	sor.u32 $0x50, s3;
	v6 =	vld [tilespmem:s25+$0x3A10]  }
0x310: {  	[tilespmem:s23+$0x0] =	vst.add.f32.msk $0xffff, v3  }
0x311: {  	s10 =	sadd.s32 s21, s26;
	v3 =	vld [tilespmem:s13+$0x1660]  }
0x312: {  	[tilespmem:s10+$0x0] =	vst.add.f32.msk $0xffff, v5  }
0x313: {  	s31 =	sor.u32 $0x10, s6;
	v5 =	vld [tilespmem:s5+$0xA10]  }
0x314: {  	[tilespmem:s31+$0x0] =	vst.add.f32.msk $0xffff, v6  }
0x315: {  	s24 =	sor.u32 $0x60, s3;
	v6 =	vld [tilespmem:s25+$0x3A20]  }
0x316: {  	[tilespmem:s24+$0x0] =	vst.add.f32.msk $0xffff, v3  }
0x317: {  	s29 =	sor.u32 $0x10, s10;
	v3 =	vld [tilespmem:s13+$0x1670]  }
0x318: {  	s13 =	sor.u32 $0x20, s4;
	[tilespmem:s29+$0x0] =	vst.add.f32.msk $0xffff, v5  }
0x319: {  	[tilespmem:s13+$0x0] =	vst.add.f32.msk $0xffff, v4  }
0x31a: {  	v5 =	vld [tilespmem:s5+$0xA20]  }
0x31b: {  	v4 =	vld [tilespmem:s12+$0x4230]  }
0x31c: {  	s15 =	sor.u32 $0x20, s6  }
0x31d: {  	[tilespmem:s15+$0x0] =	vst.add.f32.msk $0xffff, v6  }
0x31e: {  	s14 =	sor.u32 $0x20, s10;
	v6 =	vld [tilespmem:s25+$0x3A30]  }
0x31f: {  	s16 =	sor.u32 $0x30, s4;
	[tilespmem:s14+$0x0] =	vst.add.f32.msk $0xffff, v5  }
0x320: {  	[tilespmem:s16+$0x0] =	vst.add.f32.msk $0xffff, v4  }
0x321: {  	v5 =	vld [tilespmem:s5+$0xA30]  }
0x322: {  	v4 =	vld [tilespmem:s12+$0x4240]  }
0x323: {  	s18 =	sor.u32 $0x30, s6  }
0x324: {  	[tilespmem:s18+$0x0] =	vst.add.f32.msk $0xffff, v6  }
0x325: {  	s17 =	sor.u32 $0x30, s10;
	v6 =	vld [tilespmem:s25+$0x3A40]  }
0x326: {  	s19 =	sor.u32 $0x40, s4;
	[tilespmem:s17+$0x0] =	vst.add.f32.msk $0xffff, v5  }
0x327: {  	[tilespmem:s19+$0x0] =	vst.add.f32.msk $0xffff, v4  }
0x328: {  	v5 =	vld [tilespmem:s5+$0xA40]  }
0x329: {  	v4 =	vld [tilespmem:s12+$0x4250]  }
0x32a: {  	s22 =	sor.u32 $0x40, s6  }
0x32b: {  	[tilespmem:s22+$0x0] =	vst.add.f32.msk $0xffff, v6  }
0x32c: {  	s20 =	sor.u32 $0x40, s10;
	v6 =	vld [tilespmem:s25+$0x3A50]  }
0x32d: {  	s23 =	sor.u32 $0x50, s4;
	[tilespmem:s20+$0x0] =	vst.add.f32.msk $0xffff, v5  }
0x32e: {  	[tilespmem:s23+$0x0] =	vst.add.f32.msk $0xffff, v4  }
0x32f: {  	v5 =	vld [tilespmem:s5+$0xA50]  }
0x330: {  	v4 =	vld [tilespmem:s12+$0x4260]  }
0x331: {  	s26 =	sor.u32 $0x50, s6  }
0x332: {  	[tilespmem:s26+$0x0] =	vst.add.f32.msk $0xffff, v6  }
0x333: {  	s24 =	sor.u32 $0x50, s10;
	v6 =	vld [tilespmem:s25+$0x3A60]  }
0x334: {  	s28 =	sor.u32 $0x60, s4;
	[tilespmem:s24+$0x0] =	vst.add.f32.msk $0xffff, v5  }
0x335: {  	[tilespmem:s28+$0x0] =	vst.add.f32.msk $0xffff, v4  }
0x336: {  	v5 =	vld [tilespmem:s5+$0xA60]  }
0x337: {  	v4 =	vld [tilespmem:s12+$0x4270]  }
0x338: {  	s31 =	sor.u32 $0x60, s6  }
0x339: {  	[tilespmem:s31+$0x0] =	vst.add.f32.msk $0xffff, v6  }
0x33a: {  	s29 =	sor.u32 $0x60, s10;
	v6 =	vld [tilespmem:s25+$0x3A70]  }
0x33b: {  	s4 =	sor.u32 $0x70, s4;
	[tilespmem:s29+$0x0] =	vst.add.f32.msk $0xffff, v5  }
0x33c: {  	s9 =	sor.u32 s30, s9;
	[tilespmem:s4+$0x0] =	vst.add.f32.msk $0xffff, v4  }
0x33d: {  	s30 =	sor.u32 $0x4400, s9;
	v5 =	vld [tilespmem:s5+$0xA70]  }
0x33e: {  	v4 =	vld [tilespmem:s30+$0x200]  }
0x33f: {  	s9 =	sor.u32 $0x70, s10;
	s10 =	sor.u32 $0x70, s6  }
0x340: {  	[tilespmem:s10+$0x0] =	vst.add.f32.msk $0xffff, v6  }
0x341: {  	v6 =	vld [tilespmem:s25+$0x3E00]  }
0x342: {  	s4 =	sadd.s32 s8, s1;
	[tilespmem:s9+$0x0] =	vst.add.f32.msk $0xffff, v5  }
0x343: {  	[tilespmem:s4+$0x0] =	vst.add.f32.msk $0xffff, v4  }
0x344: {  	v5 =	vld [tilespmem:s5+$0xE00]  }
0x345: {  	s11 =	sadd.s32 $0xFE00, s2;
	v4 =	vld [tilespmem:s30+$0x210]  }
0x346: {  	s6 =	sadd.s32 s0, s11  }
0x347: {  	[tilespmem:s6+$0x0] =	vst.add.f32.msk $0xffff, v6  }
0x348: {  	s1 =	sadd.s32 s21, s11;
	v6 =	vld [tilespmem:s25+$0x3E10]  }
0x349: {  	s8 =	sor.u32 $0x10, s4;
	[tilespmem:s1+$0x0] =	vst.add.f32.msk $0xffff, v5  }
0x34a: {  	[tilespmem:s8+$0x0] =	vst.add.f32.msk $0xffff, v4  }
0x34b: {  	v5 =	vld [tilespmem:s5+$0xE10]  }
0x34c: {  	v4 =	vld [tilespmem:s30+$0x220]  }
0x34d: {  	s13 =	sor.u32 $0x10, s6  }
0x34e: {  	[tilespmem:s13+$0x0] =	vst.add.f32.msk $0xffff, v6  }
0x34f: {  	s12 =	sor.u32 $0x10, s1;
	v6 =	vld [tilespmem:s25+$0x3E20]  }
0x350: {  	s14 =	sor.u32 $0x20, s4;
	[tilespmem:s12+$0x0] =	vst.add.f32.msk $0xffff, v5  }
0x351: {  	[tilespmem:s14+$0x0] =	vst.add.f32.msk $0xffff, v4  }
0x352: {  	v5 =	vld [tilespmem:s5+$0xE20]  }
0x353: {  	v4 =	vld [tilespmem:s30+$0x230]  }
0x354: {  	s16 =	sor.u32 $0x20, s6  }
0x355: {  	[tilespmem:s16+$0x0] =	vst.add.f32.msk $0xffff, v6  }
0x356: {  	s15 =	sor.u32 $0x20, s1;
	v6 =	vld [tilespmem:s25+$0x3E30]  }
0x357: {  	s17 =	sor.u32 $0x30, s4;
	[tilespmem:s15+$0x0] =	vst.add.f32.msk $0xffff, v5  }
0x358: {  	[tilespmem:s17+$0x0] =	vst.add.f32.msk $0xffff, v4  }
0x359: {  	v5 =	vld [tilespmem:s5+$0xE30]  }
0x35a: {  	v4 =	vld [tilespmem:s30+$0x240]  }
0x35b: {  	s19 =	sor.u32 $0x30, s6  }
0x35c: {  	[tilespmem:s19+$0x0] =	vst.add.f32.msk $0xffff, v6  }
0x35d: {  	s18 =	sor.u32 $0x30, s1;
	v6 =	vld [tilespmem:s25+$0x3E40]  }
0x35e: {  	s20 =	sor.u32 $0x40, s4;
	[tilespmem:s18+$0x0] =	vst.add.f32.msk $0xffff, v5  }
0x35f: {  	[tilespmem:s20+$0x0] =	vst.add.f32.msk $0xffff, v4  }
0x360: {  	v5 =	vld [tilespmem:s5+$0xE40]  }
0x361: {  	v4 =	vld [tilespmem:s30+$0x250]  }
0x362: {  	s23 =	sor.u32 $0x40, s6  }
0x363: {  	[tilespmem:s23+$0x0] =	vst.add.f32.msk $0xffff, v6  }
0x364: {  	s22 =	sor.u32 $0x40, s1;
	v6 =	vld [tilespmem:s25+$0x3E50]  }
0x365: {  	s24 =	sor.u32 $0x50, s4;
	[tilespmem:s22+$0x0] =	vst.add.f32.msk $0xffff, v5  }
0x366: {  	[tilespmem:s24+$0x0] =	vst.add.f32.msk $0xffff, v4  }
0x367: {  	v5 =	vld [tilespmem:s5+$0xE50]  }
0x368: {  	v4 =	vld [tilespmem:s30+$0x260]  }
0x369: {  	s3 =	sor.u32 $0x70, s3  }
0x36a: {  	[tilespmem:s3+$0x0] =	vst.add.f32.msk $0xffff, v3;
	s28 =	sor.u32 $0x50, s6  }
0x36b: {  	s26 =	sor.u32 $0x50, s1;
	[tilespmem:s28+$0x0] =	vst.add.f32.msk $0xffff, v6  }
0x36c: {  	s31 =	sor.u32 $0x60, s4;
	[tilespmem:s26+$0x0] =	vst.add.f32.msk $0xffff, v5  }
0x36d: {  	[tilespmem:s31+$0x0] =	vst.add.f32.msk $0xffff, v4  }
0x36e: {  	s3 =	sor.u32 $0x60, s6;
	s29 =	sor.u32 s2, s7;
	s9 =	sor.u32 $0x70, s4;
	v4 =	vld [tilespmem:s25+$0x3E60]  }
0x36f: {  	s6 =	sor.u32 $0x70, s6;
	s8 =	simm.s32 $0x2;
	s20 =	sor.u32 $0x4400, s29;
	v3 =	vld [tilespmem:s5+$0xE60]  }
.LBB2_5:
0x370: {  	_ =	sdelay $0x2  }
0x371: {  	s10 =	sor.u32 $0x60, s1;
	v5 =	vld [tilespmem:s30+$0x270]  }
0x372: {  	s4 =	sadd.s32 $0x13, s8;
	[tilespmem:s10+$0x0] =	vst.add.f32.msk $0xffff, v3  }
0x373: {  	s4 =	sshrl.u32 s4, $0x3;
	[tilespmem:s3+$0x0] =	vst.add.f32.msk $0xffff, v4  }
0x374: {  	s7 =	sadd.s32 $0x100, s7;
	s4 =	smul.u32 $0x6000, s4;
	v3 =	vld [tilespmem:s5+$0xE70]  }
0x375: {  	s14 =	sadd.s32 $0x880, s7;
	v4 =	vld [tilespmem:s25+$0x3E70]  }
0x376: {  	s15 =	sand.u32 $0x380, s14;
	s4 =	sshra.s32 s4, $0x2  }
0x377: {  	s3 =	sor.u32 s15, s4;
	[tilespmem:s9+$0x0] =	vst.add.f32.msk $0xffff, v5  }
0x378: {  	s8 =	sadd.s32 $0x2, s8;
	s16 =	sor.u32 $0x70, s1;
	v5 =	vld [tilespmem:s3+$0x200]  }
0x379: {  	s17 =	sshrl.u32 s8, $0x3;
	[tilespmem:s16+$0x0] =	vst.add.f32.msk $0xffff, v3  }
0x37a: {  	s14 =	smul.u32 $0x1800, s17;
	s9 =	sand.u32 $0x300, s7;
	[tilespmem:s6+$0x0] =	vst.add.f32.msk $0xffff, v4  }
0x37b: {  	s11 =	sor.u32 $0x80, s9;
	v6 =	vld [tilespmem:s5+$0x1200]  }
0x37c: {  	s10 =	sor.u32 s11, s14;
	v3 =	vld [tilespmem:s25+$0x4200]  }
0x37d: {  	s12 =	sor.u32 s9, s14;
	[tilespmem:s10+$0xF200] =	vst.add.f32.msk $0xffff, v5  }
0x37e: {  	v7 =	vld [tilespmem:s12+$0x3210]  }
0x37f: {  	s19 =	sadd.s32 $0x10200, s2;
	v8 =	vld [tilespmem:s12+$0x3220]  }
0x380: {  	s4 =	sadd.s32 s21, s19;
	v4 =	vld [tilespmem:s3+$0x210]  }
0x381: {  	[tilespmem:s4+$0x0] =	vst.add.f32.msk $0xffff, v6  }
0x382: {  	v5 =	vld [tilespmem:s5+$0x1210]  }
0x383: {  	v9 =	vld [tilespmem:s12+$0x3230]  }
0x384: {  	v10 =	vld [tilespmem:s12+$0x3240]  }
0x385: {  	[tilespmem:s10+$0xF210] =	vst.add.f32.msk $0xffff, v4  }
0x386: {  	s24 =	sor.u32 $0x10, s4;
	v4 =	vld [tilespmem:s3+$0x220]  }
0x387: {  	[tilespmem:s24+$0x0] =	vst.add.f32.msk $0xffff, v5  }
0x388: {  	v5 =	vld [tilespmem:s5+$0x1220]  }
0x389: {  	v11 =	vld [tilespmem:s12+$0x3250]  }
0x38a: {  	v12 =	vld [tilespmem:s12+$0x3260]  }
0x38b: {  	[tilespmem:s10+$0xF220] =	vst.add.f32.msk $0xffff, v4  }
0x38c: {  	s26 =	sor.u32 $0x20, s4;
	v4 =	vld [tilespmem:s3+$0x230]  }
0x38d: {  	[tilespmem:s26+$0x0] =	vst.add.f32.msk $0xffff, v5  }
0x38e: {  	v5 =	vld [tilespmem:s5+$0x1230]  }
0x38f: {  	v13 =	vld [tilespmem:s12+$0x3270]  }
0x390: {  	v14 =	vld [tilespmem:s12+$0x3600]  }
0x391: {  	[tilespmem:s10+$0xF230] =	vst.add.f32.msk $0xffff, v4  }
0x392: {  	s28 =	sor.u32 $0x30, s4;
	v4 =	vld [tilespmem:s3+$0x240]  }
0x393: {  	[tilespmem:s28+$0x0] =	vst.add.f32.msk $0xffff, v5  }
0x394: {  	v5 =	vld [tilespmem:s5+$0x1240]  }
0x395: {  	v15 =	vld [tilespmem:s12+$0x3610]  }
0x396: {  	v16 =	vld [tilespmem:s12+$0x3620]  }
0x397: {  	[tilespmem:s10+$0xF240] =	vst.add.f32.msk $0xffff, v4  }
0x398: {  	s31 =	sor.u32 $0x40, s4;
	v4 =	vld [tilespmem:s3+$0x250]  }
0x399: {  	[tilespmem:s31+$0x0] =	vst.add.f32.msk $0xffff, v5  }
0x39a: {  	v5 =	vld [tilespmem:s5+$0x1250]  }
0x39b: {  	v17 =	vld [tilespmem:s12+$0x3630]  }
0x39c: {  	v18 =	vld [tilespmem:s12+$0x3640]  }
0x39d: {  	[tilespmem:s10+$0xF250] =	vst.add.f32.msk $0xffff, v4  }
0x39e: {  	s16 =	sor.u32 $0x50, s4;
	v4 =	vld [tilespmem:s3+$0x260]  }
0x39f: {  	[tilespmem:s16+$0x0] =	vst.add.f32.msk $0xffff, v5  }
0x3a0: {  	v5 =	vld [tilespmem:s5+$0x1260]  }
0x3a1: {  	v19 =	vld [tilespmem:s12+$0x3650]  }
0x3a2: {  	v20 =	vld [tilespmem:s12+$0x3660]  }
0x3a3: {  	s18 =	sor.u32 s14, s7;
	[tilespmem:s10+$0xF260] =	vst.add.f32.msk $0xffff, v4  }
0x3a4: {  	s30 =	smov.u32 s20;
	s20 =	sor.u32 $0x4400, s18;
	s18 =	sor.u32 $0x60, s4;
	v4 =	vld [tilespmem:s3+$0x270]  }
0x3a5: {  	[tilespmem:s18+$0x0] =	vst.add.f32.msk $0xffff, v5  }
0x3a6: {  	v5 =	vld [tilespmem:s5+$0x1270]  }
0x3a7: {  	v21 =	vld [tilespmem:s12+$0x3670]  }
0x3a8: {  	v22 =	vld [tilespmem:s12+$0x3A00]  }
0x3a9: {  	[tilespmem:s10+$0xF270] =	vst.add.f32.msk $0xffff, v4  }
0x3aa: {  	s4 =	sor.u32 $0x70, s4;
	v4 =	vld [tilespmem:s3+$0x600]  }
0x3ab: {  	[tilespmem:s4+$0x0] =	vst.add.f32.msk $0xffff, v5  }
0x3ac: {  	v5 =	vld [tilespmem:s5+$0x1600]  }
0x3ad: {  	v6 =	vld [tilespmem:s12+$0x3200]  }
0x3ae: {  	[tilespmem:s12+$0xF210] =	vst.add.f32.msk $0xffff, v7  }
0x3af: {  	s1 =	sadd.s32 s0, s19;
	s19 =	sadd.s32 $0x10600, s2;
	[tilespmem:s10+$0xF600] =	vst.add.f32.msk $0xffff, v4  }
0x3b0: {  	s4 =	sadd.s32 s21, s19;
	v4 =	vld [tilespmem:s3+$0x610]  }
0x3b1: {  	[tilespmem:s4+$0x0] =	vst.add.f32.msk $0xffff, v5  }
0x3b2: {  	v5 =	vld [tilespmem:s5+$0x1610]  }
0x3b3: {  	[tilespmem:s12+$0xF220] =	vst.add.f32.msk $0xffff, v8  }
0x3b4: {  	[tilespmem:s12+$0xF230] =	vst.add.f32.msk $0xffff, v9  }
0x3b5: {  	[tilespmem:s10+$0xF610] =	vst.add.f32.msk $0xffff, v4  }
0x3b6: {  	s28 =	sor.u32 $0x10, s4;
	v4 =	vld [tilespmem:s3+$0x620]  }
0x3b7: {  	[tilespmem:s28+$0x0] =	vst.add.f32.msk $0xffff, v5  }
0x3b8: {  	v5 =	vld [tilespmem:s5+$0x1620]  }
0x3b9: {  	[tilespmem:s12+$0xF240] =	vst.add.f32.msk $0xffff, v10  }
0x3ba: {  	[tilespmem:s12+$0xF250] =	vst.add.f32.msk $0xffff, v11  }
0x3bb: {  	[tilespmem:s10+$0xF620] =	vst.add.f32.msk $0xffff, v4  }
0x3bc: {  	s31 =	sor.u32 $0x20, s4;
	v4 =	vld [tilespmem:s3+$0x630]  }
0x3bd: {  	[tilespmem:s31+$0x0] =	vst.add.f32.msk $0xffff, v5  }
0x3be: {  	v5 =	vld [tilespmem:s5+$0x1630]  }
0x3bf: {  	[tilespmem:s12+$0xF260] =	vst.add.f32.msk $0xffff, v12  }
0x3c0: {  	[tilespmem:s12+$0xF270] =	vst.add.f32.msk $0xffff, v13  }
0x3c1: {  	[tilespmem:s10+$0xF630] =	vst.add.f32.msk $0xffff, v4  }
0x3c2: {  	s16 =	sor.u32 $0x30, s4;
	v4 =	vld [tilespmem:s3+$0x640]  }
0x3c3: {  	[tilespmem:s16+$0x0] =	vst.add.f32.msk $0xffff, v5  }
0x3c4: {  	v5 =	vld [tilespmem:s5+$0x1640]  }
0x3c5: {  	[tilespmem:s12+$0xF600] =	vst.add.f32.msk $0xffff, v14  }
0x3c6: {  	[tilespmem:s12+$0xF610] =	vst.add.f32.msk $0xffff, v15  }
0x3c7: {  	[tilespmem:s10+$0xF640] =	vst.add.f32.msk $0xffff, v4  }
0x3c8: {  	s26 =	sadd.s32 s0, s19;
	s19 =	sor.u32 $0x40, s4;
	v4 =	vld [tilespmem:s3+$0x650]  }
0x3c9: {  	[tilespmem:s19+$0x0] =	vst.add.f32.msk $0xffff, v5  }
0x3ca: {  	v5 =	vld [tilespmem:s5+$0x1650]  }
0x3cb: {  	[tilespmem:s12+$0xF620] =	vst.add.f32.msk $0xffff, v16  }
0x3cc: {  	[tilespmem:s12+$0xF630] =	vst.add.f32.msk $0xffff, v17  }
0x3cd: {  	[tilespmem:s10+$0xF650] =	vst.add.f32.msk $0xffff, v4  }
0x3ce: {  	s28 =	sor.u32 $0x50, s4;
	v4 =	vld [tilespmem:s3+$0x660]  }
0x3cf: {  	[tilespmem:s28+$0x0] =	vst.add.f32.msk $0xffff, v5  }
0x3d0: {  	v5 =	vld [tilespmem:s5+$0x1660]  }
0x3d1: {  	[tilespmem:s12+$0xF640] =	vst.add.f32.msk $0xffff, v18  }
0x3d2: {  	[tilespmem:s12+$0xF650] =	vst.add.f32.msk $0xffff, v19  }
0x3d3: {  	[tilespmem:s10+$0xF660] =	vst.add.f32.msk $0xffff, v4  }
0x3d4: {  	s31 =	sor.u32 $0x60, s4;
	v4 =	vld [tilespmem:s3+$0x670]  }
0x3d5: {  	[tilespmem:s31+$0x0] =	vst.add.f32.msk $0xffff, v5  }
0x3d6: {  	v5 =	vld [tilespmem:s5+$0x1670]  }
0x3d7: {  	[tilespmem:s12+$0xF660] =	vst.add.f32.msk $0xffff, v20  }
0x3d8: {  	[tilespmem:s12+$0xF670] =	vst.add.f32.msk $0xffff, v21  }
0x3d9: {  	[tilespmem:s12+$0xF200] =	vst.add.f32.msk $0xffff, v6  }
0x3da: {  	s16 =	sor.u32 $0x70, s4;
	[tilespmem:s10+$0xF670] =	vst.add.f32.msk $0xffff, v4  }
0x3db: {  	s5 =	smov.u32 s3;
	[tilespmem:s16+$0x0] =	vst.add.f32.msk $0xffff, v5  }
0x3dc: {  	s23 =	sor.u32 $0x10, s1;
	s17 =	sor.u32 $0x20, s1;
	s2 =	smov.u32 s14;
	v4 =	vld [tilespmem:s5+$0xA00]  }
0x3dd: {  	[tilespmem:s1+$0x0] =	vst.add.f32.msk $0xffff, v3;
	s0 =	smov.u32 s9;
	s21 =	sor.u32 $0x60, s26;
	s19 =	sadd.s32 $0xFA00, s2  }
0x3de: {  	v3 =	vld [tilespmem:s25+$0x4210];
	[dreg:$0x9] =	wrdreg s21;
	s21 =	smov.u32 s11;
	s11 =	sadd.s32 s0, s19  }
0x3df: {  	s29 =	sor.u32 $0x30, s1;
	s13 =	sor.u32 $0x50, s1;
	s22 =	sor.u32 $0x70, s1;
	[tilespmem:s11+$0x0] =	vst.add.f32.msk $0xffff, v22  }
0x3e0: {  	s15 =	sor.u32 $0x60, s1;
	s6 =	sor.u32 $0x40, s1;
	s1 =	sadd.s32 s21, s19;
	v5 =	vld [tilespmem:s12+$0x3A10]  }
0x3e1: {  	[tilespmem:s1+$0x0] =	vst.add.f32.msk $0xffff, v4  }
0x3e2: {  	v4 =	vld [tilespmem:s5+$0xA10]  }
0x3e3: {  	[tilespmem:s23+$0x0] =	vst.add.f32.msk $0xffff, v3  }
0x3e4: {  	s19 =	sor.u32 $0x10, s11;
	v3 =	vld [tilespmem:s25+$0x4220]  }
0x3e5: {  	[tilespmem:s19+$0x0] =	vst.add.f32.msk $0xffff, v5  }
0x3e6: {  	s23 =	sor.u32 $0x10, s1;
	v5 =	vld [tilespmem:s12+$0x3A20]  }
0x3e7: {  	[tilespmem:s23+$0x0] =	vst.add.f32.msk $0xffff, v4  }
0x3e8: {  	v4 =	vld [tilespmem:s5+$0xA20]  }
0x3e9: {  	[tilespmem:s17+$0x0] =	vst.add.f32.msk $0xffff, v3  }
0x3ea: {  	s31 =	sor.u32 $0x20, s11;
	v3 =	vld [tilespmem:s25+$0x4230]  }
0x3eb: {  	[tilespmem:s31+$0x0] =	vst.add.f32.msk $0xffff, v5  }
0x3ec: {  	s23 =	sor.u32 $0x20, s1;
	v5 =	vld [tilespmem:s12+$0x3A30]  }
0x3ed: {  	[tilespmem:s23+$0x0] =	vst.add.f32.msk $0xffff, v4  }
0x3ee: {  	v4 =	vld [tilespmem:s5+$0xA30]  }
0x3ef: {  	[tilespmem:s29+$0x0] =	vst.add.f32.msk $0xffff, v3  }
0x3f0: {  	s16 =	sor.u32 $0x30, s11;
	v3 =	vld [tilespmem:s25+$0x4240]  }
0x3f1: {  	[tilespmem:s16+$0x0] =	vst.add.f32.msk $0xffff, v5  }
0x3f2: {  	s17 =	sor.u32 $0x30, s1;
	v5 =	vld [tilespmem:s12+$0x3A40]  }
0x3f3: {  	[tilespmem:s17+$0x0] =	vst.add.f32.msk $0xffff, v4  }
0x3f4: {  	v4 =	vld [tilespmem:s5+$0xA40]  }
0x3f5: {  	[tilespmem:s6+$0x0] =	vst.add.f32.msk $0xffff, v3  }
0x3f6: {  	s28 =	sor.u32 $0x40, s11;
	v3 =	vld [tilespmem:s25+$0x4250]  }
0x3f7: {  	[tilespmem:s28+$0x0] =	vst.add.f32.msk $0xffff, v5  }
0x3f8: {  	s19 =	sor.u32 $0x40, s1;
	v5 =	vld [tilespmem:s12+$0x3A50]  }
0x3f9: {  	[tilespmem:s19+$0x0] =	vst.add.f32.msk $0xffff, v4  }
0x3fa: {  	v4 =	vld [tilespmem:s5+$0xA50]  }
0x3fb: {  	[tilespmem:s13+$0x0] =	vst.add.f32.msk $0xffff, v3  }
0x3fc: {  	s10 =	sor.u32 $0x50, s11;
	v3 =	vld [tilespmem:s25+$0x4260]  }
0x3fd: {  	[tilespmem:s10+$0x0] =	vst.add.f32.msk $0xffff, v5  }
0x3fe: {  	s23 =	sor.u32 $0x50, s1;
	v5 =	vld [tilespmem:s12+$0x3A60]  }
0x3ff: {  	[dreg:$0x8] =	wrdreg s15;
	[tilespmem:s23+$0x0] =	vst.add.f32.msk $0xffff, v4  }
0x400: {  	s28 =	rddreg [dreg:$0x8];
	v4 =	vld [tilespmem:s5+$0xA60]  }
0x401: {  	[tilespmem:s28+$0x0] =	vst.add.f32.msk $0xffff, v3  }
0x402: {  	s4 =	sor.u32 $0x60, s11;
	v3 =	vld [tilespmem:s25+$0x4270]  }
0x403: {  	s25 =	smov.u32 s12;
	[tilespmem:s4+$0x0] =	vst.add.f32.msk $0xffff, v5  }
0x404: {  	s29 =	sor.u32 $0x60, s1;
	v5 =	vld [tilespmem:s25+$0x3A70]  }
0x405: {  	[dreg:$0x6] =	wrdreg s22;
	[tilespmem:s29+$0x0] =	vst.add.f32.msk $0xffff, v4  }
0x406: {  	s31 =	rddreg [dreg:$0x6];
	v4 =	vld [tilespmem:s5+$0xA70]  }
0x407: {  	[tilespmem:s31+$0x0] =	vst.add.f32.msk $0xffff, v3  }
0x408: {  	s3 =	sor.u32 $0x70, s11;
	v3 =	vld [tilespmem:s30+$0x200]  }
0x409: {  	[tilespmem:s3+$0x0] =	vst.add.f32.msk $0xffff, v5  }
0x40a: {  	s1 =	sor.u32 $0x70, s1;
	v5 =	vld [tilespmem:s25+$0x3E00]  }
0x40b: {  	[tilespmem:s1+$0x0] =	vst.add.f32.msk $0xffff, v4  }
0x40c: {  	v4 =	vld [tilespmem:s5+$0xE00]  }
0x40d: {  	s6 =	sadd.s32 $0xFE00, s2;
	[tilespmem:s26+$0x0] =	vst.add.f32.msk $0xffff, v3  }
0x40e: {  	s10 =	sadd.s32 s0, s6;
	v3 =	vld [tilespmem:s30+$0x210]  }
0x40f: {  	[tilespmem:s10+$0x0] =	vst.add.f32.msk $0xffff, v5  }
0x410: {  	s1 =	sadd.s32 s21, s6;
	v5 =	vld [tilespmem:s25+$0x3E10]  }
0x411: {  	[tilespmem:s1+$0x0] =	vst.add.f32.msk $0xffff, v4  }
0x412: {  	s24 =	sor.u32 $0x10, s26;
	v4 =	vld [tilespmem:s5+$0xE10]  }
0x413: {  	[tilespmem:s24+$0x0] =	vst.add.f32.msk $0xffff, v3  }
0x414: {  	s11 =	sor.u32 $0x10, s10;
	v3 =	vld [tilespmem:s30+$0x220]  }
0x415: {  	[tilespmem:s11+$0x0] =	vst.add.f32.msk $0xffff, v5  }
0x416: {  	s23 =	sor.u32 $0x10, s1;
	v5 =	vld [tilespmem:s25+$0x3E20]  }
0x417: {  	[tilespmem:s23+$0x0] =	vst.add.f32.msk $0xffff, v4  }
0x418: {  	s18 =	sor.u32 $0x20, s26;
	v4 =	vld [tilespmem:s5+$0xE20]  }
0x419: {  	[tilespmem:s18+$0x0] =	vst.add.f32.msk $0xffff, v3  }
0x41a: {  	s12 =	sor.u32 $0x20, s10;
	v3 =	vld [tilespmem:s30+$0x230]  }
0x41b: {  	[tilespmem:s12+$0x0] =	vst.add.f32.msk $0xffff, v5  }
0x41c: {  	s24 =	sor.u32 $0x20, s1;
	v5 =	vld [tilespmem:s25+$0x3E30]  }
0x41d: {  	[tilespmem:s24+$0x0] =	vst.add.f32.msk $0xffff, v4  }
0x41e: {  	s22 =	sor.u32 $0x30, s26;
	v4 =	vld [tilespmem:s5+$0xE30]  }
0x41f: {  	[tilespmem:s22+$0x0] =	vst.add.f32.msk $0xffff, v3  }
0x420: {  	s13 =	sor.u32 $0x30, s10;
	v3 =	vld [tilespmem:s30+$0x240]  }
0x421: {  	s15 =	sor.u32 $0x40, s26;
	[tilespmem:s13+$0x0] =	vst.add.f32.msk $0xffff, v5  }
0x422: {  	s14 =	sor.u32 $0x50, s26;
	s9 =	sor.u32 $0x70, s26;
	s26 =	sor.u32 $0x30, s1;
	v5 =	vld [tilespmem:s25+$0x3E40]  }
0x423: {  	[tilespmem:s26+$0x0] =	vst.add.f32.msk $0xffff, v4  }
0x424: {  	v4 =	vld [tilespmem:s5+$0xE40]  }
0x425: {  	[tilespmem:s15+$0x0] =	vst.add.f32.msk $0xffff, v3  }
0x426: {  	s17 =	sor.u32 $0x40, s10;
	v3 =	vld [tilespmem:s30+$0x250]  }
0x427: {  	[tilespmem:s17+$0x0] =	vst.add.f32.msk $0xffff, v5  }
0x428: {  	s28 =	sor.u32 $0x40, s1;
	v5 =	vld [tilespmem:s25+$0x3E50]  }
0x429: {  	[tilespmem:s28+$0x0] =	vst.add.f32.msk $0xffff, v4  }
0x42a: {  	v4 =	vld [tilespmem:s5+$0xE50]  }
0x42b: {  	[tilespmem:s14+$0x0] =	vst.add.f32.msk $0xffff, v3  }
0x42c: {  	v6 =	vld [tilespmem:s30+$0x260]  }
0x42d: {  	p0 =	slt.u32 s8, $0xE;
	s19 =	sor.u32 $0x50, s10  }
.Ltmp1:
0x42e: {  	s29 =	sor.u32 $0x50, s1;
	[tilespmem:s19+$0x0] =	vst.add.f32.msk $0xffff, v5;
	(pc) =	sbr.rel @p0 .LBB2_5-.Ltmp1, $4  }
0x42f: {  	[tilespmem:s29+$0x0] =	vst.add.f32.msk $0xffff, v4  }
0x430: {  	s31 =	rddreg [dreg:$0x9];
	v4 =	vld [tilespmem:s25+$0x3E60]  }
0x431: {  	[tilespmem:s31+$0x0] =	vst.add.f32.msk $0xffff, v6  }
0x432: {  	s3 =	sor.u32 $0x60, s10;
	s6 =	sor.u32 $0x70, s10;
	v3 =	vld [tilespmem:s5+$0xE60]  }
0x433: {  	_ =	sdelay $0x1  }
0x434: {  	[tilespmem:s3+$0x0] =	vst.add.f32.msk $0xffff, v4  }
0x435: {  	s4 =	sor.u32 $0x60, s1;
	v4 =	vld [tilespmem:s25+$0x3E70]  }
0x436: {  	[tilespmem:s4+$0x0] =	vst.add.f32.msk $0xffff, v3  }
0x437: {  	v3 =	vld [tilespmem:s5+$0xE70];
	_ =	sdelay $0x2  }
0x438: {  	[tilespmem:s6+$0x0] =	vst.add.f32.msk $0xffff, v4  }
0x439: {  	s14 =	sor.u32 $0x70, s1;
	v4 =	vld [tilespmem:s25+$0x4200]  }
0x43a: {  	[tilespmem:s14+$0x0] =	vst.add.f32.msk $0xffff, v3  }
0x43b: {  	v3 =	vld [tilespmem:s5+$0x1200]  }
0x43c: {  	s15 =	sadd.s32 $0x10200, s2  }
0x43d: {  	s1 =	sadd.s32 s0, s15  }
0x43e: {  	[tilespmem:s1+$0x0] =	vst.add.f32.msk $0xffff, v4  }
0x43f: {  	s16 =	sadd.s32 s21, s15;
	v4 =	vld [tilespmem:s25+$0x4210]  }
0x440: {  	[tilespmem:s16+$0x0] =	vst.add.f32.msk $0xffff, v3  }
0x441: {  	v3 =	vld [tilespmem:s5+$0x1210];
	_ =	sdelay $0x1  }
0x442: {  	s18 =	sor.u32 $0x10, s1  }
0x443: {  	[tilespmem:s18+$0x0] =	vst.add.f32.msk $0xffff, v4  }
0x444: {  	s17 =	sor.u32 $0x10, s16;
	v4 =	vld [tilespmem:s25+$0x4220]  }
0x445: {  	[tilespmem:s17+$0x0] =	vst.add.f32.msk $0xffff, v3  }
0x446: {  	v3 =	vld [tilespmem:s5+$0x1220];
	_ =	sdelay $0x1  }
0x447: {  	s22 =	sor.u32 $0x20, s1  }
0x448: {  	[tilespmem:s22+$0x0] =	vst.add.f32.msk $0xffff, v4  }
0x449: {  	s19 =	sor.u32 $0x20, s16;
	v4 =	vld [tilespmem:s25+$0x4230]  }
0x44a: {  	[tilespmem:s19+$0x0] =	vst.add.f32.msk $0xffff, v3  }
0x44b: {  	v3 =	vld [tilespmem:s5+$0x1230];
	_ =	sdelay $0x1  }
0x44c: {  	s24 =	sor.u32 $0x30, s1  }
0x44d: {  	[tilespmem:s24+$0x0] =	vst.add.f32.msk $0xffff, v4  }
0x44e: {  	s23 =	sor.u32 $0x30, s16;
	v4 =	vld [tilespmem:s25+$0x4240]  }
0x44f: {  	[tilespmem:s23+$0x0] =	vst.add.f32.msk $0xffff, v3  }
0x450: {  	v3 =	vld [tilespmem:s5+$0x1240];
	_ =	sdelay $0x1  }
0x451: {  	s28 =	sor.u32 $0x40, s1  }
0x452: {  	[tilespmem:s28+$0x0] =	vst.add.f32.msk $0xffff, v4  }
0x453: {  	s26 =	sor.u32 $0x40, s16;
	v4 =	vld [tilespmem:s25+$0x4250]  }
0x454: {  	[tilespmem:s26+$0x0] =	vst.add.f32.msk $0xffff, v3  }
0x455: {  	v3 =	vld [tilespmem:s5+$0x1250];
	_ =	sdelay $0x1  }
0x456: {  	s31 =	sor.u32 $0x50, s1  }
0x457: {  	[tilespmem:s31+$0x0] =	vst.add.f32.msk $0xffff, v4  }
0x458: {  	s29 =	sor.u32 $0x50, s16;
	v4 =	vld [tilespmem:s25+$0x4260]  }
0x459: {  	[tilespmem:s29+$0x0] =	vst.add.f32.msk $0xffff, v3  }
0x45a: {  	v3 =	vld [tilespmem:s5+$0x1260];
	_ =	sdelay $0x1  }
0x45b: {  	s7 =	sor.u32 $0x60, s1  }
0x45c: {  	[tilespmem:s7+$0x0] =	vst.add.f32.msk $0xffff, v4  }
0x45d: {  	s6 =	sor.u32 $0x60, s16;
	v4 =	vld [tilespmem:s25+$0x4270]  }
0x45e: {  	[tilespmem:s6+$0x0] =	vst.add.f32.msk $0xffff, v3  }
0x45f: {  	v3 =	vld [tilespmem:s5+$0x1270];
	_ =	sdelay $0x1  }
0x460: {  	s1 =	sor.u32 $0x70, s1  }
0x461: {  	[tilespmem:s1+$0x0] =	vst.add.f32.msk $0xffff, v4  }
0x462: {  	s3 =	sor.u32 $0x70, s16;
	v4 =	vld [tilespmem:s20+$0x200]  }
0x463: {  	[tilespmem:s3+$0x0] =	vst.add.f32.msk $0xffff, v3  }
0x464: {  	v3 =	vld [tilespmem:s5+$0x1600]  }
0x465: {  	s8 =	sadd.s32 $0x10600, s2  }
0x466: {  	s10 =	sadd.s32 s0, s8  }
0x467: {  	[tilespmem:s10+$0x0] =	vst.add.f32.msk $0xffff, v4  }
0x468: {  	s2 =	sadd.s32 s21, s8;
	v4 =	vld [tilespmem:s20+$0x210]  }
0x469: {  	[tilespmem:s2+$0x0] =	vst.add.f32.msk $0xffff, v3  }
0x46a: {  	v3 =	vld [tilespmem:s5+$0x1610];
	_ =	sdelay $0x1  }
0x46b: {  	s12 =	sor.u32 $0x10, s10  }
0x46c: {  	[tilespmem:s12+$0x0] =	vst.add.f32.msk $0xffff, v4  }
0x46d: {  	s11 =	sor.u32 $0x10, s2;
	v4 =	vld [tilespmem:s20+$0x220]  }
0x46e: {  	[tilespmem:s11+$0x0] =	vst.add.f32.msk $0xffff, v3  }
0x46f: {  	v3 =	vld [tilespmem:s5+$0x1620];
	_ =	sdelay $0x1  }
0x470: {  	s14 =	sor.u32 $0x20, s10  }
0x471: {  	[tilespmem:s14+$0x0] =	vst.add.f32.msk $0xffff, v4  }
0x472: {  	s13 =	sor.u32 $0x20, s2;
	v4 =	vld [tilespmem:s20+$0x230]  }
0x473: {  	[tilespmem:s13+$0x0] =	vst.add.f32.msk $0xffff, v3  }
0x474: {  	v3 =	vld [tilespmem:s5+$0x1630];
	_ =	sdelay $0x1  }
0x475: {  	s16 =	sor.u32 $0x30, s10  }
0x476: {  	[tilespmem:s16+$0x0] =	vst.add.f32.msk $0xffff, v4  }
0x477: {  	s15 =	sor.u32 $0x30, s2;
	v4 =	vld [tilespmem:s20+$0x240]  }
0x478: {  	[tilespmem:s15+$0x0] =	vst.add.f32.msk $0xffff, v3  }
0x479: {  	v3 =	vld [tilespmem:s5+$0x1640];
	_ =	sdelay $0x1  }
0x47a: {  	s18 =	sor.u32 $0x40, s10  }
0x47b: {  	[tilespmem:s18+$0x0] =	vst.add.f32.msk $0xffff, v4  }
0x47c: {  	s17 =	sor.u32 $0x40, s2;
	v4 =	vld [tilespmem:s20+$0x250]  }
0x47d: {  	[tilespmem:s17+$0x0] =	vst.add.f32.msk $0xffff, v3  }
0x47e: {  	v3 =	vld [tilespmem:s5+$0x1650];
	_ =	sdelay $0x1  }
0x47f: {  	v5 =	vld [tilespmem:s30+$0x270];
	s21 =	sor.u32 $0x50, s10  }
0x480: {  	[tilespmem:s21+$0x0] =	vst.add.f32.msk $0xffff, v4  }
0x481: {  	s19 =	sor.u32 $0x50, s2;
	v4 =	vld [tilespmem:s20+$0x260]  }
0x482: {  	[tilespmem:s19+$0x0] =	vst.add.f32.msk $0xffff, v3  }
0x483: {  	v3 =	vld [tilespmem:s5+$0x1660];
	_ =	sdelay $0x1  }
0x484: {  	[tilespmem:s9+$0x0] =	vst.add.f32.msk $0xffff, v5;
	s23 =	sor.u32 $0x60, s10  }
0x485: {  	[tilespmem:s23+$0x0] =	vst.add.f32.msk $0xffff, v4  }
0x486: {  	s22 =	sor.u32 $0x60, s2;
	v4 =	vld [tilespmem:s20+$0x270]  }
0x487: {  	[tilespmem:s22+$0x0] =	vst.add.f32.msk $0xffff, v3  }
0x488: {  	v3 =	vld [tilespmem:s5+$0x1670]  }
0x489: {  	s25 =	rddreg [dreg:$0x13]  }
0x48a: {  	s3 =	rddreg [dreg:$0x1b]  }
0x48b: {  	s0 =	sor.u32 $0x70, s10;
	s24 =	sor.u32 $0x70, s2;
	s2 =	sadd.s32 s25, s3  }
0x48c: {  	s28 =	rddreg [dreg:$0x3];
	s26 =	sshrl.u32 s2, $0x3;
	[tilespmem:s0+$0x0] =	vst.add.f32.msk $0xffff, v4  }
0x48d: {  	s30 =	simm.s32 $0xF200;
	s29 =	simm.s32 $0x0;
	s0 =	sadd.s32 s28, s26;
	[tilespmem:s24+$0x0] =	vst.add.f32.msk $0xffff, v3  }
0x48e: {  	[hbm4b:s0+s29] =	stream.linear.scatter [tilespmem:s30], [sflag:$0x6], $0x3000, $0x38;
	[tilespmem:$0x18200] =	vst v63  }
0x48f: {  	s31 =	simm.s32 $0x5;
	s5 =	rddreg [dreg:$0x1d]  }
0x490: {  	s0 =	sadd.s32 $0x1, s5;
	_ =	swait.ge [sflag:s31], $0x3000;
	p0 =	sgt.u32 s5, $0x2  }
0x491: {  	[sflag:s31] =	ssyncset.done $0x0;
	[dreg:$0x1c] =	wrdreg s0;
	s0 =	sshll.u32 @!p0 s0, $0x7  }
0x492: {  	[sflag:s31] =	ssyncadd.s32 $0xFFFFD000;
	s0 =	sand.u32 @!p0 $0x3FFFFF80, s0  }
0x493: {  	v3 =	vld @!p0 [tilespmem:s0+$0x0];
	_ =	sdelay $0x4  }
0x494: {  	v4 =	vshrl.u32 @!p0 v3, $0x3  }
0x495: {  	v4 =	vmul.u32 @!p0 $0x30, v4  }
0x496: {  	v5 =	vlaneseq.u32 @!p0;
	v3 =	vand.u32 @!p0 $0x7, v3  }
0x497: {  	v6 =	vshrl.u32 @!p0 v5, $0x3;
	v3 =	vor.u32 @!p0 v3, v4;
	v4 =	vand.u32 @!p0 $0x7, v5  }
0x498: {  	v6 =	vmul.u32 @!p0 $0x8, v6;
	v4 =	vperm.xlane @!p0 v3, v4;
	_ =	sdelay $0x1  }
0x499: {  	v4 =	vadd.s32 @!p0 v6, v4;
	_ =	sdelay $0x2  }
0x49a: {  	[dreg:$0x1e] =	wrdreg s0;
	v5 =	vor.u32 @!p0 $0x8, v5  }
0x49b: {  	vm1 =	vmmov @!p0 $0xffff;
	s1 =	simm.s32 @!p0 $0xC200;
	s0 =	simm.s32 @!p0 $0x0;
	s2 =	rddreg [dreg:$0x1];
	v3 =	vperm.xlane @!p0 v3, v5  }
0x49c: {  	[tilespmem:s1], [sflag:$0x1] =	stream.indirect_vreg.gather @!p0 [hbm4b:s2+s0], $0x80, v4, vm1, $0xb8;
	[tilespmem:$0x18200] =	vst v63  }
0x49d: {  	s3 =	rddreg [dreg:$0x10];
	v3 =	vadd.s32 @!p0 v6, v3;
	s1 =	simm.s32 @!p0 $0xCA00  }
0x49e: {  	[tilespmem:s1], [sflag:$0x1] =	stream.indirect_vreg.gather @!p0 [hbm4b:s3+s0], $0x80, v4, vm1, $0xb8;
	[tilespmem:$0x18200] =	vst v63  }
0x49f: {  	s4 =	rddreg [dreg:$0x11];
	s1 =	simm.s32 @!p0 $0xD200  }
0x4a0: {  	[tilespmem:s1], [sflag:$0x1] =	stream.indirect_vreg.gather @!p0 [hbm4b:s4+s0], $0x80, v4, vm1, $0xb8;
	[tilespmem:$0x18200] =	vst v63  }
0x4a1: {  	s1 =	simm.s32 @!p0 $0xDA00  }
0x4a2: {  	[tilespmem:s1], [sflag:$0x1] =	stream.indirect_vreg.gather @!p0 [hbm4b:s2+s0], $0x80, v3, vm1, $0xb8;
	[tilespmem:$0x18200] =	vst v63  }
0x4a3: {  	p1 =	sne.s32 @!p0 s5, $0x0;
	s1 =	simm.s32 @!p0 $0xE200  }
0x4a4: {  	[tilespmem:s1], [sflag:$0x1] =	stream.indirect_vreg.gather @!p0 [hbm4b:s3+s0], $0x80, v3, vm1, $0xb8;
	[tilespmem:$0x18200] =	vst v63  }
0x4a5: {  	p1 =	por p0, !p1;
	s1 =	simm.s32 @!p0 $0xEA00  }
0x4a6: {  	[tilespmem:s1], [sflag:$0x1] =	stream.indirect_vreg.gather @!p0 [hbm4b:s4+s0], $0x80, v3, vm1, $0xb8;
	[tilespmem:$0x18200] =	vst v63  }
.Ltmp2:
0x4a7: {  	_ = 	snop;
	(pc) =	sbr.rel @!p1 .LBB2_8-.Ltmp2, $4  }
0x4a8: {  	s0 =	simm.s32 @!p0 $0x3  }
0x4a9: {  	_ =	swait.ge @!p0 [sflag:s0], $0x3000  }
0x4aa: {  	[sflag:s0] =	ssyncset.done @!p0 $0x0  }
0x4ab: {  	[sflag:s0] =	ssyncadd.s32 @!p0 $0xFFFFD000  }
0x4ac: {  	s0 =	simm.s32 @!p0 $0xB  }
0x4ad: {  	s0 =	simm.s32 @p0 $0x3  }
0x4ae: {  	_ =	swait.ge [sflag:s0], $0x3000  }
0x4af: {  	[sflag:s0] =	ssyncset.done $0x0  }
0x4b0: {  	[sflag:s0] =	ssyncadd.s32 $0xFFFFD000  }
.LBB2_8:
0x4b1: {  	s0 =	simm.s32 $0x4  }
0x4b2: {  	s0 =	smul.u32 $0x6000, s0  }
0x4b3: {  	s1 =	simm.s32 $0x1080  }
0x4b4: {  	s1 =	sand.u32 $0x380, s1;
	s0 =	sshra.s32 s0, $0x2  }
0x4b5: {  	s9 =	sor.u32 s1, s0  }
0x4b6: {  	s20 =	simm.s32 $0x0;
	v3 =	vld [tilespmem:s9+$0x200]  }
0x4b7: {  	s21 =	simm.s32 $0x0;
	s6 =	smul.u32 $0x1800, s20  }
0x4b8: {  	s8 =	sand.u32 $0x300, s21  }
0x4b9: {  	s12 =	sor.u32 $0x80, s8;
	s0 =	sadd.s32 $0x12200, s6  }
0x4ba: {  	s22 =	sadd.s32 s12, s0  }
0x4bb: {  	[tilespmem:s22+$0x0] =	vst.add.f32.msk $0xffff, v3  }
0x4bc: {  	v3 =	vld [tilespmem:s9+$0x210];
	_ =	sdelay $0x3  }
0x4bd: {  	s2 =	sor.u32 $0x10, s22  }
0x4be: {  	[tilespmem:s2+$0x0] =	vst.add.f32.msk $0xffff, v3  }
0x4bf: {  	v3 =	vld [tilespmem:s9+$0x220]  }
0x4c0: {  	s19 =	sor.u32 s8, s6  }
0x4c1: {  	v4 =	vld [tilespmem:s19+$0x6200];
	_ =	sdelay $0x1  }
0x4c2: {  	s23 =	sor.u32 $0x20, s22  }
0x4c3: {  	[tilespmem:s23+$0x0] =	vst.add.f32.msk $0xffff, v3  }
0x4c4: {  	s0 =	sadd.s32 s8, s0;
	v3 =	vld [tilespmem:s9+$0x230]  }
0x4c5: {  	[tilespmem:s0+$0x0] =	vst.add.f32.msk $0xffff, v4  }
0x4c6: {  	v4 =	vld [tilespmem:s19+$0x6210];
	_ =	sdelay $0x1  }
0x4c7: {  	s24 =	sor.u32 $0x30, s22  }
0x4c8: {  	[tilespmem:s24+$0x0] =	vst.add.f32.msk $0xffff, v3  }
0x4c9: {  	s25 =	sor.u32 $0x10, s0;
	v3 =	vld [tilespmem:s9+$0x240]  }
0x4ca: {  	[tilespmem:s25+$0x0] =	vst.add.f32.msk $0xffff, v4  }
0x4cb: {  	v4 =	vld [tilespmem:s19+$0x6220];
	_ =	sdelay $0x1  }
0x4cc: {  	s26 =	sor.u32 $0x40, s22  }
0x4cd: {  	[tilespmem:s26+$0x0] =	vst.add.f32.msk $0xffff, v3  }
0x4ce: {  	s28 =	sor.u32 $0x20, s0;
	v3 =	vld [tilespmem:s9+$0x250]  }
0x4cf: {  	[tilespmem:s28+$0x0] =	vst.add.f32.msk $0xffff, v4  }
0x4d0: {  	v4 =	vld [tilespmem:s19+$0x6230];
	_ =	sdelay $0x1  }
0x4d1: {  	s29 =	sor.u32 $0x50, s22  }
0x4d2: {  	[tilespmem:s29+$0x0] =	vst.add.f32.msk $0xffff, v3  }
0x4d3: {  	s3 =	sor.u32 $0x30, s0;
	v3 =	vld [tilespmem:s9+$0x260]  }
0x4d4: {  	[tilespmem:s3+$0x0] =	vst.add.f32.msk $0xffff, v4  }
0x4d5: {  	v4 =	vld [tilespmem:s19+$0x6240];
	_ =	sdelay $0x1  }
0x4d6: {  	s4 =	sor.u32 $0x60, s22  }
0x4d7: {  	[tilespmem:s4+$0x0] =	vst.add.f32.msk $0xffff, v3  }
0x4d8: {  	s5 =	sor.u32 $0x40, s0;
	v3 =	vld [tilespmem:s9+$0x270]  }
0x4d9: {  	[tilespmem:s5+$0x0] =	vst.add.f32.msk $0xffff, v4  }
0x4da: {  	v4 =	vld [tilespmem:s19+$0x6250];
	_ =	sdelay $0x1  }
0x4db: {  	s7 =	sor.u32 $0x70, s22  }
0x4dc: {  	[tilespmem:s7+$0x0] =	vst.add.f32.msk $0xffff, v3  }
0x4dd: {  	s10 =	sor.u32 $0x50, s0;
	v3 =	vld [tilespmem:s9+$0x600]  }
0x4de: {  	[tilespmem:s10+$0x0] =	vst.add.f32.msk $0xffff, v4  }
0x4df: {  	v4 =	vld [tilespmem:s19+$0x6260];
	_ =	sdelay $0x2  }
0x4e0: {  	[tilespmem:s22+$0x400] =	vst.add.f32.msk $0xffff, v3  }
0x4e1: {  	s11 =	sor.u32 $0x60, s0;
	v3 =	vld [tilespmem:s9+$0x610]  }
0x4e2: {  	[tilespmem:s11+$0x0] =	vst.add.f32.msk $0xffff, v4  }
0x4e3: {  	v4 =	vld [tilespmem:s19+$0x6270];
	_ =	sdelay $0x2  }
0x4e4: {  	[tilespmem:s22+$0x410] =	vst.add.f32.msk $0xffff, v3  }
0x4e5: {  	s13 =	sor.u32 $0x70, s0;
	v3 =	vld [tilespmem:s9+$0x620]  }
0x4e6: {  	[tilespmem:s13+$0x0] =	vst.add.f32.msk $0xffff, v4  }
0x4e7: {  	v4 =	vld [tilespmem:s19+$0x6600];
	_ =	sdelay $0x2  }
0x4e8: {  	[tilespmem:s22+$0x420] =	vst.add.f32.msk $0xffff, v3  }
0x4e9: {  	v3 =	vld [tilespmem:s9+$0x630]  }
0x4ea: {  	[tilespmem:s0+$0x400] =	vst.add.f32.msk $0xffff, v4  }
0x4eb: {  	v4 =	vld [tilespmem:s19+$0x6610];
	_ =	sdelay $0x2  }
0x4ec: {  	[tilespmem:s22+$0x430] =	vst.add.f32.msk $0xffff, v3  }
0x4ed: {  	v3 =	vld [tilespmem:s9+$0x640]  }
0x4ee: {  	[tilespmem:s0+$0x410] =	vst.add.f32.msk $0xffff, v4  }
0x4ef: {  	v4 =	vld [tilespmem:s19+$0x6620];
	_ =	sdelay $0x2  }
0x4f0: {  	[tilespmem:s22+$0x440] =	vst.add.f32.msk $0xffff, v3  }
0x4f1: {  	v3 =	vld [tilespmem:s9+$0x650]  }
0x4f2: {  	[tilespmem:s0+$0x420] =	vst.add.f32.msk $0xffff, v4  }
0x4f3: {  	v4 =	vld [tilespmem:s19+$0x6630];
	_ =	sdelay $0x2  }
0x4f4: {  	[tilespmem:s22+$0x450] =	vst.add.f32.msk $0xffff, v3  }
0x4f5: {  	v3 =	vld [tilespmem:s9+$0x660]  }
0x4f6: {  	[tilespmem:s0+$0x430] =	vst.add.f32.msk $0xffff, v4  }
0x4f7: {  	v4 =	vld [tilespmem:s19+$0x6640];
	_ =	sdelay $0x2  }
0x4f8: {  	[tilespmem:s22+$0x460] =	vst.add.f32.msk $0xffff, v3  }
0x4f9: {  	v3 =	vld [tilespmem:s9+$0x670]  }
0x4fa: {  	[tilespmem:s0+$0x440] =	vst.add.f32.msk $0xffff, v4  }
0x4fb: {  	v4 =	vld [tilespmem:s19+$0x6650];
	_ =	sdelay $0x2  }
0x4fc: {  	[tilespmem:s22+$0x470] =	vst.add.f32.msk $0xffff, v3  }
0x4fd: {  	v3 =	vld [tilespmem:s9+$0xA00]  }
0x4fe: {  	[tilespmem:s0+$0x450] =	vst.add.f32.msk $0xffff, v4  }
0x4ff: {  	v4 =	vld [tilespmem:s19+$0x6660]  }
0x500: {  	s14 =	sadd.s32 $0x12A00, s6  }
0x501: {  	s15 =	sadd.s32 s12, s14  }
0x502: {  	[tilespmem:s15+$0x0] =	vst.add.f32.msk $0xffff, v3  }
0x503: {  	v3 =	vld [tilespmem:s9+$0xA10]  }
0x504: {  	[tilespmem:s0+$0x460] =	vst.add.f32.msk $0xffff, v4  }
0x505: {  	v4 =	vld [tilespmem:s19+$0x6670];
	_ =	sdelay $0x1  }
0x506: {  	s3 =	sor.u32 $0x10, s15  }
0x507: {  	[tilespmem:s3+$0x0] =	vst.add.f32.msk $0xffff, v3  }
0x508: {  	v3 =	vld [tilespmem:s9+$0xA20]  }
0x509: {  	[tilespmem:s0+$0x470] =	vst.add.f32.msk $0xffff, v4  }
0x50a: {  	v4 =	vld [tilespmem:s19+$0x6A00];
	_ =	sdelay $0x1  }
0x50b: {  	s16 =	sor.u32 $0x20, s15  }
0x50c: {  	[tilespmem:s16+$0x0] =	vst.add.f32.msk $0xffff, v3  }
0x50d: {  	s17 =	sadd.s32 s8, s14;
	v3 =	vld [tilespmem:s9+$0xA30]  }
0x50e: {  	[tilespmem:s17+$0x0] =	vst.add.f32.msk $0xffff, v4  }
0x50f: {  	v4 =	vld [tilespmem:s19+$0x6A10];
	_ =	sdelay $0x1  }
0x510: {  	s18 =	sor.u32 $0x30, s15  }
0x511: {  	[tilespmem:s18+$0x0] =	vst.add.f32.msk $0xffff, v3  }
0x512: {  	s20 =	sor.u32 $0x10, s17;
	v3 =	vld [tilespmem:s9+$0xA40]  }
0x513: {  	[tilespmem:s20+$0x0] =	vst.add.f32.msk $0xffff, v4  }
0x514: {  	v4 =	vld [tilespmem:s19+$0x6A20];
	_ =	sdelay $0x1  }
0x515: {  	s21 =	sor.u32 $0x40, s15  }
0x516: {  	[tilespmem:s21+$0x0] =	vst.add.f32.msk $0xffff, v3  }
0x517: {  	s22 =	sor.u32 $0x20, s17;
	v3 =	vld [tilespmem:s9+$0xA50]  }
0x518: {  	[tilespmem:s22+$0x0] =	vst.add.f32.msk $0xffff, v4  }
0x519: {  	v4 =	vld [tilespmem:s19+$0x6A30];
	_ =	sdelay $0x1  }
0x51a: {  	s23 =	sor.u32 $0x50, s15  }
0x51b: {  	[tilespmem:s23+$0x0] =	vst.add.f32.msk $0xffff, v3  }
0x51c: {  	s24 =	sor.u32 $0x30, s17;
	v3 =	vld [tilespmem:s9+$0xA60]  }
0x51d: {  	[tilespmem:s24+$0x0] =	vst.add.f32.msk $0xffff, v4  }
0x51e: {  	v4 =	vld [tilespmem:s19+$0x6A40];
	_ =	sdelay $0x1  }
0x51f: {  	s25 =	sor.u32 $0x60, s15  }
0x520: {  	[tilespmem:s25+$0x0] =	vst.add.f32.msk $0xffff, v3  }
0x521: {  	s26 =	sor.u32 $0x40, s17;
	v3 =	vld [tilespmem:s9+$0xA70]  }
0x522: {  	[tilespmem:s26+$0x0] =	vst.add.f32.msk $0xffff, v4  }
0x523: {  	v4 =	vld [tilespmem:s19+$0x6A50];
	_ =	sdelay $0x1  }
0x524: {  	s28 =	sor.u32 $0x70, s15  }
0x525: {  	[tilespmem:s28+$0x0] =	vst.add.f32.msk $0xffff, v3  }
0x526: {  	s29 =	sor.u32 $0x50, s17;
	v3 =	vld [tilespmem:s9+$0xE00]  }
0x527: {  	[tilespmem:s29+$0x0] =	vst.add.f32.msk $0xffff, v4  }
0x528: {  	v4 =	vld [tilespmem:s19+$0x6A60]  }
0x529: {  	s2 =	sadd.s32 $0x12E00, s6  }
0x52a: {  	s4 =	sadd.s32 s12, s2  }
0x52b: {  	[tilespmem:s4+$0x0] =	vst.add.f32.msk $0xffff, v3  }
0x52c: {  	s5 =	sor.u32 $0x60, s17;
	v3 =	vld [tilespmem:s9+$0xE10]  }
0x52d: {  	[tilespmem:s5+$0x0] =	vst.add.f32.msk $0xffff, v4  }
0x52e: {  	v4 =	vld [tilespmem:s19+$0x6A70];
	_ =	sdelay $0x1  }
0x52f: {  	s7 =	sor.u32 $0x10, s4  }
0x530: {  	[tilespmem:s7+$0x0] =	vst.add.f32.msk $0xffff, v3  }
0x531: {  	s0 =	sor.u32 $0x70, s17;
	v3 =	vld [tilespmem:s9+$0xE20]  }
0x532: {  	[tilespmem:s0+$0x0] =	vst.add.f32.msk $0xffff, v4  }
0x533: {  	v4 =	vld [tilespmem:s19+$0x6E00];
	_ =	sdelay $0x1  }
0x534: {  	s10 =	sor.u32 $0x20, s4  }
0x535: {  	[tilespmem:s10+$0x0] =	vst.add.f32.msk $0xffff, v3  }
0x536: {  	s3 =	sadd.s32 s8, s2;
	v3 =	vld [tilespmem:s9+$0xE30]  }
0x537: {  	[tilespmem:s3+$0x0] =	vst.add.f32.msk $0xffff, v4  }
0x538: {  	v4 =	vld [tilespmem:s19+$0x6E10];
	_ =	sdelay $0x1  }
0x539: {  	s11 =	sor.u32 $0x30, s4  }
0x53a: {  	[tilespmem:s11+$0x0] =	vst.add.f32.msk $0xffff, v3  }
0x53b: {  	s13 =	sor.u32 $0x10, s3;
	v3 =	vld [tilespmem:s9+$0xE40]  }
0x53c: {  	[tilespmem:s13+$0x0] =	vst.add.f32.msk $0xffff, v4  }
0x53d: {  	v4 =	vld [tilespmem:s19+$0x6E20];
	_ =	sdelay $0x1  }
0x53e: {  	s14 =	sor.u32 $0x40, s4  }
0x53f: {  	s21 =	simm.s32 $0x4;
	[tilespmem:s14+$0x0] =	vst.add.f32.msk $0xffff, v3  }
0x540: {  	s15 =	sor.u32 $0x20, s3;
	s0 =	smul.u32 $0x6000, s21;
	v3 =	vld [tilespmem:s9+$0xE50]  }
0x541: {  	s23 =	simm.s32 $0x1180;
	[tilespmem:s15+$0x0] =	vst.add.f32.msk $0xffff, v4  }
0x542: {  	s24 =	sand.u32 $0x380, s23;
	s0 =	sshra.s32 s0, $0x2;
	v4 =	vld [tilespmem:s19+$0x6E30]  }
0x543: {  	s30 =	sor.u32 s24, s0  }
0x544: {  	s16 =	sor.u32 $0x50, s4;
	s25 =	simm.s32 $0x0;
	v5 =	vld [tilespmem:s30+$0x200]  }
0x545: {  	s2 =	smul.u32 $0x1800, s25;
	s7 =	simm.s32 $0x100;
	[tilespmem:s16+$0x0] =	vst.add.f32.msk $0xffff, v3  }
0x546: {  	s17 =	sor.u32 $0x30, s3;
	s22 =	sor.u32 $0x70, s4;
	s0 =	sand.u32 $0x300, s7;
	v3 =	vld [tilespmem:s9+$0xE60]  }
0x547: {  	s18 =	sor.u32 $0x60, s4;
	s4 =	sadd.s32 $0x12200, s2;
	s21 =	sor.u32 $0x80, s0;
	[tilespmem:s17+$0x0] =	vst.add.f32.msk $0xffff, v4  }
0x548: {  	s10 =	sadd.s32 s21, s4;
	v4 =	vld [tilespmem:s19+$0x6E40]  }
0x549: {  	[tilespmem:s10+$0x0] =	vst.add.f32.msk $0xffff, v5  }
0x54a: {  	v5 =	vld [tilespmem:s30+$0x210]  }
0x54b: {  	[tilespmem:s18+$0x0] =	vst.add.f32.msk $0xffff, v3  }
0x54c: {  	s20 =	sor.u32 $0x40, s3;
	v3 =	vld [tilespmem:s9+$0xE70]  }
0x54d: {  	[tilespmem:s20+$0x0] =	vst.add.f32.msk $0xffff, v4  }
0x54e: {  	s29 =	sor.u32 $0x10, s10;
	v4 =	vld [tilespmem:s19+$0x6E50]  }
0x54f: {  	[tilespmem:s29+$0x0] =	vst.add.f32.msk $0xffff, v5  }
0x550: {  	v5 =	vld [tilespmem:s30+$0x220]  }
0x551: {  	[tilespmem:s22+$0x0] =	vst.add.f32.msk $0xffff, v3  }
0x552: {  	s26 =	sor.u32 $0x50, s3;
	v3 =	vld [tilespmem:s9+$0x1200]  }
0x553: {  	s31 =	sor.u32 s0, s2;
	[tilespmem:s26+$0x0] =	vst.add.f32.msk $0xffff, v4  }
0x554: {  	s15 =	sor.u32 $0x20, s10;
	v4 =	vld [tilespmem:s31+$0x6200]  }
0x555: {  	s5 =	sadd.s32 $0x13200, s6;
	[tilespmem:s15+$0x0] =	vst.add.f32.msk $0xffff, v5  }
0x556: {  	s1 =	sadd.s32 s12, s5;
	v5 =	vld [tilespmem:s30+$0x230]  }
0x557: {  	[tilespmem:s1+$0x0] =	vst.add.f32.msk $0xffff, v3  }
0x558: {  	s11 =	sadd.s32 s0, s4;
	v3 =	vld [tilespmem:s9+$0x1210]  }
0x559: {  	[tilespmem:s11+$0x0] =	vst.add.f32.msk $0xffff, v4  }
0x55a: {  	v4 =	vld [tilespmem:s31+$0x6210];
	s18 =	sor.u32 $0x30, s10  }
0x55b: {  	[tilespmem:s18+$0x0] =	vst.add.f32.msk $0xffff, v5  }
0x55c: {  	s28 =	sor.u32 $0x10, s1;
	v5 =	vld [tilespmem:s30+$0x240]  }
0x55d: {  	[tilespmem:s28+$0x0] =	vst.add.f32.msk $0xffff, v3  }
0x55e: {  	s13 =	sor.u32 $0x10, s11;
	v3 =	vld [tilespmem:s9+$0x1220]  }
0x55f: {  	[tilespmem:s13+$0x0] =	vst.add.f32.msk $0xffff, v4  }
0x560: {  	s23 =	sor.u32 $0x40, s10;
	v4 =	vld [tilespmem:s31+$0x6220]  }
0x561: {  	[tilespmem:s23+$0x0] =	vst.add.f32.msk $0xffff, v5  }
0x562: {  	s14 =	sor.u32 $0x20, s1;
	v5 =	vld [tilespmem:s30+$0x250]  }
0x563: {  	[tilespmem:s14+$0x0] =	vst.add.f32.msk $0xffff, v3  }
0x564: {  	s16 =	sor.u32 $0x20, s11;
	v3 =	vld [tilespmem:s9+$0x1230]  }
0x565: {  	[tilespmem:s16+$0x0] =	vst.add.f32.msk $0xffff, v4  }
0x566: {  	s26 =	sor.u32 $0x50, s10;
	v4 =	vld [tilespmem:s31+$0x6230]  }
0x567: {  	[tilespmem:s26+$0x0] =	vst.add.f32.msk $0xffff, v5  }
0x568: {  	s17 =	sor.u32 $0x30, s1;
	v5 =	vld [tilespmem:s30+$0x260]  }
0x569: {  	[tilespmem:s17+$0x0] =	vst.add.f32.msk $0xffff, v3  }
0x56a: {  	s20 =	sor.u32 $0x30, s11;
	v3 =	vld [tilespmem:s9+$0x1240]  }
0x56b: {  	[tilespmem:s20+$0x0] =	vst.add.f32.msk $0xffff, v4  }
0x56c: {  	s13 =	sor.u32 $0x60, s10;
	v4 =	vld [tilespmem:s31+$0x6240]  }
0x56d: {  	[tilespmem:s13+$0x0] =	vst.add.f32.msk $0xffff, v5  }
0x56e: {  	s22 =	sor.u32 $0x40, s1;
	v5 =	vld [tilespmem:s30+$0x270]  }
0x56f: {  	[tilespmem:s22+$0x0] =	vst.add.f32.msk $0xffff, v3  }
0x570: {  	s24 =	sor.u32 $0x40, s11;
	v3 =	vld [tilespmem:s9+$0x1250]  }
0x571: {  	[tilespmem:s24+$0x0] =	vst.add.f32.msk $0xffff, v4  }
0x572: {  	s15 =	sor.u32 $0x70, s10;
	v4 =	vld [tilespmem:s31+$0x6250]  }
0x573: {  	[tilespmem:s15+$0x0] =	vst.add.f32.msk $0xffff, v5  }
0x574: {  	s25 =	sor.u32 $0x50, s1;
	v5 =	vld [tilespmem:s30+$0x600]  }
0x575: {  	[tilespmem:s25+$0x0] =	vst.add.f32.msk $0xffff, v3  }
0x576: {  	s28 =	sor.u32 $0x50, s11;
	v3 =	vld [tilespmem:s9+$0x1260]  }
0x577: {  	[tilespmem:s28+$0x0] =	vst.add.f32.msk $0xffff, v4  }
0x578: {  	v4 =	vld [tilespmem:s31+$0x6260]  }
0x579: {  	[tilespmem:s10+$0x400] =	vst.add.f32.msk $0xffff, v5  }
0x57a: {  	s29 =	sor.u32 $0x60, s1;
	v5 =	vld [tilespmem:s30+$0x610]  }
0x57b: {  	[tilespmem:s29+$0x0] =	vst.add.f32.msk $0xffff, v3  }
0x57c: {  	s14 =	sor.u32 $0x60, s11;
	v3 =	vld [tilespmem:s9+$0x1270]  }
0x57d: {  	[tilespmem:s14+$0x0] =	vst.add.f32.msk $0xffff, v4  }
0x57e: {  	v4 =	vld [tilespmem:s31+$0x6270]  }
0x57f: {  	[tilespmem:s10+$0x410] =	vst.add.f32.msk $0xffff, v5  }
0x580: {  	s1 =	sor.u32 $0x70, s1;
	v5 =	vld [tilespmem:s30+$0x620]  }
0x581: {  	[tilespmem:s1+$0x0] =	vst.add.f32.msk $0xffff, v3  }
0x582: {  	s16 =	sor.u32 $0x70, s11;
	v3 =	vld [tilespmem:s9+$0x1600]  }
0x583: {  	[tilespmem:s16+$0x0] =	vst.add.f32.msk $0xffff, v4  }
0x584: {  	v4 =	vld [tilespmem:s31+$0x6600]  }
0x585: {  	s6 =	sadd.s32 $0x13600, s6;
	[tilespmem:s10+$0x420] =	vst.add.f32.msk $0xffff, v5  }
0x586: {  	v5 =	vld [tilespmem:s30+$0x630];
	s1 =	sadd.s32 s12, s6  }
0x587: {  	[tilespmem:s1+$0x0] =	vst.add.f32.msk $0xffff, v3  }
0x588: {  	v3 =	vld [tilespmem:s9+$0x1610];
	_ =	sdelay $0x1  }
0x589: {  	[tilespmem:s11+$0x400] =	vst.add.f32.msk $0xffff, v4  }
0x58a: {  	v4 =	vld [tilespmem:s31+$0x6610]  }
0x58b: {  	[tilespmem:s10+$0x430] =	vst.add.f32.msk $0xffff, v5;
	s17 =	sor.u32 $0x10, s1  }
0x58c: {  	[tilespmem:s17+$0x0] =	vst.add.f32.msk $0xffff, v3  }
0x58d: {  	v3 =	vld [tilespmem:s9+$0x1620]  }
0x58e: {  	v5 =	vld [tilespmem:s30+$0x640]  }
0x58f: {  	[tilespmem:s11+$0x410] =	vst.add.f32.msk $0xffff, v4  }
0x590: {  	v4 =	vld [tilespmem:s31+$0x6620]  }
0x591: {  	v6 =	vld [tilespmem:s19+$0x6E60];
	s18 =	sor.u32 $0x20, s1  }
0x592: {  	[tilespmem:s18+$0x0] =	vst.add.f32.msk $0xffff, v3  }
0x593: {  	v3 =	vld [tilespmem:s9+$0x1630]  }
0x594: {  	[tilespmem:s10+$0x440] =	vst.add.f32.msk $0xffff, v5  }
0x595: {  	[tilespmem:s11+$0x420] =	vst.add.f32.msk $0xffff, v4  }
0x596: {  	v4 =	vld [tilespmem:s31+$0x6630]  }
0x597: {  	s20 =	sor.u32 $0x30, s1;
	v5 =	vld [tilespmem:s30+$0x650]  }
0x598: {  	[tilespmem:s20+$0x0] =	vst.add.f32.msk $0xffff, v3  }
0x599: {  	s23 =	sor.u32 $0x60, s3;
	v3 =	vld [tilespmem:s9+$0x1640]  }
0x59a: {  	[tilespmem:s23+$0x0] =	vst.add.f32.msk $0xffff, v6  }
0x59b: {  	[tilespmem:s11+$0x430] =	vst.add.f32.msk $0xffff, v4  }
0x59c: {  	v4 =	vld [tilespmem:s31+$0x6640]  }
0x59d: {  	s22 =	sor.u32 $0x40, s1;
	[tilespmem:s10+$0x450] =	vst.add.f32.msk $0xffff, v5  }
0x59e: {  	[tilespmem:s22+$0x0] =	vst.add.f32.msk $0xffff, v3  }
0x59f: {  	v3 =	vld [tilespmem:s9+$0x1650]  }
0x5a0: {  	v6 =	vld [tilespmem:s30+$0x660]  }
0x5a1: {  	[tilespmem:s11+$0x440] =	vst.add.f32.msk $0xffff, v4  }
0x5a2: {  	v4 =	vld [tilespmem:s19+$0x6E70]  }
0x5a3: {  	s24 =	sor.u32 $0x50, s1  }
0x5a4: {  	[tilespmem:s24+$0x0] =	vst.add.f32.msk $0xffff, v3  }
0x5a5: {  	v3 =	vld [tilespmem:s31+$0x6650]  }
0x5a6: {  	s3 =	sor.u32 $0x70, s3;
	[tilespmem:s10+$0x460] =	vst.add.f32.msk $0xffff, v6  }
0x5a7: {  	[tilespmem:s3+$0x0] =	vst.add.f32.msk $0xffff, v4  }
0x5a8: {  	v4 =	vld [tilespmem:s30+$0x670]  }
0x5a9: {  	v5 =	vld [tilespmem:s9+$0x1660]  }
0x5aa: {  	[tilespmem:s11+$0x450] =	vst.add.f32.msk $0xffff, v3  }
0x5ab: {  	v3 =	vld [tilespmem:s31+$0x6660];
	_ =	sdelay $0x1  }
0x5ac: {  	[tilespmem:s10+$0x470] =	vst.add.f32.msk $0xffff, v4  }
0x5ad: {  	s25 =	sor.u32 $0x60, s1;
	v4 =	vld [tilespmem:s30+$0xA00]  }
0x5ae: {  	[tilespmem:s25+$0x0] =	vst.add.f32.msk $0xffff, v5  }
0x5af: {  	[tilespmem:s11+$0x460] =	vst.add.f32.msk $0xffff, v3  }
0x5b0: {  	v5 =	vld [tilespmem:s31+$0x6670]  }
0x5b1: {  	s26 =	sadd.s32 $0x12A00, s2  }
0x5b2: {  	s3 =	sadd.s32 s8, s5;
	s5 =	sadd.s32 s21, s26;
	v6 =	vld [tilespmem:s19+$0x7200]  }
0x5b3: {  	[tilespmem:s5+$0x0] =	vst.add.f32.msk $0xffff, v4  }
0x5b4: {  	v4 =	vld [tilespmem:s30+$0xA10]  }
0x5b5: {  	[tilespmem:s11+$0x470] =	vst.add.f32.msk $0xffff, v5  }
0x5b6: {  	v5 =	vld [tilespmem:s31+$0x6A00]  }
0x5b7: {  	[tilespmem:s3+$0x0] =	vst.add.f32.msk $0xffff, v6  }
0x5b8: {  	s29 =	sor.u32 $0x10, s5;
	v6 =	vld [tilespmem:s19+$0x7210]  }
0x5b9: {  	[tilespmem:s29+$0x0] =	vst.add.f32.msk $0xffff, v4  }
0x5ba: {  	s4 =	sadd.s32 s0, s26;
	v4 =	vld [tilespmem:s30+$0xA20]  }
0x5bb: {  	[tilespmem:s4+$0x0] =	vst.add.f32.msk $0xffff, v5  }
0x5bc: {  	s28 =	sor.u32 $0x10, s3;
	v5 =	vld [tilespmem:s31+$0x6A10]  }
0x5bd: {  	[tilespmem:s28+$0x0] =	vst.add.f32.msk $0xffff, v6  }
0x5be: {  	s12 =	sor.u32 $0x20, s5;
	v6 =	vld [tilespmem:s19+$0x7220]  }
0x5bf: {  	[tilespmem:s12+$0x0] =	vst.add.f32.msk $0xffff, v4  }
0x5c0: {  	s10 =	sor.u32 $0x10, s4;
	v4 =	vld [tilespmem:s30+$0xA30]  }
0x5c1: {  	[tilespmem:s10+$0x0] =	vst.add.f32.msk $0xffff, v5  }
0x5c2: {  	s11 =	sor.u32 $0x20, s3;
	v5 =	vld [tilespmem:s31+$0x6A20]  }
0x5c3: {  	[tilespmem:s11+$0x0] =	vst.add.f32.msk $0xffff, v6  }
0x5c4: {  	v6 =	vld [tilespmem:s19+$0x7230]  }
0x5c5: {  	s15 =	sor.u32 $0x30, s5;
	v3 =	vld [tilespmem:s9+$0x1670]  }
0x5c6: {  	s13 =	sor.u32 $0x20, s4;
	[tilespmem:s15+$0x0] =	vst.add.f32.msk $0xffff, v4  }
0x5c7: {  	[tilespmem:s13+$0x0] =	vst.add.f32.msk $0xffff, v5  }
0x5c8: {  	s14 =	sor.u32 $0x30, s3;
	v5 =	vld [tilespmem:s31+$0x6A30]  }
0x5c9: {  	[tilespmem:s14+$0x0] =	vst.add.f32.msk $0xffff, v6  }
0x5ca: {  	v6 =	vld [tilespmem:s19+$0x7240]  }
0x5cb: {  	s1 =	sor.u32 $0x70, s1;
	v4 =	vld [tilespmem:s30+$0xA40]  }
0x5cc: {  	s16 =	sor.u32 $0x30, s4;
	[tilespmem:s1+$0x0] =	vst.add.f32.msk $0xffff, v3  }
0x5cd: {  	[tilespmem:s16+$0x0] =	vst.add.f32.msk $0xffff, v5  }
0x5ce: {  	s17 =	sor.u32 $0x40, s3;
	v5 =	vld [tilespmem:s31+$0x6A40]  }
0x5cf: {  	[tilespmem:s17+$0x0] =	vst.add.f32.msk $0xffff, v6  }
0x5d0: {  	s18 =	sor.u32 $0x40, s5;
	v6 =	vld [tilespmem:s19+$0x7250]  }
0x5d1: {  	[tilespmem:s18+$0x0] =	vst.add.f32.msk $0xffff, v4  }
0x5d2: {  	s20 =	sor.u32 $0x40, s4;
	v4 =	vld [tilespmem:s30+$0xA50]  }
0x5d3: {  	[tilespmem:s20+$0x0] =	vst.add.f32.msk $0xffff, v5  }
0x5d4: {  	s22 =	sor.u32 $0x50, s3;
	v5 =	vld [tilespmem:s31+$0x6A50]  }
0x5d5: {  	[tilespmem:s22+$0x0] =	vst.add.f32.msk $0xffff, v6  }
0x5d6: {  	s23 =	sor.u32 $0x50, s5;
	v6 =	vld [tilespmem:s19+$0x7260]  }
0x5d7: {  	[tilespmem:s23+$0x0] =	vst.add.f32.msk $0xffff, v4  }
0x5d8: {  	s24 =	sor.u32 $0x50, s4;
	v4 =	vld [tilespmem:s30+$0xA60]  }
0x5d9: {  	[tilespmem:s24+$0x0] =	vst.add.f32.msk $0xffff, v5  }
0x5da: {  	s25 =	sor.u32 $0x60, s3;
	v5 =	vld [tilespmem:s31+$0x6A60]  }
0x5db: {  	[tilespmem:s25+$0x0] =	vst.add.f32.msk $0xffff, v6  }
0x5dc: {  	s26 =	sor.u32 $0x60, s5;
	v6 =	vld [tilespmem:s19+$0x7270]  }
0x5dd: {  	[tilespmem:s26+$0x0] =	vst.add.f32.msk $0xffff, v4  }
0x5de: {  	s28 =	sor.u32 $0x60, s4;
	v4 =	vld [tilespmem:s30+$0xA70]  }
0x5df: {  	[tilespmem:s28+$0x0] =	vst.add.f32.msk $0xffff, v5  }
0x5e0: {  	s3 =	sor.u32 $0x70, s3;
	v5 =	vld [tilespmem:s31+$0x6A70]  }
0x5e1: {  	[tilespmem:s3+$0x0] =	vst.add.f32.msk $0xffff, v6  }
0x5e2: {  	s29 =	sor.u32 $0x70, s5;
	v6 =	vld [tilespmem:s19+$0x7600]  }
0x5e3: {  	[tilespmem:s29+$0x0] =	vst.add.f32.msk $0xffff, v4  }
0x5e4: {  	s5 =	sor.u32 $0x70, s4;
	v4 =	vld [tilespmem:s30+$0xE00]  }
0x5e5: {  	[tilespmem:s5+$0x0] =	vst.add.f32.msk $0xffff, v5  }
0x5e6: {  	s6 =	sadd.s32 s8, s6;
	v5 =	vld [tilespmem:s31+$0x6E00]  }
0x5e7: {  	s9 =	sadd.s32 $0x12E00, s2;
	[tilespmem:s6+$0x0] =	vst.add.f32.msk $0xffff, v6  }
0x5e8: {  	v6 =	vld [tilespmem:s19+$0x7610];
	s5 =	sadd.s32 s21, s9  }
0x5e9: {  	[tilespmem:s5+$0x0] =	vst.add.f32.msk $0xffff, v4  }
0x5ea: {  	s10 =	sadd.s32 s0, s9;
	v4 =	vld [tilespmem:s30+$0xE10]  }
0x5eb: {  	[tilespmem:s10+$0x0] =	vst.add.f32.msk $0xffff, v5  }
0x5ec: {  	s11 =	sor.u32 $0x10, s6;
	v5 =	vld [tilespmem:s31+$0x6E10]  }
0x5ed: {  	[tilespmem:s11+$0x0] =	vst.add.f32.msk $0xffff, v6  }
0x5ee: {  	v6 =	vld [tilespmem:s19+$0x7620];
	s12 =	sor.u32 $0x10, s5  }
0x5ef: {  	[tilespmem:s12+$0x0] =	vst.add.f32.msk $0xffff, v4  }
0x5f0: {  	s13 =	sor.u32 $0x10, s10;
	v4 =	vld [tilespmem:s30+$0xE20]  }
0x5f1: {  	[tilespmem:s13+$0x0] =	vst.add.f32.msk $0xffff, v5  }
0x5f2: {  	s14 =	sor.u32 $0x20, s6;
	v5 =	vld [tilespmem:s31+$0x6E20]  }
0x5f3: {  	[tilespmem:s14+$0x0] =	vst.add.f32.msk $0xffff, v6  }
0x5f4: {  	s15 =	sor.u32 $0x20, s5;
	v6 =	vld [tilespmem:s19+$0x7630]  }
0x5f5: {  	[tilespmem:s15+$0x0] =	vst.add.f32.msk $0xffff, v4  }
0x5f6: {  	s16 =	sor.u32 $0x20, s10;
	v4 =	vld [tilespmem:s30+$0xE30]  }
0x5f7: {  	[tilespmem:s16+$0x0] =	vst.add.f32.msk $0xffff, v5  }
0x5f8: {  	s17 =	sor.u32 $0x30, s6;
	v5 =	vld [tilespmem:s31+$0x6E30]  }
0x5f9: {  	[tilespmem:s17+$0x0] =	vst.add.f32.msk $0xffff, v6  }
0x5fa: {  	s18 =	sor.u32 $0x30, s5;
	v6 =	vld [tilespmem:s19+$0x7640]  }
0x5fb: {  	[tilespmem:s18+$0x0] =	vst.add.f32.msk $0xffff, v4  }
0x5fc: {  	s20 =	sor.u32 $0x30, s10;
	v4 =	vld [tilespmem:s30+$0xE40]  }
0x5fd: {  	[tilespmem:s20+$0x0] =	vst.add.f32.msk $0xffff, v5  }
0x5fe: {  	s22 =	sor.u32 $0x40, s6;
	v5 =	vld [tilespmem:s31+$0x6E40]  }
0x5ff: {  	[tilespmem:s22+$0x0] =	vst.add.f32.msk $0xffff, v6  }
0x600: {  	s23 =	sor.u32 $0x40, s5;
	v6 =	vld [tilespmem:s19+$0x7650]  }
0x601: {  	[tilespmem:s23+$0x0] =	vst.add.f32.msk $0xffff, v4  }
0x602: {  	s24 =	sor.u32 $0x40, s10;
	v4 =	vld [tilespmem:s30+$0xE50]  }
0x603: {  	[tilespmem:s24+$0x0] =	vst.add.f32.msk $0xffff, v5  }
0x604: {  	s25 =	sor.u32 $0x50, s6;
	v5 =	vld [tilespmem:s31+$0x6E50]  }
0x605: {  	[tilespmem:s25+$0x0] =	vst.add.f32.msk $0xffff, v6  }
0x606: {  	s26 =	sor.u32 $0x50, s5;
	v6 =	vld [tilespmem:s19+$0x7660]  }
0x607: {  	[tilespmem:s26+$0x0] =	vst.add.f32.msk $0xffff, v4  }
0x608: {  	s28 =	sor.u32 $0x50, s10;
	v3 =	vld [tilespmem:s30+$0xE60]  }
0x609: {  	[tilespmem:s28+$0x0] =	vst.add.f32.msk $0xffff, v5  }
0x60a: {  	s8 =	simm.s32 $0x2;
	s29 =	sor.u32 $0x60, s6;
	v4 =	vld [tilespmem:s31+$0x6E60]  }
0x60b: {  	s4 =	sor.u32 $0x60, s10;
	s1 =	sor.u32 $0x70, s10;
	s9 =	sor.u32 $0x70, s6;
	[tilespmem:s29+$0x0] =	vst.add.f32.msk $0xffff, v6  }
.LBB2_9:
0x60c: {  	s3 =	sadd.s32 $0x23, s8;
	s6 =	sor.u32 $0x60, s5;
	v5 =	vld [tilespmem:s19+$0x7670];
	s19 =	smov.u32 s31  }
0x60d: {  	s3 =	sshrl.u32 s3, $0x3;
	[tilespmem:s6+$0x0] =	vst.add.f32.msk $0xffff, v3  }
0x60e: {  	s7 =	sadd.s32 $0x100, s7;
	s3 =	smul.u32 $0x6000, s3;
	v3 =	vld [tilespmem:s30+$0xE70]  }
0x60f: {  	s6 =	sadd.s32 $0x1080, s7;
	[tilespmem:s4+$0x0] =	vst.add.f32.msk $0xffff, v4  }
0x610: {  	s4 =	sand.u32 $0x380, s6;
	s3 =	sshra.s32 s3, $0x2;
	v4 =	vld [tilespmem:s19+$0x6E70]  }
0x611: {  	s8 =	sadd.s32 $0x2, s8;
	s23 =	sor.u32 s4, s3;
	[tilespmem:s9+$0x0] =	vst.add.f32.msk $0xffff, v5  }
0x612: {  	p2 =	slt.u32 s8, $0xE;
	s3 =	sshrl.u32 s8, $0x3;
	s4 =	sor.u32 $0x70, s5;
	v5 =	vld [tilespmem:s23+$0x200]  }
0x613: {  	s5 =	smul.u32 $0x1800, s3;
	[tilespmem:s4+$0x0] =	vst.add.f32.msk $0xffff, v3  }
0x614: {  	s3 =	sand.u32 $0x300, s7;
	v3 =	vld [tilespmem:s30+$0x1200]  }
0x615: {  	s10 =	sor.u32 $0x80, s3;
	s31 =	sor.u32 s3, s5;
	s4 =	sadd.s32 $0x12200, s5;
	[tilespmem:s1+$0x0] =	vst.add.f32.msk $0xffff, v4  }
0x616: {  	s24 =	sadd.s32 s3, s4;
	s1 =	sadd.s32 s10, s4;
	v4 =	vld [tilespmem:s31+$0x6200]  }
0x617: {  	s6 =	sadd.s32 $0x13200, s2;
	s18 =	sor.u32 $0x10, s24;
	s20 =	sor.u32 $0x20, s24;
	[tilespmem:s1+$0x0] =	vst.add.f32.msk $0xffff, v5  }
0x618: {  	s11 =	sadd.s32 s21, s6;
	s22 =	sor.u32 $0x30, s24;
	s15 =	sor.u32 $0x40, s24;
	v5 =	vld [tilespmem:s23+$0x210]  }
0x619: {  	s14 =	sor.u32 $0x50, s24;
	s4 =	sor.u32 $0x60, s24;
	s9 =	sor.u32 $0x70, s24;
	[tilespmem:s11+$0x0] =	vst.add.f32.msk $0xffff, v3  }
0x61a: {  	s26 =	sadd.s32 s0, s6;
	v3 =	vld [tilespmem:s30+$0x1210]  }
0x61b: {  	s29 =	sor.u32 $0x10, s26;
	s17 =	sor.u32 $0x20, s26;
	s28 =	sor.u32 $0x30, s26;
	[tilespmem:s24+$0x0] =	vst.add.f32.msk $0xffff, v4  }
0x61c: {  	s6 =	sor.u32 $0x40, s26;
	s13 =	sor.u32 $0x50, s26;
	s12 =	sor.u32 $0x10, s1;
	v4 =	vld [tilespmem:s31+$0x6210]  }
0x61d: {  	s16 =	sor.u32 $0x60, s26;
	[tilespmem:s12+$0x0] =	vst.add.f32.msk $0xffff, v5;
	s12 =	sor.u32 $0x70, s26  }
0x61e: {  	s25 =	sor.u32 $0x10, s11;
	v5 =	vld [tilespmem:s23+$0x220]  }
0x61f: {  	[tilespmem:s25+$0x0] =	vst.add.f32.msk $0xffff, v3  }
0x620: {  	v3 =	vld [tilespmem:s30+$0x1220]  }
0x621: {  	[tilespmem:s18+$0x0] =	vst.add.f32.msk $0xffff, v4  }
0x622: {  	s18 =	sor.u32 $0x20, s1;
	v4 =	vld [tilespmem:s31+$0x6220]  }
0x623: {  	[tilespmem:s18+$0x0] =	vst.add.f32.msk $0xffff, v5  }
0x624: {  	s18 =	sor.u32 $0x20, s11;
	v5 =	vld [tilespmem:s23+$0x230]  }
0x625: {  	[tilespmem:s18+$0x0] =	vst.add.f32.msk $0xffff, v3  }
0x626: {  	v3 =	vld [tilespmem:s30+$0x1230]  }
0x627: {  	[tilespmem:s20+$0x0] =	vst.add.f32.msk $0xffff, v4  }
0x628: {  	s18 =	sor.u32 $0x30, s1;
	v4 =	vld [tilespmem:s31+$0x6230]  }
0x629: {  	[tilespmem:s18+$0x0] =	vst.add.f32.msk $0xffff, v5  }
0x62a: {  	s18 =	sor.u32 $0x30, s11;
	v5 =	vld [tilespmem:s23+$0x240]  }
0x62b: {  	[tilespmem:s18+$0x0] =	vst.add.f32.msk $0xffff, v3  }
0x62c: {  	v3 =	vld [tilespmem:s30+$0x1240]  }
0x62d: {  	[tilespmem:s22+$0x0] =	vst.add.f32.msk $0xffff, v4  }
0x62e: {  	s18 =	sor.u32 $0x40, s1;
	v4 =	vld [tilespmem:s31+$0x6240]  }
0x62f: {  	[tilespmem:s18+$0x0] =	vst.add.f32.msk $0xffff, v5  }
0x630: {  	s18 =	sor.u32 $0x40, s11;
	v5 =	vld [tilespmem:s23+$0x250]  }
0x631: {  	[tilespmem:s18+$0x0] =	vst.add.f32.msk $0xffff, v3  }
0x632: {  	v3 =	vld [tilespmem:s30+$0x1250]  }
0x633: {  	[tilespmem:s15+$0x0] =	vst.add.f32.msk $0xffff, v4  }
0x634: {  	s15 =	sor.u32 $0x50, s1;
	v4 =	vld [tilespmem:s31+$0x6250]  }
0x635: {  	[tilespmem:s15+$0x0] =	vst.add.f32.msk $0xffff, v5  }
0x636: {  	s15 =	sor.u32 $0x50, s11;
	v5 =	vld [tilespmem:s23+$0x260]  }
0x637: {  	[tilespmem:s15+$0x0] =	vst.add.f32.msk $0xffff, v3  }
0x638: {  	v3 =	vld [tilespmem:s30+$0x1260]  }
0x639: {  	[tilespmem:s14+$0x0] =	vst.add.f32.msk $0xffff, v4  }
0x63a: {  	s14 =	sor.u32 $0x60, s1;
	v4 =	vld [tilespmem:s31+$0x6260]  }
0x63b: {  	[tilespmem:s14+$0x0] =	vst.add.f32.msk $0xffff, v5  }
0x63c: {  	s14 =	sor.u32 $0x60, s11;
	v5 =	vld [tilespmem:s23+$0x270]  }
0x63d: {  	[tilespmem:s14+$0x0] =	vst.add.f32.msk $0xffff, v3  }
0x63e: {  	v3 =	vld [tilespmem:s30+$0x1270]  }
0x63f: {  	[tilespmem:s4+$0x0] =	vst.add.f32.msk $0xffff, v4  }
0x640: {  	s4 =	sor.u32 $0x70, s1;
	v4 =	vld [tilespmem:s31+$0x6270]  }
0x641: {  	[tilespmem:s4+$0x0] =	vst.add.f32.msk $0xffff, v5  }
0x642: {  	s4 =	sor.u32 $0x70, s11;
	v5 =	vld [tilespmem:s23+$0x600]  }
0x643: {  	[tilespmem:s4+$0x0] =	vst.add.f32.msk $0xffff, v3  }
0x644: {  	v3 =	vld [tilespmem:s30+$0x1600]  }
0x645: {  	[tilespmem:s9+$0x0] =	vst.add.f32.msk $0xffff, v4  }
0x646: {  	v4 =	vld [tilespmem:s31+$0x6600]  }
0x647: {  	s4 =	sadd.s32 $0x13600, s2;
	s2 =	smov.u32 s5;
	[tilespmem:s1+$0x400] =	vst.add.f32.msk $0xffff, v5  }
0x648: {  	s5 =	sadd.s32 s0, s4;
	s4 =	sadd.s32 s21, s4;
	s0 =	smov.u32 s3;
	v5 =	vld [tilespmem:s23+$0x610]  }
0x649: {  	s3 =	sor.u32 $0x10, s5;
	s18 =	sor.u32 $0x20, s5;
	s22 =	sor.u32 $0x30, s5;
	[tilespmem:s4+$0x0] =	vst.add.f32.msk $0xffff, v3  }
0x64a: {  	s15 =	sor.u32 $0x40, s5;
	s14 =	sor.u32 $0x50, s5;
	s20 =	sor.u32 $0x60, s5;
	v3 =	vld [tilespmem:s30+$0x1610]  }
0x64b: {  	s21 =	smov.u32 s10;
	s9 =	sor.u32 $0x70, s5;
	[tilespmem:s24+$0x400] =	vst.add.f32.msk $0xffff, v4  }
0x64c: {  	v4 =	vld [tilespmem:s31+$0x6610]  }
0x64d: {  	[tilespmem:s1+$0x410] =	vst.add.f32.msk $0xffff, v5  }
0x64e: {  	s10 =	sor.u32 $0x10, s4;
	v5 =	vld [tilespmem:s23+$0x620]  }
0x64f: {  	[tilespmem:s10+$0x0] =	vst.add.f32.msk $0xffff, v3  }
0x650: {  	v3 =	vld [tilespmem:s30+$0x1620]  }
0x651: {  	[tilespmem:s24+$0x410] =	vst.add.f32.msk $0xffff, v4  }
0x652: {  	v4 =	vld [tilespmem:s31+$0x6620]  }
0x653: {  	[tilespmem:s1+$0x420] =	vst.add.f32.msk $0xffff, v5  }
0x654: {  	s10 =	sor.u32 $0x20, s4;
	v5 =	vld [tilespmem:s23+$0x630]  }
0x655: {  	[tilespmem:s10+$0x0] =	vst.add.f32.msk $0xffff, v3  }
0x656: {  	v3 =	vld [tilespmem:s30+$0x1630]  }
0x657: {  	[tilespmem:s24+$0x420] =	vst.add.f32.msk $0xffff, v4  }
0x658: {  	v4 =	vld [tilespmem:s31+$0x6630]  }
0x659: {  	[tilespmem:s1+$0x430] =	vst.add.f32.msk $0xffff, v5  }
0x65a: {  	s10 =	sor.u32 $0x30, s4;
	v5 =	vld [tilespmem:s23+$0x640]  }
0x65b: {  	[tilespmem:s10+$0x0] =	vst.add.f32.msk $0xffff, v3  }
0x65c: {  	v3 =	vld [tilespmem:s30+$0x1640]  }
0x65d: {  	[tilespmem:s24+$0x430] =	vst.add.f32.msk $0xffff, v4  }
0x65e: {  	v4 =	vld [tilespmem:s31+$0x6640]  }
0x65f: {  	[tilespmem:s1+$0x440] =	vst.add.f32.msk $0xffff, v5  }
0x660: {  	s10 =	sor.u32 $0x40, s4;
	v5 =	vld [tilespmem:s23+$0x650]  }
0x661: {  	[tilespmem:s10+$0x0] =	vst.add.f32.msk $0xffff, v3  }
0x662: {  	v3 =	vld [tilespmem:s30+$0x1650]  }
0x663: {  	[tilespmem:s24+$0x440] =	vst.add.f32.msk $0xffff, v4  }
0x664: {  	v4 =	vld [tilespmem:s31+$0x6650]  }
0x665: {  	[tilespmem:s1+$0x450] =	vst.add.f32.msk $0xffff, v5  }
0x666: {  	s10 =	sor.u32 $0x50, s4;
	v5 =	vld [tilespmem:s23+$0x660]  }
0x667: {  	[tilespmem:s10+$0x0] =	vst.add.f32.msk $0xffff, v3  }
0x668: {  	v3 =	vld [tilespmem:s30+$0x1660]  }
0x669: {  	[tilespmem:s24+$0x450] =	vst.add.f32.msk $0xffff, v4  }
0x66a: {  	v4 =	vld [tilespmem:s31+$0x6660]  }
0x66b: {  	[tilespmem:s1+$0x460] =	vst.add.f32.msk $0xffff, v5  }
0x66c: {  	s10 =	sor.u32 $0x60, s4;
	v5 =	vld [tilespmem:s23+$0x670]  }
0x66d: {  	[tilespmem:s10+$0x0] =	vst.add.f32.msk $0xffff, v3  }
0x66e: {  	v3 =	vld [tilespmem:s30+$0x1670];
	s30 =	smov.u32 s23  }
0x66f: {  	[tilespmem:s24+$0x460] =	vst.add.f32.msk $0xffff, v4  }
0x670: {  	v4 =	vld [tilespmem:s31+$0x6670]  }
0x671: {  	v6 =	vld [tilespmem:s19+$0x7200]  }
0x672: {  	[tilespmem:s1+$0x470] =	vst.add.f32.msk $0xffff, v5;
	s1 =	sor.u32 $0x70, s4  }
0x673: {  	[tilespmem:s1+$0x0] =	vst.add.f32.msk $0xffff, v3  }
0x674: {  	v3 =	vld [tilespmem:s30+$0xA00]  }
0x675: {  	[tilespmem:s24+$0x470] =	vst.add.f32.msk $0xffff, v4  }
0x676: {  	v4 =	vld [tilespmem:s31+$0x6A00]  }
0x677: {  	s1 =	sadd.s32 $0x12A00, s2;
	[tilespmem:s26+$0x0] =	vst.add.f32.msk $0xffff, v6  }
0x678: {  	s4 =	sadd.s32 s0, s1;
	s1 =	sadd.s32 s21, s1;
	v5 =	vld [tilespmem:s19+$0x7210]  }
0x679: {  	s23 =	sor.u32 $0x10, s4;
	s24 =	sor.u32 $0x20, s4;
	s25 =	sor.u32 $0x30, s4;
	[tilespmem:s1+$0x0] =	vst.add.f32.msk $0xffff, v3  }
0x67a: {  	s11 =	sor.u32 $0x50, s4;
	s10 =	sor.u32 $0x60, s4;
	s26 =	sor.u32 $0x40, s4;
	v3 =	vld [tilespmem:s30+$0xA10]  }
0x67b: {  	[tilespmem:s4+$0x0] =	vst.add.f32.msk $0xffff, v4;
	s4 =	sor.u32 $0x70, s4  }
0x67c: {  	v4 =	vld [tilespmem:s31+$0x6A10]  }
0x67d: {  	[tilespmem:s29+$0x0] =	vst.add.f32.msk $0xffff, v5  }
0x67e: {  	s29 =	sor.u32 $0x10, s1;
	v5 =	vld [tilespmem:s19+$0x7220]  }
0x67f: {  	[tilespmem:s29+$0x0] =	vst.add.f32.msk $0xffff, v3  }
0x680: {  	v3 =	vld [tilespmem:s30+$0xA20]  }
0x681: {  	[tilespmem:s23+$0x0] =	vst.add.f32.msk $0xffff, v4  }
0x682: {  	v4 =	vld [tilespmem:s31+$0x6A20]  }
0x683: {  	[tilespmem:s17+$0x0] =	vst.add.f32.msk $0xffff, v5  }
0x684: {  	s17 =	sor.u32 $0x20, s1;
	v5 =	vld [tilespmem:s19+$0x7230]  }
0x685: {  	[tilespmem:s17+$0x0] =	vst.add.f32.msk $0xffff, v3  }
0x686: {  	v3 =	vld [tilespmem:s30+$0xA30]  }
0x687: {  	[tilespmem:s24+$0x0] =	vst.add.f32.msk $0xffff, v4  }
0x688: {  	v4 =	vld [tilespmem:s31+$0x6A30]  }
0x689: {  	[tilespmem:s28+$0x0] =	vst.add.f32.msk $0xffff, v5  }
0x68a: {  	s17 =	sor.u32 $0x30, s1;
	v5 =	vld [tilespmem:s19+$0x7240]  }
0x68b: {  	[tilespmem:s17+$0x0] =	vst.add.f32.msk $0xffff, v3  }
0x68c: {  	v3 =	vld [tilespmem:s30+$0xA40]  }
0x68d: {  	[tilespmem:s25+$0x0] =	vst.add.f32.msk $0xffff, v4  }
0x68e: {  	v4 =	vld [tilespmem:s31+$0x6A40]  }
0x68f: {  	[tilespmem:s6+$0x0] =	vst.add.f32.msk $0xffff, v5  }
0x690: {  	s6 =	sor.u32 $0x40, s1;
	v5 =	vld [tilespmem:s19+$0x7250]  }
0x691: {  	[tilespmem:s6+$0x0] =	vst.add.f32.msk $0xffff, v3  }
0x692: {  	v3 =	vld [tilespmem:s30+$0xA50]  }
0x693: {  	[tilespmem:s26+$0x0] =	vst.add.f32.msk $0xffff, v4  }
0x694: {  	v4 =	vld [tilespmem:s31+$0x6A50]  }
0x695: {  	[tilespmem:s13+$0x0] =	vst.add.f32.msk $0xffff, v5  }
0x696: {  	s6 =	sor.u32 $0x50, s1;
	v5 =	vld [tilespmem:s19+$0x7260]  }
0x697: {  	[tilespmem:s6+$0x0] =	vst.add.f32.msk $0xffff, v3  }
0x698: {  	v3 =	vld [tilespmem:s30+$0xA60]  }
0x699: {  	[tilespmem:s11+$0x0] =	vst.add.f32.msk $0xffff, v4  }
0x69a: {  	v4 =	vld [tilespmem:s31+$0x6A60]  }
0x69b: {  	[tilespmem:s16+$0x0] =	vst.add.f32.msk $0xffff, v5  }
0x69c: {  	s6 =	sor.u32 $0x60, s1;
	v5 =	vld [tilespmem:s19+$0x7270]  }
0x69d: {  	[tilespmem:s6+$0x0] =	vst.add.f32.msk $0xffff, v3  }
0x69e: {  	v3 =	vld [tilespmem:s30+$0xA70]  }
0x69f: {  	[tilespmem:s10+$0x0] =	vst.add.f32.msk $0xffff, v4  }
0x6a0: {  	v4 =	vld [tilespmem:s31+$0x6A70]  }
0x6a1: {  	[tilespmem:s12+$0x0] =	vst.add.f32.msk $0xffff, v5  }
0x6a2: {  	s1 =	sor.u32 $0x70, s1;
	v5 =	vld [tilespmem:s19+$0x7600]  }
0x6a3: {  	[tilespmem:s1+$0x0] =	vst.add.f32.msk $0xffff, v3  }
0x6a4: {  	v3 =	vld [tilespmem:s30+$0xE00]  }
0x6a5: {  	[tilespmem:s4+$0x0] =	vst.add.f32.msk $0xffff, v4  }
0x6a6: {  	v4 =	vld [tilespmem:s31+$0x6E00]  }
0x6a7: {  	s1 =	sadd.s32 $0x12E00, s2;
	[tilespmem:s5+$0x0] =	vst.add.f32.msk $0xffff, v5  }
0x6a8: {  	s10 =	sadd.s32 s0, s1;
	s5 =	sadd.s32 s21, s1;
	v5 =	vld [tilespmem:s19+$0x7610]  }
0x6a9: {  	s11 =	sor.u32 $0x10, s10;
	s12 =	sor.u32 $0x20, s10;
	s13 =	sor.u32 $0x30, s10;
	[tilespmem:s5+$0x0] =	vst.add.f32.msk $0xffff, v3  }
0x6aa: {  	s16 =	sor.u32 $0x40, s10;
	s6 =	sor.u32 $0x50, s10;
	s4 =	sor.u32 $0x60, s10;
	v3 =	vld [tilespmem:s30+$0xE10]  }
0x6ab: {  	s1 =	sor.u32 $0x70, s10;
	[tilespmem:s10+$0x0] =	vst.add.f32.msk $0xffff, v4  }
0x6ac: {  	v4 =	vld [tilespmem:s31+$0x6E10]  }
0x6ad: {  	[tilespmem:s3+$0x0] =	vst.add.f32.msk $0xffff, v5  }
0x6ae: {  	s3 =	sor.u32 $0x10, s5;
	v5 =	vld [tilespmem:s19+$0x7620]  }
0x6af: {  	[tilespmem:s3+$0x0] =	vst.add.f32.msk $0xffff, v3  }
0x6b0: {  	v3 =	vld [tilespmem:s30+$0xE20]  }
0x6b1: {  	[tilespmem:s11+$0x0] =	vst.add.f32.msk $0xffff, v4  }
0x6b2: {  	v4 =	vld [tilespmem:s31+$0x6E20]  }
0x6b3: {  	[tilespmem:s18+$0x0] =	vst.add.f32.msk $0xffff, v5  }
0x6b4: {  	s3 =	sor.u32 $0x20, s5;
	v5 =	vld [tilespmem:s19+$0x7630]  }
0x6b5: {  	[tilespmem:s3+$0x0] =	vst.add.f32.msk $0xffff, v3  }
0x6b6: {  	v3 =	vld [tilespmem:s30+$0xE30]  }
0x6b7: {  	[tilespmem:s12+$0x0] =	vst.add.f32.msk $0xffff, v4  }
0x6b8: {  	v4 =	vld [tilespmem:s31+$0x6E30]  }
0x6b9: {  	[tilespmem:s22+$0x0] =	vst.add.f32.msk $0xffff, v5  }
0x6ba: {  	s3 =	sor.u32 $0x30, s5;
	v5 =	vld [tilespmem:s19+$0x7640]  }
0x6bb: {  	[tilespmem:s3+$0x0] =	vst.add.f32.msk $0xffff, v3  }
0x6bc: {  	v3 =	vld [tilespmem:s30+$0xE40]  }
0x6bd: {  	[tilespmem:s13+$0x0] =	vst.add.f32.msk $0xffff, v4  }
0x6be: {  	v4 =	vld [tilespmem:s31+$0x6E40]  }
0x6bf: {  	[tilespmem:s15+$0x0] =	vst.add.f32.msk $0xffff, v5  }
0x6c0: {  	s3 =	sor.u32 $0x40, s5;
	v5 =	vld [tilespmem:s19+$0x7650]  }
0x6c1: {  	[tilespmem:s3+$0x0] =	vst.add.f32.msk $0xffff, v3  }
0x6c2: {  	v3 =	vld [tilespmem:s30+$0xE50]  }
0x6c3: {  	[tilespmem:s16+$0x0] =	vst.add.f32.msk $0xffff, v4  }
0x6c4: {  	v4 =	vld [tilespmem:s31+$0x6E50]  }
0x6c5: {  	[tilespmem:s14+$0x0] =	vst.add.f32.msk $0xffff, v5  }
0x6c6: {  	s3 =	sor.u32 $0x50, s5;
	v5 =	vld [tilespmem:s19+$0x7660]  }
.Ltmp3:
0x6c7: {  	[tilespmem:s3+$0x0] =	vst.add.f32.msk $0xffff, v3;
	(pc) =	sbr.rel @p2 .LBB2_9-.Ltmp3, $4  }
0x6c8: {  	v3 =	vld [tilespmem:s30+$0xE60]  }
0x6c9: {  	[tilespmem:s6+$0x0] =	vst.add.f32.msk $0xffff, v4  }
0x6ca: {  	v4 =	vld [tilespmem:s31+$0x6E60]  }
0x6cb: {  	[tilespmem:s20+$0x0] =	vst.add.f32.msk $0xffff, v5  }
0x6cc: {  	s3 =	sor.u32 $0x60, s5  }
0x6cd: {  	[tilespmem:s3+$0x0] =	vst.add.f32.msk $0xffff, v3  }
0x6ce: {  	v3 =	vld [tilespmem:s30+$0xE70]  }
0x6cf: {  	[tilespmem:s4+$0x0] =	vst.add.f32.msk $0xffff, v4  }
0x6d0: {  	v4 =	vld [tilespmem:s31+$0x6E70];
	_ =	sdelay $0x1  }
0x6d1: {  	s15 =	sor.u32 $0x70, s5  }
0x6d2: {  	[tilespmem:s15+$0x0] =	vst.add.f32.msk $0xffff, v3  }
0x6d3: {  	v3 =	vld [tilespmem:s30+$0x1200]  }
0x6d4: {  	[tilespmem:s1+$0x0] =	vst.add.f32.msk $0xffff, v4  }
0x6d5: {  	v4 =	vld [tilespmem:s31+$0x7200]  }
0x6d6: {  	s16 =	sadd.s32 $0x13200, s2  }
0x6d7: {  	s17 =	sadd.s32 s21, s16  }
0x6d8: {  	[tilespmem:s17+$0x0] =	vst.add.f32.msk $0xffff, v3  }
0x6d9: {  	s1 =	sadd.s32 s0, s16;
	v3 =	vld [tilespmem:s30+$0x1210]  }
0x6da: {  	[tilespmem:s1+$0x0] =	vst.add.f32.msk $0xffff, v4  }
0x6db: {  	v4 =	vld [tilespmem:s31+$0x7210];
	_ =	sdelay $0x1  }
0x6dc: {  	s18 =	sor.u32 $0x10, s17  }
0x6dd: {  	[tilespmem:s18+$0x0] =	vst.add.f32.msk $0xffff, v3  }
0x6de: {  	s20 =	sor.u32 $0x10, s1;
	v3 =	vld [tilespmem:s30+$0x1220]  }
0x6df: {  	[tilespmem:s20+$0x0] =	vst.add.f32.msk $0xffff, v4  }
0x6e0: {  	v4 =	vld [tilespmem:s31+$0x7220];
	_ =	sdelay $0x1  }
0x6e1: {  	s22 =	sor.u32 $0x20, s17  }
0x6e2: {  	[tilespmem:s22+$0x0] =	vst.add.f32.msk $0xffff, v3  }
0x6e3: {  	s23 =	sor.u32 $0x20, s1;
	v3 =	vld [tilespmem:s30+$0x1230]  }
0x6e4: {  	[tilespmem:s23+$0x0] =	vst.add.f32.msk $0xffff, v4  }
0x6e5: {  	v4 =	vld [tilespmem:s31+$0x7230];
	_ =	sdelay $0x1  }
0x6e6: {  	s24 =	sor.u32 $0x30, s17  }
0x6e7: {  	[tilespmem:s24+$0x0] =	vst.add.f32.msk $0xffff, v3  }
0x6e8: {  	s25 =	sor.u32 $0x30, s1;
	v3 =	vld [tilespmem:s30+$0x1240]  }
0x6e9: {  	[tilespmem:s25+$0x0] =	vst.add.f32.msk $0xffff, v4  }
0x6ea: {  	v4 =	vld [tilespmem:s31+$0x7240];
	_ =	sdelay $0x1  }
0x6eb: {  	s26 =	sor.u32 $0x40, s17  }
0x6ec: {  	[tilespmem:s26+$0x0] =	vst.add.f32.msk $0xffff, v3  }
0x6ed: {  	s28 =	sor.u32 $0x40, s1;
	v3 =	vld [tilespmem:s30+$0x1250]  }
0x6ee: {  	[tilespmem:s28+$0x0] =	vst.add.f32.msk $0xffff, v4  }
0x6ef: {  	v4 =	vld [tilespmem:s31+$0x7250];
	_ =	sdelay $0x1  }
0x6f0: {  	s29 =	sor.u32 $0x50, s17  }
0x6f1: {  	[tilespmem:s29+$0x0] =	vst.add.f32.msk $0xffff, v3  }
0x6f2: {  	s5 =	sor.u32 $0x50, s1;
	v3 =	vld [tilespmem:s30+$0x1260]  }
0x6f3: {  	[tilespmem:s5+$0x0] =	vst.add.f32.msk $0xffff, v4  }
0x6f4: {  	v4 =	vld [tilespmem:s31+$0x7260];
	_ =	sdelay $0x1  }
0x6f5: {  	s6 =	sor.u32 $0x60, s17  }
0x6f6: {  	[tilespmem:s6+$0x0] =	vst.add.f32.msk $0xffff, v3  }
0x6f7: {  	s7 =	sor.u32 $0x60, s1;
	v3 =	vld [tilespmem:s30+$0x1270]  }
0x6f8: {  	[tilespmem:s7+$0x0] =	vst.add.f32.msk $0xffff, v4  }
0x6f9: {  	v4 =	vld [tilespmem:s31+$0x7270];
	_ =	sdelay $0x1  }
0x6fa: {  	s3 =	sor.u32 $0x70, s17  }
0x6fb: {  	[tilespmem:s3+$0x0] =	vst.add.f32.msk $0xffff, v3  }
0x6fc: {  	s1 =	sor.u32 $0x70, s1;
	v3 =	vld [tilespmem:s30+$0x1600]  }
0x6fd: {  	[tilespmem:s1+$0x0] =	vst.add.f32.msk $0xffff, v4  }
0x6fe: {  	v4 =	vld [tilespmem:s31+$0x7600]  }
0x6ff: {  	s8 =	sadd.s32 $0x13600, s2  }
0x700: {  	s2 =	sadd.s32 s21, s8  }
0x701: {  	[tilespmem:s2+$0x0] =	vst.add.f32.msk $0xffff, v3  }
0x702: {  	s10 =	sadd.s32 s0, s8;
	v3 =	vld [tilespmem:s30+$0x1610]  }
0x703: {  	[tilespmem:s10+$0x0] =	vst.add.f32.msk $0xffff, v4  }
0x704: {  	v4 =	vld [tilespmem:s31+$0x7610];
	_ =	sdelay $0x1  }
0x705: {  	s11 =	sor.u32 $0x10, s2  }
0x706: {  	[tilespmem:s11+$0x0] =	vst.add.f32.msk $0xffff, v3  }
0x707: {  	s12 =	sor.u32 $0x10, s10;
	v3 =	vld [tilespmem:s30+$0x1620]  }
0x708: {  	[tilespmem:s12+$0x0] =	vst.add.f32.msk $0xffff, v4  }
0x709: {  	v4 =	vld [tilespmem:s31+$0x7620];
	_ =	sdelay $0x1  }
0x70a: {  	s13 =	sor.u32 $0x20, s2  }
0x70b: {  	[tilespmem:s13+$0x0] =	vst.add.f32.msk $0xffff, v3  }
0x70c: {  	s14 =	sor.u32 $0x20, s10;
	v3 =	vld [tilespmem:s30+$0x1630]  }
0x70d: {  	[tilespmem:s14+$0x0] =	vst.add.f32.msk $0xffff, v4  }
0x70e: {  	v4 =	vld [tilespmem:s31+$0x7630];
	_ =	sdelay $0x1  }
0x70f: {  	s15 =	sor.u32 $0x30, s2  }
0x710: {  	[tilespmem:s15+$0x0] =	vst.add.f32.msk $0xffff, v3  }
0x711: {  	s16 =	sor.u32 $0x30, s10;
	v3 =	vld [tilespmem:s30+$0x1640]  }
0x712: {  	[tilespmem:s16+$0x0] =	vst.add.f32.msk $0xffff, v4  }
0x713: {  	v4 =	vld [tilespmem:s31+$0x7640];
	_ =	sdelay $0x1  }
0x714: {  	s17 =	sor.u32 $0x40, s2  }
0x715: {  	[tilespmem:s17+$0x0] =	vst.add.f32.msk $0xffff, v3  }
0x716: {  	s18 =	sor.u32 $0x40, s10;
	v3 =	vld [tilespmem:s30+$0x1650]  }
0x717: {  	[tilespmem:s18+$0x0] =	vst.add.f32.msk $0xffff, v4  }
0x718: {  	v4 =	vld [tilespmem:s31+$0x7650];
	_ =	sdelay $0x1  }
0x719: {  	v5 =	vld [tilespmem:s19+$0x7670];
	s20 =	sor.u32 $0x50, s2  }
0x71a: {  	[tilespmem:s20+$0x0] =	vst.add.f32.msk $0xffff, v3  }
0x71b: {  	s21 =	sor.u32 $0x50, s10;
	v3 =	vld [tilespmem:s30+$0x1660]  }
0x71c: {  	[tilespmem:s21+$0x0] =	vst.add.f32.msk $0xffff, v4  }
0x71d: {  	v4 =	vld [tilespmem:s31+$0x7660];
	_ =	sdelay $0x1  }
0x71e: {  	[tilespmem:s9+$0x0] =	vst.add.f32.msk $0xffff, v5;
	s22 =	sor.u32 $0x60, s2  }
0x71f: {  	[tilespmem:s22+$0x0] =	vst.add.f32.msk $0xffff, v3  }
0x720: {  	s23 =	sor.u32 $0x60, s10;
	v3 =	vld [tilespmem:s30+$0x1670]  }
0x721: {  	[tilespmem:s23+$0x0] =	vst.add.f32.msk $0xffff, v4  }
0x722: {  	v4 =	vld [tilespmem:s31+$0x7670]  }
0x723: {  	s25 =	rddreg [dreg:$0x14]  }
0x724: {  	s3 =	rddreg [dreg:$0x1b]  }
0x725: {  	s0 =	sor.u32 $0x70, s10;
	s24 =	sor.u32 $0x70, s2;
	s2 =	sadd.s32 s25, s3  }
0x726: {  	s28 =	rddreg [dreg:$0x3];
	s29 =	simm.s32 $0x0;
	s26 =	sshrl.u32 s2, $0x3;
	[tilespmem:s24+$0x0] =	vst.add.f32.msk $0xffff, v3  }
0x727: {  	s30 =	simm.s32 $0x12200;
	s31 =	simm.s32 $0x6;
	[tilespmem:s0+$0x0] =	vst.add.f32.msk $0xffff, v4;
	s0 =	sadd.s32 s28, s26  }
0x728: {  	[hbm4b:s0+s29] =	stream.linear.scatter [tilespmem:s30], [sflag:$0x7], $0x3000, $0x38;
	[tilespmem:$0x18200] =	vst v63  }
0x729: {  	_ =	swait.ge [sflag:s31], $0x3000  }
0x72a: {  	[sflag:s31] =	ssyncset.done $0x0  }
0x72b: {  	s0 =	rddreg [dreg:$0x1e];
	[sflag:s31] =	ssyncadd.s32 $0xFFFFD000  }
0x72c: {  	v3 =	vld @!p0 [tilespmem:s0+$0x10];
	_ =	sdelay $0x4  }
0x72d: {  	v4 =	vshrl.u32 @!p0 v3, $0x3  }
0x72e: {  	v4 =	vmul.u32 @!p0 $0x30, v4  }
0x72f: {  	v5 =	vlaneseq.u32 @!p0;
	v3 =	vand.u32 @!p0 $0x7, v3  }
0x730: {  	v6 =	vshrl.u32 @!p0 v5, $0x3;
	v3 =	vor.u32 @!p0 v3, v4;
	v4 =	vand.u32 @!p0 $0x7, v5  }
0x731: {  	v6 =	vmul.u32 @!p0 $0x8, v6;
	v4 =	vperm.xlane @!p0 v3, v4;
	_ =	sdelay $0x1  }
0x732: {  	v4 =	vadd.s32 @!p0 v6, v4;
	_ =	sdelay $0x2  }
0x733: {  	v5 =	vor.u32 @!p0 $0x8, v5  }
0x734: {  	s1 =	simm.s32 @!p0 $0xF200;
	s0 =	simm.s32 @!p0 $0x0;
	s2 =	rddreg [dreg:$0x1];
	v3 =	vperm.xlane @!p0 v3, v5  }
0x735: {  	[tilespmem:s1], [sflag:$0x2] =	stream.indirect_vreg.gather @!p0 [hbm4b:s2+s0], $0x80, v4, vm1, $0xb8;
	[tilespmem:$0x18200] =	vst v63  }
0x736: {  	s3 =	rddreg [dreg:$0x10];
	v3 =	vadd.s32 @!p0 v6, v3;
	s1 =	simm.s32 @!p0 $0xFA00  }
0x737: {  	[tilespmem:s1], [sflag:$0x2] =	stream.indirect_vreg.gather @!p0 [hbm4b:s3+s0], $0x80, v4, vm1, $0xb8;
	[tilespmem:$0x18200] =	vst v63  }
0x738: {  	s4 =	rddreg [dreg:$0x11];
	s1 =	simm.s32 @!p0 $0x10200  }
0x739: {  	[tilespmem:s1], [sflag:$0x2] =	stream.indirect_vreg.gather @!p0 [hbm4b:s4+s0], $0x80, v4, vm1, $0xb8;
	[tilespmem:$0x18200] =	vst v63  }
0x73a: {  	s1 =	simm.s32 @!p0 $0x10A00  }
0x73b: {  	[tilespmem:s1], [sflag:$0x2] =	stream.indirect_vreg.gather @!p0 [hbm4b:s2+s0], $0x80, v3, vm1, $0xb8;
	[tilespmem:$0x18200] =	vst v63  }
0x73c: {  	s1 =	simm.s32 @!p0 $0x11200  }
0x73d: {  	[tilespmem:s1], [sflag:$0x2] =	stream.indirect_vreg.gather @!p0 [hbm4b:s3+s0], $0x80, v3, vm1, $0xb8;
	[tilespmem:$0x18200] =	vst v63  }
0x73e: {  	s1 =	simm.s32 @!p0 $0x11A00  }
0x73f: {  	[tilespmem:s1], [sflag:$0x2] =	stream.indirect_vreg.gather @!p0 [hbm4b:s4+s0], $0x80, v3, vm1, $0xb8;
	[tilespmem:$0x18200] =	vst v63  }
.Ltmp4:
0x740: {  	_ = 	snop;
	(pc) =	sbr.rel @!p1 .LBB2_12-.Ltmp4, $4  }
0x741: {  	s0 =	simm.s32 @!p0 $0x4  }
0x742: {  	_ =	swait.ge @!p0 [sflag:s0], $0x3000  }
0x743: {  	[sflag:s0] =	ssyncset.done @!p0 $0x0  }
0x744: {  	[sflag:s0] =	ssyncadd.s32 @!p0 $0xFFFFD000  }
0x745: {  	s0 =	simm.s32 @!p0 $0xC  }
0x746: {  	s0 =	simm.s32 @p0 $0x4  }
0x747: {  	_ =	swait.ge [sflag:s0], $0x3000  }
0x748: {  	[sflag:s0] =	ssyncset.done $0x0  }
0x749: {  	[sflag:s0] =	ssyncadd.s32 $0xFFFFD000  }
.LBB2_12:
0x74a: {  	s0 =	simm.s32 $0x6  }
0x74b: {  	s0 =	smul.u32 $0x6000, s0  }
0x74c: {  	s1 =	simm.s32 $0x1880  }
0x74d: {  	s1 =	sand.u32 $0x380, s1;
	s0 =	sshra.s32 s0, $0x2  }
0x74e: {  	s12 =	sor.u32 s1, s0  }
0x74f: {  	v3 =	vld [tilespmem:s12+$0x200]  }
0x750: {  	s9 =	simm.s32 $0x0;
	s24 =	simm.s32 $0x0  }
0x751: {  	s30 =	smul.u32 $0x1800, s24;
	s8 =	sand.u32 $0x300, s9  }
0x752: {  	s6 =	sor.u32 $0x80, s8  }
0x753: {  	s0 =	sor.u32 s6, s30  }
0x754: {  	[tilespmem:s0+$0x15200] =	vst.add.f32.msk $0xffff, v3  }
0x755: {  	v3 =	vld [tilespmem:s12+$0x210];
	_ =	sdelay $0x2  }
0x756: {  	s0 =	sadd.s32 $0x15200, s0  }
0x757: {  	s25 =	sor.u32 $0x10, s0  }
0x758: {  	[tilespmem:s25+$0x0] =	vst.add.f32.msk $0xffff, v3  }
0x759: {  	v3 =	vld [tilespmem:s12+$0x220];
	_ =	sdelay $0x3  }
0x75a: {  	s26 =	sor.u32 $0x20, s0  }
0x75b: {  	[tilespmem:s26+$0x0] =	vst.add.f32.msk $0xffff, v3  }
0x75c: {  	v3 =	vld [tilespmem:s12+$0x230];
	_ =	sdelay $0x3  }
0x75d: {  	s28 =	sor.u32 $0x30, s0  }
0x75e: {  	[tilespmem:s28+$0x0] =	vst.add.f32.msk $0xffff, v3  }
0x75f: {  	v3 =	vld [tilespmem:s12+$0x240];
	_ =	sdelay $0x3  }
0x760: {  	s29 =	sor.u32 $0x40, s0  }
0x761: {  	[tilespmem:s29+$0x0] =	vst.add.f32.msk $0xffff, v3  }
0x762: {  	v3 =	vld [tilespmem:s12+$0x250];
	_ =	sdelay $0x3  }
0x763: {  	s31 =	sor.u32 $0x50, s0  }
0x764: {  	[tilespmem:s31+$0x0] =	vst.add.f32.msk $0xffff, v3  }
0x765: {  	v3 =	vld [tilespmem:s12+$0x260];
	_ =	sdelay $0x3  }
0x766: {  	s2 =	sor.u32 $0x60, s0  }
0x767: {  	[tilespmem:s2+$0x0] =	vst.add.f32.msk $0xffff, v3  }
0x768: {  	v3 =	vld [tilespmem:s12+$0x270];
	_ =	sdelay $0x2  }
0x769: {  	s31 =	sor.u32 s8, s30  }
0x76a: {  	s3 =	sor.u32 $0x70, s0;
	v4 =	vld [tilespmem:s31+$0x9200]  }
0x76b: {  	[tilespmem:s3+$0x0] =	vst.add.f32.msk $0xffff, v3  }
0x76c: {  	v3 =	vld [tilespmem:s12+$0x600]  }
0x76d: {  	v5 =	vld [tilespmem:s31+$0x9210]  }
0x76e: {  	v6 =	vld [tilespmem:s31+$0x9220]  }
0x76f: {  	v7 =	vld [tilespmem:s31+$0x9230]  }
0x770: {  	v8 =	vld [tilespmem:s31+$0x9240]  }
0x771: {  	[tilespmem:s0+$0x400] =	vst.add.f32.msk $0xffff, v3  }
0x772: {  	v3 =	vld [tilespmem:s12+$0x610]  }
0x773: {  	v9 =	vld [tilespmem:s31+$0x9250]  }
0x774: {  	v10 =	vld [tilespmem:s31+$0x9260]  }
0x775: {  	v11 =	vld [tilespmem:s31+$0x9270]  }
0x776: {  	v12 =	vld [tilespmem:s31+$0x9600]  }
0x777: {  	[tilespmem:s0+$0x410] =	vst.add.f32.msk $0xffff, v3  }
0x778: {  	v3 =	vld [tilespmem:s12+$0x620]  }
0x779: {  	v13 =	vld [tilespmem:s31+$0x9610]  }
0x77a: {  	v14 =	vld [tilespmem:s31+$0x9620]  }
0x77b: {  	v15 =	vld [tilespmem:s31+$0x9630]  }
0x77c: {  	v16 =	vld [tilespmem:s31+$0x9640]  }
0x77d: {  	[tilespmem:s0+$0x420] =	vst.add.f32.msk $0xffff, v3  }
0x77e: {  	v3 =	vld [tilespmem:s12+$0x630]  }
0x77f: {  	v17 =	vld [tilespmem:s31+$0x9650]  }
0x780: {  	v18 =	vld [tilespmem:s31+$0x9660]  }
0x781: {  	v19 =	vld [tilespmem:s31+$0x9670]  }
0x782: {  	v20 =	vld [tilespmem:s31+$0x9A00]  }
0x783: {  	[tilespmem:s0+$0x430] =	vst.add.f32.msk $0xffff, v3  }
0x784: {  	v3 =	vld [tilespmem:s12+$0x640]  }
0x785: {  	[tilespmem:s31+$0x15200] =	vst.add.f32.msk $0xffff, v4  }
0x786: {  	[tilespmem:s31+$0x15210] =	vst.add.f32.msk $0xffff, v5  }
0x787: {  	[tilespmem:s31+$0x15220] =	vst.add.f32.msk $0xffff, v6  }
0x788: {  	[tilespmem:s31+$0x15230] =	vst.add.f32.msk $0xffff, v7  }
0x789: {  	[tilespmem:s0+$0x440] =	vst.add.f32.msk $0xffff, v3  }
0x78a: {  	v3 =	vld [tilespmem:s12+$0x650]  }
0x78b: {  	[tilespmem:s31+$0x15240] =	vst.add.f32.msk $0xffff, v8  }
0x78c: {  	[tilespmem:s31+$0x15250] =	vst.add.f32.msk $0xffff, v9  }
0x78d: {  	[tilespmem:s31+$0x15260] =	vst.add.f32.msk $0xffff, v10  }
0x78e: {  	[tilespmem:s31+$0x15270] =	vst.add.f32.msk $0xffff, v11  }
0x78f: {  	[tilespmem:s0+$0x450] =	vst.add.f32.msk $0xffff, v3  }
0x790: {  	v3 =	vld [tilespmem:s12+$0x660]  }
0x791: {  	[tilespmem:s31+$0x15600] =	vst.add.f32.msk $0xffff, v12  }
0x792: {  	[tilespmem:s31+$0x15610] =	vst.add.f32.msk $0xffff, v13  }
0x793: {  	[tilespmem:s31+$0x15620] =	vst.add.f32.msk $0xffff, v14  }
0x794: {  	[tilespmem:s31+$0x15630] =	vst.add.f32.msk $0xffff, v15  }
0x795: {  	[tilespmem:s0+$0x460] =	vst.add.f32.msk $0xffff, v3  }
0x796: {  	v3 =	vld [tilespmem:s12+$0x670]  }
0x797: {  	[tilespmem:s31+$0x15640] =	vst.add.f32.msk $0xffff, v16  }
0x798: {  	[tilespmem:s31+$0x15650] =	vst.add.f32.msk $0xffff, v17  }
0x799: {  	[tilespmem:s31+$0x15660] =	vst.add.f32.msk $0xffff, v18  }
0x79a: {  	[tilespmem:s31+$0x15670] =	vst.add.f32.msk $0xffff, v19  }
0x79b: {  	s4 =	sadd.s32 $0x15A00, s30;
	[tilespmem:s0+$0x470] =	vst.add.f32.msk $0xffff, v3  }
0x79c: {  	s0 =	sadd.s32 s8, s4;
	v3 =	vld [tilespmem:s12+$0xA00]  }
0x79d: {  	[tilespmem:s0+$0x0] =	vst.add.f32.msk $0xffff, v20  }
0x79e: {  	v4 =	vld [tilespmem:s31+$0x9A10];
	_ =	sdelay $0x1  }
0x79f: {  	s5 =	sadd.s32 s6, s4  }
0x7a0: {  	[tilespmem:s5+$0x0] =	vst.add.f32.msk $0xffff, v3  }
0x7a1: {  	s7 =	sor.u32 $0x10, s0;
	v3 =	vld [tilespmem:s12+$0xA10]  }
0x7a2: {  	[tilespmem:s7+$0x0] =	vst.add.f32.msk $0xffff, v4  }
0x7a3: {  	v4 =	vld [tilespmem:s31+$0x9A20];
	_ =	sdelay $0x1  }
0x7a4: {  	s2 =	sor.u32 $0x10, s5  }
0x7a5: {  	[tilespmem:s2+$0x0] =	vst.add.f32.msk $0xffff, v3  }
0x7a6: {  	s11 =	sor.u32 $0x20, s0;
	v3 =	vld [tilespmem:s12+$0xA20]  }
0x7a7: {  	[tilespmem:s11+$0x0] =	vst.add.f32.msk $0xffff, v4  }
0x7a8: {  	v4 =	vld [tilespmem:s31+$0x9A30];
	_ =	sdelay $0x1  }
0x7a9: {  	s10 =	sor.u32 $0x20, s5  }
0x7aa: {  	[tilespmem:s10+$0x0] =	vst.add.f32.msk $0xffff, v3  }
0x7ab: {  	s14 =	sor.u32 $0x30, s0;
	v3 =	vld [tilespmem:s12+$0xA30]  }
0x7ac: {  	[tilespmem:s14+$0x0] =	vst.add.f32.msk $0xffff, v4  }
0x7ad: {  	v4 =	vld [tilespmem:s31+$0x9A40];
	_ =	sdelay $0x1  }
0x7ae: {  	s13 =	sor.u32 $0x30, s5  }
0x7af: {  	[tilespmem:s13+$0x0] =	vst.add.f32.msk $0xffff, v3  }
0x7b0: {  	s16 =	sor.u32 $0x40, s0;
	v3 =	vld [tilespmem:s12+$0xA40]  }
0x7b1: {  	[tilespmem:s16+$0x0] =	vst.add.f32.msk $0xffff, v4  }
0x7b2: {  	v4 =	vld [tilespmem:s31+$0x9A50];
	_ =	sdelay $0x1  }
0x7b3: {  	s15 =	sor.u32 $0x40, s5  }
0x7b4: {  	[tilespmem:s15+$0x0] =	vst.add.f32.msk $0xffff, v3  }
0x7b5: {  	s18 =	sor.u32 $0x50, s0;
	v3 =	vld [tilespmem:s12+$0xA50]  }
0x7b6: {  	[tilespmem:s18+$0x0] =	vst.add.f32.msk $0xffff, v4  }
0x7b7: {  	v4 =	vld [tilespmem:s31+$0x9A60];
	_ =	sdelay $0x1  }
0x7b8: {  	s17 =	sor.u32 $0x50, s5  }
0x7b9: {  	[tilespmem:s17+$0x0] =	vst.add.f32.msk $0xffff, v3  }
0x7ba: {  	s20 =	sor.u32 $0x60, s0;
	v3 =	vld [tilespmem:s12+$0xA60]  }
0x7bb: {  	[tilespmem:s20+$0x0] =	vst.add.f32.msk $0xffff, v4  }
0x7bc: {  	v4 =	vld [tilespmem:s31+$0x9A70];
	_ =	sdelay $0x1  }
0x7bd: {  	s19 =	sor.u32 $0x60, s5  }
0x7be: {  	[tilespmem:s19+$0x0] =	vst.add.f32.msk $0xffff, v3  }
0x7bf: {  	s0 =	sor.u32 $0x70, s0;
	v3 =	vld [tilespmem:s12+$0xA70]  }
0x7c0: {  	[tilespmem:s0+$0x0] =	vst.add.f32.msk $0xffff, v4  }
0x7c1: {  	v4 =	vld [tilespmem:s31+$0x9E00];
	_ =	sdelay $0x1  }
0x7c2: {  	s1 =	sor.u32 $0x70, s5  }
0x7c3: {  	s21 =	sadd.s32 $0x15E00, s30;
	[tilespmem:s1+$0x0] =	vst.add.f32.msk $0xffff, v3  }
0x7c4: {  	s0 =	sadd.s32 s8, s21;
	v3 =	vld [tilespmem:s12+$0xE00]  }
0x7c5: {  	[tilespmem:s0+$0x0] =	vst.add.f32.msk $0xffff, v4  }
0x7c6: {  	v4 =	vld [tilespmem:s31+$0x9E10];
	_ =	sdelay $0x1  }
0x7c7: {  	s22 =	sadd.s32 s6, s21  }
0x7c8: {  	[tilespmem:s22+$0x0] =	vst.add.f32.msk $0xffff, v3  }
0x7c9: {  	s24 =	sor.u32 $0x10, s0;
	v3 =	vld [tilespmem:s12+$0xE10]  }
0x7ca: {  	[tilespmem:s24+$0x0] =	vst.add.f32.msk $0xffff, v4  }
0x7cb: {  	v4 =	vld [tilespmem:s31+$0x9E20];
	_ =	sdelay $0x1  }
0x7cc: {  	s23 =	sor.u32 $0x10, s22  }
0x7cd: {  	[tilespmem:s23+$0x0] =	vst.add.f32.msk $0xffff, v3  }
0x7ce: {  	s26 =	sor.u32 $0x20, s0;
	v3 =	vld [tilespmem:s12+$0xE20]  }
0x7cf: {  	[tilespmem:s26+$0x0] =	vst.add.f32.msk $0xffff, v4  }
0x7d0: {  	v4 =	vld [tilespmem:s31+$0x9E30];
	_ =	sdelay $0x1  }
0x7d1: {  	s25 =	sor.u32 $0x20, s22  }
0x7d2: {  	[tilespmem:s25+$0x0] =	vst.add.f32.msk $0xffff, v3  }
0x7d3: {  	s29 =	sor.u32 $0x30, s0;
	v3 =	vld [tilespmem:s12+$0xE30]  }
0x7d4: {  	[tilespmem:s29+$0x0] =	vst.add.f32.msk $0xffff, v4  }
0x7d5: {  	v4 =	vld [tilespmem:s31+$0x9E40];
	_ =	sdelay $0x1  }
0x7d6: {  	s28 =	sor.u32 $0x30, s22  }
0x7d7: {  	[tilespmem:s28+$0x0] =	vst.add.f32.msk $0xffff, v3  }
0x7d8: {  	s4 =	sor.u32 $0x40, s0;
	v3 =	vld [tilespmem:s12+$0xE40]  }
0x7d9: {  	[tilespmem:s4+$0x0] =	vst.add.f32.msk $0xffff, v4  }
0x7da: {  	v4 =	vld [tilespmem:s31+$0x9E50];
	_ =	sdelay $0x2  }
0x7db: {  	s3 =	sor.u32 $0x40, s22  }
0x7dc: {  	s14 =	simm.s32 $0x0;
	s7 =	sor.u32 $0x50, s0;
	[tilespmem:s3+$0x0] =	vst.add.f32.msk $0xffff, v3  }
0x7dd: {  	s2 =	smul.u32 $0x1800, s14;
	[tilespmem:s7+$0x0] =	vst.add.f32.msk $0xffff, v4;
	s7 =	simm.s32 $0x100  }
0x7de: {  	s11 =	sor.u32 $0x60, s0;
	s15 =	sor.u32 $0x70, s0;
	v3 =	vld [tilespmem:s12+$0xE50];
	s0 =	sand.u32 $0x300, s7  }
0x7df: {  	v4 =	vld [tilespmem:s31+$0x9E60];
	s25 =	sor.u32 s0, s2  }
0x7e0: {  	v6 =	vld [tilespmem:s25+$0x9200]  }
0x7e1: {  	v7 =	vld [tilespmem:s25+$0x9210]  }
0x7e2: {  	v51 =	vld [tilespmem:s25+$0x9220]  }
0x7e3: {  	s3 =	simm.s32 $0x6;
	v52 =	vld [tilespmem:s25+$0x9230]  }
0x7e4: {  	s3 =	smul.u32 $0x6000, s3;
	v53 =	vld [tilespmem:s25+$0x9240]  }
0x7e5: {  	s4 =	simm.s32 $0x1980;
	v54 =	vld [tilespmem:s25+$0x9250]  }
0x7e6: {  	s13 =	sand.u32 $0x380, s4;
	s3 =	sshra.s32 s3, $0x2;
	v55 =	vld [tilespmem:s25+$0x9260]  }
0x7e7: {  	s19 =	sor.u32 s13, s3;
	v56 =	vld [tilespmem:s25+$0x9270]  }
0x7e8: {  	s5 =	sor.u32 $0x50, s22;
	v5 =	vld [tilespmem:s19+$0x200]  }
0x7e9: {  	[tilespmem:s5+$0x0] =	vst.add.f32.msk $0xffff, v3  }
0x7ea: {  	v3 =	vld [tilespmem:s12+$0xE60]  }
0x7eb: {  	v57 =	vld [tilespmem:s25+$0x9600]  }
0x7ec: {  	s21 =	sor.u32 $0x80, s0;
	v58 =	vld [tilespmem:s25+$0x9610]  }
0x7ed: {  	s16 =	sor.u32 s21, s2;
	v59 =	vld [tilespmem:s25+$0x9620]  }
0x7ee: {  	s10 =	sor.u32 $0x60, s22;
	[tilespmem:s16+$0x15200] =	vst.add.f32.msk $0xffff, v5  }
0x7ef: {  	[tilespmem:s10+$0x0] =	vst.add.f32.msk $0xffff, v3  }
0x7f0: {  	v3 =	vld [tilespmem:s12+$0xE70]  }
0x7f1: {  	v5 =	vld [tilespmem:s19+$0x210]  }
0x7f2: {  	v60 =	vld [tilespmem:s25+$0x9630]  }
0x7f3: {  	v61 =	vld [tilespmem:s25+$0x9640]  }
0x7f4: {  	s1 =	sor.u32 $0x70, s22;
	v62 =	vld [tilespmem:s25+$0x9650];
	s10 =	sadd.s32 $0x15200, s16  }
0x7f5: {  	[tilespmem:s1+$0x0] =	vst.add.f32.msk $0xffff, v3;
	s1 =	sor.u32 $0x10, s10  }
0x7f6: {  	[tilespmem:s1+$0x0] =	vst.add.f32.msk $0xffff, v5  }
0x7f7: {  	v5 =	vld [tilespmem:s19+$0x220]  }
0x7f8: {  	v63 =	vld [tilespmem:s25+$0x9660]  }
0x7f9: {  	v21 =	vld [tilespmem:s25+$0x9670]  }
0x7fa: {  	v22 =	vld [tilespmem:s25+$0x9A00]  }
0x7fb: {  	[tilespmem:s11+$0x0] =	vst.add.f32.msk $0xffff, v4;
	s20 =	sor.u32 $0x20, s10  }
0x7fc: {  	[tilespmem:s20+$0x0] =	vst.add.f32.msk $0xffff, v5  }
0x7fd: {  	v5 =	vld [tilespmem:s19+$0x230]  }
0x7fe: {  	v4 =	vld [tilespmem:s31+$0x9E70]  }
0x7ff: {  	[tilespmem:s25+$0x15200] =	vst.add.f32.msk $0xffff, v6  }
0x800: {  	[tilespmem:s25+$0x15210] =	vst.add.f32.msk $0xffff, v7  }
0x801: {  	s23 =	sor.u32 $0x30, s10;
	v3 =	vld [tilespmem:s12+$0x1200]  }
0x802: {  	[tilespmem:s23+$0x0] =	vst.add.f32.msk $0xffff, v5  }
0x803: {  	v5 =	vld [tilespmem:s19+$0x240]  }
0x804: {  	s5 =	sadd.s32 $0x16200, s30;
	[tilespmem:s25+$0x15220] =	vst.add.f32.msk $0xffff, v51  }
0x805: {  	s17 =	sadd.s32 s6, s5;
	[tilespmem:s25+$0x15230] =	vst.add.f32.msk $0xffff, v52  }
0x806: {  	[tilespmem:s17+$0x0] =	vst.add.f32.msk $0xffff, v3  }
0x807: {  	s26 =	sor.u32 $0x40, s10;
	v3 =	vld [tilespmem:s12+$0x1210]  }
0x808: {  	[tilespmem:s26+$0x0] =	vst.add.f32.msk $0xffff, v5  }
0x809: {  	v5 =	vld [tilespmem:s19+$0x250]  }
0x80a: {  	[tilespmem:s25+$0x15240] =	vst.add.f32.msk $0xffff, v53  }
0x80b: {  	s18 =	sor.u32 $0x10, s17;
	[tilespmem:s25+$0x15250] =	vst.add.f32.msk $0xffff, v54  }
0x80c: {  	[tilespmem:s18+$0x0] =	vst.add.f32.msk $0xffff, v3  }
0x80d: {  	s29 =	sor.u32 $0x50, s10;
	v3 =	vld [tilespmem:s12+$0x1220]  }
0x80e: {  	[tilespmem:s29+$0x0] =	vst.add.f32.msk $0xffff, v5  }
0x80f: {  	v5 =	vld [tilespmem:s19+$0x260]  }
0x810: {  	[tilespmem:s25+$0x15260] =	vst.add.f32.msk $0xffff, v55  }
0x811: {  	s22 =	sor.u32 $0x20, s17;
	[tilespmem:s25+$0x15270] =	vst.add.f32.msk $0xffff, v56  }
0x812: {  	[tilespmem:s22+$0x0] =	vst.add.f32.msk $0xffff, v3  }
0x813: {  	s11 =	sor.u32 $0x60, s10;
	v3 =	vld [tilespmem:s12+$0x1230]  }
0x814: {  	[tilespmem:s11+$0x0] =	vst.add.f32.msk $0xffff, v5  }
0x815: {  	v5 =	vld [tilespmem:s19+$0x270]  }
0x816: {  	[tilespmem:s25+$0x15600] =	vst.add.f32.msk $0xffff, v57  }
0x817: {  	s24 =	sor.u32 $0x30, s17;
	[tilespmem:s25+$0x15610] =	vst.add.f32.msk $0xffff, v58  }
0x818: {  	[tilespmem:s24+$0x0] =	vst.add.f32.msk $0xffff, v3  }
0x819: {  	s14 =	sor.u32 $0x70, s10;
	v3 =	vld [tilespmem:s12+$0x1240]  }
0x81a: {  	[tilespmem:s14+$0x0] =	vst.add.f32.msk $0xffff, v5  }
0x81b: {  	v5 =	vld [tilespmem:s19+$0x600]  }
0x81c: {  	[tilespmem:s25+$0x15620] =	vst.add.f32.msk $0xffff, v59  }
0x81d: {  	s28 =	sor.u32 $0x40, s17;
	[tilespmem:s25+$0x15630] =	vst.add.f32.msk $0xffff, v60  }
0x81e: {  	[tilespmem:s28+$0x0] =	vst.add.f32.msk $0xffff, v3  }
0x81f: {  	v3 =	vld [tilespmem:s12+$0x1250]  }
0x820: {  	[tilespmem:s10+$0x400] =	vst.add.f32.msk $0xffff, v5  }
0x821: {  	v5 =	vld [tilespmem:s19+$0x610]  }
0x822: {  	[tilespmem:s25+$0x15640] =	vst.add.f32.msk $0xffff, v61  }
0x823: {  	s4 =	sor.u32 $0x50, s17;
	[tilespmem:s25+$0x15650] =	vst.add.f32.msk $0xffff, v62  }
0x824: {  	[tilespmem:s4+$0x0] =	vst.add.f32.msk $0xffff, v3  }
0x825: {  	v3 =	vld [tilespmem:s12+$0x1260]  }
0x826: {  	[tilespmem:s10+$0x410] =	vst.add.f32.msk $0xffff, v5  }
0x827: {  	v5 =	vld [tilespmem:s19+$0x620]  }
0x828: {  	[tilespmem:s25+$0x15660] =	vst.add.f32.msk $0xffff, v63  }
0x829: {  	s13 =	sor.u32 $0x60, s17;
	[tilespmem:s25+$0x15670] =	vst.add.f32.msk $0xffff, v21  }
0x82a: {  	[tilespmem:s13+$0x0] =	vst.add.f32.msk $0xffff, v3  }
0x82b: {  	v3 =	vld [tilespmem:s12+$0x1270]  }
0x82c: {  	[tilespmem:s10+$0x420] =	vst.add.f32.msk $0xffff, v5  }
0x82d: {  	v5 =	vld [tilespmem:s19+$0x630]  }
0x82e: {  	[tilespmem:s15+$0x0] =	vst.add.f32.msk $0xffff, v4  }
0x82f: {  	s15 =	sor.u32 $0x70, s17;
	v4 =	vld [tilespmem:s31+$0xA200]  }
0x830: {  	[tilespmem:s15+$0x0] =	vst.add.f32.msk $0xffff, v3  }
0x831: {  	v3 =	vld [tilespmem:s12+$0x1600]  }
0x832: {  	[tilespmem:s10+$0x430] =	vst.add.f32.msk $0xffff, v5  }
0x833: {  	s24 =	sadd.s32 $0x15A00, s2;
	s4 =	sadd.s32 s8, s5;
	v5 =	vld [tilespmem:s19+$0x640]  }
0x834: {  	s1 =	sadd.s32 $0x16600, s30;
	s5 =	sadd.s32 s0, s24;
	[tilespmem:s4+$0x0] =	vst.add.f32.msk $0xffff, v4  }
0x835: {  	s3 =	sadd.s32 s6, s1;
	[tilespmem:s5+$0x0] =	vst.add.f32.msk $0xffff, v22  }
0x836: {  	[tilespmem:s3+$0x0] =	vst.add.f32.msk $0xffff, v3  }
0x837: {  	v3 =	vld [tilespmem:s12+$0x1610]  }
0x838: {  	[tilespmem:s10+$0x440] =	vst.add.f32.msk $0xffff, v5  }
0x839: {  	v5 =	vld [tilespmem:s19+$0x650]  }
0x83a: {  	v4 =	vld [tilespmem:s31+$0xA210]  }
0x83b: {  	s16 =	sor.u32 $0x10, s3;
	v6 =	vld [tilespmem:s25+$0x9A10]  }
0x83c: {  	[tilespmem:s16+$0x0] =	vst.add.f32.msk $0xffff, v3  }
0x83d: {  	v3 =	vld [tilespmem:s12+$0x1620]  }
0x83e: {  	[tilespmem:s10+$0x450] =	vst.add.f32.msk $0xffff, v5  }
0x83f: {  	s26 =	sor.u32 $0x10, s4;
	v5 =	vld [tilespmem:s19+$0x660]  }
0x840: {  	s29 =	sor.u32 $0x10, s5;
	[tilespmem:s26+$0x0] =	vst.add.f32.msk $0xffff, v4  }
0x841: {  	s17 =	sor.u32 $0x20, s3;
	[tilespmem:s29+$0x0] =	vst.add.f32.msk $0xffff, v6  }
0x842: {  	[tilespmem:s17+$0x0] =	vst.add.f32.msk $0xffff, v3  }
0x843: {  	v3 =	vld [tilespmem:s12+$0x1630]  }
0x844: {  	[tilespmem:s10+$0x460] =	vst.add.f32.msk $0xffff, v5  }
0x845: {  	v5 =	vld [tilespmem:s19+$0x670]  }
0x846: {  	v4 =	vld [tilespmem:s31+$0xA220]  }
0x847: {  	s18 =	sor.u32 $0x30, s3;
	v6 =	vld [tilespmem:s25+$0x9A20]  }
0x848: {  	[tilespmem:s18+$0x0] =	vst.add.f32.msk $0xffff, v3  }
0x849: {  	v3 =	vld [tilespmem:s12+$0x1640]  }
0x84a: {  	[tilespmem:s10+$0x470] =	vst.add.f32.msk $0xffff, v5  }
0x84b: {  	s11 =	sor.u32 $0x20, s4;
	v5 =	vld [tilespmem:s19+$0xA00]  }
0x84c: {  	s13 =	sor.u32 $0x20, s5;
	[tilespmem:s11+$0x0] =	vst.add.f32.msk $0xffff, v4  }
0x84d: {  	s20 =	sor.u32 $0x40, s3;
	[tilespmem:s13+$0x0] =	vst.add.f32.msk $0xffff, v6  }
0x84e: {  	[tilespmem:s20+$0x0] =	vst.add.f32.msk $0xffff, v3  }
0x84f: {  	s6 =	sadd.s32 s21, s24;
	v3 =	vld [tilespmem:s12+$0x1650]  }
0x850: {  	[tilespmem:s6+$0x0] =	vst.add.f32.msk $0xffff, v5  }
0x851: {  	v5 =	vld [tilespmem:s19+$0xA10]  }
0x852: {  	v4 =	vld [tilespmem:s31+$0xA230]  }
0x853: {  	s22 =	sor.u32 $0x50, s3;
	v6 =	vld [tilespmem:s25+$0x9A30]  }
0x854: {  	[tilespmem:s22+$0x0] =	vst.add.f32.msk $0xffff, v3  }
0x855: {  	s28 =	sor.u32 $0x10, s6;
	v3 =	vld [tilespmem:s12+$0x1660]  }
0x856: {  	[tilespmem:s28+$0x0] =	vst.add.f32.msk $0xffff, v5  }
0x857: {  	s14 =	sor.u32 $0x30, s4;
	v5 =	vld [tilespmem:s19+$0xA20]  }
0x858: {  	[tilespmem:s14+$0x0] =	vst.add.f32.msk $0xffff, v4  }
0x859: {  	s23 =	sor.u32 $0x60, s3;
	v4 =	vld [tilespmem:s31+$0xA240]  }
0x85a: {  	[tilespmem:s23+$0x0] =	vst.add.f32.msk $0xffff, v3  }
0x85b: {  	v3 =	vld [tilespmem:s12+$0x1670];
	s12 =	sor.u32 $0x20, s6  }
0x85c: {  	[tilespmem:s12+$0x0] =	vst.add.f32.msk $0xffff, v5  }
0x85d: {  	s16 =	sor.u32 $0x30, s5;
	v5 =	vld [tilespmem:s19+$0xA30]  }
0x85e: {  	[tilespmem:s16+$0x0] =	vst.add.f32.msk $0xffff, v6  }
0x85f: {  	v6 =	vld [tilespmem:s25+$0x9A40];
	s17 =	sor.u32 $0x40, s4  }
0x860: {  	[tilespmem:s17+$0x0] =	vst.add.f32.msk $0xffff, v4  }
0x861: {  	s15 =	sor.u32 $0x30, s6;
	v4 =	vld [tilespmem:s31+$0xA250]  }
0x862: {  	[tilespmem:s15+$0x0] =	vst.add.f32.msk $0xffff, v5  }
0x863: {  	s20 =	sor.u32 $0x40, s5;
	v5 =	vld [tilespmem:s19+$0xA40]  }
0x864: {  	[tilespmem:s20+$0x0] =	vst.add.f32.msk $0xffff, v6  }
0x865: {  	v6 =	vld [tilespmem:s25+$0x9A50];
	s22 =	sor.u32 $0x50, s4  }
0x866: {  	[tilespmem:s22+$0x0] =	vst.add.f32.msk $0xffff, v4  }
0x867: {  	s18 =	sor.u32 $0x40, s6;
	v4 =	vld [tilespmem:s31+$0xA260]  }
0x868: {  	[tilespmem:s18+$0x0] =	vst.add.f32.msk $0xffff, v5  }
0x869: {  	s24 =	sor.u32 $0x50, s5;
	v5 =	vld [tilespmem:s19+$0xA50]  }
0x86a: {  	[tilespmem:s24+$0x0] =	vst.add.f32.msk $0xffff, v6  }
0x86b: {  	s26 =	sor.u32 $0x60, s4;
	v6 =	vld [tilespmem:s25+$0x9A60]  }
0x86c: {  	[tilespmem:s26+$0x0] =	vst.add.f32.msk $0xffff, v4  }
0x86d: {  	s23 =	sor.u32 $0x50, s6;
	v4 =	vld [tilespmem:s31+$0xA270]  }
0x86e: {  	[tilespmem:s23+$0x0] =	vst.add.f32.msk $0xffff, v5  }
0x86f: {  	s29 =	sor.u32 $0x60, s5;
	v5 =	vld [tilespmem:s19+$0xA60]  }
0x870: {  	[tilespmem:s29+$0x0] =	vst.add.f32.msk $0xffff, v6  }
0x871: {  	s9 =	sor.u32 s30, s9;
	s4 =	sor.u32 $0x70, s4;
	v6 =	vld [tilespmem:s25+$0x9A70]  }
0x872: {  	s30 =	sor.u32 $0xA400, s9;
	[tilespmem:s4+$0x0] =	vst.add.f32.msk $0xffff, v4  }
0x873: {  	s28 =	sor.u32 $0x60, s6;
	v4 =	vld [tilespmem:s30+$0x200]  }
0x874: {  	[tilespmem:s28+$0x0] =	vst.add.f32.msk $0xffff, v5  }
0x875: {  	s31 =	sor.u32 $0x70, s6;
	s6 =	sor.u32 $0x70, s5;
	v5 =	vld [tilespmem:s19+$0xA70]  }
0x876: {  	[tilespmem:s6+$0x0] =	vst.add.f32.msk $0xffff, v6  }
0x877: {  	s4 =	sadd.s32 s8, s1;
	v6 =	vld [tilespmem:s25+$0x9E00]  }
0x878: {  	[tilespmem:s4+$0x0] =	vst.add.f32.msk $0xffff, v4  }
0x879: {  	v4 =	vld [tilespmem:s30+$0x210]  }
0x87a: {  	s9 =	sadd.s32 $0x15E00, s2;
	[tilespmem:s31+$0x0] =	vst.add.f32.msk $0xffff, v5  }
0x87b: {  	s5 =	sadd.s32 s0, s9;
	v5 =	vld [tilespmem:s19+$0xE00]  }
0x87c: {  	[tilespmem:s5+$0x0] =	vst.add.f32.msk $0xffff, v6  }
0x87d: {  	s10 =	sor.u32 $0x10, s4;
	v6 =	vld [tilespmem:s25+$0x9E10]  }
0x87e: {  	[tilespmem:s10+$0x0] =	vst.add.f32.msk $0xffff, v4  }
0x87f: {  	s1 =	sadd.s32 s21, s9;
	v4 =	vld [tilespmem:s30+$0x220]  }
0x880: {  	[tilespmem:s1+$0x0] =	vst.add.f32.msk $0xffff, v5  }
0x881: {  	s12 =	sor.u32 $0x10, s5;
	v5 =	vld [tilespmem:s19+$0xE10]  }
0x882: {  	[tilespmem:s12+$0x0] =	vst.add.f32.msk $0xffff, v6  }
0x883: {  	s13 =	sor.u32 $0x20, s4;
	v6 =	vld [tilespmem:s25+$0x9E20]  }
0x884: {  	[tilespmem:s13+$0x0] =	vst.add.f32.msk $0xffff, v4  }
0x885: {  	s11 =	sor.u32 $0x10, s1;
	v4 =	vld [tilespmem:s30+$0x230]  }
0x886: {  	[tilespmem:s11+$0x0] =	vst.add.f32.msk $0xffff, v5  }
0x887: {  	s15 =	sor.u32 $0x20, s5;
	v5 =	vld [tilespmem:s19+$0xE20]  }
0x888: {  	[tilespmem:s15+$0x0] =	vst.add.f32.msk $0xffff, v6  }
0x889: {  	s16 =	sor.u32 $0x30, s4;
	v6 =	vld [tilespmem:s25+$0x9E30]  }
0x88a: {  	[tilespmem:s16+$0x0] =	vst.add.f32.msk $0xffff, v4  }
0x88b: {  	s14 =	sor.u32 $0x20, s1;
	v4 =	vld [tilespmem:s30+$0x240]  }
0x88c: {  	[tilespmem:s14+$0x0] =	vst.add.f32.msk $0xffff, v5  }
0x88d: {  	s18 =	sor.u32 $0x30, s5;
	v5 =	vld [tilespmem:s19+$0xE30]  }
0x88e: {  	[tilespmem:s18+$0x0] =	vst.add.f32.msk $0xffff, v6  }
0x88f: {  	s20 =	sor.u32 $0x40, s4;
	v6 =	vld [tilespmem:s25+$0x9E40]  }
0x890: {  	[tilespmem:s20+$0x0] =	vst.add.f32.msk $0xffff, v4  }
0x891: {  	s17 =	sor.u32 $0x30, s1;
	v4 =	vld [tilespmem:s30+$0x250]  }
0x892: {  	[tilespmem:s17+$0x0] =	vst.add.f32.msk $0xffff, v5  }
0x893: {  	s23 =	sor.u32 $0x40, s5;
	v5 =	vld [tilespmem:s19+$0xE40]  }
0x894: {  	[tilespmem:s23+$0x0] =	vst.add.f32.msk $0xffff, v6  }
0x895: {  	s24 =	sor.u32 $0x50, s4;
	v6 =	vld [tilespmem:s25+$0x9E50]  }
0x896: {  	[tilespmem:s24+$0x0] =	vst.add.f32.msk $0xffff, v4  }
0x897: {  	s22 =	sor.u32 $0x40, s1;
	v4 =	vld [tilespmem:s30+$0x260]  }
0x898: {  	[tilespmem:s22+$0x0] =	vst.add.f32.msk $0xffff, v5  }
0x899: {  	s3 =	sor.u32 $0x70, s3;
	v5 =	vld [tilespmem:s19+$0xE50]  }
0x89a: {  	[tilespmem:s3+$0x0] =	vst.add.f32.msk $0xffff, v3;
	s28 =	sor.u32 $0x50, s5  }
0x89b: {  	s31 =	sor.u32 $0x60, s4;
	[tilespmem:s28+$0x0] =	vst.add.f32.msk $0xffff, v6  }
0x89c: {  	[tilespmem:s31+$0x0] =	vst.add.f32.msk $0xffff, v4  }
0x89d: {  	s26 =	sor.u32 $0x50, s1;
	v4 =	vld [tilespmem:s25+$0x9E60]  }
0x89e: {  	s29 =	sor.u32 s2, s7;
	s8 =	simm.s32 $0x2;
	s9 =	sor.u32 $0x70, s4;
	[tilespmem:s26+$0x0] =	vst.add.f32.msk $0xffff, v5  }
0x89f: {  	s3 =	sor.u32 $0x60, s5;
	s20 =	sor.u32 $0xA400, s29;
	s5 =	sor.u32 $0x70, s5;
	v3 =	vld [tilespmem:s19+$0xE60]  }
.LBB2_13:
0x8a0: {  	_ =	sdelay $0x2  }
0x8a1: {  	s6 =	sor.u32 $0x60, s1;
	v5 =	vld [tilespmem:s30+$0x270]  }
0x8a2: {  	s4 =	sadd.s32 $0x33, s8;
	[tilespmem:s6+$0x0] =	vst.add.f32.msk $0xffff, v3  }
0x8a3: {  	s4 =	sshrl.u32 s4, $0x3;
	[tilespmem:s3+$0x0] =	vst.add.f32.msk $0xffff, v4  }
0x8a4: {  	s7 =	sadd.s32 $0x100, s7;
	s4 =	smul.u32 $0x6000, s4;
	v3 =	vld [tilespmem:s19+$0xE70]  }
0x8a5: {  	s12 =	sadd.s32 $0x1880, s7;
	v4 =	vld [tilespmem:s25+$0x9E70]  }
0x8a6: {  	s13 =	sand.u32 $0x380, s12;
	s4 =	sshra.s32 s4, $0x2  }
0x8a7: {  	s3 =	sor.u32 s13, s4;
	[tilespmem:s9+$0x0] =	vst.add.f32.msk $0xffff, v5  }
0x8a8: {  	s8 =	sadd.s32 $0x2, s8;
	s14 =	sor.u32 $0x70, s1;
	v5 =	vld [tilespmem:s3+$0x200]  }
0x8a9: {  	s15 =	sshrl.u32 s8, $0x3;
	[tilespmem:s14+$0x0] =	vst.add.f32.msk $0xffff, v3  }
0x8aa: {  	s11 =	smul.u32 $0x1800, s15;
	s9 =	sand.u32 $0x300, s7;
	[tilespmem:s5+$0x0] =	vst.add.f32.msk $0xffff, v4  }
0x8ab: {  	s10 =	sor.u32 $0x80, s9;
	v6 =	vld [tilespmem:s19+$0x1200]  }
0x8ac: {  	s4 =	sor.u32 s10, s11;
	v3 =	vld [tilespmem:s25+$0xA200]  }
0x8ad: {  	s12 =	sor.u32 s9, s11;
	[tilespmem:s4+$0x15200] =	vst.add.f32.msk $0xffff, v5  }
0x8ae: {  	v10 =	vld [tilespmem:s12+$0x9200]  }
0x8af: {  	s17 =	sadd.s32 $0x16200, s2;
	v4 =	vld [tilespmem:s12+$0x9210]  }
0x8b0: {  	s14 =	sadd.s32 s21, s17;
	v5 =	vld [tilespmem:s3+$0x210]  }
0x8b1: {  	[tilespmem:s14+$0x0] =	vst.add.f32.msk $0xffff, v6  }
0x8b2: {  	v6 =	vld [tilespmem:s19+$0x1210]  }
0x8b3: {  	s5 =	sadd.s32 $0x15200, s4;
	v11 =	vld [tilespmem:s12+$0x9220]  }
0x8b4: {  	s24 =	sor.u32 $0x10, s5;
	v12 =	vld [tilespmem:s12+$0x9240]  }
0x8b5: {  	[tilespmem:s24+$0x0] =	vst.add.f32.msk $0xffff, v5  }
0x8b6: {  	s26 =	sor.u32 $0x10, s14;
	v7 =	vld [tilespmem:s3+$0x220]  }
0x8b7: {  	[tilespmem:s26+$0x0] =	vst.add.f32.msk $0xffff, v6  }
0x8b8: {  	v6 =	vld [tilespmem:s19+$0x1220]  }
0x8b9: {  	v13 =	vld [tilespmem:s12+$0x9260]  }
0x8ba: {  	s28 =	sor.u32 $0x20, s5;
	v15 =	vld [tilespmem:s12+$0x9600]  }
0x8bb: {  	[tilespmem:s28+$0x0] =	vst.add.f32.msk $0xffff, v7  }
0x8bc: {  	s31 =	sor.u32 $0x20, s14;
	v7 =	vld [tilespmem:s3+$0x230]  }
0x8bd: {  	[tilespmem:s31+$0x0] =	vst.add.f32.msk $0xffff, v6  }
0x8be: {  	v8 =	vld [tilespmem:s19+$0x1230]  }
0x8bf: {  	v61 =	vld [tilespmem:s12+$0x9610]  }
0x8c0: {  	s15 =	sor.u32 $0x30, s5;
	v17 =	vld [tilespmem:s12+$0x9620]  }
0x8c1: {  	s16 =	sor.u32 s11, s7;
	[tilespmem:s15+$0x0] =	vst.add.f32.msk $0xffff, v7  }
0x8c2: {  	s30 =	smov.u32 s20;
	s20 =	sor.u32 $0xA400, s16;
	s16 =	sor.u32 $0x30, s14;
	v9 =	vld [tilespmem:s3+$0x240]  }
0x8c3: {  	[tilespmem:s16+$0x0] =	vst.add.f32.msk $0xffff, v8  }
0x8c4: {  	s1 =	sadd.s32 s0, s17;
	v8 =	vld [tilespmem:s19+$0x1240]  }
0x8c5: {  	s18 =	sor.u32 $0x60, s1;
	v62 =	vld [tilespmem:s12+$0x9630]  }
0x8c6: {  	[dreg:$0x7] =	wrdreg s18;
	s18 =	sor.u32 $0x40, s5;
	v18 =	vld [tilespmem:s12+$0x9640]  }
0x8c7: {  	s22 =	sor.u32 $0x70, s1;
	[tilespmem:s18+$0x0] =	vst.add.f32.msk $0xffff, v9  }
0x8c8: {  	[dreg:$0x5] =	wrdreg s22;
	s22 =	sor.u32 $0x40, s14;
	v9 =	vld [tilespmem:s3+$0x250]  }
0x8c9: {  	[tilespmem:s22+$0x0] =	vst.add.f32.msk $0xffff, v8  }
0x8ca: {  	v14 =	vld [tilespmem:s19+$0x1250]  }
0x8cb: {  	v19 =	vld [tilespmem:s12+$0x9650]  }
0x8cc: {  	v20 =	vld [tilespmem:s12+$0x9660];
	s24 =	sor.u32 $0x50, s5  }
0x8cd: {  	[tilespmem:s24+$0x0] =	vst.add.f32.msk $0xffff, v9  }
0x8ce: {  	s26 =	sor.u32 $0x50, s14;
	v16 =	vld [tilespmem:s3+$0x260]  }
0x8cf: {  	[tilespmem:s26+$0x0] =	vst.add.f32.msk $0xffff, v14  }
0x8d0: {  	v14 =	vld [tilespmem:s19+$0x1260]  }
0x8d1: {  	v21 =	vld [tilespmem:s12+$0x9670]  }
0x8d2: {  	v22 =	vld [tilespmem:s12+$0x9A00];
	s28 =	sor.u32 $0x60, s5  }
0x8d3: {  	[tilespmem:s28+$0x0] =	vst.add.f32.msk $0xffff, v16  }
0x8d4: {  	s31 =	sor.u32 $0x60, s14;
	v16 =	vld [tilespmem:s3+$0x270]  }
0x8d5: {  	[tilespmem:s31+$0x0] =	vst.add.f32.msk $0xffff, v14  }
0x8d6: {  	v14 =	vld [tilespmem:s19+$0x1270]  }
0x8d7: {  	[tilespmem:s12+$0x15200] =	vst.add.f32.msk $0xffff, v10  }
0x8d8: {  	[tilespmem:s12+$0x15210] =	vst.add.f32.msk $0xffff, v4;
	s15 =	sor.u32 $0x70, s5  }
0x8d9: {  	[tilespmem:s15+$0x0] =	vst.add.f32.msk $0xffff, v16  }
0x8da: {  	s16 =	sor.u32 $0x70, s14;
	v16 =	vld [tilespmem:s3+$0x600]  }
0x8db: {  	[tilespmem:s16+$0x0] =	vst.add.f32.msk $0xffff, v14  }
0x8dc: {  	v14 =	vld [tilespmem:s19+$0x1600]  }
0x8dd: {  	[tilespmem:s12+$0x15220] =	vst.add.f32.msk $0xffff, v11  }
0x8de: {  	[tilespmem:s12+$0x15240] =	vst.add.f32.msk $0xffff, v12  }
0x8df: {  	s18 =	sadd.s32 $0x16600, s2;
	[tilespmem:s5+$0x400] =	vst.add.f32.msk $0xffff, v16  }
0x8e0: {  	s4 =	sadd.s32 s21, s18;
	v16 =	vld [tilespmem:s3+$0x610]  }
0x8e1: {  	[tilespmem:s4+$0x0] =	vst.add.f32.msk $0xffff, v14  }
0x8e2: {  	v14 =	vld [tilespmem:s19+$0x1610]  }
0x8e3: {  	[tilespmem:s12+$0x15260] =	vst.add.f32.msk $0xffff, v13  }
0x8e4: {  	[tilespmem:s12+$0x15600] =	vst.add.f32.msk $0xffff, v15  }
0x8e5: {  	[tilespmem:s5+$0x410] =	vst.add.f32.msk $0xffff, v16  }
0x8e6: {  	s28 =	sor.u32 $0x10, s4;
	v63 =	vld [tilespmem:s3+$0x620]  }
0x8e7: {  	[tilespmem:s28+$0x0] =	vst.add.f32.msk $0xffff, v14  }
0x8e8: {  	v14 =	vld [tilespmem:s19+$0x1620]  }
0x8e9: {  	[tilespmem:s12+$0x15610] =	vst.add.f32.msk $0xffff, v61  }
0x8ea: {  	v5 =	vld [tilespmem:s12+$0x9230]  }
0x8eb: {  	[tilespmem:s5+$0x420] =	vst.add.f32.msk $0xffff, v63  }
0x8ec: {  	s31 =	sor.u32 $0x20, s4;
	v4 =	vld [tilespmem:s3+$0x630]  }
0x8ed: {  	[tilespmem:s31+$0x0] =	vst.add.f32.msk $0xffff, v14  }
0x8ee: {  	v10 =	vld [tilespmem:s19+$0x1630]  }
0x8ef: {  	[tilespmem:s12+$0x15620] =	vst.add.f32.msk $0xffff, v17  }
0x8f0: {  	[tilespmem:s12+$0x15230] =	vst.add.f32.msk $0xffff, v5  }
0x8f1: {  	[tilespmem:s5+$0x430] =	vst.add.f32.msk $0xffff, v4  }
0x8f2: {  	s2 =	smov.u32 s11;
	s11 =	sor.u32 $0x30, s4;
	v4 =	vld [tilespmem:s3+$0x640]  }
0x8f3: {  	[tilespmem:s11+$0x0] =	vst.add.f32.msk $0xffff, v10  }
0x8f4: {  	v5 =	vld [tilespmem:s19+$0x1640]  }
0x8f5: {  	[tilespmem:s12+$0x15630] =	vst.add.f32.msk $0xffff, v62  }
0x8f6: {  	[tilespmem:s12+$0x15640] =	vst.add.f32.msk $0xffff, v18  }
0x8f7: {  	[tilespmem:s5+$0x440] =	vst.add.f32.msk $0xffff, v4  }
0x8f8: {  	s16 =	sor.u32 $0x40, s4;
	v4 =	vld [tilespmem:s3+$0x650]  }
0x8f9: {  	[tilespmem:s16+$0x0] =	vst.add.f32.msk $0xffff, v5  }
0x8fa: {  	v5 =	vld [tilespmem:s19+$0x1650]  }
0x8fb: {  	[tilespmem:s12+$0x15650] =	vst.add.f32.msk $0xffff, v19  }
0x8fc: {  	[tilespmem:s12+$0x15660] =	vst.add.f32.msk $0xffff, v20  }
0x8fd: {  	[tilespmem:s5+$0x450] =	vst.add.f32.msk $0xffff, v4  }
0x8fe: {  	s28 =	sor.u32 $0x50, s4;
	v4 =	vld [tilespmem:s3+$0x660]  }
0x8ff: {  	[tilespmem:s28+$0x0] =	vst.add.f32.msk $0xffff, v5  }
0x900: {  	v5 =	vld [tilespmem:s19+$0x1660]  }
0x901: {  	v6 =	vld [tilespmem:s12+$0x9250]  }
0x902: {  	v7 =	vld [tilespmem:s12+$0x9270]  }
0x903: {  	[tilespmem:s5+$0x460] =	vst.add.f32.msk $0xffff, v4  }
0x904: {  	s31 =	sor.u32 $0x60, s4;
	v4 =	vld [tilespmem:s3+$0x670]  }
0x905: {  	[tilespmem:s31+$0x0] =	vst.add.f32.msk $0xffff, v5  }
0x906: {  	v5 =	vld [tilespmem:s19+$0x1670]  }
0x907: {  	[tilespmem:s12+$0x15670] =	vst.add.f32.msk $0xffff, v21  }
0x908: {  	[tilespmem:s12+$0x15250] =	vst.add.f32.msk $0xffff, v6  }
0x909: {  	[tilespmem:s12+$0x15270] =	vst.add.f32.msk $0xffff, v7  }
0x90a: {  	s11 =	sor.u32 $0x70, s4;
	[tilespmem:s5+$0x470] =	vst.add.f32.msk $0xffff, v4  }
0x90b: {  	s19 =	smov.u32 s3;
	[tilespmem:s11+$0x0] =	vst.add.f32.msk $0xffff, v5  }
0x90c: {  	s26 =	sadd.s32 s0, s18;
	v4 =	vld [tilespmem:s19+$0xA00]  }
0x90d: {  	[tilespmem:s1+$0x0] =	vst.add.f32.msk $0xffff, v3;
	s0 =	smov.u32 s9;
	s21 =	sor.u32 $0x60, s26;
	s16 =	sadd.s32 $0x15A00, s2  }
0x90e: {  	v3 =	vld [tilespmem:s25+$0xA210];
	[dreg:$0xa] =	wrdreg s21;
	s21 =	smov.u32 s10;
	s10 =	sadd.s32 s0, s16  }
0x90f: {  	s23 =	sor.u32 $0x10, s1;
	s29 =	sor.u32 $0x30, s1;
	s6 =	sor.u32 $0x40, s1;
	[tilespmem:s10+$0x0] =	vst.add.f32.msk $0xffff, v22  }
0x910: {  	s13 =	sor.u32 $0x50, s1;
	s17 =	sor.u32 $0x20, s1;
	s1 =	sadd.s32 s21, s16;
	v5 =	vld [tilespmem:s12+$0x9A10]  }
0x911: {  	[tilespmem:s1+$0x0] =	vst.add.f32.msk $0xffff, v4  }
0x912: {  	v4 =	vld [tilespmem:s19+$0xA10]  }
0x913: {  	[tilespmem:s23+$0x0] =	vst.add.f32.msk $0xffff, v3  }
0x914: {  	s11 =	sor.u32 $0x10, s10;
	v3 =	vld [tilespmem:s25+$0xA220]  }
0x915: {  	[tilespmem:s11+$0x0] =	vst.add.f32.msk $0xffff, v5  }
0x916: {  	s23 =	sor.u32 $0x10, s1;
	v5 =	vld [tilespmem:s12+$0x9A20]  }
0x917: {  	[tilespmem:s23+$0x0] =	vst.add.f32.msk $0xffff, v4  }
0x918: {  	v4 =	vld [tilespmem:s19+$0xA20]  }
0x919: {  	[tilespmem:s17+$0x0] =	vst.add.f32.msk $0xffff, v3  }
0x91a: {  	s31 =	sor.u32 $0x20, s10;
	v3 =	vld [tilespmem:s25+$0xA230]  }
0x91b: {  	[tilespmem:s31+$0x0] =	vst.add.f32.msk $0xffff, v5  }
0x91c: {  	s23 =	sor.u32 $0x20, s1;
	v5 =	vld [tilespmem:s12+$0x9A30]  }
0x91d: {  	[tilespmem:s23+$0x0] =	vst.add.f32.msk $0xffff, v4  }
0x91e: {  	v4 =	vld [tilespmem:s19+$0xA30]  }
0x91f: {  	[tilespmem:s29+$0x0] =	vst.add.f32.msk $0xffff, v3  }
0x920: {  	s16 =	sor.u32 $0x30, s10;
	v3 =	vld [tilespmem:s25+$0xA240]  }
0x921: {  	[tilespmem:s16+$0x0] =	vst.add.f32.msk $0xffff, v5  }
0x922: {  	s11 =	sor.u32 $0x30, s1;
	v5 =	vld [tilespmem:s12+$0x9A40]  }
0x923: {  	[tilespmem:s11+$0x0] =	vst.add.f32.msk $0xffff, v4  }
0x924: {  	v4 =	vld [tilespmem:s19+$0xA40]  }
0x925: {  	[tilespmem:s6+$0x0] =	vst.add.f32.msk $0xffff, v3  }
0x926: {  	s28 =	sor.u32 $0x40, s10;
	v3 =	vld [tilespmem:s25+$0xA250]  }
0x927: {  	[tilespmem:s28+$0x0] =	vst.add.f32.msk $0xffff, v5  }
0x928: {  	s17 =	sor.u32 $0x40, s1;
	v5 =	vld [tilespmem:s12+$0x9A50]  }
0x929: {  	[tilespmem:s17+$0x0] =	vst.add.f32.msk $0xffff, v4  }
0x92a: {  	v4 =	vld [tilespmem:s19+$0xA50]  }
0x92b: {  	[tilespmem:s13+$0x0] =	vst.add.f32.msk $0xffff, v3  }
0x92c: {  	s5 =	sor.u32 $0x50, s10;
	v3 =	vld [tilespmem:s25+$0xA260]  }
0x92d: {  	[tilespmem:s5+$0x0] =	vst.add.f32.msk $0xffff, v5  }
0x92e: {  	s23 =	sor.u32 $0x50, s1;
	v5 =	vld [tilespmem:s12+$0x9A60]  }
0x92f: {  	[tilespmem:s23+$0x0] =	vst.add.f32.msk $0xffff, v4  }
0x930: {  	s28 =	rddreg [dreg:$0x7];
	v4 =	vld [tilespmem:s19+$0xA60]  }
0x931: {  	[tilespmem:s28+$0x0] =	vst.add.f32.msk $0xffff, v3  }
0x932: {  	s4 =	sor.u32 $0x60, s10;
	v3 =	vld [tilespmem:s25+$0xA270]  }
0x933: {  	s25 =	smov.u32 s12;
	[tilespmem:s4+$0x0] =	vst.add.f32.msk $0xffff, v5  }
0x934: {  	s29 =	sor.u32 $0x60, s1;
	v5 =	vld [tilespmem:s25+$0x9A70]  }
0x935: {  	[tilespmem:s29+$0x0] =	vst.add.f32.msk $0xffff, v4  }
0x936: {  	s31 =	rddreg [dreg:$0x5];
	v4 =	vld [tilespmem:s19+$0xA70]  }
0x937: {  	[tilespmem:s31+$0x0] =	vst.add.f32.msk $0xffff, v3  }
0x938: {  	s3 =	sor.u32 $0x70, s10;
	v3 =	vld [tilespmem:s30+$0x200]  }
0x939: {  	[tilespmem:s3+$0x0] =	vst.add.f32.msk $0xffff, v5  }
0x93a: {  	s1 =	sor.u32 $0x70, s1;
	v5 =	vld [tilespmem:s25+$0x9E00]  }
0x93b: {  	[tilespmem:s1+$0x0] =	vst.add.f32.msk $0xffff, v4  }
0x93c: {  	v4 =	vld [tilespmem:s19+$0xE00]  }
0x93d: {  	s5 =	sadd.s32 $0x15E00, s2;
	[tilespmem:s26+$0x0] =	vst.add.f32.msk $0xffff, v3  }
0x93e: {  	s6 =	sadd.s32 s0, s5;
	v3 =	vld [tilespmem:s30+$0x210]  }
0x93f: {  	[tilespmem:s6+$0x0] =	vst.add.f32.msk $0xffff, v5  }
0x940: {  	s1 =	sadd.s32 s21, s5;
	v5 =	vld [tilespmem:s25+$0x9E10]  }
0x941: {  	[tilespmem:s1+$0x0] =	vst.add.f32.msk $0xffff, v4  }
0x942: {  	s24 =	sor.u32 $0x10, s26;
	v4 =	vld [tilespmem:s19+$0xE10]  }
0x943: {  	[tilespmem:s24+$0x0] =	vst.add.f32.msk $0xffff, v3  }
0x944: {  	s10 =	sor.u32 $0x10, s6;
	v3 =	vld [tilespmem:s30+$0x220]  }
0x945: {  	[tilespmem:s10+$0x0] =	vst.add.f32.msk $0xffff, v5  }
0x946: {  	s23 =	sor.u32 $0x10, s1;
	v5 =	vld [tilespmem:s25+$0x9E20]  }
0x947: {  	[tilespmem:s23+$0x0] =	vst.add.f32.msk $0xffff, v4  }
0x948: {  	s18 =	sor.u32 $0x20, s26;
	v4 =	vld [tilespmem:s19+$0xE20]  }
0x949: {  	[tilespmem:s18+$0x0] =	vst.add.f32.msk $0xffff, v3  }
0x94a: {  	s11 =	sor.u32 $0x20, s6;
	v3 =	vld [tilespmem:s30+$0x230]  }
0x94b: {  	[tilespmem:s11+$0x0] =	vst.add.f32.msk $0xffff, v5  }
0x94c: {  	s24 =	sor.u32 $0x20, s1;
	v5 =	vld [tilespmem:s25+$0x9E30]  }
0x94d: {  	[tilespmem:s24+$0x0] =	vst.add.f32.msk $0xffff, v4  }
0x94e: {  	s22 =	sor.u32 $0x30, s26;
	v4 =	vld [tilespmem:s19+$0xE30]  }
0x94f: {  	[tilespmem:s22+$0x0] =	vst.add.f32.msk $0xffff, v3  }
0x950: {  	s12 =	sor.u32 $0x30, s6;
	v3 =	vld [tilespmem:s30+$0x240]  }
0x951: {  	s14 =	sor.u32 $0x50, s26;
	[tilespmem:s12+$0x0] =	vst.add.f32.msk $0xffff, v5  }
0x952: {  	s9 =	sor.u32 $0x70, s26;
	s15 =	sor.u32 $0x40, s26;
	s26 =	sor.u32 $0x30, s1;
	v5 =	vld [tilespmem:s25+$0x9E40]  }
0x953: {  	[tilespmem:s26+$0x0] =	vst.add.f32.msk $0xffff, v4  }
0x954: {  	v4 =	vld [tilespmem:s19+$0xE40]  }
0x955: {  	[tilespmem:s15+$0x0] =	vst.add.f32.msk $0xffff, v3  }
0x956: {  	s16 =	sor.u32 $0x40, s6;
	v3 =	vld [tilespmem:s30+$0x250]  }
0x957: {  	[tilespmem:s16+$0x0] =	vst.add.f32.msk $0xffff, v5  }
0x958: {  	s28 =	sor.u32 $0x40, s1;
	v5 =	vld [tilespmem:s25+$0x9E50]  }
0x959: {  	[tilespmem:s28+$0x0] =	vst.add.f32.msk $0xffff, v4  }
0x95a: {  	v4 =	vld [tilespmem:s19+$0xE50]  }
0x95b: {  	[tilespmem:s14+$0x0] =	vst.add.f32.msk $0xffff, v3  }
0x95c: {  	v6 =	vld [tilespmem:s30+$0x260]  }
0x95d: {  	p0 =	slt.u32 s8, $0xE;
	s17 =	sor.u32 $0x50, s6  }
.Ltmp5:
0x95e: {  	s29 =	sor.u32 $0x50, s1;
	[tilespmem:s17+$0x0] =	vst.add.f32.msk $0xffff, v5;
	(pc) =	sbr.rel @p0 .LBB2_13-.Ltmp5, $4  }
0x95f: {  	[tilespmem:s29+$0x0] =	vst.add.f32.msk $0xffff, v4  }
0x960: {  	s31 =	rddreg [dreg:$0xa];
	v4 =	vld [tilespmem:s25+$0x9E60]  }
0x961: {  	[tilespmem:s31+$0x0] =	vst.add.f32.msk $0xffff, v6  }
0x962: {  	s3 =	sor.u32 $0x60, s6;
	s5 =	sor.u32 $0x70, s6;
	v3 =	vld [tilespmem:s19+$0xE60]  }
0x963: {  	_ =	sdelay $0x1  }
0x964: {  	[tilespmem:s3+$0x0] =	vst.add.f32.msk $0xffff, v4  }
0x965: {  	s4 =	sor.u32 $0x60, s1;
	v4 =	vld [tilespmem:s25+$0x9E70]  }
0x966: {  	[tilespmem:s4+$0x0] =	vst.add.f32.msk $0xffff, v3  }
0x967: {  	v3 =	vld [tilespmem:s19+$0xE70];
	_ =	sdelay $0x2  }
0x968: {  	[tilespmem:s5+$0x0] =	vst.add.f32.msk $0xffff, v4  }
0x969: {  	s15 =	sor.u32 $0x70, s1;
	v4 =	vld [tilespmem:s25+$0xA200]  }
0x96a: {  	[tilespmem:s15+$0x0] =	vst.add.f32.msk $0xffff, v3  }
0x96b: {  	v3 =	vld [tilespmem:s19+$0x1200]  }
0x96c: {  	s16 =	sadd.s32 $0x16200, s2  }
0x96d: {  	s1 =	sadd.s32 s0, s16  }
0x96e: {  	[tilespmem:s1+$0x0] =	vst.add.f32.msk $0xffff, v4  }
0x96f: {  	s17 =	sadd.s32 s21, s16;
	v4 =	vld [tilespmem:s25+$0xA210]  }
0x970: {  	[tilespmem:s17+$0x0] =	vst.add.f32.msk $0xffff, v3  }
0x971: {  	v3 =	vld [tilespmem:s19+$0x1210];
	_ =	sdelay $0x1  }
0x972: {  	s22 =	sor.u32 $0x10, s1  }
0x973: {  	[tilespmem:s22+$0x0] =	vst.add.f32.msk $0xffff, v4  }
0x974: {  	s18 =	sor.u32 $0x10, s17;
	v4 =	vld [tilespmem:s25+$0xA220]  }
0x975: {  	[tilespmem:s18+$0x0] =	vst.add.f32.msk $0xffff, v3  }
0x976: {  	v3 =	vld [tilespmem:s19+$0x1220];
	_ =	sdelay $0x1  }
0x977: {  	s24 =	sor.u32 $0x20, s1  }
0x978: {  	[tilespmem:s24+$0x0] =	vst.add.f32.msk $0xffff, v4  }
0x979: {  	s23 =	sor.u32 $0x20, s17;
	v4 =	vld [tilespmem:s25+$0xA230]  }
0x97a: {  	[tilespmem:s23+$0x0] =	vst.add.f32.msk $0xffff, v3  }
0x97b: {  	v3 =	vld [tilespmem:s19+$0x1230];
	_ =	sdelay $0x1  }
0x97c: {  	s28 =	sor.u32 $0x30, s1  }
0x97d: {  	[tilespmem:s28+$0x0] =	vst.add.f32.msk $0xffff, v4  }
0x97e: {  	s26 =	sor.u32 $0x30, s17;
	v4 =	vld [tilespmem:s25+$0xA240]  }
0x97f: {  	[tilespmem:s26+$0x0] =	vst.add.f32.msk $0xffff, v3  }
0x980: {  	v3 =	vld [tilespmem:s19+$0x1240];
	_ =	sdelay $0x1  }
0x981: {  	s31 =	sor.u32 $0x40, s1  }
0x982: {  	[tilespmem:s31+$0x0] =	vst.add.f32.msk $0xffff, v4  }
0x983: {  	s29 =	sor.u32 $0x40, s17;
	v4 =	vld [tilespmem:s25+$0xA250]  }
0x984: {  	[tilespmem:s29+$0x0] =	vst.add.f32.msk $0xffff, v3  }
0x985: {  	v3 =	vld [tilespmem:s19+$0x1250];
	_ =	sdelay $0x1  }
0x986: {  	s6 =	sor.u32 $0x50, s1  }
0x987: {  	[tilespmem:s6+$0x0] =	vst.add.f32.msk $0xffff, v4  }
0x988: {  	s5 =	sor.u32 $0x50, s17;
	v4 =	vld [tilespmem:s25+$0xA260]  }
0x989: {  	[tilespmem:s5+$0x0] =	vst.add.f32.msk $0xffff, v3  }
0x98a: {  	v3 =	vld [tilespmem:s19+$0x1260];
	_ =	sdelay $0x1  }
0x98b: {  	s8 =	sor.u32 $0x60, s1  }
0x98c: {  	[tilespmem:s8+$0x0] =	vst.add.f32.msk $0xffff, v4  }
0x98d: {  	s7 =	sor.u32 $0x60, s17;
	v4 =	vld [tilespmem:s25+$0xA270]  }
0x98e: {  	[tilespmem:s7+$0x0] =	vst.add.f32.msk $0xffff, v3  }
0x98f: {  	v3 =	vld [tilespmem:s19+$0x1270];
	_ =	sdelay $0x1  }
0x990: {  	s1 =	sor.u32 $0x70, s1  }
0x991: {  	[tilespmem:s1+$0x0] =	vst.add.f32.msk $0xffff, v4  }
0x992: {  	s3 =	sor.u32 $0x70, s17;
	v4 =	vld [tilespmem:s20+$0x200]  }
0x993: {  	[tilespmem:s3+$0x0] =	vst.add.f32.msk $0xffff, v3  }
0x994: {  	v3 =	vld [tilespmem:s19+$0x1600]  }
0x995: {  	s10 =	sadd.s32 $0x16600, s2  }
0x996: {  	s11 =	sadd.s32 s0, s10  }
0x997: {  	[tilespmem:s11+$0x0] =	vst.add.f32.msk $0xffff, v4  }
0x998: {  	s2 =	sadd.s32 s21, s10;
	v4 =	vld [tilespmem:s20+$0x210]  }
0x999: {  	[tilespmem:s2+$0x0] =	vst.add.f32.msk $0xffff, v3  }
0x99a: {  	v3 =	vld [tilespmem:s19+$0x1610];
	_ =	sdelay $0x1  }
0x99b: {  	s13 =	sor.u32 $0x10, s11  }
0x99c: {  	[tilespmem:s13+$0x0] =	vst.add.f32.msk $0xffff, v4  }
0x99d: {  	s12 =	sor.u32 $0x10, s2;
	v4 =	vld [tilespmem:s20+$0x220]  }
0x99e: {  	[tilespmem:s12+$0x0] =	vst.add.f32.msk $0xffff, v3  }
0x99f: {  	v3 =	vld [tilespmem:s19+$0x1620];
	_ =	sdelay $0x1  }
0x9a0: {  	s15 =	sor.u32 $0x20, s11  }
0x9a1: {  	[tilespmem:s15+$0x0] =	vst.add.f32.msk $0xffff, v4  }
0x9a2: {  	s14 =	sor.u32 $0x20, s2;
	v4 =	vld [tilespmem:s20+$0x230]  }
0x9a3: {  	[tilespmem:s14+$0x0] =	vst.add.f32.msk $0xffff, v3  }
0x9a4: {  	v3 =	vld [tilespmem:s19+$0x1630];
	_ =	sdelay $0x1  }
0x9a5: {  	s17 =	sor.u32 $0x30, s11  }
0x9a6: {  	[tilespmem:s17+$0x0] =	vst.add.f32.msk $0xffff, v4  }
0x9a7: {  	s16 =	sor.u32 $0x30, s2;
	v4 =	vld [tilespmem:s20+$0x240]  }
0x9a8: {  	[tilespmem:s16+$0x0] =	vst.add.f32.msk $0xffff, v3  }
0x9a9: {  	v3 =	vld [tilespmem:s19+$0x1640];
	_ =	sdelay $0x1  }
0x9aa: {  	s21 =	sor.u32 $0x40, s11  }
0x9ab: {  	[tilespmem:s21+$0x0] =	vst.add.f32.msk $0xffff, v4  }
0x9ac: {  	s18 =	sor.u32 $0x40, s2;
	v4 =	vld [tilespmem:s20+$0x250]  }
0x9ad: {  	[tilespmem:s18+$0x0] =	vst.add.f32.msk $0xffff, v3  }
0x9ae: {  	v3 =	vld [tilespmem:s19+$0x1650];
	_ =	sdelay $0x1  }
0x9af: {  	s23 =	sor.u32 $0x50, s11  }
0x9b0: {  	[tilespmem:s23+$0x0] =	vst.add.f32.msk $0xffff, v4  }
0x9b1: {  	s22 =	sor.u32 $0x50, s2;
	v4 =	vld [tilespmem:s20+$0x260]  }
0x9b2: {  	[tilespmem:s22+$0x0] =	vst.add.f32.msk $0xffff, v3  }
0x9b3: {  	v3 =	vld [tilespmem:s19+$0x1660];
	_ =	sdelay $0x1  }
0x9b4: {  	v5 =	vld [tilespmem:s30+$0x270];
	s25 =	sor.u32 $0x60, s11  }
0x9b5: {  	[tilespmem:s25+$0x0] =	vst.add.f32.msk $0xffff, v4  }
0x9b6: {  	s24 =	sor.u32 $0x60, s2;
	v4 =	vld [tilespmem:s20+$0x270]  }
0x9b7: {  	[tilespmem:s24+$0x0] =	vst.add.f32.msk $0xffff, v3  }
0x9b8: {  	v3 =	vld [tilespmem:s19+$0x1670];
	_ =	sdelay $0x1  }
0x9b9: {  	[tilespmem:s9+$0x0] =	vst.add.f32.msk $0xffff, v5  }
0x9ba: {  	s0 =	sor.u32 $0x70, s11;
	s28 =	rddreg [dreg:$0x15]  }
0x9bb: {  	s26 =	sor.u32 $0x70, s2;
	s3 =	rddreg [dreg:$0x1b];
	[tilespmem:s0+$0x0] =	vst.add.f32.msk $0xffff, v4  }
0x9bc: {  	[tilespmem:s26+$0x0] =	vst.add.f32.msk $0xffff, v3  }
0x9bd: {  	s31 =	rddreg [dreg:$0x1c]  }
0x9be: {  	p0 =	sne.s32 s31, $0x4  }
.Ltmp6:
0x9bf: {  	s2 =	sadd.s32 s28, s3;
	(pc) =	sbr.rel @p0 .LBB2_2-.Ltmp6, $4  }
0x9c0: {  	s30 =	rddreg [dreg:$0x3];
	s29 =	sshrl.u32 s2, $0x3  }
0x9c1: {  	s11 =	simm.s32 $0x0;
	s13 =	simm.s32 $0x15200;
	s0 =	sadd.s32 s30, s29  }
0x9c2: {  	[hbm4b:s0+s11] =	stream.linear.scatter [tilespmem:s13], [sflag:$0x8], $0x3000, $0x38;
	[tilespmem:$0x18200] =	vst v63  }
0x9c3: {  	s14 =	smov.u32 s31  }
0x9c4: {  	s0 =	simm.s32 $0x7  }
0x9c5: {  	_ =	swait.ge [sflag:s0], $0x3000  }
0x9c6: {  	[sflag:s0] =	ssyncset.done $0x0  }
0x9c7: {  	s1 =	simm.s32 $0x8;
	[sflag:s0] =	ssyncadd.s32 $0xFFFFD000  }
0x9c8: {  	_ =	swait.ge [sflag:s1], $0x3000  }
0x9c9: {  	s2 =	rddreg [dreg:$0x1a]  }
0x9ca: {  	s31 =	rddreg [dreg:$0x19];
	s2 =	sadd.s32 $0x1, s2  }
0x9cb: {  	p0 =	sne.s32 s2, s31  }
.Ltmp7:
0x9cc: {  	_ = 	snop;
	(pc) =	sbr.rel @p0 .LBB2_1-.Ltmp7, $3  }
0x9cd: {  	_ =	sdelay $0x1  }
0x9ce: {  	[sflag:s1] =	ssyncset.done $0x0  }
0x9cf: {  	[sflag:s1] =	ssyncadd.s32 $0xFFFFD000  }
0x9d0: {  	_ =	sfence.sel $0x180000  }
0x9d1: {  	[bflag:$0x0] =	sbarrier.arrive $0xFFFF  }
0x9d2: {  	_ =	strace $0x90000047  }
0x9d3: {  	s0 =	stileid.u32;
	[bflag:$0x2] =	sbarrier.arrive $0xFFFF  }
0x9d4: {  	p0 =	sne.s32 s0, $0x0;
	s0 =	rddreg [dreg:$0x4]  }
0x9d5: {  	s0 =	sadd.s32 @!p0 $0x100000, s0  }
0x9d6: {  	[sflag:s0] =	ssyncadd.tile.s32 @!p0 $0x1;
	_ =	shalt  }
.Lfunc_end2:
_tile_overlayer_lowered:
.L_overlay_start_2:
0x9d7: {  	(tag) =	ssettag $0x2  }
0x9d8: {  	s0 =	rddreg [dreg:$0x0];
	s2 =	stileid.u32  }
0x9d9: {  	s1 =	rddreg [dreg:$0x1];
	p0 =	sne.s32 s2, $0x0  }
0x9da: {  	s3 =	rddreg [dreg:$0x2];
	[bflag:$0x3] =	sbarrier.arrive $0xFFFF;
	s2 =	simm.s32 @!p0 $0x1C0D  }
0x9db: {  	[timem:s3], [sflag:s2] =	dma.local @!p0 [hbm:s0], s1  }
0x9dc: {  	s0 =	simm.s32 @!p0 $0xD  }
0x9dd: {  	_ =	swait.ge @!p0 [sflag:s0], s1  }
0x9de: {  	s1 =	ssub.s32 @!p0 $0x0, s1;
	[sflag:s0] =	ssyncset.done @!p0 $0x0  }
0x9df: {  	[sflag:s0] =	ssyncadd.s32 @!p0 s1  }
0x9e0: {  	[bflag:$0x3] =	sbarrier.arrive $0xFFFF  }
0x9e1: {  	_ =	shalt  }

</sc_bundles>
